<compile_context>
chip_gen: v7x
topology: tpu7x:2x2x1
jax: 0.10.2.dev20260603
libtpu: 0.0.44.dev20260713+nightly
codegen_flags: <defaults>
</compile_context>

<pallas_src>
import functools

import jax
import jax.numpy as jnp
from jax import lax
from jax.experimental import pallas as pl
from jax.experimental.pallas import tpu as pltpu
from jax.experimental.pallas import tpu_sc as plsc


def _make_gather(B, V, Da, Db):
    info = plsc.get_sparse_core_info()
    NW = info.num_cores * info.num_subcores
    assert B % (8 * NW) == 0 and V % 8 == 0
    b_per_w = B // NW
    C = 32
    NCH = b_per_w // C
    assert NCH * C == b_per_w
    mesh = plsc.VectorSubcoreMesh(core_axis_name="c", subcore_axis_name="s")

    @functools.partial(
        pl.kernel,
        mesh=mesh,
        out_type=(
            jax.ShapeDtypeStruct((B, Da), jnp.float32),
            jax.ShapeDtypeStruct((B, Db), jnp.float32),
        ),
        scratch_types=[
            pltpu.VMEM((b_per_w,), jnp.int32),
            pltpu.VMEM((C, 8, Da), jnp.float32),
            pltpu.VMEM((C, 8, Db), jnp.float32),
            pltpu.VMEM((C, Da), jnp.float32),
            pltpu.VMEM((C, Db), jnp.float32),
            pltpu.SemaphoreType.DMA,
            pltpu.SemaphoreType.DMA,
        ],
    )
    def gather_k(idx_hbm, a_hbm, b_hbm, out_a_hbm, out_b_hbm,
                 idx_v, tiles_a, tiles_b, rows_a, rows_b,
                 sem_a, sem_b):
        wid = lax.axis_index("s") * info.num_cores + lax.axis_index("c")
        base = wid * b_per_w
        pltpu.sync_copy(idx_hbm.at[pl.ds(base, b_per_w)], idx_v)

        def chunk_body(g, carry):
            off = g * C
            for j in range(C // 16):
                vec = idx_v[pl.ds(off + j * 16, 16)]
                tvec = lax.shift_right_logical(vec, 3)
                for k in range(16):
                    i = j * 16 + k
                    t = tvec[k]
                    pltpu.async_copy(a_hbm.at[t], tiles_a.at[i], sem_a)
                    pltpu.async_copy(b_hbm.at[t], tiles_b.at[i], sem_b)
            pltpu.make_async_copy(a_hbm.at[pl.ds(0, C)], tiles_a, sem_a).wait()
            pltpu.make_async_copy(b_hbm.at[pl.ds(0, C)], tiles_b, sem_b).wait()
            for j in range(C // 16):
                vec = idx_v[pl.ds(off + j * 16, 16)]
                uvec = lax.bitwise_and(vec, 7)
                for k in range(16):
                    i = j * 16 + k
                    u = uvec[k]
                    for m in range(Da // 16):
                        rows_a[i, pl.ds(m * 16, 16)] = (
                            tiles_a[i, u, pl.ds(m * 16, 16)])
                    for m in range(Db // 16):
                        rows_b[i, pl.ds(m * 16, 16)] = (
                            tiles_b[i, u, pl.ds(m * 16, 16)])
            pltpu.sync_copy(rows_a, out_a_hbm.at[pl.ds(base + off, C)])
            pltpu.sync_copy(rows_b, out_b_hbm.at[pl.ds(base + off, C)])
            return carry

        lax.fori_loop(0, NCH, chunk_body, 0)

    return gather_k


def kernel(indices, values_a, values_b):
    B = indices.shape[0]
    V, Da = values_a.shape
    Db = values_b.shape[1]
    gather_k = _make_gather(B, V, Da, Db)
    va = values_a.reshape(V // 8, 8, Da)
    vb = values_b.reshape(V // 8, 8, Db)
    out_a, out_b = gather_k(indices[:, 0], va, vb)
    return (out_a, out_b)

# --- scband reference (transcript-rebuilt; emitter-appended) ---
"""Pipeline reference for scband-select-from-indices-30477087933110 (READ-ONLY COPY).

The authoritative reference and input builder live on the scoring server;
editing this copy changes nothing except your own understanding.
"""

import jax, jax.numpy as jnp
import numpy as np


def setup_inputs(seed: int = 0) -> dict:
    key = jax.random.key(seed)
    k1, k2, k3 = jax.random.split(key, 3)
    indices = jax.random.randint(k1, (16384, 1), 0, 1000000, dtype=jnp.int32)
    values_a = jax.random.normal(k2, (1000000, 64), dtype=jnp.float32)
    values_b = jax.random.normal(k3, (1000000, 16), dtype=jnp.float32)
    return {"indices": indices, "values_a": values_a, "values_b": values_b}


def reference(indices, values_a, values_b):
    # tf.gather_nd with index depth 1 on the leading axis == row gather.
    # The layer loops over inputs[1:], applying gather_nd(inputs[i], indices)
    # and returns a list of gathered tensors.
    idx = indices[:, 0]
    out_a = jnp.take(values_a, idx, axis=0)
    out_b = jnp.take(values_b, idx, axis=0)
    return (out_a, out_b)

if __name__ == "__main__":
    import jax
    _d = setup_inputs()
    print(jax.jit(kernel)(*tuple(_d.values())))

</pallas_src>

<mosaic_0001>
#map = affine_map<(d0, d1) -> (0)>
#map1 = affine_map<(d0, d1) -> (0, 0, 0)>
#map2 = affine_map<(d0, d1) -> (0, 0)>
module attributes {stable_mosaic.version = 14 : i64} {
  func.func @gather_k(%arg0: i32, %arg1: i32, %arg2: memref<16384xi32, #tpu.memory_space<hbm>>, %arg3: memref<125000x8x64xf32, #tpu.memory_space<hbm>>, %arg4: memref<125000x8x16xf32, #tpu.memory_space<hbm>>, %arg5: memref<16384x64xf32, #tpu.memory_space<hbm>>, %arg6: memref<16384x16xf32, #tpu.memory_space<hbm>>, %arg7: memref<512xi32, #tpu.memory_space<vmem>>, %arg8: memref<32x8x64xf32, #tpu.memory_space<vmem>>, %arg9: memref<32x8x16xf32, #tpu.memory_space<vmem>>, %arg10: memref<32x64xf32, #tpu.memory_space<vmem>>, %arg11: memref<32x16xf32, #tpu.memory_space<vmem>>, %arg12: memref<!tpu.dma_semaphore, #tpu.memory_space<semaphore_mem>>, %arg13: memref<!tpu.dma_semaphore, #tpu.memory_space<semaphore_mem>>) attributes {dimension_semantics = [#tpu.dimension_semantics<core_parallel>, #tpu.dimension_semantics<subcore_parallel>], iteration_bounds = array<i64: 2, 16>, scalar_prefetch = 0 : i64, scratch_operands = 7 : i64, tpu.core_type = #tpu.core_type<sc_vector_subcore>, window_params = [{transform_indices = #map}, {transform_indices = #map1}, {transform_indices = #map1}, {transform_indices = #map2}, {transform_indices = #map2}]} {
    %mul3A = arith.constant 2 : i32
    %mul3A_0 = arith.muli %arg1, %mul3A : i32
    %add3A = arith.addi %mul3A_0, %arg0 : i32
    %mul3A_1 = arith.constant 512 : i32
    %mul3A_2 = arith.muli %add3A, %mul3A_1 : i32
    "tpu.region"() ({
      %run_scoped3A = tpu.sem_alloc : memref<!tpu.dma_semaphore, #tpu.memory_space<semaphore_mem>>
      %dma_start3A = tpu.memref_slice %arg2[%mul3A_2] : memref<16384xi32, #tpu.memory_space<hbm>> -> memref<512xi32, #tpu.memory_space<hbm>>
      %dma_start3A_8 = tpu.memref_slice %arg2[%mul3A_2] : memref<16384xi32, #tpu.memory_space<hbm>> -> memref<512xi32, #tpu.memory_space<hbm>>
      tpu.enqueue_dma source(%dma_start3A_8 : memref<512xi32, #tpu.memory_space<hbm>>) target(%arg7 : memref<512xi32, #tpu.memory_space<vmem>>) target_semaphore(%run_scoped3A : memref<!tpu.dma_semaphore, #tpu.memory_space<semaphore_mem>>)
      %dma_wait3A = tpu.memref_slice %arg2[%mul3A_2] : memref<16384xi32, #tpu.memory_space<hbm>> -> memref<512xi32, #tpu.memory_space<hbm>>
      %dma_wait3A_9 = tpu.memref_slice %arg2[%mul3A_2] : memref<16384xi32, #tpu.memory_space<hbm>> -> memref<512xi32, #tpu.memory_space<hbm>>
      tpu.wait_dma2 semaphore(%run_scoped3A : memref<!tpu.dma_semaphore, #tpu.memory_space<semaphore_mem>>) src(%dma_wait3A_9 : memref<512xi32, #tpu.memory_space<hbm>>) dst(%arg7 : memref<512xi32, #tpu.memory_space<vmem>>)
      tpu.yield
    }) : () -> ()
    %scan3A = arith.constant 0 : i32
    %scan3A_3 = arith.constant 0 : i32
    %scan3A_4 = arith.constant 16 : i32
    %scan3A_5 = arith.addi %scan3A_3, %scan3A_4 : i32
    %scan3A_6 = arith.constant 1 : i32
    scf.for %scan3A_8 = %scan3A_3 to %scan3A_5 step %scan3A_6  : i32 {
      %mul3A_9 = arith.constant 32 : i32
      %mul3A_10 = arith.muli %scan3A_8, %mul3A_9 : i32
      %add3A_11 = arith.constant 0 : i32
      %add3A_12 = arith.addi %mul3A_10, %add3A_11 : i32
      %get3A = arith.index_cast %add3A_12 : i32 to index
      %get3A_13 = tpu.vector_load %arg7[%get3A] {strides = array<i32>} : memref<512xi32, #tpu.memory_space<vmem>>, vector<16xi32>,
      %get3A_14 = vector.shape_cast %get3A_13 : vector<16xi32> to vector<16xi32>
      %shift_right_logical3A = arith.constant 3 : i32
      %shift_right_logical3A_15 = vector.broadcast %shift_right_logical3A : i32 to vector<16xi32>
      %shift_right_logical3A_16 = arith.shrui %get3A_14, %shift_right_logical3A_15 : vector<16xi32>
      %slice3A = vector.extract_strided_slice %shift_right_logical3A_16 {offsets = [0], sizes = [1], strides = [1]} : vector<16xi32> to vector<1xi32>
      %squeeze3A = vector.extract %slice3A[0] : i32 from vector<1xi32>
      %dma_start3A = arith.constant 0 : i32
      %dma_start3A_17 = arith.constant 0 : i32
      %dma_start3A_18 = arith.constant 0 : i32
      %dma_start3A_19 = tpu.memref_slice %arg8[%dma_start3A, %dma_start3A_17, %dma_start3A_18] : memref<32x8x64xf32, #tpu.memory_space<vmem>> -> memref<1x8x64xf32, #tpu.memory_space<vmem>>
      %dma_start3A_20 = tpu.memref_squeeze %dma_start3A_19 : memref<1x8x64xf32, #tpu.memory_space<vmem>> -> memref<8x64xf32, #tpu.memory_space<vmem>>
      %dma_start3A_21 = arith.constant 0 : i32
      %dma_start3A_22 = arith.constant 0 : i32
      %dma_start3A_23 = tpu.memref_slice %arg3[%squeeze3A, %dma_start3A_21, %dma_start3A_22] : memref<125000x8x64xf32, #tpu.memory_space<hbm>> -> memref<1x8x64xf32, #tpu.memory_space<hbm>>
      %dma_start3A_24 = tpu.memref_squeeze %dma_start3A_23 : memref<1x8x64xf32, #tpu.memory_space<hbm>> -> memref<8x64xf32, #tpu.memory_space<hbm>>
      %dma_start3A_25 = arith.constant 0 : i32
      %dma_start3A_26 = arith.constant 0 : i32
      %dma_start3A_27 = tpu.memref_slice %arg8[%dma_start3A, %dma_start3A_25, %dma_start3A_26] : memref<32x8x64xf32, #tpu.memory_space<vmem>> -> memref<1x8x64xf32, #tpu.memory_space<vmem>>
      %dma_start3A_28 = tpu.memref_squeeze %dma_start3A_27 : memref<1x8x64xf32, #tpu.memory_space<vmem>> -> memref<8x64xf32, #tpu.memory_space<vmem>>
      %dma_start3A_29 = arith.constant 0 : i32
      %dma_start3A_30 = arith.constant 0 : i32
      %dma_start3A_31 = tpu.memref_slice %arg3[%squeeze3A, %dma_start3A_29, %dma_start3A_30] : memref<125000x8x64xf32, #tpu.memory_space<hbm>> -> memref<1x8x64xf32, #tpu.memory_space<hbm>>
      %dma_start3A_32 = tpu.memref_squeeze %dma_start3A_31 : memref<1x8x64xf32, #tpu.memory_space<hbm>> -> memref<8x64xf32, #tpu.memory_space<hbm>>
      tpu.enqueue_dma source(%dma_start3A_32 : memref<8x64xf32, #tpu.memory_space<hbm>>) target(%dma_start3A_28 : memref<8x64xf32, #tpu.memory_space<vmem>>) target_semaphore(%arg12 : memref<!tpu.dma_semaphore, #tpu.memory_space<semaphore_mem>>)
      %dma_start3A_33 = arith.constant 0 : i32
      %dma_start3A_34 = arith.constant 0 : i32
      %dma_start3A_35 = arith.constant 0 : i32
      %dma_start3A_36 = tpu.memref_slice %arg9[%dma_start3A_33, %dma_start3A_34, %dma_start3A_35] : memref<32x8x16xf32, #tpu.memory_space<vmem>> -> memref<1x8x16xf32, #tpu.memory_space<vmem>>
      %dma_start3A_37 = tpu.memref_squeeze %dma_start3A_36 : memref<1x8x16xf32, #tpu.memory_space<vmem>> -> memref<8x16xf32, #tpu.memory_space<vmem>>
      %dma_start3A_38 = arith.constant 0 : i32
      %dma_start3A_39 = arith.constant 0 : i32
      %dma_start3A_40 = tpu.memref_slice %arg4[%squeeze3A, %dma_start3A_38, %dma_start3A_39] : memref<125000x8x16xf32, #tpu.memory_space<hbm>> -> memref<1x8x16xf32, #tpu.memory_space<hbm>>
      %dma_start3A_41 = tpu.memref_squeeze %dma_start3A_40 : memref<1x8x16xf32, #tpu.memory_space<hbm>> -> memref<8x16xf32, #tpu.memory_space<hbm>>
      %dma_start3A_42 = arith.constant 0 : i32
      %dma_start3A_43 = arith.constant 0 : i32
      %dma_start3A_44 = tpu.memref_slice %arg9[%dma_start3A_33, %dma_start3A_42, %dma_start3A_43] : memref<32x8x16xf32, #tpu.memory_space<vmem>> -> memref<1x8x16xf32, #tpu.memory_space<vmem>>
      %dma_start3A_45 = tpu.memref_squeeze %dma_start3A_44 : memref<1x8x16xf32, #tpu.memory_space<vmem>> -> memref<8x16xf32, #tpu.memory_space<vmem>>
      %dma_start3A_46 = arith.constant 0 : i32
      %dma_start3A_47 = arith.constant 0 : i32
      %dma_start3A_48 = tpu.memref_slice %arg4[%squeeze3A, %dma_start3A_46, %dma_start3A_47] : memref<125000x8x16xf32, #tpu.memory_space<hbm>> -> memref<1x8x16xf32, #tpu.memory_space<hbm>>
      %dma_start3A_49 = tpu.memref_squeeze %dma_start3A_48 : memref<1x8x16xf32, #tpu.memory_space<hbm>> -> memref<8x16xf32, #tpu.memory_space<hbm>>
      tpu.enqueue_dma source(%dma_start3A_49 : memref<8x16xf32, #tpu.memory_space<hbm>>) target(%dma_start3A_45 : memref<8x16xf32, #tpu.memory_space<vmem>>) target_semaphore(%arg13 : memref<!tpu.dma_semaphore, #tpu.memory_space<semaphore_mem>>)
      %slice3A_50 = vector.extract_strided_slice %shift_right_logical3A_16 {offsets = [1], sizes = [1], strides = [1]} : vector<16xi32> to vector<1xi32>
      %squeeze3A_51 = vector.extract %slice3A_50[0] : i32 from vector<1xi32>
      %dma_start3A_52 = arith.constant 1 : i32
      %dma_start3A_53 = arith.constant 0 : i32
      %dma_start3A_54 = arith.constant 0 : i32
      %dma_start3A_55 = tpu.memref_slice %arg8[%dma_start3A_52, %dma_start3A_53, %dma_start3A_54] : memref<32x8x64xf32, #tpu.memory_space<vmem>> -> memref<1x8x64xf32, #tpu.memory_space<vmem>>
      %dma_start3A_56 = tpu.memref_squeeze %dma_start3A_55 : memref<1x8x64xf32, #tpu.memory_space<vmem>> -> memref<8x64xf32, #tpu.memory_space<vmem>>
      %dma_start3A_57 = arith.constant 0 : i32
      %dma_start3A_58 = arith.constant 0 : i32
      %dma_start3A_59 = tpu.memref_slice %arg3[%squeeze3A_51, %dma_start3A_57, %dma_start3A_58] : memref<125000x8x64xf32, #tpu.memory_space<hbm>> -> memref<1x8x64xf32, #tpu.memory_space<hbm>>
      %dma_start3A_60 = tpu.memref_squeeze %dma_start3A_59 : memref<1x8x64xf32, #tpu.memory_space<hbm>> -> memref<8x64xf32, #tpu.memory_space<hbm>>
      %dma_start3A_61 = arith.constant 0 : i32
      %dma_start3A_62 = arith.constant 0 : i32
      %dma_start3A_63 = tpu.memref_slice %arg8[%dma_start3A_52, %dma_start3A_61, %dma_start3A_62] : memref<32x8x64xf32, #tpu.memory_space<vmem>> -> memref<1x8x64xf32, #tpu.memory_space<vmem>>
      %dma_start3A_64 = tpu.memref_squeeze %dma_start3A_63 : memref<1x8x64xf32, #tpu.memory_space<vmem>> -> memref<8x64xf32, #tpu.memory_space<vmem>>
      %dma_start3A_65 = arith.constant 0 : i32
      %dma_start3A_66 = arith.constant 0 : i32
      %dma_start3A_67 = tpu.memref_slice %arg3[%squeeze3A_51, %dma_start3A_65, %dma_start3A_66] : memref<125000x8x64xf32, #tpu.memory_space<hbm>> -> memref<1x8x64xf32, #tpu.memory_space<hbm>>
      %dma_start3A_68 = tpu.memref_squeeze %dma_start3A_67 : memref<1x8x64xf32, #tpu.memory_space<hbm>> -> memref<8x64xf32, #tpu.memory_space<hbm>>
      tpu.enqueue_dma source(%dma_start3A_68 : memref<8x64xf32, #tpu.memory_space<hbm>>) target(%dma_start3A_64 : memref<8x64xf32, #tpu.memory_space<vmem>>) target_semaphore(%arg12 : memref<!tpu.dma_semaphore, #tpu.memory_space<semaphore_mem>>)
      %dma_start3A_69 = arith.constant 1 : i32
      %dma_start3A_70 = arith.constant 0 : i32
      %dma_start3A_71 = arith.constant 0 : i32
      %dma_start3A_72 = tpu.memref_slice %arg9[%dma_start3A_69, %dma_start3A_70, %dma_start3A_71] : memref<32x8x16xf32, #tpu.memory_space<vmem>> -> memref<1x8x16xf32, #tpu.memory_space<vmem>>
      %dma_start3A_73 = tpu.memref_squeeze %dma_start3A_72 : memref<1x8x16xf32, #tpu.memory_space<vmem>> -> memref<8x16xf32, #tpu.memory_space<vmem>>
      %dma_start3A_74 = arith.constant 0 : i32
      %dma_start3A_75 = arith.constant 0 : i32
      %dma_start3A_76 = tpu.memref_slice %arg4[%squeeze3A_51, %dma_start3A_74, %dma_start3A_75] : memref<125000x8x16xf32, #tpu.memory_space<hbm>> -> memref<1x8x16xf32, #tpu.memory_space<hbm>>
      %dma_start3A_77 = tpu.memref_squeeze %dma_start3A_76 : memref<1x8x16xf32, #tpu.memory_space<hbm>> -> memref<8x16xf32, #tpu.memory_space<hbm>>
      %dma_start3A_78 = arith.constant 0 : i32
      %dma_start3A_79 = arith.constant 0 : i32
      %dma_start3A_80 = tpu.memref_slice %arg9[%dma_start3A_69, %dma_start3A_78, %dma_start3A_79] : memref<32x8x16xf32, #tpu.memory_space<vmem>> -> memref<1x8x16xf32, #tpu.memory_space<vmem>>
      %dma_start3A_81 = tpu.memref_squeeze %dma_start3A_80 : memref<1x8x16xf32, #tpu.memory_space<vmem>> -> memref<8x16xf32, #tpu.memory_space<vmem>>
      %dma_start3A_82 = arith.constant 0 : i32
      %dma_start3A_83 = arith.constant 0 : i32
      %dma_start3A_84 = tpu.memref_slice %arg4[%squeeze3A_51, %dma_start3A_82, %dma_start3A_83] : memref<125000x8x16xf32, #tpu.memory_space<hbm>> -> memref<1x8x16xf32, #tpu.memory_space<hbm>>
      %dma_start3A_85 = tpu.memref_squeeze %dma_start3A_84 : memref<1x8x16xf32, #tpu.memory_space<hbm>> -> memref<8x16xf32, #tpu.memory_space<hbm>>
      tpu.enqueue_dma source(%dma_start3A_85 : memref<8x16xf32, #tpu.memory_space<hbm>>) target(%dma_start3A_81 : memref<8x16xf32, #tpu.memory_space<vmem>>) target_semaphore(%arg13 : memref<!tpu.dma_semaphore, #tpu.memory_space<semaphore_mem>>)
      %slice3A_86 = vector.extract_strided_slice %shift_right_logical3A_16 {offsets = [2], sizes = [1], strides = [1]} : vector<16xi32> to vector<1xi32>
      %squeeze3A_87 = vector.extract %slice3A_86[0] : i32 from vector<1xi32>
      %dma_start3A_88 = arith.constant 2 : i32
      %dma_start3A_89 = arith.constant 0 : i32
      %dma_start3A_90 = arith.constant 0 : i32
      %dma_start3A_91 = tpu.memref_slice %arg8[%dma_start3A_88, %dma_start3A_89, %dma_start3A_90] : memref<32x8x64xf32, #tpu.memory_space<vmem>> -> memref<1x8x64xf32, #tpu.memory_space<vmem>>
      %dma_start3A_92 = tpu.memref_squeeze %dma_start3A_91 : memref<1x8x64xf32, #tpu.memory_space<vmem>> -> memref<8x64xf32, #tpu.memory_space<vmem>>
      %dma_start3A_93 = arith.constant 0 : i32
      %dma_start3A_94 = arith.constant 0 : i32
      %dma_start3A_95 = tpu.memref_slice %arg3[%squeeze3A_87, %dma_start3A_93, %dma_start3A_94] : memref<125000x8x64xf32, #tpu.memory_space<hbm>> -> memref<1x8x64xf32, #tpu.memory_space<hbm>>
      %dma_start3A_96 = tpu.memref_squeeze %dma_start3A_95 : memref<1x8x64xf32, #tpu.memory_space<hbm>> -> memref<8x64xf32, #tpu.memory_space<hbm>>
      %dma_start3A_97 = arith.constant 0 : i32
      %dma_start3A_98 = arith.constant 0 : i32
      %dma_start3A_99 = tpu.memref_slice %arg8[%dma_start3A_88, %dma_start3A_97, %dma_start3A_98] : memref<32x8x64xf32, #tpu.memory_space<vmem>> -> memref<1x8x64xf32, #tpu.memory_space<vmem>>
      %dma_start3A_100 = tpu.memref_squeeze %dma_start3A_99 : memref<1x8x64xf32, #tpu.memory_space<vmem>> -> memref<8x64xf32, #tpu.memory_space<vmem>>
      %dma_start3A_101 = arith.constant 0 : i32
      %dma_start3A_102 = arith.constant 0 : i32
      %dma_start3A_103 = tpu.memref_slice %arg3[%squeeze3A_87, %dma_start3A_101, %dma_start3A_102] : memref<125000x8x64xf32, #tpu.memory_space<hbm>> -> memref<1x8x64xf32, #tpu.memory_space<hbm>>
      %dma_start3A_104 = tpu.memref_squeeze %dma_start3A_103 : memref<1x8x64xf32, #tpu.memory_space<hbm>> -> memref<8x64xf32, #tpu.memory_space<hbm>>
      tpu.enqueue_dma source(%dma_start3A_104 : memref<8x64xf32, #tpu.memory_space<hbm>>) target(%dma_start3A_100 : memref<8x64xf32, #tpu.memory_space<vmem>>) target_semaphore(%arg12 : memref<!tpu.dma_semaphore, #tpu.memory_space<semaphore_mem>>)
      %dma_start3A_105 = arith.constant 2 : i32
      %dma_start3A_106 = arith.constant 0 : i32
      %dma_start3A_107 = arith.constant 0 : i32
      %dma_start3A_108 = tpu.memref_slice %arg9[%dma_start3A_105, %dma_start3A_106, %dma_start3A_107] : memref<32x8x16xf32, #tpu.memory_space<vmem>> -> memref<1x8x16xf32, #tpu.memory_space<vmem>>
      %dma_start3A_109 = tpu.memref_squeeze %dma_start3A_108 : memref<1x8x16xf32, #tpu.memory_space<vmem>> -> memref<8x16xf32, #tpu.memory_space<vmem>>
      %dma_start3A_110 = arith.constant 0 : i32
      %dma_start3A_111 = arith.constant 0 : i32
      %dma_start3A_112 = tpu.memref_slice %arg4[%squeeze3A_87, %dma_start3A_110, %dma_start3A_111] : memref<125000x8x16xf32, #tpu.memory_space<hbm>> -> memref<1x8x16xf32, #tpu.memory_space<hbm>>
      %dma_start3A_113 = tpu.memref_squeeze %dma_start3A_112 : memref<1x8x16xf32, #tpu.memory_space<hbm>> -> memref<8x16xf32, #tpu.memory_space<hbm>>
      %dma_start3A_114 = arith.constant 0 : i32
      %dma_start3A_115 = arith.constant 0 : i32
      %dma_start3A_116 = tpu.memref_slice %arg9[%dma_start3A_105, %dma_start3A_114, %dma_start3A_115] : memref<32x8x16xf32, #tpu.memory_space<vmem>> -> memref<1x8x16xf32, #tpu.memory_space<vmem>>
      %dma_start3A_117 = tpu.memref_squeeze %dma_start3A_116 : memref<1x8x16xf32, #tpu.memory_space<vmem>> -> memref<8x16xf32, #tpu.memory_space<vmem>>
      %dma_start3A_118 = arith.constant 0 : i32
      %dma_start3A_119 = arith.constant 0 : i32
      %dma_start3A_120 = tpu.memref_slice %arg4[%squeeze3A_87, %dma_start3A_118, %dma_start3A_119] : memref<125000x8x16xf32, #tpu.memory_space<hbm>> -> memref<1x8x16xf32, #tpu.memory_space<hbm>>
      %dma_start3A_121 = tpu.memref_squeeze %dma_start3A_120 : memref<1x8x16xf32, #tpu.memory_space<hbm>> -> memref<8x16xf32, #tpu.memory_space<hbm>>
      tpu.enqueue_dma source(%dma_start3A_121 : memref<8x16xf32, #tpu.memory_space<hbm>>) target(%dma_start3A_117 : memref<8x16xf32, #tpu.memory_space<vmem>>) target_semaphore(%arg13 : memref<!tpu.dma_semaphore, #tpu.memory_space<semaphore_mem>>)
      %slice3A_122 = vector.extract_strided_slice %shift_right_logical3A_16 {offsets = [3], sizes = [1], strides = [1]} : vector<16xi32> to vector<1xi32>
      %squeeze3A_123 = vector.extract %slice3A_122[0] : i32 from vector<1xi32>
      %dma_start3A_124 = arith.constant 3 : i32
      %dma_start3A_125 = arith.constant 0 : i32
      %dma_start3A_126 = arith.constant 0 : i32
      %dma_start3A_127 = tpu.memref_slice %arg8[%dma_start3A_124, %dma_start3A_125, %dma_start3A_126] : memref<32x8x64xf32, #tpu.memory_space<vmem>> -> memref<1x8x64xf32, #tpu.memory_space<vmem>>
      %dma_start3A_128 = tpu.memref_squeeze %dma_start3A_127 : memref<1x8x64xf32, #tpu.memory_space<vmem>> -> memref<8x64xf32, #tpu.memory_space<vmem>>
      %dma_start3A_129 = arith.constant 0 : i32
      %dma_start3A_130 = arith.constant 0 : i32
      %dma_start3A_131 = tpu.memref_slice %arg3[%squeeze3A_123, %dma_start3A_129, %dma_start3A_130] : memref<125000x8x64xf32, #tpu.memory_space<hbm>> -> memref<1x8x64xf32, #tpu.memory_space<hbm>>
      %dma_start3A_132 = tpu.memref_squeeze %dma_start3A_131 : memref<1x8x64xf32, #tpu.memory_space<hbm>> -> memref<8x64xf32, #tpu.memory_space<hbm>>
      %dma_start3A_133 = arith.constant 0 : i32
      %dma_start3A_134 = arith.constant 0 : i32
      %dma_start3A_135 = tpu.memref_slice %arg8[%dma_start3A_124, %dma_start3A_133, %dma_start3A_134] : memref<32x8x64xf32, #tpu.memory_space<vmem>> -> memref<1x8x64xf32, #tpu.memory_space<vmem>>
      %dma_start3A_136 = tpu.memref_squeeze %dma_start3A_135 : memref<1x8x64xf32, #tpu.memory_space<vmem>> -> memref<8x64xf32, #tpu.memory_space<vmem>>
      %dma_start3A_137 = arith.constant 0 : i32
      %dma_start3A_138 = arith.constant 0 : i32
      %dma_start3A_139 = tpu.memref_slice %arg3[%squeeze3A_123, %dma_start3A_137, %dma_start3A_138] : memref<125000x8x64xf32, #tpu.memory_space<hbm>> -> memref<1x8x64xf32, #tpu.memory_space<hbm>>
      %dma_start3A_140 = tpu.memref_squeeze %dma_start3A_139 : memref<1x8x64xf32, #tpu.memory_space<hbm>> -> memref<8x64xf32, #tpu.memory_space<hbm>>
      tpu.enqueue_dma source(%dma_start3A_140 : memref<8x64xf32, #tpu.memory_space<hbm>>) target(%dma_start3A_136 : memref<8x64xf32, #tpu.memory_space<vmem>>) target_semaphore(%arg12 : memref<!tpu.dma_semaphore, #tpu.memory_space<semaphore_mem>>)
      %dma_start3A_141 = arith.constant 3 : i32
      %dma_start3A_142 = arith.constant 0 : i32
      %dma_start3A_143 = arith.constant 0 : i32
      %dma_start3A_144 = tpu.memref_slice %arg9[%dma_start3A_141, %dma_start3A_142, %dma_start3A_143] : memref<32x8x16xf32, #tpu.memory_space<vmem>> -> memref<1x8x16xf32, #tpu.memory_space<vmem>>
      %dma_start3A_145 = tpu.memref_squeeze %dma_start3A_144 : memref<1x8x16xf32, #tpu.memory_space<vmem>> -> memref<8x16xf32, #tpu.memory_space<vmem>>
      %dma_start3A_146 = arith.constant 0 : i32
      %dma_start3A_147 = arith.constant 0 : i32
      %dma_start3A_148 = tpu.memref_slice %arg4[%squeeze3A_123, %dma_start3A_146, %dma_start3A_147] : memref<125000x8x16xf32, #tpu.memory_space<hbm>> -> memref<1x8x16xf32, #tpu.memory_space<hbm>>
      %dma_start3A_149 = tpu.memref_squeeze %dma_start3A_148 : memref<1x8x16xf32, #tpu.memory_space<hbm>> -> memref<8x16xf32, #tpu.memory_space<hbm>>
      %dma_start3A_150 = arith.constant 0 : i32
      %dma_start3A_151 = arith.constant 0 : i32
      %dma_start3A_152 = tpu.memref_slice %arg9[%dma_start3A_141, %dma_start3A_150, %dma_start3A_151] : memref<32x8x16xf32, #tpu.memory_space<vmem>> -> memref<1x8x16xf32, #tpu.memory_space<vmem>>
      %dma_start3A_153 = tpu.memref_squeeze %dma_start3A_152 : memref<1x8x16xf32, #tpu.memory_space<vmem>> -> memref<8x16xf32, #tpu.memory_space<vmem>>
      %dma_start3A_154 = arith.constant 0 : i32
      %dma_start3A_155 = arith.constant 0 : i32
      %dma_start3A_156 = tpu.memref_slice %arg4[%squeeze3A_123, %dma_start3A_154, %dma_start3A_155] : memref<125000x8x16xf32, #tpu.memory_space<hbm>> -> memref<1x8x16xf32, #tpu.memory_space<hbm>>
      %dma_start3A_157 = tpu.memref_squeeze %dma_start3A_156 : memref<1x8x16xf32, #tpu.memory_space<hbm>> -> memref<8x16xf32, #tpu.memory_space<hbm>>
      tpu.enqueue_dma source(%dma_start3A_157 : memref<8x16xf32, #tpu.memory_space<hbm>>) target(%dma_start3A_153 : memref<8x16xf32, #tpu.memory_space<vmem>>) target_semaphore(%arg13 : memref<!tpu.dma_semaphore, #tpu.memory_space<semaphore_mem>>)
      %slice3A_158 = vector.extract_strided_slice %shift_right_logical3A_16 {offsets = [4], sizes = [1], strides = [1]} : vector<16xi32> to vector<1xi32>
      %squeeze3A_159 = vector.extract %slice3A_158[0] : i32 from vector<1xi32>
      %dma_start3A_160 = arith.constant 4 : i32
      %dma_start3A_161 = arith.constant 0 : i32
      %dma_start3A_162 = arith.constant 0 : i32
      %dma_start3A_163 = tpu.memref_slice %arg8[%dma_start3A_160, %dma_start3A_161, %dma_start3A_162] : memref<32x8x64xf32, #tpu.memory_space<vmem>> -> memref<1x8x64xf32, #tpu.memory_space<vmem>>
      %dma_start3A_164 = tpu.memref_squeeze %dma_start3A_163 : memref<1x8x64xf32, #tpu.memory_space<vmem>> -> memref<8x64xf32, #tpu.memory_space<vmem>>
      %dma_start3A_165 = arith.constant 0 : i32
      %dma_start3A_166 = arith.constant 0 : i32
      %dma_start3A_167 = tpu.memref_slice %arg3[%squeeze3A_159, %dma_start3A_165, %dma_start3A_166] : memref<125000x8x64xf32, #tpu.memory_space<hbm>> -> memref<1x8x64xf32, #tpu.memory_space<hbm>>
      %dma_start3A_168 = tpu.memref_squeeze %dma_start3A_167 : memref<1x8x64xf32, #tpu.memory_space<hbm>> -> memref<8x64xf32, #tpu.memory_space<hbm>>
      %dma_start3A_169 = arith.constant 0 : i32
      %dma_start3A_170 = arith.constant 0 : i32
      %dma_start3A_171 = tpu.memref_slice %arg8[%dma_start3A_160, %dma_start3A_169, %dma_start3A_170] : memref<32x8x64xf32, #tpu.memory_space<vmem>> -> memref<1x8x64xf32, #tpu.memory_space<vmem>>
      %dma_start3A_172 = tpu.memref_squeeze %dma_start3A_171 : memref<1x8x64xf32, #tpu.memory_space<vmem>> -> memref<8x64xf32, #tpu.memory_space<vmem>>
      %dma_start3A_173 = arith.constant 0 : i32
      %dma_start3A_174 = arith.constant 0 : i32
      %dma_start3A_175 = tpu.memref_slice %arg3[%squeeze3A_159, %dma_start3A_173, %dma_start3A_174] : memref<125000x8x64xf32, #tpu.memory_space<hbm>> -> memref<1x8x64xf32, #tpu.memory_space<hbm>>
      %dma_start3A_176 = tpu.memref_squeeze %dma_start3A_175 : memref<1x8x64xf32, #tpu.memory_space<hbm>> -> memref<8x64xf32, #tpu.memory_space<hbm>>
      tpu.enqueue_dma source(%dma_start3A_176 : memref<8x64xf32, #tpu.memory_space<hbm>>) target(%dma_start3A_172 : memref<8x64xf32, #tpu.memory_space<vmem>>) target_semaphore(%arg12 : memref<!tpu.dma_semaphore, #tpu.memory_space<semaphore_mem>>)
      %dma_start3A_177 = arith.constant 4 : i32
      %dma_start3A_178 = arith.constant 0 : i32
      %dma_start3A_179 = arith.constant 0 : i32
      %dma_start3A_180 = tpu.memref_slice %arg9[%dma_start3A_177, %dma_start3A_178, %dma_start3A_179] : memref<32x8x16xf32, #tpu.memory_space<vmem>> -> memref<1x8x16xf32, #tpu.memory_space<vmem>>
      %dma_start3A_181 = tpu.memref_squeeze %dma_start3A_180 : memref<1x8x16xf32, #tpu.memory_space<vmem>> -> memref<8x16xf32, #tpu.memory_space<vmem>>
      %dma_start3A_182 = arith.constant 0 : i32
      %dma_start3A_183 = arith.constant 0 : i32
      %dma_start3A_184 = tpu.memref_slice %arg4[%squeeze3A_159, %dma_start3A_182, %dma_start3A_183] : memref<125000x8x16xf32, #tpu.memory_space<hbm>> -> memref<1x8x16xf32, #tpu.memory_space<hbm>>
      %dma_start3A_185 = tpu.memref_squeeze %dma_start3A_184 : memref<1x8x16xf32, #tpu.memory_space<hbm>> -> memref<8x16xf32, #tpu.memory_space<hbm>>
      %dma_start3A_186 = arith.constant 0 : i32
      %dma_start3A_187 = arith.constant 0 : i32
      %dma_start3A_188 = tpu.memref_slice %arg9[%dma_start3A_177, %dma_start3A_186, %dma_start3A_187] : memref<32x8x16xf32, #tpu.memory_space<vmem>> -> memref<1x8x16xf32, #tpu.memory_space<vmem>>
      %dma_start3A_189 = tpu.memref_squeeze %dma_start3A_188 : memref<1x8x16xf32, #tpu.memory_space<vmem>> -> memref<8x16xf32, #tpu.memory_space<vmem>>
      %dma_start3A_190 = arith.constant 0 : i32
      %dma_start3A_191 = arith.constant 0 : i32
      %dma_start3A_192 = tpu.memref_slice %arg4[%squeeze3A_159, %dma_start3A_190, %dma_start3A_191] : memref<125000x8x16xf32, #tpu.memory_space<hbm>> -> memref<1x8x16xf32, #tpu.memory_space<hbm>>
      %dma_start3A_193 = tpu.memref_squeeze %dma_start3A_192 : memref<1x8x16xf32, #tpu.memory_space<hbm>> -> memref<8x16xf32, #tpu.memory_space<hbm>>
      tpu.enqueue_dma source(%dma_start3A_193 : memref<8x16xf32, #tpu.memory_space<hbm>>) target(%dma_start3A_189 : memref<8x16xf32, #tpu.memory_space<vmem>>) target_semaphore(%arg13 : memref<!tpu.dma_semaphore, #tpu.memory_space<semaphore_mem>>)
      %slice3A_194 = vector.extract_strided_slice %shift_right_logical3A_16 {offsets = [5], sizes = [1], strides = [1]} : vector<16xi32> to vector<1xi32>
      %squeeze3A_195 = vector.extract %slice3A_194[0] : i32 from vector<1xi32>
      %dma_start3A_196 = arith.constant 5 : i32
      %dma_start3A_197 = arith.constant 0 : i32
      %dma_start3A_198 = arith.constant 0 : i32
      %dma_start3A_199 = tpu.memref_slice %arg8[%dma_start3A_196, %dma_start3A_197, %dma_start3A_198] : memref<32x8x64xf32, #tpu.memory_space<vmem>> -> memref<1x8x64xf32, #tpu.memory_space<vmem>>
      %dma_start3A_200 = tpu.memref_squeeze %dma_start3A_199 : memref<1x8x64xf32, #tpu.memory_space<vmem>> -> memref<8x64xf32, #tpu.memory_space<vmem>>
      %dma_start3A_201 = arith.constant 0 : i32
      %dma_start3A_202 = arith.constant 0 : i32
      %dma_start3A_203 = tpu.memref_slice %arg3[%squeeze3A_195, %dma_start3A_201, %dma_start3A_202] : memref<125000x8x64xf32, #tpu.memory_space<hbm>> -> memref<1x8x64xf32, #tpu.memory_space<hbm>>
      %dma_start3A_204 = tpu.memref_squeeze %dma_start3A_203 : memref<1x8x64xf32, #tpu.memory_space<hbm>> -> memref<8x64xf32, #tpu.memory_space<hbm>>
      %dma_start3A_205 = arith.constant 0 : i32
      %dma_start3A_206 = arith.constant 0 : i32
      %dma_start3A_207 = tpu.memref_slice %arg8[%dma_start3A_196, %dma_start3A_205, %dma_start3A_206] : memref<32x8x64xf32, #tpu.memory_space<vmem>> -> memref<1x8x64xf32, #tpu.memory_space<vmem>>
      %dma_start3A_208 = tpu.memref_squeeze %dma_start3A_207 : memref<1x8x64xf32, #tpu.memory_space<vmem>> -> memref<8x64xf32, #tpu.memory_space<vmem>>
      %dma_start3A_209 = arith.constant 0 : i32
      %dma_start3A_210 = arith.constant 0 : i32
      %dma_start3A_211 = tpu.memref_slice %arg3[%squeeze3A_195, %dma_start3A_209, %dma_start3A_210] : memref<125000x8x64xf32, #tpu.memory_space<hbm>> -> memref<1x8x64xf32, #tpu.memory_space<hbm>>
      %dma_start3A_212 = tpu.memref_squeeze %dma_start3A_211 : memref<1x8x64xf32, #tpu.memory_space<hbm>> -> memref<8x64xf32, #tpu.memory_space<hbm>>
      tpu.enqueue_dma source(%dma_start3A_212 : memref<8x64xf32, #tpu.memory_space<hbm>>) target(%dma_start3A_208 : memref<8x64xf32, #tpu.memory_space<vmem>>) target_semaphore(%arg12 : memref<!tpu.dma_semaphore, #tpu.memory_space<semaphore_mem>>)
      %dma_start3A_213 = arith.constant 5 : i32
      %dma_start3A_214 = arith.constant 0 : i32
      %dma_start3A_215 = arith.constant 0 : i32
      %dma_start3A_216 = tpu.memref_slice %arg9[%dma_start3A_213, %dma_start3A_214, %dma_start3A_215] : memref<32x8x16xf32, #tpu.memory_space<vmem>> -> memref<1x8x16xf32, #tpu.memory_space<vmem>>
      %dma_start3A_217 = tpu.memref_squeeze %dma_start3A_216 : memref<1x8x16xf32, #tpu.memory_space<vmem>> -> memref<8x16xf32, #tpu.memory_space<vmem>>
      %dma_start3A_218 = arith.constant 0 : i32
      %dma_start3A_219 = arith.constant 0 : i32
      %dma_start3A_220 = tpu.memref_slice %arg4[%squeeze3A_195, %dma_start3A_218, %dma_start3A_219] : memref<125000x8x16xf32, #tpu.memory_space<hbm>> -> memref<1x8x16xf32, #tpu.memory_space<hbm>>
      %dma_start3A_221 = tpu.memref_squeeze %dma_start3A_220 : memref<1x8x16xf32, #tpu.memory_space<hbm>> -> memref<8x16xf32, #tpu.memory_space<hbm>>
      %dma_start3A_222 = arith.constant 0 : i32
      %dma_start3A_223 = arith.constant 0 : i32
      %dma_start3A_224 = tpu.memref_slice %arg9[%dma_start3A_213, %dma_start3A_222, %dma_start3A_223] : memref<32x8x16xf32, #tpu.memory_space<vmem>> -> memref<1x8x16xf32, #tpu.memory_space<vmem>>
      %dma_start3A_225 = tpu.memref_squeeze %dma_start3A_224 : memref<1x8x16xf32, #tpu.memory_space<vmem>> -> memref<8x16xf32, #tpu.memory_space<vmem>>
      %dma_start3A_226 = arith.constant 0 : i32
      %dma_start3A_227 = arith.constant 0 : i32
      %dma_start3A_228 = tpu.memref_slice %arg4[%squeeze3A_195, %dma_start3A_226, %dma_start3A_227] : memref<125000x8x16xf32, #tpu.memory_space<hbm>> -> memref<1x8x16xf32, #tpu.memory_space<hbm>>
      %dma_start3A_229 = tpu.memref_squeeze %dma_start3A_228 : memref<1x8x16xf32, #tpu.memory_space<hbm>> -> memref<8x16xf32, #tpu.memory_space<hbm>>
      tpu.enqueue_dma source(%dma_start3A_229 : memref<8x16xf32, #tpu.memory_space<hbm>>) target(%dma_start3A_225 : memref<8x16xf32, #tpu.memory_space<vmem>>) target_semaphore(%arg13 : memref<!tpu.dma_semaphore, #tpu.memory_space<semaphore_mem>>)
      %slice3A_230 = vector.extract_strided_slice %shift_right_logical3A_16 {offsets = [6], sizes = [1], strides = [1]} : vector<16xi32> to vector<1xi32>
      %squeeze3A_231 = vector.extract %slice3A_230[0] : i32 from vector<1xi32>
      %dma_start3A_232 = arith.constant 6 : i32
      %dma_start3A_233 = arith.constant 0 : i32
      %dma_start3A_234 = arith.constant 0 : i32
      %dma_start3A_235 = tpu.memref_slice %arg8[%dma_start3A_232, %dma_start3A_233, %dma_start3A_234] : memref<32x8x64xf32, #tpu.memory_space<vmem>> -> memref<1x8x64xf32, #tpu.memory_space<vmem>>
      %dma_start3A_236 = tpu.memref_squeeze %dma_start3A_235 : memref<1x8x64xf32, #tpu.memory_space<vmem>> -> memref<8x64xf32, #tpu.memory_space<vmem>>
      %dma_start3A_237 = arith.constant 0 : i32
      %dma_start3A_238 = arith.constant 0 : i32
      %dma_start3A_239 = tpu.memref_slice %arg3[%squeeze3A_231, %dma_start3A_237, %dma_start3A_238] : memref<125000x8x64xf32, #tpu.memory_space<hbm>> -> memref<1x8x64xf32, #tpu.memory_space<hbm>>
      %dma_start3A_240 = tpu.memref_squeeze %dma_start3A_239 : memref<1x8x64xf32, #tpu.memory_space<hbm>> -> memref<8x64xf32, #tpu.memory_space<hbm>>
      %dma_start3A_241 = arith.constant 0 : i32
      %dma_start3A_242 = arith.constant 0 : i32
      %dma_start3A_243 = tpu.memref_slice %arg8[%dma_start3A_232, %dma_start3A_241, %dma_start3A_242] : memref<32x8x64xf32, #tpu.memory_space<vmem>> -> memref<1x8x64xf32, #tpu.memory_space<vmem>>
      %dma_start3A_244 = tpu.memref_squeeze %dma_start3A_243 : memref<1x8x64xf32, #tpu.memory_space<vmem>> -> memref<8x64xf32, #tpu.memory_space<vmem>>
      %dma_start3A_245 = arith.constant 0 : i32
      %dma_start3A_246 = arith.constant 0 : i32
      %dma_start3A_247 = tpu.memref_slice %arg3[%squeeze3A_231, %dma_start3A_245, %dma_start3A_246] : memref<125000x8x64xf32, #tpu.memory_space<hbm>> -> memref<1x8x64xf32, #tpu.memory_space<hbm>>
      %dma_start3A_248 = tpu.memref_squeeze %dma_start3A_247 : memref<1x8x64xf32, #tpu.memory_space<hbm>> -> memref<8x64xf32, #tpu.memory_space<hbm>>
      tpu.enqueue_dma source(%dma_start3A_248 : memref<8x64xf32, #tpu.memory_space<hbm>>) target(%dma_start3A_244 : memref<8x64xf32, #tpu.memory_space<vmem>>) target_semaphore(%arg12 : memref<!tpu.dma_semaphore, #tpu.memory_space<semaphore_mem>>)
      %dma_start3A_249 = arith.constant 6 : i32
      %dma_start3A_250 = arith.constant 0 : i32
      %dma_start3A_251 = arith.constant 0 : i32
      %dma_start3A_252 = tpu.memref_slice %arg9[%dma_start3A_249, %dma_start3A_250, %dma_start3A_251] : memref<32x8x16xf32, #tpu.memory_space<vmem>> -> memref<1x8x16xf32, #tpu.memory_space<vmem>>
      %dma_start3A_253 = tpu.memref_squeeze %dma_start3A_252 : memref<1x8x16xf32, #tpu.memory_space<vmem>> -> memref<8x16xf32, #tpu.memory_space<vmem>>
      %dma_start3A_254 = arith.constant 0 : i32
      %dma_start3A_255 = arith.constant 0 : i32
      %dma_start3A_256 = tpu.memref_slice %arg4[%squeeze3A_231, %dma_start3A_254, %dma_start3A_255] : memref<125000x8x16xf32, #tpu.memory_space<hbm>> -> memref<1x8x16xf32, #tpu.memory_space<hbm>>
      %dma_start3A_257 = tpu.memref_squeeze %dma_start3A_256 : memref<1x8x16xf32, #tpu.memory_space<hbm>> -> memref<8x16xf32, #tpu.memory_space<hbm>>
      %dma_start3A_258 = arith.constant 0 : i32
      %dma_start3A_259 = arith.constant 0 : i32
      %dma_start3A_260 = tpu.memref_slice %arg9[%dma_start3A_249, %dma_start3A_258, %dma_start3A_259] : memref<32x8x16xf32, #tpu.memory_space<vmem>> -> memref<1x8x16xf32, #tpu.memory_space<vmem>>
      %dma_start3A_261 = tpu.memref_squeeze %dma_start3A_260 : memref<1x8x16xf32, #tpu.memory_space<vmem>> -> memref<8x16xf32, #tpu.memory_space<vmem>>
      %dma_start3A_262 = arith.constant 0 : i32
      %dma_start3A_263 = arith.constant 0 : i32
      %dma_start3A_264 = tpu.memref_slice %arg4[%squeeze3A_231, %dma_start3A_262, %dma_start3A_263] : memref<125000x8x16xf32, #tpu.memory_space<hbm>> -> memref<1x8x16xf32, #tpu.memory_space<hbm>>
      %dma_start3A_265 = tpu.memref_squeeze %dma_start3A_264 : memref<1x8x16xf32, #tpu.memory_space<hbm>> -> memref<8x16xf32, #tpu.memory_space<hbm>>
      tpu.enqueue_dma source(%dma_start3A_265 : memref<8x16xf32, #tpu.memory_space<hbm>>) target(%dma_start3A_261 : memref<8x16xf32, #tpu.memory_space<vmem>>) target_semaphore(%arg13 : memref<!tpu.dma_semaphore, #tpu.memory_space<semaphore_mem>>)
      %slice3A_266 = vector.extract_strided_slice %shift_right_logical3A_16 {offsets = [7], sizes = [1], strides = [1]} : vector<16xi32> to vector<1xi32>
      %squeeze3A_267 = vector.extract %slice3A_266[0] : i32 from vector<1xi32>
      %dma_start3A_268 = arith.constant 7 : i32
      %dma_start3A_269 = arith.constant 0 : i32
      %dma_start3A_270 = arith.constant 0 : i32
      %dma_start3A_271 = tpu.memref_slice %arg8[%dma_start3A_268, %dma_start3A_269, %dma_start3A_270] : memref<32x8x64xf32, #tpu.memory_space<vmem>> -> memref<1x8x64xf32, #tpu.memory_space<vmem>>
      %dma_start3A_272 = tpu.memref_squeeze %dma_start3A_271 : memref<1x8x64xf32, #tpu.memory_space<vmem>> -> memref<8x64xf32, #tpu.memory_space<vmem>>
      %dma_start3A_273 = arith.constant 0 : i32
      %dma_start3A_274 = arith.constant 0 : i32
      %dma_start3A_275 = tpu.memref_slice %arg3[%squeeze3A_267, %dma_start3A_273, %dma_start3A_274] : memref<125000x8x64xf32, #tpu.memory_space<hbm>> -> memref<1x8x64xf32, #tpu.memory_space<hbm>>
      %dma_start3A_276 = tpu.memref_squeeze %dma_start3A_275 : memref<1x8x64xf32, #tpu.memory_space<hbm>> -> memref<8x64xf32, #tpu.memory_space<hbm>>
      %dma_start3A_277 = arith.constant 0 : i32
      %dma_start3A_278 = arith.constant 0 : i32
      %dma_start3A_279 = tpu.memref_slice %arg8[%dma_start3A_268, %dma_start3A_277, %dma_start3A_278] : memref<32x8x64xf32, #tpu.memory_space<vmem>> -> memref<1x8x64xf32, #tpu.memory_space<vmem>>
      %dma_start3A_280 = tpu.memref_squeeze %dma_start3A_279 : memref<1x8x64xf32, #tpu.memory_space<vmem>> -> memref<8x64xf32, #tpu.memory_space<vmem>>
      %dma_start3A_281 = arith.constant 0 : i32
      %dma_start3A_282 = arith.constant 0 : i32
      %dma_start3A_283 = tpu.memref_slice %arg3[%squeeze3A_267, %dma_start3A_281, %dma_start3A_282] : memref<125000x8x64xf32, #tpu.memory_space<hbm>> -> memref<1x8x64xf32, #tpu.memory_space<hbm>>
      %dma_start3A_284 = tpu.memref_squeeze %dma_start3A_283 : memref<1x8x64xf32, #tpu.memory_space<hbm>> -> memref<8x64xf32, #tpu.memory_space<hbm>>
      tpu.enqueue_dma source(%dma_start3A_284 : memref<8x64xf32, #tpu.memory_space<hbm>>) target(%dma_start3A_280 : memref<8x64xf32, #tpu.memory_space<vmem>>) target_semaphore(%arg12 : memref<!tpu.dma_semaphore, #tpu.memory_space<semaphore_mem>>)
      %dma_start3A_285 = arith.constant 7 : i32
      %dma_start3A_286 = arith.constant 0 : i32
      %dma_start3A_287 = arith.constant 0 : i32
      %dma_start3A_288 = tpu.memref_slice %arg9[%dma_start3A_285, %dma_start3A_286, %dma_start3A_287] : memref<32x8x16xf32, #tpu.memory_space<vmem>> -> memref<1x8x16xf32, #tpu.memory_space<vmem>>
      %dma_start3A_289 = tpu.memref_squeeze %dma_start3A_288 : memref<1x8x16xf32, #tpu.memory_space<vmem>> -> memref<8x16xf32, #tpu.memory_space<vmem>>
      %dma_start3A_290 = arith.constant 0 : i32
      %dma_start3A_291 = arith.constant 0 : i32
      %dma_start3A_292 = tpu.memref_slice %arg4[%squeeze3A_267, %dma_start3A_290, %dma_start3A_291] : memref<125000x8x16xf32, #tpu.memory_space<hbm>> -> memref<1x8x16xf32, #tpu.memory_space<hbm>>
      %dma_start3A_293 = tpu.memref_squeeze %dma_start3A_292 : memref<1x8x16xf32, #tpu.memory_space<hbm>> -> memref<8x16xf32, #tpu.memory_space<hbm>>
      %dma_start3A_294 = arith.constant 0 : i32
      %dma_start3A_295 = arith.constant 0 : i32
      %dma_start3A_296 = tpu.memref_slice %arg9[%dma_start3A_285, %dma_start3A_294, %dma_start3A_295] : memref<32x8x16xf32, #tpu.memory_space<vmem>> -> memref<1x8x16xf32, #tpu.memory_space<vmem>>
      %dma_start3A_297 = tpu.memref_squeeze %dma_start3A_296 : memref<1x8x16xf32, #tpu.memory_space<vmem>> -> memref<8x16xf32, #tpu.memory_space<vmem>>
      %dma_start3A_298 = arith.constant 0 : i32
      %dma_start3A_299 = arith.constant 0 : i32
      %dma_start3A_300 = tpu.memref_slice %arg4[%squeeze3A_267, %dma_start3A_298, %dma_start3A_299] : memref<125000x8x16xf32, #tpu.memory_space<hbm>> -> memref<1x8x16xf32, #tpu.memory_space<hbm>>
      %dma_start3A_301 = tpu.memref_squeeze %dma_start3A_300 : memref<1x8x16xf32, #tpu.memory_space<hbm>> -> memref<8x16xf32, #tpu.memory_space<hbm>>
      tpu.enqueue_dma source(%dma_start3A_301 : memref<8x16xf32, #tpu.memory_space<hbm>>) target(%dma_start3A_297 : memref<8x16xf32, #tpu.memory_space<vmem>>) target_semaphore(%arg13 : memref<!tpu.dma_semaphore, #tpu.memory_space<semaphore_mem>>)
      %slice3A_302 = vector.extract_strided_slice %shift_right_logical3A_16 {offsets = [8], sizes = [1], strides = [1]} : vector<16xi32> to vector<1xi32>
      %squeeze3A_303 = vector.extract %slice3A_302[0] : i32 from vector<1xi32>
      %dma_start3A_304 = arith.constant 8 : i32
      %dma_start3A_305 = arith.constant 0 : i32
      %dma_start3A_306 = arith.constant 0 : i32
      %dma_start3A_307 = tpu.memref_slice %arg8[%dma_start3A_304, %dma_start3A_305, %dma_start3A_306] : memref<32x8x64xf32, #tpu.memory_space<vmem>> -> memref<1x8x64xf32, #tpu.memory_space<vmem>>
      %dma_start3A_308 = tpu.memref_squeeze %dma_start3A_307 : memref<1x8x64xf32, #tpu.memory_space<vmem>> -> memref<8x64xf32, #tpu.memory_space<vmem>>
      %dma_start3A_309 = arith.constant 0 : i32
      %dma_start3A_310 = arith.constant 0 : i32
      %dma_start3A_311 = tpu.memref_slice %arg3[%squeeze3A_303, %dma_start3A_309, %dma_start3A_310] : memref<125000x8x64xf32, #tpu.memory_space<hbm>> -> memref<1x8x64xf32, #tpu.memory_space<hbm>>
      %dma_start3A_312 = tpu.memref_squeeze %dma_start3A_311 : memref<1x8x64xf32, #tpu.memory_space<hbm>> -> memref<8x64xf32, #tpu.memory_space<hbm>>
      %dma_start3A_313 = arith.constant 0 : i32
      %dma_start3A_314 = arith.constant 0 : i32
      %dma_start3A_315 = tpu.memref_slice %arg8[%dma_start3A_304, %dma_start3A_313, %dma_start3A_314] : memref<32x8x64xf32, #tpu.memory_space<vmem>> -> memref<1x8x64xf32, #tpu.memory_space<vmem>>
      %dma_start3A_316 = tpu.memref_squeeze %dma_start3A_315 : memref<1x8x64xf32, #tpu.memory_space<vmem>> -> memref<8x64xf32, #tpu.memory_space<vmem>>
      %dma_start3A_317 = arith.constant 0 : i32
      %dma_start3A_318 = arith.constant 0 : i32
      %dma_start3A_319 = tpu.memref_slice %arg3[%squeeze3A_303, %dma_start3A_317, %dma_start3A_318] : memref<125000x8x64xf32, #tpu.memory_space<hbm>> -> memref<1x8x64xf32, #tpu.memory_space<hbm>>
      %dma_start3A_320 = tpu.memref_squeeze %dma_start3A_319 : memref<1x8x64xf32, #tpu.memory_space<hbm>> -> memref<8x64xf32, #tpu.memory_space<hbm>>
      tpu.enqueue_dma source(%dma_start3A_320 : memref<8x64xf32, #tpu.memory_space<hbm>>) target(%dma_start3A_316 : memref<8x64xf32, #tpu.memory_space<vmem>>) target_semaphore(%arg12 : memref<!tpu.dma_semaphore, #tpu.memory_space<semaphore_mem>>)
      %dma_start3A_321 = arith.constant 8 : i32
      %dma_start3A_322 = arith.constant 0 : i32
      %dma_start3A_323 = arith.constant 0 : i32
      %dma_start3A_324 = tpu.memref_slice %arg9[%dma_start3A_321, %dma_start3A_322, %dma_start3A_323] : memref<32x8x16xf32, #tpu.memory_space<vmem>> -> memref<1x8x16xf32, #tpu.memory_space<vmem>>
      %dma_start3A_325 = tpu.memref_squeeze %dma_start3A_324 : memref<1x8x16xf32, #tpu.memory_space<vmem>> -> memref<8x16xf32, #tpu.memory_space<vmem>>
      %dma_start3A_326 = arith.constant 0 : i32
      %dma_start3A_327 = arith.constant 0 : i32
      %dma_start3A_328 = tpu.memref_slice %arg4[%squeeze3A_303, %dma_start3A_326, %dma_start3A_327] : memref<125000x8x16xf32, #tpu.memory_space<hbm>> -> memref<1x8x16xf32, #tpu.memory_space<hbm>>
      %dma_start3A_329 = tpu.memref_squeeze %dma_start3A_328 : memref<1x8x16xf32, #tpu.memory_space<hbm>> -> memref<8x16xf32, #tpu.memory_space<hbm>>
      %dma_start3A_330 = arith.constant 0 : i32
      %dma_start3A_331 = arith.constant 0 : i32
      %dma_start3A_332 = tpu.memref_slice %arg9[%dma_start3A_321, %dma_start3A_330, %dma_start3A_331] : memref<32x8x16xf32, #tpu.memory_space<vmem>> -> memref<1x8x16xf32, #tpu.memory_space<vmem>>
      %dma_start3A_333 = tpu.memref_squeeze %dma_start3A_332 : memref<1x8x16xf32, #tpu.memory_space<vmem>> -> memref<8x16xf32, #tpu.memory_space<vmem>>
      %dma_start3A_334 = arith.constant 0 : i32
      %dma_start3A_335 = arith.constant 0 : i32
      %dma_start3A_336 = tpu.memref_slice %arg4[%squeeze3A_303, %dma_start3A_334, %dma_start3A_335] : memref<125000x8x16xf32, #tpu.memory_space<hbm>> -> memref<1x8x16xf32, #tpu.memory_space<hbm>>
      %dma_start3A_337 = tpu.memref_squeeze %dma_start3A_336 : memref<1x8x16xf32, #tpu.memory_space<hbm>> -> memref<8x16xf32, #tpu.memory_space<hbm>>
      tpu.enqueue_dma source(%dma_start3A_337 : memref<8x16xf32, #tpu.memory_space<hbm>>) target(%dma_start3A_333 : memref<8x16xf32, #tpu.memory_space<vmem>>) target_semaphore(%arg13 : memref<!tpu.dma_semaphore, #tpu.memory_space<semaphore_mem>>)
      %slice3A_338 = vector.extract_strided_slice %shift_right_logical3A_16 {offsets = [9], sizes = [1], strides = [1]} : vector<16xi32> to vector<1xi32>
      %squeeze3A_339 = vector.extract %slice3A_338[0] : i32 from vector<1xi32>
      %dma_start3A_340 = arith.constant 9 : i32
      %dma_start3A_341 = arith.constant 0 : i32
      %dma_start3A_342 = arith.constant 0 : i32
      %dma_start3A_343 = tpu.memref_slice %arg8[%dma_start3A_340, %dma_start3A_341, %dma_start3A_342] : memref<32x8x64xf32, #tpu.memory_space<vmem>> -> memref<1x8x64xf32, #tpu.memory_space<vmem>>
      %dma_start3A_344 = tpu.memref_squeeze %dma_start3A_343 : memref<1x8x64xf32, #tpu.memory_space<vmem>> -> memref<8x64xf32, #tpu.memory_space<vmem>>
      %dma_start3A_345 = arith.constant 0 : i32
      %dma_start3A_346 = arith.constant 0 : i32
      %dma_start3A_347 = tpu.memref_slice %arg3[%squeeze3A_339, %dma_start3A_345, %dma_start3A_346] : memref<125000x8x64xf32, #tpu.memory_space<hbm>> -> memref<1x8x64xf32, #tpu.memory_space<hbm>>
      %dma_start3A_348 = tpu.memref_squeeze %dma_start3A_347 : memref<1x8x64xf32, #tpu.memory_space<hbm>> -> memref<8x64xf32, #tpu.memory_space<hbm>>
      %dma_start3A_349 = arith.constant 0 : i32
      %dma_start3A_350 = arith.constant 0 : i32
      %dma_start3A_351 = tpu.memref_slice %arg8[%dma_start3A_340, %dma_start3A_349, %dma_start3A_350] : memref<32x8x64xf32, #tpu.memory_space<vmem>> -> memref<1x8x64xf32, #tpu.memory_space<vmem>>
      %dma_start3A_352 = tpu.memref_squeeze %dma_start3A_351 : memref<1x8x64xf32, #tpu.memory_space<vmem>> -> memref<8x64xf32, #tpu.memory_space<vmem>>
      %dma_start3A_353 = arith.constant 0 : i32
      %dma_start3A_354 = arith.constant 0 : i32
      %dma_start3A_355 = tpu.memref_slice %arg3[%squeeze3A_339, %dma_start3A_353, %dma_start3A_354] : memref<125000x8x64xf32, #tpu.memory_space<hbm>> -> memref<1x8x64xf32, #tpu.memory_space<hbm>>
      %dma_start3A_356 = tpu.memref_squeeze %dma_start3A_355 : memref<1x8x64xf32, #tpu.memory_space<hbm>> -> memref<8x64xf32, #tpu.memory_space<hbm>>
      tpu.enqueue_dma source(%dma_start3A_356 : memref<8x64xf32, #tpu.memory_space<hbm>>) target(%dma_start3A_352 : memref<8x64xf32, #tpu.memory_space<vmem>>) target_semaphore(%arg12 : memref<!tpu.dma_semaphore, #tpu.memory_space<semaphore_mem>>)
      %dma_start3A_357 = arith.constant 9 : i32
      %dma_start3A_358 = arith.constant 0 : i32
      %dma_start3A_359 = arith.constant 0 : i32
      %dma_start3A_360 = tpu.memref_slice %arg9[%dma_start3A_357, %dma_start3A_358, %dma_start3A_359] : memref<32x8x16xf32, #tpu.memory_space<vmem>> -> memref<1x8x16xf32, #tpu.memory_space<vmem>>
      %dma_start3A_361 = tpu.memref_squeeze %dma_start3A_360 : memref<1x8x16xf32, #tpu.memory_space<vmem>> -> memref<8x16xf32, #tpu.memory_space<vmem>>
      %dma_start3A_362 = arith.constant 0 : i32
      %dma_start3A_363 = arith.constant 0 : i32
      %dma_start3A_364 = tpu.memref_slice %arg4[%squeeze3A_339, %dma_start3A_362, %dma_start3A_363] : memref<125000x8x16xf32, #tpu.memory_space<hbm>> -> memref<1x8x16xf32, #tpu.memory_space<hbm>>
      %dma_start3A_365 = tpu.memref_squeeze %dma_start3A_364 : memref<1x8x16xf32, #tpu.memory_space<hbm>> -> memref<8x16xf32, #tpu.memory_space<hbm>>
      %dma_start3A_366 = arith.constant 0 : i32
      %dma_start3A_367 = arith.constant 0 : i32
      %dma_start3A_368 = tpu.memref_slice %arg9[%dma_start3A_357, %dma_start3A_366, %dma_start3A_367] : memref<32x8x16xf32, #tpu.memory_space<vmem>> -> memref<1x8x16xf32, #tpu.memory_space<vmem>>
      %dma_start3A_369 = tpu.memref_squeeze %dma_start3A_368 : memref<1x8x16xf32, #tpu.memory_space<vmem>> -> memref<8x16xf32, #tpu.memory_space<vmem>>
      %dma_start3A_370 = arith.constant 0 : i32
      %dma_start3A_371 = arith.constant 0 : i32
      %dma_start3A_372 = tpu.memref_slice %arg4[%squeeze3A_339, %dma_start3A_370, %dma_start3A_371] : memref<125000x8x16xf32, #tpu.memory_space<hbm>> -> memref<1x8x16xf32, #tpu.memory_space<hbm>>
      %dma_start3A_373 = tpu.memref_squeeze %dma_start3A_372 : memref<1x8x16xf32, #tpu.memory_space<hbm>> -> memref<8x16xf32, #tpu.memory_space<hbm>>
      tpu.enqueue_dma source(%dma_start3A_373 : memref<8x16xf32, #tpu.memory_space<hbm>>) target(%dma_start3A_369 : memref<8x16xf32, #tpu.memory_space<vmem>>) target_semaphore(%arg13 : memref<!tpu.dma_semaphore, #tpu.memory_space<semaphore_mem>>)
      %slice3A_374 = vector.extract_strided_slice %shift_right_logical3A_16 {offsets = [10], sizes = [1], strides = [1]} : vector<16xi32> to vector<1xi32>
      %squeeze3A_375 = vector.extract %slice3A_374[0] : i32 from vector<1xi32>
      %dma_start3A_376 = arith.constant 10 : i32
      %dma_start3A_377 = arith.constant 0 : i32
      %dma_start3A_378 = arith.constant 0 : i32
      %dma_start3A_379 = tpu.memref_slice %arg8[%dma_start3A_376, %dma_start3A_377, %dma_start3A_378] : memref<32x8x64xf32, #tpu.memory_space<vmem>> -> memref<1x8x64xf32, #tpu.memory_space<vmem>>
      %dma_start3A_380 = tpu.memref_squeeze %dma_start3A_379 : memref<1x8x64xf32, #tpu.memory_space<vmem>> -> memref<8x64xf32, #tpu.memory_space<vmem>>
      %dma_start3A_381 = arith.constant 0 : i32
      %dma_start3A_382 = arith.constant 0 : i32
      %dma_start3A_383 = tpu.memref_slice %arg3[%squeeze3A_375, %dma_start3A_381, %dma_start3A_382] : memref<125000x8x64xf32, #tpu.memory_space<hbm>> -> memref<1x8x64xf32, #tpu.memory_space<hbm>>
      %dma_start3A_384 = tpu.memref_squeeze %dma_start3A_383 : memref<1x8x64xf32, #tpu.memory_space<hbm>> -> memref<8x64xf32, #tpu.memory_space<hbm>>
      %dma_start3A_385 = arith.constant 0 : i32
      %dma_start3A_386 = arith.constant 0 : i32
      %dma_start3A_387 = tpu.memref_slice %arg8[%dma_start3A_376, %dma_start3A_385, %dma_start3A_386] : memref<32x8x64xf32, #tpu.memory_space<vmem>> -> memref<1x8x64xf32, #tpu.memory_space<vmem>>
      %dma_start3A_388 = tpu.memref_squeeze %dma_start3A_387 : memref<1x8x64xf32, #tpu.memory_space<vmem>> -> memref<8x64xf32, #tpu.memory_space<vmem>>
      %dma_start3A_389 = arith.constant 0 : i32
      %dma_start3A_390 = arith.constant 0 : i32
      %dma_start3A_391 = tpu.memref_slice %arg3[%squeeze3A_375, %dma_start3A_389, %dma_start3A_390] : memref<125000x8x64xf32, #tpu.memory_space<hbm>> -> memref<1x8x64xf32, #tpu.memory_space<hbm>>
      %dma_start3A_392 = tpu.memref_squeeze %dma_start3A_391 : memref<1x8x64xf32, #tpu.memory_space<hbm>> -> memref<8x64xf32, #tpu.memory_space<hbm>>
      tpu.enqueue_dma source(%dma_start3A_392 : memref<8x64xf32, #tpu.memory_space<hbm>>) target(%dma_start3A_388 : memref<8x64xf32, #tpu.memory_space<vmem>>) target_semaphore(%arg12 : memref<!tpu.dma_semaphore, #tpu.memory_space<semaphore_mem>>)
      %dma_start3A_393 = arith.constant 10 : i32
      %dma_start3A_394 = arith.constant 0 : i32
      %dma_start3A_395 = arith.constant 0 : i32
      %dma_start3A_396 = tpu.memref_slice %arg9[%dma_start3A_393, %dma_start3A_394, %dma_start3A_395] : memref<32x8x16xf32, #tpu.memory_space<vmem>> -> memref<1x8x16xf32, #tpu.memory_space<vmem>>
      %dma_start3A_397 = tpu.memref_squeeze %dma_start3A_396 : memref<1x8x16xf32, #tpu.memory_space<vmem>> -> memref<8x16xf32, #tpu.memory_space<vmem>>
      %dma_start3A_398 = arith.constant 0 : i32
      %dma_start3A_399 = arith.constant 0 : i32
      %dma_start3A_400 = tpu.memref_slice %arg4[%squeeze3A_375, %dma_start3A_398, %dma_start3A_399] : memref<125000x8x16xf32, #tpu.memory_space<hbm>> -> memref<1x8x16xf32, #tpu.memory_space<hbm>>
      %dma_start3A_401 = tpu.memref_squeeze %dma_start3A_400 : memref<1x8x16xf32, #tpu.memory_space<hbm>> -> memref<8x16xf32, #tpu.memory_space<hbm>>
      %dma_start3A_402 = arith.constant 0 : i32
      %dma_start3A_403 = arith.constant 0 : i32
      %dma_start3A_404 = tpu.memref_slice %arg9[%dma_start3A_393, %dma_start3A_402, %dma_start3A_403] : memref<32x8x16xf32, #tpu.memory_space<vmem>> -> memref<1x8x16xf32, #tpu.memory_space<vmem>>
      %dma_start3A_405 = tpu.memref_squeeze %dma_start3A_404 : memref<1x8x16xf32, #tpu.memory_space<vmem>> -> memref<8x16xf32, #tpu.memory_space<vmem>>
      %dma_start3A_406 = arith.constant 0 : i32
      %dma_start3A_407 = arith.constant 0 : i32
      %dma_start3A_408 = tpu.memref_slice %arg4[%squeeze3A_375, %dma_start3A_406, %dma_start3A_407] : memref<125000x8x16xf32, #tpu.memory_space<hbm>> -> memref<1x8x16xf32, #tpu.memory_space<hbm>>
      %dma_start3A_409 = tpu.memref_squeeze %dma_start3A_408 : memref<1x8x16xf32, #tpu.memory_space<hbm>> -> memref<8x16xf32, #tpu.memory_space<hbm>>
      tpu.enqueue_dma source(%dma_start3A_409 : memref<8x16xf32, #tpu.memory_space<hbm>>) target(%dma_start3A_405 : memref<8x16xf32, #tpu.memory_space<vmem>>) target_semaphore(%arg13 : memref<!tpu.dma_semaphore, #tpu.memory_space<semaphore_mem>>)
      %slice3A_410 = vector.extract_strided_slice %shift_right_logical3A_16 {offsets = [11], sizes = [1], strides = [1]} : vector<16xi32> to vector<1xi32>
      %squeeze3A_411 = vector.extract %slice3A_410[0] : i32 from vector<1xi32>
      %dma_start3A_412 = arith.constant 11 : i32
      %dma_start3A_413 = arith.constant 0 : i32
      %dma_start3A_414 = arith.constant 0 : i32
      %dma_start3A_415 = tpu.memref_slice %arg8[%dma_start3A_412, %dma_start3A_413, %dma_start3A_414] : memref<32x8x64xf32, #tpu.memory_space<vmem>> -> memref<1x8x64xf32, #tpu.memory_space<vmem>>
      %dma_start3A_416 = tpu.memref_squeeze %dma_start3A_415 : memref<1x8x64xf32, #tpu.memory_space<vmem>> -> memref<8x64xf32, #tpu.memory_space<vmem>>
      %dma_start3A_417 = arith.constant 0 : i32
      %dma_start3A_418 = arith.constant 0 : i32
      %dma_start3A_419 = tpu.memref_slice %arg3[%squeeze3A_411, %dma_start3A_417, %dma_start3A_418] : memref<125000x8x64xf32, #tpu.memory_space<hbm>> -> memref<1x8x64xf32, #tpu.memory_space<hbm>>
      %dma_start3A_420 = tpu.memref_squeeze %dma_start3A_419 : memref<1x8x64xf32, #tpu.memory_space<hbm>> -> memref<8x64xf32, #tpu.memory_space<hbm>>
      %dma_start3A_421 = arith.constant 0 : i32
      %dma_start3A_422 = arith.constant 0 : i32
      %dma_start3A_423 = tpu.memref_slice %arg8[%dma_start3A_412, %dma_start3A_421, %dma_start3A_422] : memref<32x8x64xf32, #tpu.memory_space<vmem>> -> memref<1x8x64xf32, #tpu.memory_space<vmem>>
      %dma_start3A_424 = tpu.memref_squeeze %dma_start3A_423 : memref<1x8x64xf32, #tpu.memory_space<vmem>> -> memref<8x64xf32, #tpu.memory_space<vmem>>
      %dma_start3A_425 = arith.constant 0 : i32
      %dma_start3A_426 = arith.constant 0 : i32
      %dma_start3A_427 = tpu.memref_slice %arg3[%squeeze3A_411, %dma_start3A_425, %dma_start3A_426] : memref<125000x8x64xf32, #tpu.memory_space<hbm>> -> memref<1x8x64xf32, #tpu.memory_space<hbm>>
      %dma_start3A_428 = tpu.memref_squeeze %dma_start3A_427 : memref<1x8x64xf32, #tpu.memory_space<hbm>> -> memref<8x64xf32, #tpu.memory_space<hbm>>
      tpu.enqueue_dma source(%dma_start3A_428 : memref<8x64xf32, #tpu.memory_space<hbm>>) target(%dma_start3A_424 : memref<8x64xf32, #tpu.memory_space<vmem>>) target_semaphore(%arg12 : memref<!tpu.dma_semaphore, #tpu.memory_space<semaphore_mem>>)
      %dma_start3A_429 = arith.constant 11 : i32
      %dma_start3A_430 = arith.constant 0 : i32
      %dma_start3A_431 = arith.constant 0 : i32
      %dma_start3A_432 = tpu.memref_slice %arg9[%dma_start3A_429, %dma_start3A_430, %dma_start3A_431] : memref<32x8x16xf32, #tpu.memory_space<vmem>> -> memref<1x8x16xf32, #tpu.memory_space<vmem>>
      %dma_start3A_433 = tpu.memref_squeeze %dma_start3A_432 : memref<1x8x16xf32, #tpu.memory_space<vmem>> -> memref<8x16xf32, #tpu.memory_space<vmem>>
      %dma_start3A_434 = arith.constant 0 : i32
      %dma_start3A_435 = arith.constant 0 : i32
      %dma_start3A_436 = tpu.memref_slice %arg4[%squeeze3A_411, %dma_start3A_434, %dma_start3A_435] : memref<125000x8x16xf32, #tpu.memory_space<hbm>> -> memref<1x8x16xf32, #tpu.memory_space<hbm>>
      %dma_start3A_437 = tpu.memref_squeeze %dma_start3A_436 : memref<1x8x16xf32, #tpu.memory_space<hbm>> -> memref<8x16xf32, #tpu.memory_space<hbm>>
      %dma_start3A_438 = arith.constant 0 : i32
      %dma_start3A_439 = arith.constant 0 : i32
      %dma_start3A_440 = tpu.memref_slice %arg9[%dma_start3A_429, %dma_start3A_438, %dma_start3A_439] : memref<32x8x16xf32, #tpu.memory_space<vmem>> -> memref<1x8x16xf32, #tpu.memory_space<vmem>>
      %dma_start3A_441 = tpu.memref_squeeze %dma_start3A_440 : memref<1x8x16xf32, #tpu.memory_space<vmem>> -> memref<8x16xf32, #tpu.memory_space<vmem>>
      %dma_start3A_442 = arith.constant 0 : i32
      %dma_start3A_443 = arith.constant 0 : i32
      %dma_start3A_444 = tpu.memref_slice %arg4[%squeeze3A_411, %dma_start3A_442, %dma_start3A_443] : memref<125000x8x16xf32, #tpu.memory_space<hbm>> -> memref<1x8x16xf32, #tpu.memory_space<hbm>>
      %dma_start3A_445 = tpu.memref_squeeze %dma_start3A_444 : memref<1x8x16xf32, #tpu.memory_space<hbm>> -> memref<8x16xf32, #tpu.memory_space<hbm>>
      tpu.enqueue_dma source(%dma_start3A_445 : memref<8x16xf32, #tpu.memory_space<hbm>>) target(%dma_start3A_441 : memref<8x16xf32, #tpu.memory_space<vmem>>) target_semaphore(%arg13 : memref<!tpu.dma_semaphore, #tpu.memory_space<semaphore_mem>>)
      %slice3A_446 = vector.extract_strided_slice %shift_right_logical3A_16 {offsets = [12], sizes = [1], strides = [1]} : vector<16xi32> to vector<1xi32>
      %squeeze3A_447 = vector.extract %slice3A_446[0] : i32 from vector<1xi32>
      %dma_start3A_448 = arith.constant 12 : i32
      %dma_start3A_449 = arith.constant 0 : i32
      %dma_start3A_450 = arith.constant 0 : i32
      %dma_start3A_451 = tpu.memref_slice %arg8[%dma_start3A_448, %dma_start3A_449, %dma_start3A_450] : memref<32x8x64xf32, #tpu.memory_space<vmem>> -> memref<1x8x64xf32, #tpu.memory_space<vmem>>
      %dma_start3A_452 = tpu.memref_squeeze %dma_start3A_451 : memref<1x8x64xf32, #tpu.memory_space<vmem>> -> memref<8x64xf32, #tpu.memory_space<vmem>>
      %dma_start3A_453 = arith.constant 0 : i32
      %dma_start3A_454 = arith.constant 0 : i32
      %dma_start3A_455 = tpu.memref_slice %arg3[%squeeze3A_447, %dma_start3A_453, %dma_start3A_454] : memref<125000x8x64xf32, #tpu.memory_space<hbm>> -> memref<1x8x64xf32, #tpu.memory_space<hbm>>
      %dma_start3A_456 = tpu.memref_squeeze %dma_start3A_455 : memref<1x8x64xf32, #tpu.memory_space<hbm>> -> memref<8x64xf32, #tpu.memory_space<hbm>>
      %dma_start3A_457 = arith.constant 0 : i32
      %dma_start3A_458 = arith.constant 0 : i32
      %dma_start3A_459 = tpu.memref_slice %arg8[%dma_start3A_448, %dma_start3A_457, %dma_start3A_458] : memref<32x8x64xf32, #tpu.memory_space<vmem>> -> memref<1x8x64xf32, #tpu.memory_space<vmem>>
      %dma_start3A_460 = tpu.memref_squeeze %dma_start3A_459 : memref<1x8x64xf32, #tpu.memory_space<vmem>> -> memref<8x64xf32, #tpu.memory_space<vmem>>
      %dma_start3A_461 = arith.constant 0 : i32
      %dma_start3A_462 = arith.constant 0 : i32
      %dma_start3A_463 = tpu.memref_slice %arg3[%squeeze3A_447, %dma_start3A_461, %dma_start3A_462] : memref<125000x8x64xf32, #tpu.memory_space<hbm>> -> memref<1x8x64xf32, #tpu.memory_space<hbm>>
      %dma_start3A_464 = tpu.memref_squeeze %dma_start3A_463 : memref<1x8x64xf32, #tpu.memory_space<hbm>> -> memref<8x64xf32, #tpu.memory_space<hbm>>
      tpu.enqueue_dma source(%dma_start3A_464 : memref<8x64xf32, #tpu.memory_space<hbm>>) target(%dma_start3A_460 : memref<8x64xf32, #tpu.memory_space<vmem>>) target_semaphore(%arg12 : memref<!tpu.dma_semaphore, #tpu.memory_space<semaphore_mem>>)
      %dma_start3A_465 = arith.constant 12 : i32
      %dma_start3A_466 = arith.constant 0 : i32
      %dma_start3A_467 = arith.constant 0 : i32
      %dma_start3A_468 = tpu.memref_slice %arg9[%dma_start3A_465, %dma_start3A_466, %dma_start3A_467] : memref<32x8x16xf32, #tpu.memory_space<vmem>> -> memref<1x8x16xf32, #tpu.memory_space<vmem>>
      %dma_start3A_469 = tpu.memref_squeeze %dma_start3A_468 : memref<1x8x16xf32, #tpu.memory_space<vmem>> -> memref<8x16xf32, #tpu.memory_space<vmem>>
      %dma_start3A_470 = arith.constant 0 : i32
      %dma_start3A_471 = arith.constant 0 : i32
      %dma_start3A_472 = tpu.memref_slice %arg4[%squeeze3A_447, %dma_start3A_470, %dma_start3A_471] : memref<125000x8x16xf32, #tpu.memory_space<hbm>> -> memref<1x8x16xf32, #tpu.memory_space<hbm>>
      %dma_start3A_473 = tpu.memref_squeeze %dma_start3A_472 : memref<1x8x16xf32, #tpu.memory_space<hbm>> -> memref<8x16xf32, #tpu.memory_space<hbm>>
      %dma_start3A_474 = arith.constant 0 : i32
      %dma_start3A_475 = arith.constant 0 : i32
      %dma_start3A_476 = tpu.memref_slice %arg9[%dma_start3A_465, %dma_start3A_474, %dma_start3A_475] : memref<32x8x16xf32, #tpu.memory_space<vmem>> -> memref<1x8x16xf32, #tpu.memory_space<vmem>>
      %dma_start3A_477 = tpu.memref_squeeze %dma_start3A_476 : memref<1x8x16xf32, #tpu.memory_space<vmem>> -> memref<8x16xf32, #tpu.memory_space<vmem>>
      %dma_start3A_478 = arith.constant 0 : i32
      %dma_start3A_479 = arith.constant 0 : i32
      %dma_start3A_480 = tpu.memref_slice %arg4[%squeeze3A_447, %dma_start3A_478, %dma_start3A_479] : memref<125000x8x16xf32, #tpu.memory_space<hbm>> -> memref<1x8x16xf32, #tpu.memory_space<hbm>>
      %dma_start3A_481 = tpu.memref_squeeze %dma_start3A_480 : memref<1x8x16xf32, #tpu.memory_space<hbm>> -> memref<8x16xf32, #tpu.memory_space<hbm>>
      tpu.enqueue_dma source(%dma_start3A_481 : memref<8x16xf32, #tpu.memory_space<hbm>>) target(%dma_start3A_477 : memref<8x16xf32, #tpu.memory_space<vmem>>) target_semaphore(%arg13 : memref<!tpu.dma_semaphore, #tpu.memory_space<semaphore_mem>>)
      %slice3A_482 = vector.extract_strided_slice %shift_right_logical3A_16 {offsets = [13], sizes = [1], strides = [1]} : vector<16xi32> to vector<1xi32>
      %squeeze3A_483 = vector.extract %slice3A_482[0] : i32 from vector<1xi32>
      %dma_start3A_484 = arith.constant 13 : i32
      %dma_start3A_485 = arith.constant 0 : i32
      %dma_start3A_486 = arith.constant 0 : i32
      %dma_start3A_487 = tpu.memref_slice %arg8[%dma_start3A_484, %dma_start3A_485, %dma_start3A_486] : memref<32x8x64xf32, #tpu.memory_space<vmem>> -> memref<1x8x64xf32, #tpu.memory_space<vmem>>
      %dma_start3A_488 = tpu.memref_squeeze %dma_start3A_487 : memref<1x8x64xf32, #tpu.memory_space<vmem>> -> memref<8x64xf32, #tpu.memory_space<vmem>>
      %dma_start3A_489 = arith.constant 0 : i32
      %dma_start3A_490 = arith.constant 0 : i32
      %dma_start3A_491 = tpu.memref_slice %arg3[%squeeze3A_483, %dma_start3A_489, %dma_start3A_490] : memref<125000x8x64xf32, #tpu.memory_space<hbm>> -> memref<1x8x64xf32, #tpu.memory_space<hbm>>
      %dma_start3A_492 = tpu.memref_squeeze %dma_start3A_491 : memref<1x8x64xf32, #tpu.memory_space<hbm>> -> memref<8x64xf32, #tpu.memory_space<hbm>>
      %dma_start3A_493 = arith.constant 0 : i32
      %dma_start3A_494 = arith.constant 0 : i32
      %dma_start3A_495 = tpu.memref_slice %arg8[%dma_start3A_484, %dma_start3A_493, %dma_start3A_494] : memref<32x8x64xf32, #tpu.memory_space<vmem>> -> memref<1x8x64xf32, #tpu.memory_space<vmem>>
      %dma_start3A_496 = tpu.memref_squeeze %dma_start3A_495 : memref<1x8x64xf32, #tpu.memory_space<vmem>> -> memref<8x64xf32, #tpu.memory_space<vmem>>
      %dma_start3A_497 = arith.constant 0 : i32
      %dma_start3A_498 = arith.constant 0 : i32
      %dma_start3A_499 = tpu.memref_slice %arg3[%squeeze3A_483, %dma_start3A_497, %dma_start3A_498] : memref<125000x8x64xf32, #tpu.memory_space<hbm>> -> memref<1x8x64xf32, #tpu.memory_space<hbm>>
      %dma_start3A_500 = tpu.memref_squeeze %dma_start3A_499 : memref<1x8x64xf32, #tpu.memory_space<hbm>> -> memref<8x64xf32, #tpu.memory_space<hbm>>
      tpu.enqueue_dma source(%dma_start3A_500 : memref<8x64xf32, #tpu.memory_space<hbm>>) target(%dma_start3A_496 : memref<8x64xf32, #tpu.memory_space<vmem>>) target_semaphore(%arg12 : memref<!tpu.dma_semaphore, #tpu.memory_space<semaphore_mem>>)
      %dma_start3A_501 = arith.constant 13 : i32
      %dma_start3A_502 = arith.constant 0 : i32
      %dma_start3A_503 = arith.constant 0 : i32
      %dma_start3A_504 = tpu.memref_slice %arg9[%dma_start3A_501, %dma_start3A_502, %dma_start3A_503] : memref<32x8x16xf32, #tpu.memory_space<vmem>> -> memref<1x8x16xf32, #tpu.memory_space<vmem>>
      %dma_start3A_505 = tpu.memref_squeeze %dma_start3A_504 : memref<1x8x16xf32, #tpu.memory_space<vmem>> -> memref<8x16xf32, #tpu.memory_space<vmem>>
      %dma_start3A_506 = arith.constant 0 : i32
      %dma_start3A_507 = arith.constant 0 : i32
      %dma_start3A_508 = tpu.memref_slice %arg4[%squeeze3A_483, %dma_start3A_506, %dma_start3A_507] : memref<125000x8x16xf32, #tpu.memory_space<hbm>> -> memref<1x8x16xf32, #tpu.memory_space<hbm>>
      %dma_start3A_509 = tpu.memref_squeeze %dma_start3A_508 : memref<1x8x16xf32, #tpu.memory_space<hbm>> -> memref<8x16xf32, #tpu.memory_space<hbm>>
      %dma_start3A_510 = arith.constant 0 : i32
      %dma_start3A_511 = arith.constant 0 : i32
      %dma_start3A_512 = tpu.memref_slice %arg9[%dma_start3A_501, %dma_start3A_510, %dma_start3A_511] : memref<32x8x16xf32, #tpu.memory_space<vmem>> -> memref<1x8x16xf32, #tpu.memory_space<vmem>>
      %dma_start3A_513 = tpu.memref_squeeze %dma_start3A_512 : memref<1x8x16xf32, #tpu.memory_space<vmem>> -> memref<8x16xf32, #tpu.memory_space<vmem>>
      %dma_start3A_514 = arith.constant 0 : i32
      %dma_start3A_515 = arith.constant 0 : i32
      %dma_start3A_516 = tpu.memref_slice %arg4[%squeeze3A_483, %dma_start3A_514, %dma_start3A_515] : memref<125000x8x16xf32, #tpu.memory_space<hbm>> -> memref<1x8x16xf32, #tpu.memory_space<hbm>>
      %dma_start3A_517 = tpu.memref_squeeze %dma_start3A_516 : memref<1x8x16xf32, #tpu.memory_space<hbm>> -> memref<8x16xf32, #tpu.memory_space<hbm>>
      tpu.enqueue_dma source(%dma_start3A_517 : memref<8x16xf32, #tpu.memory_space<hbm>>) target(%dma_start3A_513 : memref<8x16xf32, #tpu.memory_space<vmem>>) target_semaphore(%arg13 : memref<!tpu.dma_semaphore, #tpu.memory_space<semaphore_mem>>)
      %slice3A_518 = vector.extract_strided_slice %shift_right_logical3A_16 {offsets = [14], sizes = [1], strides = [1]} : vector<16xi32> to vector<1xi32>
      %squeeze3A_519 = vector.extract %slice3A_518[0] : i32 from vector<1xi32>
      %dma_start3A_520 = arith.constant 14 : i32
      %dma_start3A_521 = arith.constant 0 : i32
      %dma_start3A_522 = arith.constant 0 : i32
      %dma_start3A_523 = tpu.memref_slice %arg8[%dma_start3A_520, %dma_start3A_521, %dma_start3A_522] : memref<32x8x64xf32, #tpu.memory_space<vmem>> -> memref<1x8x64xf32, #tpu.memory_space<vmem>>
      %dma_start3A_524 = tpu.memref_squeeze %dma_start3A_523 : memref<1x8x64xf32, #tpu.memory_space<vmem>> -> memref<8x64xf32, #tpu.memory_space<vmem>>
      %dma_start3A_525 = arith.constant 0 : i32
      %dma_start3A_526 = arith.constant 0 : i32
      %dma_start3A_527 = tpu.memref_slice %arg3[%squeeze3A_519, %dma_start3A_525, %dma_start3A_526] : memref<125000x8x64xf32, #tpu.memory_space<hbm>> -> memref<1x8x64xf32, #tpu.memory_space<hbm>>
      %dma_start3A_528 = tpu.memref_squeeze %dma_start3A_527 : memref<1x8x64xf32, #tpu.memory_space<hbm>> -> memref<8x64xf32, #tpu.memory_space<hbm>>
      %dma_start3A_529 = arith.constant 0 : i32
      %dma_start3A_530 = arith.constant 0 : i32
      %dma_start3A_531 = tpu.memref_slice %arg8[%dma_start3A_520, %dma_start3A_529, %dma_start3A_530] : memref<32x8x64xf32, #tpu.memory_space<vmem>> -> memref<1x8x64xf32, #tpu.memory_space<vmem>>
      %dma_start3A_532 = tpu.memref_squeeze %dma_start3A_531 : memref<1x8x64xf32, #tpu.memory_space<vmem>> -> memref<8x64xf32, #tpu.memory_space<vmem>>
      %dma_start3A_533 = arith.constant 0 : i32
      %dma_start3A_534 = arith.constant 0 : i32
      %dma_start3A_535 = tpu.memref_slice %arg3[%squeeze3A_519, %dma_start3A_533, %dma_start3A_534] : memref<125000x8x64xf32, #tpu.memory_space<hbm>> -> memref<1x8x64xf32, #tpu.memory_space<hbm>>
      %dma_start3A_536 = tpu.memref_squeeze %dma_start3A_535 : memref<1x8x64xf32, #tpu.memory_space<hbm>> -> memref<8x64xf32, #tpu.memory_space<hbm>>
      tpu.enqueue_dma source(%dma_start3A_536 : memref<8x64xf32, #tpu.memory_space<hbm>>) target(%dma_start3A_532 : memref<8x64xf32, #tpu.memory_space<vmem>>) target_semaphore(%arg12 : memref<!tpu.dma_semaphore, #tpu.memory_space<semaphore_mem>>)
      %dma_start3A_537 = arith.constant 14 : i32
      %dma_start3A_538 = arith.constant 0 : i32
      %dma_start3A_539 = arith.constant 0 : i32
      %dma_start3A_540 = tpu.memref_slice %arg9[%dma_start3A_537, %dma_start3A_538, %dma_start3A_539] : memref<32x8x16xf32, #tpu.memory_space<vmem>> -> memref<1x8x16xf32, #tpu.memory_space<vmem>>
      %dma_start3A_541 = tpu.memref_squeeze %dma_start3A_540 : memref<1x8x16xf32, #tpu.memory_space<vmem>> -> memref<8x16xf32, #tpu.memory_space<vmem>>
      %dma_start3A_542 = arith.constant 0 : i32
      %dma_start3A_543 = arith.constant 0 : i32
      %dma_start3A_544 = tpu.memref_slice %arg4[%squeeze3A_519, %dma_start3A_542, %dma_start3A_543] : memref<125000x8x16xf32, #tpu.memory_space<hbm>> -> memref<1x8x16xf32, #tpu.memory_space<hbm>>
      %dma_start3A_545 = tpu.memref_squeeze %dma_start3A_544 : memref<1x8x16xf32, #tpu.memory_space<hbm>> -> memref<8x16xf32, #tpu.memory_space<hbm>>
      %dma_start3A_546 = arith.constant 0 : i32
      %dma_start3A_547 = arith.constant 0 : i32
      %dma_start3A_548 = tpu.memref_slice %arg9[%dma_start3A_537, %dma_start3A_546, %dma_start3A_547] : memref<32x8x16xf32, #tpu.memory_space<vmem>> -> memref<1x8x16xf32, #tpu.memory_space<vmem>>
      %dma_start3A_549 = tpu.memref_squeeze %dma_start3A_548 : memref<1x8x16xf32, #tpu.memory_space<vmem>> -> memref<8x16xf32, #tpu.memory_space<vmem>>
      %dma_start3A_550 = arith.constant 0 : i32
      %dma_start3A_551 = arith.constant 0 : i32
      %dma_start3A_552 = tpu.memref_slice %arg4[%squeeze3A_519, %dma_start3A_550, %dma_start3A_551] : memref<125000x8x16xf32, #tpu.memory_space<hbm>> -> memref<1x8x16xf32, #tpu.memory_space<hbm>>
      %dma_start3A_553 = tpu.memref_squeeze %dma_start3A_552 : memref<1x8x16xf32, #tpu.memory_space<hbm>> -> memref<8x16xf32, #tpu.memory_space<hbm>>
      tpu.enqueue_dma source(%dma_start3A_553 : memref<8x16xf32, #tpu.memory_space<hbm>>) target(%dma_start3A_549 : memref<8x16xf32, #tpu.memory_space<vmem>>) target_semaphore(%arg13 : memref<!tpu.dma_semaphore, #tpu.memory_space<semaphore_mem>>)
      %slice3A_554 = vector.extract_strided_slice %shift_right_logical3A_16 {offsets = [15], sizes = [1], strides = [1]} : vector<16xi32> to vector<1xi32>
      %squeeze3A_555 = vector.extract %slice3A_554[0] : i32 from vector<1xi32>
      %dma_start3A_556 = arith.constant 15 : i32
      %dma_start3A_557 = arith.constant 0 : i32
      %dma_start3A_558 = arith.constant 0 : i32
      %dma_start3A_559 = tpu.memref_slice %arg8[%dma_start3A_556, %dma_start3A_557, %dma_start3A_558] : memref<32x8x64xf32, #tpu.memory_space<vmem>> -> memref<1x8x64xf32, #tpu.memory_space<vmem>>
      %dma_start3A_560 = tpu.memref_squeeze %dma_start3A_559 : memref<1x8x64xf32, #tpu.memory_space<vmem>> -> memref<8x64xf32, #tpu.memory_space<vmem>>
      %dma_start3A_561 = arith.constant 0 : i32
      %dma_start3A_562 = arith.constant 0 : i32
      %dma_start3A_563 = tpu.memref_slice %arg3[%squeeze3A_555, %dma_start3A_561, %dma_start3A_562] : memref<125000x8x64xf32, #tpu.memory_space<hbm>> -> memref<1x8x64xf32, #tpu.memory_space<hbm>>
      %dma_start3A_564 = tpu.memref_squeeze %dma_start3A_563 : memref<1x8x64xf32, #tpu.memory_space<hbm>> -> memref<8x64xf32, #tpu.memory_space<hbm>>
      %dma_start3A_565 = arith.constant 0 : i32
      %dma_start3A_566 = arith.constant 0 : i32
      %dma_start3A_567 = tpu.memref_slice %arg8[%dma_start3A_556, %dma_start3A_565, %dma_start3A_566] : memref<32x8x64xf32, #tpu.memory_space<vmem>> -> memref<1x8x64xf32, #tpu.memory_space<vmem>>
      %dma_start3A_568 = tpu.memref_squeeze %dma_start3A_567 : memref<1x8x64xf32, #tpu.memory_space<vmem>> -> memref<8x64xf32, #tpu.memory_space<vmem>>
      %dma_start3A_569 = arith.constant 0 : i32
      %dma_start3A_570 = arith.constant 0 : i32
      %dma_start3A_571 = tpu.memref_slice %arg3[%squeeze3A_555, %dma_start3A_569, %dma_start3A_570] : memref<125000x8x64xf32, #tpu.memory_space<hbm>> -> memref<1x8x64xf32, #tpu.memory_space<hbm>>
      %dma_start3A_572 = tpu.memref_squeeze %dma_start3A_571 : memref<1x8x64xf32, #tpu.memory_space<hbm>> -> memref<8x64xf32, #tpu.memory_space<hbm>>
      tpu.enqueue_dma source(%dma_start3A_572 : memref<8x64xf32, #tpu.memory_space<hbm>>) target(%dma_start3A_568 : memref<8x64xf32, #tpu.memory_space<vmem>>) target_semaphore(%arg12 : memref<!tpu.dma_semaphore, #tpu.memory_space<semaphore_mem>>)
      %dma_start3A_573 = arith.constant 15 : i32
      %dma_start3A_574 = arith.constant 0 : i32
      %dma_start3A_575 = arith.constant 0 : i32
      %dma_start3A_576 = tpu.memref_slice %arg9[%dma_start3A_573, %dma_start3A_574, %dma_start3A_575] : memref<32x8x16xf32, #tpu.memory_space<vmem>> -> memref<1x8x16xf32, #tpu.memory_space<vmem>>
      %dma_start3A_577 = tpu.memref_squeeze %dma_start3A_576 : memref<1x8x16xf32, #tpu.memory_space<vmem>> -> memref<8x16xf32, #tpu.memory_space<vmem>>
      %dma_start3A_578 = arith.constant 0 : i32
      %dma_start3A_579 = arith.constant 0 : i32
      %dma_start3A_580 = tpu.memref_slice %arg4[%squeeze3A_555, %dma_start3A_578, %dma_start3A_579] : memref<125000x8x16xf32, #tpu.memory_space<hbm>> -> memref<1x8x16xf32, #tpu.memory_space<hbm>>
      %dma_start3A_581 = tpu.memref_squeeze %dma_start3A_580 : memref<1x8x16xf32, #tpu.memory_space<hbm>> -> memref<8x16xf32, #tpu.memory_space<hbm>>
      %dma_start3A_582 = arith.constant 0 : i32
      %dma_start3A_583 = arith.constant 0 : i32
      %dma_start3A_584 = tpu.memref_slice %arg9[%dma_start3A_573, %dma_start3A_582, %dma_start3A_583] : memref<32x8x16xf32, #tpu.memory_space<vmem>> -> memref<1x8x16xf32, #tpu.memory_space<vmem>>
      %dma_start3A_585 = tpu.memref_squeeze %dma_start3A_584 : memref<1x8x16xf32, #tpu.memory_space<vmem>> -> memref<8x16xf32, #tpu.memory_space<vmem>>
      %dma_start3A_586 = arith.constant 0 : i32
      %dma_start3A_587 = arith.constant 0 : i32
      %dma_start3A_588 = tpu.memref_slice %arg4[%squeeze3A_555, %dma_start3A_586, %dma_start3A_587] : memref<125000x8x16xf32, #tpu.memory_space<hbm>> -> memref<1x8x16xf32, #tpu.memory_space<hbm>>
      %dma_start3A_589 = tpu.memref_squeeze %dma_start3A_588 : memref<1x8x16xf32, #tpu.memory_space<hbm>> -> memref<8x16xf32, #tpu.memory_space<hbm>>
      tpu.enqueue_dma source(%dma_start3A_589 : memref<8x16xf32, #tpu.memory_space<hbm>>) target(%dma_start3A_585 : memref<8x16xf32, #tpu.memory_space<vmem>>) target_semaphore(%arg13 : memref<!tpu.dma_semaphore, #tpu.memory_space<semaphore_mem>>)
      %add3A_590 = arith.constant 16 : i32
      %add3A_591 = arith.addi %mul3A_10, %add3A_590 : i32
      %get3A_592 = arith.index_cast %add3A_591 : i32 to index
      %get3A_593 = tpu.vector_load %arg7[%get3A_592] {strides = array<i32>} : memref<512xi32, #tpu.memory_space<vmem>>, vector<16xi32>,
      %get3A_594 = vector.shape_cast %get3A_593 : vector<16xi32> to vector<16xi32>
      %shift_right_logical3A_595 = arith.constant 3 : i32
      %shift_right_logical3A_596 = vector.broadcast %shift_right_logical3A_595 : i32 to vector<16xi32>
      %shift_right_logical3A_597 = arith.shrui %get3A_594, %shift_right_logical3A_596 : vector<16xi32>
      %slice3A_598 = vector.extract_strided_slice %shift_right_logical3A_597 {offsets = [0], sizes = [1], strides = [1]} : vector<16xi32> to vector<1xi32>
      %squeeze3A_599 = vector.extract %slice3A_598[0] : i32 from vector<1xi32>
      %dma_start3A_600 = arith.constant 16 : i32
      %dma_start3A_601 = arith.constant 0 : i32
      %dma_start3A_602 = arith.constant 0 : i32
      %dma_start3A_603 = tpu.memref_slice %arg8[%dma_start3A_600, %dma_start3A_601, %dma_start3A_602] : memref<32x8x64xf32, #tpu.memory_space<vmem>> -> memref<1x8x64xf32, #tpu.memory_space<vmem>>
      %dma_start3A_604 = tpu.memref_squeeze %dma_start3A_603 : memref<1x8x64xf32, #tpu.memory_space<vmem>> -> memref<8x64xf32, #tpu.memory_space<vmem>>
      %dma_start3A_605 = arith.constant 0 : i32
      %dma_start3A_606 = arith.constant 0 : i32
      %dma_start3A_607 = tpu.memref_slice %arg3[%squeeze3A_599, %dma_start3A_605, %dma_start3A_606] : memref<125000x8x64xf32, #tpu.memory_space<hbm>> -> memref<1x8x64xf32, #tpu.memory_space<hbm>>
      %dma_start3A_608 = tpu.memref_squeeze %dma_start3A_607 : memref<1x8x64xf32, #tpu.memory_space<hbm>> -> memref<8x64xf32, #tpu.memory_space<hbm>>
      %dma_start3A_609 = arith.constant 0 : i32
      %dma_start3A_610 = arith.constant 0 : i32
      %dma_start3A_611 = tpu.memref_slice %arg8[%dma_start3A_600, %dma_start3A_609, %dma_start3A_610] : memref<32x8x64xf32, #tpu.memory_space<vmem>> -> memref<1x8x64xf32, #tpu.memory_space<vmem>>
      %dma_start3A_612 = tpu.memref_squeeze %dma_start3A_611 : memref<1x8x64xf32, #tpu.memory_space<vmem>> -> memref<8x64xf32, #tpu.memory_space<vmem>>
      %dma_start3A_613 = arith.constant 0 : i32
      %dma_start3A_614 = arith.constant 0 : i32
      %dma_start3A_615 = tpu.memref_slice %arg3[%squeeze3A_599, %dma_start3A_613, %dma_start3A_614] : memref<125000x8x64xf32, #tpu.memory_space<hbm>> -> memref<1x8x64xf32, #tpu.memory_space<hbm>>
      %dma_start3A_616 = tpu.memref_squeeze %dma_start3A_615 : memref<1x8x64xf32, #tpu.memory_space<hbm>> -> memref<8x64xf32, #tpu.memory_space<hbm>>
      tpu.enqueue_dma source(%dma_start3A_616 : memref<8x64xf32, #tpu.memory_space<hbm>>) target(%dma_start3A_612 : memref<8x64xf32, #tpu.memory_space<vmem>>) target_semaphore(%arg12 : memref<!tpu.dma_semaphore, #tpu.memory_space<semaphore_mem>>)
      %dma_start3A_617 = arith.constant 16 : i32
      %dma_start3A_618 = arith.constant 0 : i32
      %dma_start3A_619 = arith.constant 0 : i32
      %dma_start3A_620 = tpu.memref_slice %arg9[%dma_start3A_617, %dma_start3A_618, %dma_start3A_619] : memref<32x8x16xf32, #tpu.memory_space<vmem>> -> memref<1x8x16xf32, #tpu.memory_space<vmem>>
      %dma_start3A_621 = tpu.memref_squeeze %dma_start3A_620 : memref<1x8x16xf32, #tpu.memory_space<vmem>> -> memref<8x16xf32, #tpu.memory_space<vmem>>
      %dma_start3A_622 = arith.constant 0 : i32
      %dma_start3A_623 = arith.constant 0 : i32
      %dma_start3A_624 = tpu.memref_slice %arg4[%squeeze3A_599, %dma_start3A_622, %dma_start3A_623] : memref<125000x8x16xf32, #tpu.memory_space<hbm>> -> memref<1x8x16xf32, #tpu.memory_space<hbm>>
      %dma_start3A_625 = tpu.memref_squeeze %dma_start3A_624 : memref<1x8x16xf32, #tpu.memory_space<hbm>> -> memref<8x16xf32, #tpu.memory_space<hbm>>
      %dma_start3A_626 = arith.constant 0 : i32
      %dma_start3A_627 = arith.constant 0 : i32
      %dma_start3A_628 = tpu.memref_slice %arg9[%dma_start3A_617, %dma_start3A_626, %dma_start3A_627] : memref<32x8x16xf32, #tpu.memory_space<vmem>> -> memref<1x8x16xf32, #tpu.memory_space<vmem>>
      %dma_start3A_629 = tpu.memref_squeeze %dma_start3A_628 : memref<1x8x16xf32, #tpu.memory_space<vmem>> -> memref<8x16xf32, #tpu.memory_space<vmem>>
      %dma_start3A_630 = arith.constant 0 : i32
      %dma_start3A_631 = arith.constant 0 : i32
      %dma_start3A_632 = tpu.memref_slice %arg4[%squeeze3A_599, %dma_start3A_630, %dma_start3A_631] : memref<125000x8x16xf32, #tpu.memory_space<hbm>> -> memref<1x8x16xf32, #tpu.memory_space<hbm>>
      %dma_start3A_633 = tpu.memref_squeeze %dma_start3A_632 : memref<1x8x16xf32, #tpu.memory_space<hbm>> -> memref<8x16xf32, #tpu.memory_space<hbm>>
      tpu.enqueue_dma source(%dma_start3A_633 : memref<8x16xf32, #tpu.memory_space<hbm>>) target(%dma_start3A_629 : memref<8x16xf32, #tpu.memory_space<vmem>>) target_semaphore(%arg13 : memref<!tpu.dma_semaphore, #tpu.memory_space<semaphore_mem>>)
      %slice3A_634 = vector.extract_strided_slice %shift_right_logical3A_597 {offsets = [1], sizes = [1], strides = [1]} : vector<16xi32> to vector<1xi32>
      %squeeze3A_635 = vector.extract %slice3A_634[0] : i32 from vector<1xi32>
      %dma_start3A_636 = arith.constant 17 : i32
      %dma_start3A_637 = arith.constant 0 : i32
      %dma_start3A_638 = arith.constant 0 : i32
      %dma_start3A_639 = tpu.memref_slice %arg8[%dma_start3A_636, %dma_start3A_637, %dma_start3A_638] : memref<32x8x64xf32, #tpu.memory_space<vmem>> -> memref<1x8x64xf32, #tpu.memory_space<vmem>>
      %dma_start3A_640 = tpu.memref_squeeze %dma_start3A_639 : memref<1x8x64xf32, #tpu.memory_space<vmem>> -> memref<8x64xf32, #tpu.memory_space<vmem>>
      %dma_start3A_641 = arith.constant 0 : i32
      %dma_start3A_642 = arith.constant 0 : i32
      %dma_start3A_643 = tpu.memref_slice %arg3[%squeeze3A_635, %dma_start3A_641, %dma_start3A_642] : memref<125000x8x64xf32, #tpu.memory_space<hbm>> -> memref<1x8x64xf32, #tpu.memory_space<hbm>>
      %dma_start3A_644 = tpu.memref_squeeze %dma_start3A_643 : memref<1x8x64xf32, #tpu.memory_space<hbm>> -> memref<8x64xf32, #tpu.memory_space<hbm>>
      %dma_start3A_645 = arith.constant 0 : i32
      %dma_start3A_646 = arith.constant 0 : i32
      %dma_start3A_647 = tpu.memref_slice %arg8[%dma_start3A_636, %dma_start3A_645, %dma_start3A_646] : memref<32x8x64xf32, #tpu.memory_space<vmem>> -> memref<1x8x64xf32, #tpu.memory_space<vmem>>
      %dma_start3A_648 = tpu.memref_squeeze %dma_start3A_647 : memref<1x8x64xf32, #tpu.memory_space<vmem>> -> memref<8x64xf32, #tpu.memory_space<vmem>>
      %dma_start3A_649 = arith.constant 0 : i32
      %dma_start3A_650 = arith.constant 0 : i32
      %dma_start3A_651 = tpu.memref_slice %arg3[%squeeze3A_635, %dma_start3A_649, %dma_start3A_650] : memref<125000x8x64xf32, #tpu.memory_space<hbm>> -> memref<1x8x64xf32, #tpu.memory_space<hbm>>
      %dma_start3A_652 = tpu.memref_squeeze %dma_start3A_651 : memref<1x8x64xf32, #tpu.memory_space<hbm>> -> memref<8x64xf32, #tpu.memory_space<hbm>>
      tpu.enqueue_dma source(%dma_start3A_652 : memref<8x64xf32, #tpu.memory_space<hbm>>) target(%dma_start3A_648 : memref<8x64xf32, #tpu.memory_space<vmem>>) target_semaphore(%arg12 : memref<!tpu.dma_semaphore, #tpu.memory_space<semaphore_mem>>)
      %dma_start3A_653 = arith.constant 17 : i32
      %dma_start3A_654 = arith.constant 0 : i32
      %dma_start3A_655 = arith.constant 0 : i32
      %dma_start3A_656 = tpu.memref_slice %arg9[%dma_start3A_653, %dma_start3A_654, %dma_start3A_655] : memref<32x8x16xf32, #tpu.memory_space<vmem>> -> memref<1x8x16xf32, #tpu.memory_space<vmem>>
      %dma_start3A_657 = tpu.memref_squeeze %dma_start3A_656 : memref<1x8x16xf32, #tpu.memory_space<vmem>> -> memref<8x16xf32, #tpu.memory_space<vmem>>
      %dma_start3A_658 = arith.constant 0 : i32
      %dma_start3A_659 = arith.constant 0 : i32
      %dma_start3A_660 = tpu.memref_slice %arg4[%squeeze3A_635, %dma_start3A_658, %dma_start3A_659] : memref<125000x8x16xf32, #tpu.memory_space<hbm>> -> memref<1x8x16xf32, #tpu.memory_space<hbm>>
      %dma_start3A_661 = tpu.memref_squeeze %dma_start3A_660 : memref<1x8x16xf32, #tpu.memory_space<hbm>> -> memref<8x16xf32, #tpu.memory_space<hbm>>
      %dma_start3A_662 = arith.constant 0 : i32
      %dma_start3A_663 = arith.constant 0 : i32
      %dma_start3A_664 = tpu.memref_slice %arg9[%dma_start3A_653, %dma_start3A_662, %dma_start3A_663] : memref<32x8x16xf32, #tpu.memory_space<vmem>> -> memref<1x8x16xf32, #tpu.memory_space<vmem>>
      %dma_start3A_665 = tpu.memref_squeeze %dma_start3A_664 : memref<1x8x16xf32, #tpu.memory_space<vmem>> -> memref<8x16xf32, #tpu.memory_space<vmem>>
      %dma_start3A_666 = arith.constant 0 : i32
      %dma_start3A_667 = arith.constant 0 : i32
      %dma_start3A_668 = tpu.memref_slice %arg4[%squeeze3A_635, %dma_start3A_666, %dma_start3A_667] : memref<125000x8x16xf32, #tpu.memory_space<hbm>> -> memref<1x8x16xf32, #tpu.memory_space<hbm>>
      %dma_start3A_669 = tpu.memref_squeeze %dma_start3A_668 : memref<1x8x16xf32, #tpu.memory_space<hbm>> -> memref<8x16xf32, #tpu.memory_space<hbm>>
      tpu.enqueue_dma source(%dma_start3A_669 : memref<8x16xf32, #tpu.memory_space<hbm>>) target(%dma_start3A_665 : memref<8x16xf32, #tpu.memory_space<vmem>>) target_semaphore(%arg13 : memref<!tpu.dma_semaphore, #tpu.memory_space<semaphore_mem>>)
      %slice3A_670 = vector.extract_strided_slice %shift_right_logical3A_597 {offsets = [2], sizes = [1], strides = [1]} : vector<16xi32> to vector<1xi32>
      %squeeze3A_671 = vector.extract %slice3A_670[0] : i32 from vector<1xi32>
      %dma_start3A_672 = arith.constant 18 : i32
      %dma_start3A_673 = arith.constant 0 : i32
      %dma_start3A_674 = arith.constant 0 : i32
      %dma_start3A_675 = tpu.memref_slice %arg8[%dma_start3A_672, %dma_start3A_673, %dma_start3A_674] : memref<32x8x64xf32, #tpu.memory_space<vmem>> -> memref<1x8x64xf32, #tpu.memory_space<vmem>>
      %dma_start3A_676 = tpu.memref_squeeze %dma_start3A_675 : memref<1x8x64xf32, #tpu.memory_space<vmem>> -> memref<8x64xf32, #tpu.memory_space<vmem>>
      %dma_start3A_677 = arith.constant 0 : i32
      %dma_start3A_678 = arith.constant 0 : i32
      %dma_start3A_679 = tpu.memref_slice %arg3[%squeeze3A_671, %dma_start3A_677, %dma_start3A_678] : memref<125000x8x64xf32, #tpu.memory_space<hbm>> -> memref<1x8x64xf32, #tpu.memory_space<hbm>>
      %dma_start3A_680 = tpu.memref_squeeze %dma_start3A_679 : memref<1x8x64xf32, #tpu.memory_space<hbm>> -> memref<8x64xf32, #tpu.memory_space<hbm>>
      %dma_start3A_681 = arith.constant 0 : i32
      %dma_start3A_682 = arith.constant 0 : i32
      %dma_start3A_683 = tpu.memref_slice %arg8[%dma_start3A_672, %dma_start3A_681, %dma_start3A_682] : memref<32x8x64xf32, #tpu.memory_space<vmem>> -> memref<1x8x64xf32, #tpu.memory_space<vmem>>
      %dma_start3A_684 = tpu.memref_squeeze %dma_start3A_683 : memref<1x8x64xf32, #tpu.memory_space<vmem>> -> memref<8x64xf32, #tpu.memory_space<vmem>>
      %dma_start3A_685 = arith.constant 0 : i32
      %dma_start3A_686 = arith.constant 0 : i32
      %dma_start3A_687 = tpu.memref_slice %arg3[%squeeze3A_671, %dma_start3A_685, %dma_start3A_686] : memref<125000x8x64xf32, #tpu.memory_space<hbm>> -> memref<1x8x64xf32, #tpu.memory_space<hbm>>
      %dma_start3A_688 = tpu.memref_squeeze %dma_start3A_687 : memref<1x8x64xf32, #tpu.memory_space<hbm>> -> memref<8x64xf32, #tpu.memory_space<hbm>>
      tpu.enqueue_dma source(%dma_start3A_688 : memref<8x64xf32, #tpu.memory_space<hbm>>) target(%dma_start3A_684 : memref<8x64xf32, #tpu.memory_space<vmem>>) target_semaphore(%arg12 : memref<!tpu.dma_semaphore, #tpu.memory_space<semaphore_mem>>)
      %dma_start3A_689 = arith.constant 18 : i32
      %dma_start3A_690 = arith.constant 0 : i32
      %dma_start3A_691 = arith.constant 0 : i32
      %dma_start3A_692 = tpu.memref_slice %arg9[%dma_start3A_689, %dma_start3A_690, %dma_start3A_691] : memref<32x8x16xf32, #tpu.memory_space<vmem>> -> memref<1x8x16xf32, #tpu.memory_space<vmem>>
      %dma_start3A_693 = tpu.memref_squeeze %dma_start3A_692 : memref<1x8x16xf32, #tpu.memory_space<vmem>> -> memref<8x16xf32, #tpu.memory_space<vmem>>
      %dma_start3A_694 = arith.constant 0 : i32
      %dma_start3A_695 = arith.constant 0 : i32
      %dma_start3A_696 = tpu.memref_slice %arg4[%squeeze3A_671, %dma_start3A_694, %dma_start3A_695] : memref<125000x8x16xf32, #tpu.memory_space<hbm>> -> memref<1x8x16xf32, #tpu.memory_space<hbm>>
      %dma_start3A_697 = tpu.memref_squeeze %dma_start3A_696 : memref<1x8x16xf32, #tpu.memory_space<hbm>> -> memref<8x16xf32, #tpu.memory_space<hbm>>
      %dma_start3A_698 = arith.constant 0 : i32
      %dma_start3A_699 = arith.constant 0 : i32
      %dma_start3A_700 = tpu.memref_slice %arg9[%dma_start3A_689, %dma_start3A_698, %dma_start3A_699] : memref<32x8x16xf32, #tpu.memory_space<vmem>> -> memref<1x8x16xf32, #tpu.memory_space<vmem>>
      %dma_start3A_701 = tpu.memref_squeeze %dma_start3A_700 : memref<1x8x16xf32, #tpu.memory_space<vmem>> -> memref<8x16xf32, #tpu.memory_space<vmem>>
      %dma_start3A_702 = arith.constant 0 : i32
      %dma_start3A_703 = arith.constant 0 : i32
      %dma_start3A_704 = tpu.memref_slice %arg4[%squeeze3A_671, %dma_start3A_702, %dma_start3A_703] : memref<125000x8x16xf32, #tpu.memory_space<hbm>> -> memref<1x8x16xf32, #tpu.memory_space<hbm>>
      %dma_start3A_705 = tpu.memref_squeeze %dma_start3A_704 : memref<1x8x16xf32, #tpu.memory_space<hbm>> -> memref<8x16xf32, #tpu.memory_space<hbm>>
      tpu.enqueue_dma source(%dma_start3A_705 : memref<8x16xf32, #tpu.memory_space<hbm>>) target(%dma_start3A_701 : memref<8x16xf32, #tpu.memory_space<vmem>>) target_semaphore(%arg13 : memref<!tpu.dma_semaphore, #tpu.memory_space<semaphore_mem>>)
      %slice3A_706 = vector.extract_strided_slice %shift_right_logical3A_597 {offsets = [3], sizes = [1], strides = [1]} : vector<16xi32> to vector<1xi32>
      %squeeze3A_707 = vector.extract %slice3A_706[0] : i32 from vector<1xi32>
      %dma_start3A_708 = arith.constant 19 : i32
      %dma_start3A_709 = arith.constant 0 : i32
      %dma_start3A_710 = arith.constant 0 : i32
      %dma_start3A_711 = tpu.memref_slice %arg8[%dma_start3A_708, %dma_start3A_709, %dma_start3A_710] : memref<32x8x64xf32, #tpu.memory_space<vmem>> -> memref<1x8x64xf32, #tpu.memory_space<vmem>>
      %dma_start3A_712 = tpu.memref_squeeze %dma_start3A_711 : memref<1x8x64xf32, #tpu.memory_space<vmem>> -> memref<8x64xf32, #tpu.memory_space<vmem>>
      %dma_start3A_713 = arith.constant 0 : i32
      %dma_start3A_714 = arith.constant 0 : i32
      %dma_start3A_715 = tpu.memref_slice %arg3[%squeeze3A_707, %dma_start3A_713, %dma_start3A_714] : memref<125000x8x64xf32, #tpu.memory_space<hbm>> -> memref<1x8x64xf32, #tpu.memory_space<hbm>>
      %dma_start3A_716 = tpu.memref_squeeze %dma_start3A_715 : memref<1x8x64xf32, #tpu.memory_space<hbm>> -> memref<8x64xf32, #tpu.memory_space<hbm>>
      %dma_start3A_717 = arith.constant 0 : i32
      %dma_start3A_718 = arith.constant 0 : i32
      %dma_start3A_719 = tpu.memref_slice %arg8[%dma_start3A_708, %dma_start3A_717, %dma_start3A_718] : memref<32x8x64xf32, #tpu.memory_space<vmem>> -> memref<1x8x64xf32, #tpu.memory_space<vmem>>
      %dma_start3A_720 = tpu.memref_squeeze %dma_start3A_719 : memref<1x8x64xf32, #tpu.memory_space<vmem>> -> memref<8x64xf32, #tpu.memory_space<vmem>>
      %dma_start3A_721 = arith.constant 0 : i32
      %dma_start3A_722 = arith.constant 0 : i32
      %dma_start3A_723 = tpu.memref_slice %arg3[%squeeze3A_707, %dma_start3A_721, %dma_start3A_722] : memref<125000x8x64xf32, #tpu.memory_space<hbm>> -> memref<1x8x64xf32, #tpu.memory_space<hbm>>
      %dma_start3A_724 = tpu.memref_squeeze %dma_start3A_723 : memref<1x8x64xf32, #tpu.memory_space<hbm>> -> memref<8x64xf32, #tpu.memory_space<hbm>>
      tpu.enqueue_dma source(%dma_start3A_724 : memref<8x64xf32, #tpu.memory_space<hbm>>) target(%dma_start3A_720 : memref<8x64xf32, #tpu.memory_space<vmem>>) target_semaphore(%arg12 : memref<!tpu.dma_semaphore, #tpu.memory_space<semaphore_mem>>)
      %dma_start3A_725 = arith.constant 19 : i32
      %dma_start3A_726 = arith.constant 0 : i32
      %dma_start3A_727 = arith.constant 0 : i32
      %dma_start3A_728 = tpu.memref_slice %arg9[%dma_start3A_725, %dma_start3A_726, %dma_start3A_727] : memref<32x8x16xf32, #tpu.memory_space<vmem>> -> memref<1x8x16xf32, #tpu.memory_space<vmem>>
      %dma_start3A_729 = tpu.memref_squeeze %dma_start3A_728 : memref<1x8x16xf32, #tpu.memory_space<vmem>> -> memref<8x16xf32, #tpu.memory_space<vmem>>
      %dma_start3A_730 = arith.constant 0 : i32
      %dma_start3A_731 = arith.constant 0 : i32
      %dma_start3A_732 = tpu.memref_slice %arg4[%squeeze3A_707, %dma_start3A_730, %dma_start3A_731] : memref<125000x8x16xf32, #tpu.memory_space<hbm>> -> memref<1x8x16xf32, #tpu.memory_space<hbm>>
      %dma_start3A_733 = tpu.memref_squeeze %dma_start3A_732 : memref<1x8x16xf32, #tpu.memory_space<hbm>> -> memref<8x16xf32, #tpu.memory_space<hbm>>
      %dma_start3A_734 = arith.constant 0 : i32
      %dma_start3A_735 = arith.constant 0 : i32
      %dma_start3A_736 = tpu.memref_slice %arg9[%dma_start3A_725, %dma_start3A_734, %dma_start3A_735] : memref<32x8x16xf32, #tpu.memory_space<vmem>> -> memref<1x8x16xf32, #tpu.memory_space<vmem>>
      %dma_start3A_737 = tpu.memref_squeeze %dma_start3A_736 : memref<1x8x16xf32, #tpu.memory_space<vmem>> -> memref<8x16xf32, #tpu.memory_space<vmem>>
      %dma_start3A_738 = arith.constant 0 : i32
      %dma_start3A_739 = arith.constant 0 : i32
      %dma_start3A_740 = tpu.memref_slice %arg4[%squeeze3A_707, %dma_start3A_738, %dma_start3A_739] : memref<125000x8x16xf32, #tpu.memory_space<hbm>> -> memref<1x8x16xf32, #tpu.memory_space<hbm>>
      %dma_start3A_741 = tpu.memref_squeeze %dma_start3A_740 : memref<1x8x16xf32, #tpu.memory_space<hbm>> -> memref<8x16xf32, #tpu.memory_space<hbm>>
      tpu.enqueue_dma source(%dma_start3A_741 : memref<8x16xf32, #tpu.memory_space<hbm>>) target(%dma_start3A_737 : memref<8x16xf32, #tpu.memory_space<vmem>>) target_semaphore(%arg13 : memref<!tpu.dma_semaphore, #tpu.memory_space<semaphore_mem>>)
      %slice3A_742 = vector.extract_strided_slice %shift_right_logical3A_597 {offsets = [4], sizes = [1], strides = [1]} : vector<16xi32> to vector<1xi32>
      %squeeze3A_743 = vector.extract %slice3A_742[0] : i32 from vector<1xi32>
      %dma_start3A_744 = arith.constant 20 : i32
      %dma_start3A_745 = arith.constant 0 : i32
      %dma_start3A_746 = arith.constant 0 : i32
      %dma_start3A_747 = tpu.memref_slice %arg8[%dma_start3A_744, %dma_start3A_745, %dma_start3A_746] : memref<32x8x64xf32, #tpu.memory_space<vmem>> -> memref<1x8x64xf32, #tpu.memory_space<vmem>>
      %dma_start3A_748 = tpu.memref_squeeze %dma_start3A_747 : memref<1x8x64xf32, #tpu.memory_space<vmem>> -> memref<8x64xf32, #tpu.memory_space<vmem>>
      %dma_start3A_749 = arith.constant 0 : i32
      %dma_start3A_750 = arith.constant 0 : i32
      %dma_start3A_751 = tpu.memref_slice %arg3[%squeeze3A_743, %dma_start3A_749, %dma_start3A_750] : memref<125000x8x64xf32, #tpu.memory_space<hbm>> -> memref<1x8x64xf32, #tpu.memory_space<hbm>>
      %dma_start3A_752 = tpu.memref_squeeze %dma_start3A_751 : memref<1x8x64xf32, #tpu.memory_space<hbm>> -> memref<8x64xf32, #tpu.memory_space<hbm>>
      %dma_start3A_753 = arith.constant 0 : i32
      %dma_start3A_754 = arith.constant 0 : i32
      %dma_start3A_755 = tpu.memref_slice %arg8[%dma_start3A_744, %dma_start3A_753, %dma_start3A_754] : memref<32x8x64xf32, #tpu.memory_space<vmem>> -> memref<1x8x64xf32, #tpu.memory_space<vmem>>
      %dma_start3A_756 = tpu.memref_squeeze %dma_start3A_755 : memref<1x8x64xf32, #tpu.memory_space<vmem>> -> memref<8x64xf32, #tpu.memory_space<vmem>>
      %dma_start3A_757 = arith.constant 0 : i32
      %dma_start3A_758 = arith.constant 0 : i32
      %dma_start3A_759 = tpu.memref_slice %arg3[%squeeze3A_743, %dma_start3A_757, %dma_start3A_758] : memref<125000x8x64xf32, #tpu.memory_space<hbm>> -> memref<1x8x64xf32, #tpu.memory_space<hbm>>
      %dma_start3A_760 = tpu.memref_squeeze %dma_start3A_759 : memref<1x8x64xf32, #tpu.memory_space<hbm>> -> memref<8x64xf32, #tpu.memory_space<hbm>>
      tpu.enqueue_dma source(%dma_start3A_760 : memref<8x64xf32, #tpu.memory_space<hbm>>) target(%dma_start3A_756 : memref<8x64xf32, #tpu.memory_space<vmem>>) target_semaphore(%arg12 : memref<!tpu.dma_semaphore, #tpu.memory_space<semaphore_mem>>)
      %dma_start3A_761 = arith.constant 20 : i32
      %dma_start3A_762 = arith.constant 0 : i32
      %dma_start3A_763 = arith.constant 0 : i32
      %dma_start3A_764 = tpu.memref_slice %arg9[%dma_start3A_761, %dma_start3A_762, %dma_start3A_763] : memref<32x8x16xf32, #tpu.memory_space<vmem>> -> memref<1x8x16xf32, #tpu.memory_space<vmem>>
      %dma_start3A_765 = tpu.memref_squeeze %dma_start3A_764 : memref<1x8x16xf32, #tpu.memory_space<vmem>> -> memref<8x16xf32, #tpu.memory_space<vmem>>
      %dma_start3A_766 = arith.constant 0 : i32
      %dma_start3A_767 = arith.constant 0 : i32
      %dma_start3A_768 = tpu.memref_slice %arg4[%squeeze3A_743, %dma_start3A_766, %dma_start3A_767] : memref<125000x8x16xf32, #tpu.memory_space<hbm>> -> memref<1x8x16xf32, #tpu.memory_space<hbm>>
      %dma_start3A_769 = tpu.memref_squeeze %dma_start3A_768 : memref<1x8x16xf32, #tpu.memory_space<hbm>> -> memref<8x16xf32, #tpu.memory_space<hbm>>
      %dma_start3A_770 = arith.constant 0 : i32
      %dma_start3A_771 = arith.constant 0 : i32
      %dma_start3A_772 = tpu.memref_slice %arg9[%dma_start3A_761, %dma_start3A_770, %dma_start3A_771] : memref<32x8x16xf32, #tpu.memory_space<vmem>> -> memref<1x8x16xf32, #tpu.memory_space<vmem>>
      %dma_start3A_773 = tpu.memref_squeeze %dma_start3A_772 : memref<1x8x16xf32, #tpu.memory_space<vmem>> -> memref<8x16xf32, #tpu.memory_space<vmem>>
      %dma_start3A_774 = arith.constant 0 : i32
      %dma_start3A_775 = arith.constant 0 : i32
      %dma_start3A_776 = tpu.memref_slice %arg4[%squeeze3A_743, %dma_start3A_774, %dma_start3A_775] : memref<125000x8x16xf32, #tpu.memory_space<hbm>> -> memref<1x8x16xf32, #tpu.memory_space<hbm>>
      %dma_start3A_777 = tpu.memref_squeeze %dma_start3A_776 : memref<1x8x16xf32, #tpu.memory_space<hbm>> -> memref<8x16xf32, #tpu.memory_space<hbm>>
      tpu.enqueue_dma source(%dma_start3A_777 : memref<8x16xf32, #tpu.memory_space<hbm>>) target(%dma_start3A_773 : memref<8x16xf32, #tpu.memory_space<vmem>>) target_semaphore(%arg13 : memref<!tpu.dma_semaphore, #tpu.memory_space<semaphore_mem>>)
      %slice3A_778 = vector.extract_strided_slice %shift_right_logical3A_597 {offsets = [5], sizes = [1], strides = [1]} : vector<16xi32> to vector<1xi32>
      %squeeze3A_779 = vector.extract %slice3A_778[0] : i32 from vector<1xi32>
      %dma_start3A_780 = arith.constant 21 : i32
      %dma_start3A_781 = arith.constant 0 : i32
      %dma_start3A_782 = arith.constant 0 : i32
      %dma_start3A_783 = tpu.memref_slice %arg8[%dma_start3A_780, %dma_start3A_781, %dma_start3A_782] : memref<32x8x64xf32, #tpu.memory_space<vmem>> -> memref<1x8x64xf32, #tpu.memory_space<vmem>>
      %dma_start3A_784 = tpu.memref_squeeze %dma_start3A_783 : memref<1x8x64xf32, #tpu.memory_space<vmem>> -> memref<8x64xf32, #tpu.memory_space<vmem>>
      %dma_start3A_785 = arith.constant 0 : i32
      %dma_start3A_786 = arith.constant 0 : i32
      %dma_start3A_787 = tpu.memref_slice %arg3[%squeeze3A_779, %dma_start3A_785, %dma_start3A_786] : memref<125000x8x64xf32, #tpu.memory_space<hbm>> -> memref<1x8x64xf32, #tpu.memory_space<hbm>>
      %dma_start3A_788 = tpu.memref_squeeze %dma_start3A_787 : memref<1x8x64xf32, #tpu.memory_space<hbm>> -> memref<8x64xf32, #tpu.memory_space<hbm>>
      %dma_start3A_789 = arith.constant 0 : i32
      %dma_start3A_790 = arith.constant 0 : i32
      %dma_start3A_791 = tpu.memref_slice %arg8[%dma_start3A_780, %dma_start3A_789, %dma_start3A_790] : memref<32x8x64xf32, #tpu.memory_space<vmem>> -> memref<1x8x64xf32, #tpu.memory_space<vmem>>
      %dma_start3A_792 = tpu.memref_squeeze %dma_start3A_791 : memref<1x8x64xf32, #tpu.memory_space<vmem>> -> memref<8x64xf32, #tpu.memory_space<vmem>>
      %dma_start3A_793 = arith.constant 0 : i32
      %dma_start3A_794 = arith.constant 0 : i32
      %dma_start3A_795 = tpu.memref_slice %arg3[%squeeze3A_779, %dma_start3A_793, %dma_start3A_794] : memref<125000x8x64xf32, #tpu.memory_space<hbm>> -> memref<1x8x64xf32, #tpu.memory_space<hbm>>
      %dma_start3A_796 = tpu.memref_squeeze %dma_start3A_795 : memref<1x8x64xf32, #tpu.memory_space<hbm>> -> memref<8x64xf32, #tpu.memory_space<hbm>>
      tpu.enqueue_dma source(%dma_start3A_796 : memref<8x64xf32, #tpu.memory_space<hbm>>) target(%dma_start3A_792 : memref<8x64xf32, #tpu.memory_space<vmem>>) target_semaphore(%arg12 : memref<!tpu.dma_semaphore, #tpu.memory_space<semaphore_mem>>)
      %dma_start3A_797 = arith.constant 21 : i32
      %dma_start3A_798 = arith.constant 0 : i32
      %dma_start3A_799 = arith.constant 0 : i32
      %dma_start3A_800 = tpu.memref_slice %arg9[%dma_start3A_797, %dma_start3A_798, %dma_start3A_799] : memref<32x8x16xf32, #tpu.memory_space<vmem>> -> memref<1x8x16xf32, #tpu.memory_space<vmem>>
      %dma_start3A_801 = tpu.memref_squeeze %dma_start3A_800 : memref<1x8x16xf32, #tpu.memory_space<vmem>> -> memref<8x16xf32, #tpu.memory_space<vmem>>
      %dma_start3A_802 = arith.constant 0 : i32
      %dma_start3A_803 = arith.constant 0 : i32
      %dma_start3A_804 = tpu.memref_slice %arg4[%squeeze3A_779, %dma_start3A_802, %dma_start3A_803] : memref<125000x8x16xf32, #tpu.memory_space<hbm>> -> memref<1x8x16xf32, #tpu.memory_space<hbm>>
      %dma_start3A_805 = tpu.memref_squeeze %dma_start3A_804 : memref<1x8x16xf32, #tpu.memory_space<hbm>> -> memref<8x16xf32, #tpu.memory_space<hbm>>
      %dma_start3A_806 = arith.constant 0 : i32
      %dma_start3A_807 = arith.constant 0 : i32
      %dma_start3A_808 = tpu.memref_slice %arg9[%dma_start3A_797, %dma_start3A_806, %dma_start3A_807] : memref<32x8x16xf32, #tpu.memory_space<vmem>> -> memref<1x8x16xf32, #tpu.memory_space<vmem>>
      %dma_start3A_809 = tpu.memref_squeeze %dma_start3A_808 : memref<1x8x16xf32, #tpu.memory_space<vmem>> -> memref<8x16xf32, #tpu.memory_space<vmem>>
      %dma_start3A_810 = arith.constant 0 : i32
      %dma_start3A_811 = arith.constant 0 : i32
      %dma_start3A_812 = tpu.memref_slice %arg4[%squeeze3A_779, %dma_start3A_810, %dma_start3A_811] : memref<125000x8x16xf32, #tpu.memory_space<hbm>> -> memref<1x8x16xf32, #tpu.memory_space<hbm>>
      %dma_start3A_813 = tpu.memref_squeeze %dma_start3A_812 : memref<1x8x16xf32, #tpu.memory_space<hbm>> -> memref<8x16xf32, #tpu.memory_space<hbm>>
      tpu.enqueue_dma source(%dma_start3A_813 : memref<8x16xf32, #tpu.memory_space<hbm>>) target(%dma_start3A_809 : memref<8x16xf32, #tpu.memory_space<vmem>>) target_semaphore(%arg13 : memref<!tpu.dma_semaphore, #tpu.memory_space<semaphore_mem>>)
      %slice3A_814 = vector.extract_strided_slice %shift_right_logical3A_597 {offsets = [6], sizes = [1], strides = [1]} : vector<16xi32> to vector<1xi32>
      %squeeze3A_815 = vector.extract %slice3A_814[0] : i32 from vector<1xi32>
      %dma_start3A_816 = arith.constant 22 : i32
      %dma_start3A_817 = arith.constant 0 : i32
      %dma_start3A_818 = arith.constant 0 : i32
      %dma_start3A_819 = tpu.memref_slice %arg8[%dma_start3A_816, %dma_start3A_817, %dma_start3A_818] : memref<32x8x64xf32, #tpu.memory_space<vmem>> -> memref<1x8x64xf32, #tpu.memory_space<vmem>>
      %dma_start3A_820 = tpu.memref_squeeze %dma_start3A_819 : memref<1x8x64xf32, #tpu.memory_space<vmem>> -> memref<8x64xf32, #tpu.memory_space<vmem>>
      %dma_start3A_821 = arith.constant 0 : i32
      %dma_start3A_822 = arith.constant 0 : i32
      %dma_start3A_823 = tpu.memref_slice %arg3[%squeeze3A_815, %dma_start3A_821, %dma_start3A_822] : memref<125000x8x64xf32, #tpu.memory_space<hbm>> -> memref<1x8x64xf32, #tpu.memory_space<hbm>>
      %dma_start3A_824 = tpu.memref_squeeze %dma_start3A_823 : memref<1x8x64xf32, #tpu.memory_space<hbm>> -> memref<8x64xf32, #tpu.memory_space<hbm>>
      %dma_start3A_825 = arith.constant 0 : i32
      %dma_start3A_826 = arith.constant 0 : i32
      %dma_start3A_827 = tpu.memref_slice %arg8[%dma_start3A_816, %dma_start3A_825, %dma_start3A_826] : memref<32x8x64xf32, #tpu.memory_space<vmem>> -> memref<1x8x64xf32, #tpu.memory_space<vmem>>
      %dma_start3A_828 = tpu.memref_squeeze %dma_start3A_827 : memref<1x8x64xf32, #tpu.memory_space<vmem>> -> memref<8x64xf32, #tpu.memory_space<vmem>>
      %dma_start3A_829 = arith.constant 0 : i32
      %dma_start3A_830 = arith.constant 0 : i32
      %dma_start3A_831 = tpu.memref_slice %arg3[%squeeze3A_815, %dma_start3A_829, %dma_start3A_830] : memref<125000x8x64xf32, #tpu.memory_space<hbm>> -> memref<1x8x64xf32, #tpu.memory_space<hbm>>
      %dma_start3A_832 = tpu.memref_squeeze %dma_start3A_831 : memref<1x8x64xf32, #tpu.memory_space<hbm>> -> memref<8x64xf32, #tpu.memory_space<hbm>>
      tpu.enqueue_dma source(%dma_start3A_832 : memref<8x64xf32, #tpu.memory_space<hbm>>) target(%dma_start3A_828 : memref<8x64xf32, #tpu.memory_space<vmem>>) target_semaphore(%arg12 : memref<!tpu.dma_semaphore, #tpu.memory_space<semaphore_mem>>)
      %dma_start3A_833 = arith.constant 22 : i32
      %dma_start3A_834 = arith.constant 0 : i32
      %dma_start3A_835 = arith.constant 0 : i32
      %dma_start3A_836 = tpu.memref_slice %arg9[%dma_start3A_833, %dma_start3A_834, %dma_start3A_835] : memref<32x8x16xf32, #tpu.memory_space<vmem>> -> memref<1x8x16xf32, #tpu.memory_space<vmem>>
      %dma_start3A_837 = tpu.memref_squeeze %dma_start3A_836 : memref<1x8x16xf32, #tpu.memory_space<vmem>> -> memref<8x16xf32, #tpu.memory_space<vmem>>
      %dma_start3A_838 = arith.constant 0 : i32
      %dma_start3A_839 = arith.constant 0 : i32
      %dma_start3A_840 = tpu.memref_slice %arg4[%squeeze3A_815, %dma_start3A_838, %dma_start3A_839] : memref<125000x8x16xf32, #tpu.memory_space<hbm>> -> memref<1x8x16xf32, #tpu.memory_space<hbm>>
      %dma_start3A_841 = tpu.memref_squeeze %dma_start3A_840 : memref<1x8x16xf32, #tpu.memory_space<hbm>> -> memref<8x16xf32, #tpu.memory_space<hbm>>
      %dma_start3A_842 = arith.constant 0 : i32
      %dma_start3A_843 = arith.constant 0 : i32
      %dma_start3A_844 = tpu.memref_slice %arg9[%dma_start3A_833, %dma_start3A_842, %dma_start3A_843] : memref<32x8x16xf32, #tpu.memory_space<vmem>> -> memref<1x8x16xf32, #tpu.memory_space<vmem>>
      %dma_start3A_845 = tpu.memref_squeeze %dma_start3A_844 : memref<1x8x16xf32, #tpu.memory_space<vmem>> -> memref<8x16xf32, #tpu.memory_space<vmem>>
      %dma_start3A_846 = arith.constant 0 : i32
      %dma_start3A_847 = arith.constant 0 : i32
      %dma_start3A_848 = tpu.memref_slice %arg4[%squeeze3A_815, %dma_start3A_846, %dma_start3A_847] : memref<125000x8x16xf32, #tpu.memory_space<hbm>> -> memref<1x8x16xf32, #tpu.memory_space<hbm>>
      %dma_start3A_849 = tpu.memref_squeeze %dma_start3A_848 : memref<1x8x16xf32, #tpu.memory_space<hbm>> -> memref<8x16xf32, #tpu.memory_space<hbm>>
      tpu.enqueue_dma source(%dma_start3A_849 : memref<8x16xf32, #tpu.memory_space<hbm>>) target(%dma_start3A_845 : memref<8x16xf32, #tpu.memory_space<vmem>>) target_semaphore(%arg13 : memref<!tpu.dma_semaphore, #tpu.memory_space<semaphore_mem>>)
      %slice3A_850 = vector.extract_strided_slice %shift_right_logical3A_597 {offsets = [7], sizes = [1], strides = [1]} : vector<16xi32> to vector<1xi32>
      %squeeze3A_851 = vector.extract %slice3A_850[0] : i32 from vector<1xi32>
      %dma_start3A_852 = arith.constant 23 : i32
      %dma_start3A_853 = arith.constant 0 : i32
      %dma_start3A_854 = arith.constant 0 : i32
      %dma_start3A_855 = tpu.memref_slice %arg8[%dma_start3A_852, %dma_start3A_853, %dma_start3A_854] : memref<32x8x64xf32, #tpu.memory_space<vmem>> -> memref<1x8x64xf32, #tpu.memory_space<vmem>>
      %dma_start3A_856 = tpu.memref_squeeze %dma_start3A_855 : memref<1x8x64xf32, #tpu.memory_space<vmem>> -> memref<8x64xf32, #tpu.memory_space<vmem>>
      %dma_start3A_857 = arith.constant 0 : i32
      %dma_start3A_858 = arith.constant 0 : i32
      %dma_start3A_859 = tpu.memref_slice %arg3[%squeeze3A_851, %dma_start3A_857, %dma_start3A_858] : memref<125000x8x64xf32, #tpu.memory_space<hbm>> -> memref<1x8x64xf32, #tpu.memory_space<hbm>>
      %dma_start3A_860 = tpu.memref_squeeze %dma_start3A_859 : memref<1x8x64xf32, #tpu.memory_space<hbm>> -> memref<8x64xf32, #tpu.memory_space<hbm>>
      %dma_start3A_861 = arith.constant 0 : i32
      %dma_start3A_862 = arith.constant 0 : i32
      %dma_start3A_863 = tpu.memref_slice %arg8[%dma_start3A_852, %dma_start3A_861, %dma_start3A_862] : memref<32x8x64xf32, #tpu.memory_space<vmem>> -> memref<1x8x64xf32, #tpu.memory_space<vmem>>
      %dma_start3A_864 = tpu.memref_squeeze %dma_start3A_863 : memref<1x8x64xf32, #tpu.memory_space<vmem>> -> memref<8x64xf32, #tpu.memory_space<vmem>>
      %dma_start3A_865 = arith.constant 0 : i32
      %dma_start3A_866 = arith.constant 0 : i32
      %dma_start3A_867 = tpu.memref_slice %arg3[%squeeze3A_851, %dma_start3A_865, %dma_start3A_866] : memref<125000x8x64xf32, #tpu.memory_space<hbm>> -> memref<1x8x64xf32, #tpu.memory_space<hbm>>
      %dma_start3A_868 = tpu.memref_squeeze %dma_start3A_867 : memref<1x8x64xf32, #tpu.memory_space<hbm>> -> memref<8x64xf32, #tpu.memory_space<hbm>>
      tpu.enqueue_dma source(%dma_start3A_868 : memref<8x64xf32, #tpu.memory_space<hbm>>) target(%dma_start3A_864 : memref<8x64xf32, #tpu.memory_space<vmem>>) target_semaphore(%arg12 : memref<!tpu.dma_semaphore, #tpu.memory_space<semaphore_mem>>)
      %dma_start3A_869 = arith.constant 23 : i32
      %dma_start3A_870 = arith.constant 0 : i32
      %dma_start3A_871 = arith.constant 0 : i32
      %dma_start3A_872 = tpu.memref_slice %arg9[%dma_start3A_869, %dma_start3A_870, %dma_start3A_871] : memref<32x8x16xf32, #tpu.memory_space<vmem>> -> memref<1x8x16xf32, #tpu.memory_space<vmem>>
      %dma_start3A_873 = tpu.memref_squeeze %dma_start3A_872 : memref<1x8x16xf32, #tpu.memory_space<vmem>> -> memref<8x16xf32, #tpu.memory_space<vmem>>
      %dma_start3A_874 = arith.constant 0 : i32
      %dma_start3A_875 = arith.constant 0 : i32
      %dma_start3A_876 = tpu.memref_slice %arg4[%squeeze3A_851, %dma_start3A_874, %dma_start3A_875] : memref<125000x8x16xf32, #tpu.memory_space<hbm>> -> memref<1x8x16xf32, #tpu.memory_space<hbm>>
      %dma_start3A_877 = tpu.memref_squeeze %dma_start3A_876 : memref<1x8x16xf32, #tpu.memory_space<hbm>> -> memref<8x16xf32, #tpu.memory_space<hbm>>
      %dma_start3A_878 = arith.constant 0 : i32
      %dma_start3A_879 = arith.constant 0 : i32
      %dma_start3A_880 = tpu.memref_slice %arg9[%dma_start3A_869, %dma_start3A_878, %dma_start3A_879] : memref<32x8x16xf32, #tpu.memory_space<vmem>> -> memref<1x8x16xf32, #tpu.memory_space<vmem>>
      %dma_start3A_881 = tpu.memref_squeeze %dma_start3A_880 : memref<1x8x16xf32, #tpu.memory_space<vmem>> -> memref<8x16xf32, #tpu.memory_space<vmem>>
      %dma_start3A_882 = arith.constant 0 : i32
      %dma_start3A_883 = arith.constant 0 : i32
      %dma_start3A_884 = tpu.memref_slice %arg4[%squeeze3A_851, %dma_start3A_882, %dma_start3A_883] : memref<125000x8x16xf32, #tpu.memory_space<hbm>> -> memref<1x8x16xf32, #tpu.memory_space<hbm>>
      %dma_start3A_885 = tpu.memref_squeeze %dma_start3A_884 : memref<1x8x16xf32, #tpu.memory_space<hbm>> -> memref<8x16xf32, #tpu.memory_space<hbm>>
      tpu.enqueue_dma source(%dma_start3A_885 : memref<8x16xf32, #tpu.memory_space<hbm>>) target(%dma_start3A_881 : memref<8x16xf32, #tpu.memory_space<vmem>>) target_semaphore(%arg13 : memref<!tpu.dma_semaphore, #tpu.memory_space<semaphore_mem>>)
      %slice3A_886 = vector.extract_strided_slice %shift_right_logical3A_597 {offsets = [8], sizes = [1], strides = [1]} : vector<16xi32> to vector<1xi32>
      %squeeze3A_887 = vector.extract %slice3A_886[0] : i32 from vector<1xi32>
      %dma_start3A_888 = arith.constant 24 : i32
      %dma_start3A_889 = arith.constant 0 : i32
      %dma_start3A_890 = arith.constant 0 : i32
      %dma_start3A_891 = tpu.memref_slice %arg8[%dma_start3A_888, %dma_start3A_889, %dma_start3A_890] : memref<32x8x64xf32, #tpu.memory_space<vmem>> -> memref<1x8x64xf32, #tpu.memory_space<vmem>>
      %dma_start3A_892 = tpu.memref_squeeze %dma_start3A_891 : memref<1x8x64xf32, #tpu.memory_space<vmem>> -> memref<8x64xf32, #tpu.memory_space<vmem>>
      %dma_start3A_893 = arith.constant 0 : i32
      %dma_start3A_894 = arith.constant 0 : i32
      %dma_start3A_895 = tpu.memref_slice %arg3[%squeeze3A_887, %dma_start3A_893, %dma_start3A_894] : memref<125000x8x64xf32, #tpu.memory_space<hbm>> -> memref<1x8x64xf32, #tpu.memory_space<hbm>>
      %dma_start3A_896 = tpu.memref_squeeze %dma_start3A_895 : memref<1x8x64xf32, #tpu.memory_space<hbm>> -> memref<8x64xf32, #tpu.memory_space<hbm>>
      %dma_start3A_897 = arith.constant 0 : i32
      %dma_start3A_898 = arith.constant 0 : i32
      %dma_start3A_899 = tpu.memref_slice %arg8[%dma_start3A_888, %dma_start3A_897, %dma_start3A_898] : memref<32x8x64xf32, #tpu.memory_space<vmem>> -> memref<1x8x64xf32, #tpu.memory_space<vmem>>
      %dma_start3A_900 = tpu.memref_squeeze %dma_start3A_899 : memref<1x8x64xf32, #tpu.memory_space<vmem>> -> memref<8x64xf32, #tpu.memory_space<vmem>>
      %dma_start3A_901 = arith.constant 0 : i32
      %dma_start3A_902 = arith.constant 0 : i32
      %dma_start3A_903 = tpu.memref_slice %arg3[%squeeze3A_887, %dma_start3A_901, %dma_start3A_902] : memref<125000x8x64xf32, #tpu.memory_space<hbm>> -> memref<1x8x64xf32, #tpu.memory_space<hbm>>
      %dma_start3A_904 = tpu.memref_squeeze %dma_start3A_903 : memref<1x8x64xf32, #tpu.memory_space<hbm>> -> memref<8x64xf32, #tpu.memory_space<hbm>>
      tpu.enqueue_dma source(%dma_start3A_904 : memref<8x64xf32, #tpu.memory_space<hbm>>) target(%dma_start3A_900 : memref<8x64xf32, #tpu.memory_space<vmem>>) target_semaphore(%arg12 : memref<!tpu.dma_semaphore, #tpu.memory_space<semaphore_mem>>)
      %dma_start3A_905 = arith.constant 24 : i32
      %dma_start3A_906 = arith.constant 0 : i32
      %dma_start3A_907 = arith.constant 0 : i32
      %dma_start3A_908 = tpu.memref_slice %arg9[%dma_start3A_905, %dma_start3A_906, %dma_start3A_907] : memref<32x8x16xf32, #tpu.memory_space<vmem>> -> memref<1x8x16xf32, #tpu.memory_space<vmem>>
      %dma_start3A_909 = tpu.memref_squeeze %dma_start3A_908 : memref<1x8x16xf32, #tpu.memory_space<vmem>> -> memref<8x16xf32, #tpu.memory_space<vmem>>
      %dma_start3A_910 = arith.constant 0 : i32
      %dma_start3A_911 = arith.constant 0 : i32
      %dma_start3A_912 = tpu.memref_slice %arg4[%squeeze3A_887, %dma_start3A_910, %dma_start3A_911] : memref<125000x8x16xf32, #tpu.memory_space<hbm>> -> memref<1x8x16xf32, #tpu.memory_space<hbm>>
      %dma_start3A_913 = tpu.memref_squeeze %dma_start3A_912 : memref<1x8x16xf32, #tpu.memory_space<hbm>> -> memref<8x16xf32, #tpu.memory_space<hbm>>
      %dma_start3A_914 = arith.constant 0 : i32
      %dma_start3A_915 = arith.constant 0 : i32
      %dma_start3A_916 = tpu.memref_slice %arg9[%dma_start3A_905, %dma_start3A_914, %dma_start3A_915] : memref<32x8x16xf32, #tpu.memory_space<vmem>> -> memref<1x8x16xf32, #tpu.memory_space<vmem>>
      %dma_start3A_917 = tpu.memref_squeeze %dma_start3A_916 : memref<1x8x16xf32, #tpu.memory_space<vmem>> -> memref<8x16xf32, #tpu.memory_space<vmem>>
      %dma_start3A_918 = arith.constant 0 : i32
      %dma_start3A_919 = arith.constant 0 : i32
      %dma_start3A_920 = tpu.memref_slice %arg4[%squeeze3A_887, %dma_start3A_918, %dma_start3A_919] : memref<125000x8x16xf32, #tpu.memory_space<hbm>> -> memref<1x8x16xf32, #tpu.memory_space<hbm>>
      %dma_start3A_921 = tpu.memref_squeeze %dma_start3A_920 : memref<1x8x16xf32, #tpu.memory_space<hbm>> -> memref<8x16xf32, #tpu.memory_space<hbm>>
      tpu.enqueue_dma source(%dma_start3A_921 : memref<8x16xf32, #tpu.memory_space<hbm>>) target(%dma_start3A_917 : memref<8x16xf32, #tpu.memory_space<vmem>>) target_semaphore(%arg13 : memref<!tpu.dma_semaphore, #tpu.memory_space<semaphore_mem>>)
      %slice3A_922 = vector.extract_strided_slice %shift_right_logical3A_597 {offsets = [9], sizes = [1], strides = [1]} : vector<16xi32> to vector<1xi32>
      %squeeze3A_923 = vector.extract %slice3A_922[0] : i32 from vector<1xi32>
      %dma_start3A_924 = arith.constant 25 : i32
      %dma_start3A_925 = arith.constant 0 : i32
      %dma_start3A_926 = arith.constant 0 : i32
      %dma_start3A_927 = tpu.memref_slice %arg8[%dma_start3A_924, %dma_start3A_925, %dma_start3A_926] : memref<32x8x64xf32, #tpu.memory_space<vmem>> -> memref<1x8x64xf32, #tpu.memory_space<vmem>>
      %dma_start3A_928 = tpu.memref_squeeze %dma_start3A_927 : memref<1x8x64xf32, #tpu.memory_space<vmem>> -> memref<8x64xf32, #tpu.memory_space<vmem>>
      %dma_start3A_929 = arith.constant 0 : i32
      %dma_start3A_930 = arith.constant 0 : i32
      %dma_start3A_931 = tpu.memref_slice %arg3[%squeeze3A_923, %dma_start3A_929, %dma_start3A_930] : memref<125000x8x64xf32, #tpu.memory_space<hbm>> -> memref<1x8x64xf32, #tpu.memory_space<hbm>>
      %dma_start3A_932 = tpu.memref_squeeze %dma_start3A_931 : memref<1x8x64xf32, #tpu.memory_space<hbm>> -> memref<8x64xf32, #tpu.memory_space<hbm>>
      %dma_start3A_933 = arith.constant 0 : i32
      %dma_start3A_934 = arith.constant 0 : i32
      %dma_start3A_935 = tpu.memref_slice %arg8[%dma_start3A_924, %dma_start3A_933, %dma_start3A_934] : memref<32x8x64xf32, #tpu.memory_space<vmem>> -> memref<1x8x64xf32, #tpu.memory_space<vmem>>
      %dma_start3A_936 = tpu.memref_squeeze %dma_start3A_935 : memref<1x8x64xf32, #tpu.memory_space<vmem>> -> memref<8x64xf32, #tpu.memory_space<vmem>>
      %dma_start3A_937 = arith.constant 0 : i32
      %dma_start3A_938 = arith.constant 0 : i32
      %dma_start3A_939 = tpu.memref_slice %arg3[%squeeze3A_923, %dma_start3A_937, %dma_start3A_938] : memref<125000x8x64xf32, #tpu.memory_space<hbm>> -> memref<1x8x64xf32, #tpu.memory_space<hbm>>
      %dma_start3A_940 = tpu.memref_squeeze %dma_start3A_939 : memref<1x8x64xf32, #tpu.memory_space<hbm>> -> memref<8x64xf32, #tpu.memory_space<hbm>>
      tpu.enqueue_dma source(%dma_start3A_940 : memref<8x64xf32, #tpu.memory_space<hbm>>) target(%dma_start3A_936 : memref<8x64xf32, #tpu.memory_space<vmem>>) target_semaphore(%arg12 : memref<!tpu.dma_semaphore, #tpu.memory_space<semaphore_mem>>)
      %dma_start3A_941 = arith.constant 25 : i32
      %dma_start3A_942 = arith.constant 0 : i32
      %dma_start3A_943 = arith.constant 0 : i32
      %dma_start3A_944 = tpu.memref_slice %arg9[%dma_start3A_941, %dma_start3A_942, %dma_start3A_943] : memref<32x8x16xf32, #tpu.memory_space<vmem>> -> memref<1x8x16xf32, #tpu.memory_space<vmem>>
      %dma_start3A_945 = tpu.memref_squeeze %dma_start3A_944 : memref<1x8x16xf32, #tpu.memory_space<vmem>> -> memref<8x16xf32, #tpu.memory_space<vmem>>
      %dma_start3A_946 = arith.constant 0 : i32
      %dma_start3A_947 = arith.constant 0 : i32
      %dma_start3A_948 = tpu.memref_slice %arg4[%squeeze3A_923, %dma_start3A_946, %dma_start3A_947] : memref<125000x8x16xf32, #tpu.memory_space<hbm>> -> memref<1x8x16xf32, #tpu.memory_space<hbm>>
      %dma_start3A_949 = tpu.memref_squeeze %dma_start3A_948 : memref<1x8x16xf32, #tpu.memory_space<hbm>> -> memref<8x16xf32, #tpu.memory_space<hbm>>
      %dma_start3A_950 = arith.constant 0 : i32
      %dma_start3A_951 = arith.constant 0 : i32
      %dma_start3A_952 = tpu.memref_slice %arg9[%dma_start3A_941, %dma_start3A_950, %dma_start3A_951] : memref<32x8x16xf32, #tpu.memory_space<vmem>> -> memref<1x8x16xf32, #tpu.memory_space<vmem>>
      %dma_start3A_953 = tpu.memref_squeeze %dma_start3A_952 : memref<1x8x16xf32, #tpu.memory_space<vmem>> -> memref<8x16xf32, #tpu.memory_space<vmem>>
      %dma_start3A_954 = arith.constant 0 : i32
      %dma_start3A_955 = arith.constant 0 : i32
      %dma_start3A_956 = tpu.memref_slice %arg4[%squeeze3A_923, %dma_start3A_954, %dma_start3A_955] : memref<125000x8x16xf32, #tpu.memory_space<hbm>> -> memref<1x8x16xf32, #tpu.memory_space<hbm>>
      %dma_start3A_957 = tpu.memref_squeeze %dma_start3A_956 : memref<1x8x16xf32, #tpu.memory_space<hbm>> -> memref<8x16xf32, #tpu.memory_space<hbm>>
      tpu.enqueue_dma source(%dma_start3A_957 : memref<8x16xf32, #tpu.memory_space<hbm>>) target(%dma_start3A_953 : memref<8x16xf32, #tpu.memory_space<vmem>>) target_semaphore(%arg13 : memref<!tpu.dma_semaphore, #tpu.memory_space<semaphore_mem>>)
      %slice3A_958 = vector.extract_strided_slice %shift_right_logical3A_597 {offsets = [10], sizes = [1], strides = [1]} : vector<16xi32> to vector<1xi32>
      %squeeze3A_959 = vector.extract %slice3A_958[0] : i32 from vector<1xi32>
      %dma_start3A_960 = arith.constant 26 : i32
      %dma_start3A_961 = arith.constant 0 : i32
      %dma_start3A_962 = arith.constant 0 : i32
      %dma_start3A_963 = tpu.memref_slice %arg8[%dma_start3A_960, %dma_start3A_961, %dma_start3A_962] : memref<32x8x64xf32, #tpu.memory_space<vmem>> -> memref<1x8x64xf32, #tpu.memory_space<vmem>>
      %dma_start3A_964 = tpu.memref_squeeze %dma_start3A_963 : memref<1x8x64xf32, #tpu.memory_space<vmem>> -> memref<8x64xf32, #tpu.memory_space<vmem>>
      %dma_start3A_965 = arith.constant 0 : i32
      %dma_start3A_966 = arith.constant 0 : i32
      %dma_start3A_967 = tpu.memref_slice %arg3[%squeeze3A_959, %dma_start3A_965, %dma_start3A_966] : memref<125000x8x64xf32, #tpu.memory_space<hbm>> -> memref<1x8x64xf32, #tpu.memory_space<hbm>>
      %dma_start3A_968 = tpu.memref_squeeze %dma_start3A_967 : memref<1x8x64xf32, #tpu.memory_space<hbm>> -> memref<8x64xf32, #tpu.memory_space<hbm>>
      %dma_start3A_969 = arith.constant 0 : i32
      %dma_start3A_970 = arith.constant 0 : i32
      %dma_start3A_971 = tpu.memref_slice %arg8[%dma_start3A_960, %dma_start3A_969, %dma_start3A_970] : memref<32x8x64xf32, #tpu.memory_space<vmem>> -> memref<1x8x64xf32, #tpu.memory_space<vmem>>
      %dma_start3A_972 = tpu.memref_squeeze %dma_start3A_971 : memref<1x8x64xf32, #tpu.memory_space<vmem>> -> memref<8x64xf32, #tpu.memory_space<vmem>>
      %dma_start3A_973 = arith.constant 0 : i32
      %dma_start3A_974 = arith.constant 0 : i32
      %dma_start3A_975 = tpu.memref_slice %arg3[%squeeze3A_959, %dma_start3A_973, %dma_start3A_974] : memref<125000x8x64xf32, #tpu.memory_space<hbm>> -> memref<1x8x64xf32, #tpu.memory_space<hbm>>
      %dma_start3A_976 = tpu.memref_squeeze %dma_start3A_975 : memref<1x8x64xf32, #tpu.memory_space<hbm>> -> memref<8x64xf32, #tpu.memory_space<hbm>>
      tpu.enqueue_dma source(%dma_start3A_976 : memref<8x64xf32, #tpu.memory_space<hbm>>) target(%dma_start3A_972 : memref<8x64xf32, #tpu.memory_space<vmem>>) target_semaphore(%arg12 : memref<!tpu.dma_semaphore, #tpu.memory_space<semaphore_mem>>)
      %dma_start3A_977 = arith.constant 26 : i32
      %dma_start3A_978 = arith.constant 0 : i32
      %dma_start3A_979 = arith.constant 0 : i32
      %dma_start3A_980 = tpu.memref_slice %arg9[%dma_start3A_977, %dma_start3A_978, %dma_start3A_979] : memref<32x8x16xf32, #tpu.memory_space<vmem>> -> memref<1x8x16xf32, #tpu.memory_space<vmem>>
      %dma_start3A_981 = tpu.memref_squeeze %dma_start3A_980 : memref<1x8x16xf32, #tpu.memory_space<vmem>> -> memref<8x16xf32, #tpu.memory_space<vmem>>
      %dma_start3A_982 = arith.constant 0 : i32
      %dma_start3A_983 = arith.constant 0 : i32
      %dma_start3A_984 = tpu.memref_slice %arg4[%squeeze3A_959, %dma_start3A_982, %dma_start3A_983] : memref<125000x8x16xf32, #tpu.memory_space<hbm>> -> memref<1x8x16xf32, #tpu.memory_space<hbm>>
      %dma_start3A_985 = tpu.memref_squeeze %dma_start3A_984 : memref<1x8x16xf32, #tpu.memory_space<hbm>> -> memref<8x16xf32, #tpu.memory_space<hbm>>
      %dma_start3A_986 = arith.constant 0 : i32
      %dma_start3A_987 = arith.constant 0 : i32
      %dma_start3A_988 = tpu.memref_slice %arg9[%dma_start3A_977, %dma_start3A_986, %dma_start3A_987] : memref<32x8x16xf32, #tpu.memory_space<vmem>> -> memref<1x8x16xf32, #tpu.memory_space<vmem>>
      %dma_start3A_989 = tpu.memref_squeeze %dma_start3A_988 : memref<1x8x16xf32, #tpu.memory_space<vmem>> -> memref<8x16xf32, #tpu.memory_space<vmem>>
      %dma_start3A_990 = arith.constant 0 : i32
      %dma_start3A_991 = arith.constant 0 : i32
      %dma_start3A_992 = tpu.memref_slice %arg4[%squeeze3A_959, %dma_start3A_990, %dma_start3A_991] : memref<125000x8x16xf32, #tpu.memory_space<hbm>> -> memref<1x8x16xf32, #tpu.memory_space<hbm>>
      %dma_start3A_993 = tpu.memref_squeeze %dma_start3A_992 : memref<1x8x16xf32, #tpu.memory_space<hbm>> -> memref<8x16xf32, #tpu.memory_space<hbm>>
      tpu.enqueue_dma source(%dma_start3A_993 : memref<8x16xf32, #tpu.memory_space<hbm>>) target(%dma_start3A_989 : memref<8x16xf32, #tpu.memory_space<vmem>>) target_semaphore(%arg13 : memref<!tpu.dma_semaphore, #tpu.memory_space<semaphore_mem>>)
      %slice3A_994 = vector.extract_strided_slice %shift_right_logical3A_597 {offsets = [11], sizes = [1], strides = [1]} : vector<16xi32> to vector<1xi32>
      %squeeze3A_995 = vector.extract %slice3A_994[0] : i32 from vector<1xi32>
      %dma_start3A_996 = arith.constant 27 : i32
      %dma_start3A_997 = arith.constant 0 : i32
      %dma_start3A_998 = arith.constant 0 : i32
      %dma_start3A_999 = tpu.memref_slice %arg8[%dma_start3A_996, %dma_start3A_997, %dma_start3A_998] : memref<32x8x64xf32, #tpu.memory_space<vmem>> -> memref<1x8x64xf32, #tpu.memory_space<vmem>>
      %dma_start3A_1000 = tpu.memref_squeeze %dma_start3A_999 : memref<1x8x64xf32, #tpu.memory_space<vmem>> -> memref<8x64xf32, #tpu.memory_space<vmem>>
      %dma_start3A_1001 = arith.constant 0 : i32
      %dma_start3A_1002 = arith.constant 0 : i32
      %dma_start3A_1003 = tpu.memref_slice %arg3[%squeeze3A_995, %dma_start3A_1001, %dma_start3A_1002] : memref<125000x8x64xf32, #tpu.memory_space<hbm>> -> memref<1x8x64xf32, #tpu.memory_space<hbm>>
      %dma_start3A_1004 = tpu.memref_squeeze %dma_start3A_1003 : memref<1x8x64xf32, #tpu.memory_space<hbm>> -> memref<8x64xf32, #tpu.memory_space<hbm>>
      %dma_start3A_1005 = arith.constant 0 : i32
      %dma_start3A_1006 = arith.constant 0 : i32
      %dma_start3A_1007 = tpu.memref_slice %arg8[%dma_start3A_996, %dma_start3A_1005, %dma_start3A_1006] : memref<32x8x64xf32, #tpu.memory_space<vmem>> -> memref<1x8x64xf32, #tpu.memory_space<vmem>>
      %dma_start3A_1008 = tpu.memref_squeeze %dma_start3A_1007 : memref<1x8x64xf32, #tpu.memory_space<vmem>> -> memref<8x64xf32, #tpu.memory_space<vmem>>
      %dma_start3A_1009 = arith.constant 0 : i32
      %dma_start3A_1010 = arith.constant 0 : i32
      %dma_start3A_1011 = tpu.memref_slice %arg3[%squeeze3A_995, %dma_start3A_1009, %dma_start3A_1010] : memref<125000x8x64xf32, #tpu.memory_space<hbm>> -> memref<1x8x64xf32, #tpu.memory_space<hbm>>
      %dma_start3A_1012 = tpu.memref_squeeze %dma_start3A_1011 : memref<1x8x64xf32, #tpu.memory_space<hbm>> -> memref<8x64xf32, #tpu.memory_space<hbm>>
      tpu.enqueue_dma source(%dma_start3A_1012 : memref<8x64xf32, #tpu.memory_space<hbm>>) target(%dma_start3A_1008 : memref<8x64xf32, #tpu.memory_space<vmem>>) target_semaphore(%arg12 : memref<!tpu.dma_semaphore, #tpu.memory_space<semaphore_mem>>)
      %dma_start3A_1013 = arith.constant 27 : i32
      %dma_start3A_1014 = arith.constant 0 : i32
      %dma_start3A_1015 = arith.constant 0 : i32
      %dma_start3A_1016 = tpu.memref_slice %arg9[%dma_start3A_1013, %dma_start3A_1014, %dma_start3A_1015] : memref<32x8x16xf32, #tpu.memory_space<vmem>> -> memref<1x8x16xf32, #tpu.memory_space<vmem>>
      %dma_start3A_1017 = tpu.memref_squeeze %dma_start3A_1016 : memref<1x8x16xf32, #tpu.memory_space<vmem>> -> memref<8x16xf32, #tpu.memory_space<vmem>>
      %dma_start3A_1018 = arith.constant 0 : i32
      %dma_start3A_1019 = arith.constant 0 : i32
      %dma_start3A_1020 = tpu.memref_slice %arg4[%squeeze3A_995, %dma_start3A_1018, %dma_start3A_1019] : memref<125000x8x16xf32, #tpu.memory_space<hbm>> -> memref<1x8x16xf32, #tpu.memory_space<hbm>>
      %dma_start3A_1021 = tpu.memref_squeeze %dma_start3A_1020 : memref<1x8x16xf32, #tpu.memory_space<hbm>> -> memref<8x16xf32, #tpu.memory_space<hbm>>
      %dma_start3A_1022 = arith.constant 0 : i32
      %dma_start3A_1023 = arith.constant 0 : i32
      %dma_start3A_1024 = tpu.memref_slice %arg9[%dma_start3A_1013, %dma_start3A_1022, %dma_start3A_1023] : memref<32x8x16xf32, #tpu.memory_space<vmem>> -> memref<1x8x16xf32, #tpu.memory_space<vmem>>
      %dma_start3A_1025 = tpu.memref_squeeze %dma_start3A_1024 : memref<1x8x16xf32, #tpu.memory_space<vmem>> -> memref<8x16xf32, #tpu.memory_space<vmem>>
      %dma_start3A_1026 = arith.constant 0 : i32
      %dma_start3A_1027 = arith.constant 0 : i32
      %dma_start3A_1028 = tpu.memref_slice %arg4[%squeeze3A_995, %dma_start3A_1026, %dma_start3A_1027] : memref<125000x8x16xf32, #tpu.memory_space<hbm>> -> memref<1x8x16xf32, #tpu.memory_space<hbm>>
      %dma_start3A_1029 = tpu.memref_squeeze %dma_start3A_1028 : memref<1x8x16xf32, #tpu.memory_space<hbm>> -> memref<8x16xf32, #tpu.memory_space<hbm>>
      tpu.enqueue_dma source(%dma_start3A_1029 : memref<8x16xf32, #tpu.memory_space<hbm>>) target(%dma_start3A_1025 : memref<8x16xf32, #tpu.memory_space<vmem>>) target_semaphore(%arg13 : memref<!tpu.dma_semaphore, #tpu.memory_space<semaphore_mem>>)
      %slice3A_1030 = vector.extract_strided_slice %shift_right_logical3A_597 {offsets = [12], sizes = [1], strides = [1]} : vector<16xi32> to vector<1xi32>
      %squeeze3A_1031 = vector.extract %slice3A_1030[0] : i32 from vector<1xi32>
      %dma_start3A_1032 = arith.constant 28 : i32
      %dma_start3A_1033 = arith.constant 0 : i32
      %dma_start3A_1034 = arith.constant 0 : i32
      %dma_start3A_1035 = tpu.memref_slice %arg8[%dma_start3A_1032, %dma_start3A_1033, %dma_start3A_1034] : memref<32x8x64xf32, #tpu.memory_space<vmem>> -> memref<1x8x64xf32, #tpu.memory_space<vmem>>
      %dma_start3A_1036 = tpu.memref_squeeze %dma_start3A_1035 : memref<1x8x64xf32, #tpu.memory_space<vmem>> -> memref<8x64xf32, #tpu.memory_space<vmem>>
      %dma_start3A_1037 = arith.constant 0 : i32
      %dma_start3A_1038 = arith.constant 0 : i32
      %dma_start3A_1039 = tpu.memref_slice %arg3[%squeeze3A_1031, %dma_start3A_1037, %dma_start3A_1038] : memref<125000x8x64xf32, #tpu.memory_space<hbm>> -> memref<1x8x64xf32, #tpu.memory_space<hbm>>
      %dma_start3A_1040 = tpu.memref_squeeze %dma_start3A_1039 : memref<1x8x64xf32, #tpu.memory_space<hbm>> -> memref<8x64xf32, #tpu.memory_space<hbm>>
      %dma_start3A_1041 = arith.constant 0 : i32
      %dma_start3A_1042 = arith.constant 0 : i32
      %dma_start3A_1043 = tpu.memref_slice %arg8[%dma_start3A_1032, %dma_start3A_1041, %dma_start3A_1042] : memref<32x8x64xf32, #tpu.memory_space<vmem>> -> memref<1x8x64xf32, #tpu.memory_space<vmem>>
      %dma_start3A_1044 = tpu.memref_squeeze %dma_start3A_1043 : memref<1x8x64xf32, #tpu.memory_space<vmem>> -> memref<8x64xf32, #tpu.memory_space<vmem>>
      %dma_start3A_1045 = arith.constant 0 : i32
      %dma_start3A_1046 = arith.constant 0 : i32
      %dma_start3A_1047 = tpu.memref_slice %arg3[%squeeze3A_1031, %dma_start3A_1045, %dma_start3A_1046] : memref<125000x8x64xf32, #tpu.memory_space<hbm>> -> memref<1x8x64xf32, #tpu.memory_space<hbm>>
      %dma_start3A_1048 = tpu.memref_squeeze %dma_start3A_1047 : memref<1x8x64xf32, #tpu.memory_space<hbm>> -> memref<8x64xf32, #tpu.memory_space<hbm>>
      tpu.enqueue_dma source(%dma_start3A_1048 : memref<8x64xf32, #tpu.memory_space<hbm>>) target(%dma_start3A_1044 : memref<8x64xf32, #tpu.memory_space<vmem>>) target_semaphore(%arg12 : memref<!tpu.dma_semaphore, #tpu.memory_space<semaphore_mem>>)
      %dma_start3A_1049 = arith.constant 28 : i32
      %dma_start3A_1050 = arith.constant 0 : i32
      %dma_start3A_1051 = arith.constant 0 : i32
      %dma_start3A_1052 = tpu.memref_slice %arg9[%dma_start3A_1049, %dma_start3A_1050, %dma_start3A_1051] : memref<32x8x16xf32, #tpu.memory_space<vmem>> -> memref<1x8x16xf32, #tpu.memory_space<vmem>>
      %dma_start3A_1053 = tpu.memref_squeeze %dma_start3A_1052 : memref<1x8x16xf32, #tpu.memory_space<vmem>> -> memref<8x16xf32, #tpu.memory_space<vmem>>
      %dma_start3A_1054 = arith.constant 0 : i32
      %dma_start3A_1055 = arith.constant 0 : i32
      %dma_start3A_1056 = tpu.memref_slice %arg4[%squeeze3A_1031, %dma_start3A_1054, %dma_start3A_1055] : memref<125000x8x16xf32, #tpu.memory_space<hbm>> -> memref<1x8x16xf32, #tpu.memory_space<hbm>>
      %dma_start3A_1057 = tpu.memref_squeeze %dma_start3A_1056 : memref<1x8x16xf32, #tpu.memory_space<hbm>> -> memref<8x16xf32, #tpu.memory_space<hbm>>
      %dma_start3A_1058 = arith.constant 0 : i32
      %dma_start3A_1059 = arith.constant 0 : i32
      %dma_start3A_1060 = tpu.memref_slice %arg9[%dma_start3A_1049, %dma_start3A_1058, %dma_start3A_1059] : memref<32x8x16xf32, #tpu.memory_space<vmem>> -> memref<1x8x16xf32, #tpu.memory_space<vmem>>
      %dma_start3A_1061 = tpu.memref_squeeze %dma_start3A_1060 : memref<1x8x16xf32, #tpu.memory_space<vmem>> -> memref<8x16xf32, #tpu.memory_space<vmem>>
      %dma_start3A_1062 = arith.constant 0 : i32
      %dma_start3A_1063 = arith.constant 0 : i32
      %dma_start3A_1064 = tpu.memref_slice %arg4[%squeeze3A_1031, %dma_start3A_1062, %dma_start3A_1063] : memref<125000x8x16xf32, #tpu.memory_space<hbm>> -> memref<1x8x16xf32, #tpu.memory_space<hbm>>
      %dma_start3A_1065 = tpu.memref_squeeze %dma_start3A_1064 : memref<1x8x16xf32, #tpu.memory_space<hbm>> -> memref<8x16xf32, #tpu.memory_space<hbm>>
      tpu.enqueue_dma source(%dma_start3A_1065 : memref<8x16xf32, #tpu.memory_space<hbm>>) target(%dma_start3A_1061 : memref<8x16xf32, #tpu.memory_space<vmem>>) target_semaphore(%arg13 : memref<!tpu.dma_semaphore, #tpu.memory_space<semaphore_mem>>)
      %slice3A_1066 = vector.extract_strided_slice %shift_right_logical3A_597 {offsets = [13], sizes = [1], strides = [1]} : vector<16xi32> to vector<1xi32>
      %squeeze3A_1067 = vector.extract %slice3A_1066[0] : i32 from vector<1xi32>
      %dma_start3A_1068 = arith.constant 29 : i32
      %dma_start3A_1069 = arith.constant 0 : i32
      %dma_start3A_1070 = arith.constant 0 : i32
      %dma_start3A_1071 = tpu.memref_slice %arg8[%dma_start3A_1068, %dma_start3A_1069, %dma_start3A_1070] : memref<32x8x64xf32, #tpu.memory_space<vmem>> -> memref<1x8x64xf32, #tpu.memory_space<vmem>>
      %dma_start3A_1072 = tpu.memref_squeeze %dma_start3A_1071 : memref<1x8x64xf32, #tpu.memory_space<vmem>> -> memref<8x64xf32, #tpu.memory_space<vmem>>
      %dma_start3A_1073 = arith.constant 0 : i32
      %dma_start3A_1074 = arith.constant 0 : i32
      %dma_start3A_1075 = tpu.memref_slice %arg3[%squeeze3A_1067, %dma_start3A_1073, %dma_start3A_1074] : memref<125000x8x64xf32, #tpu.memory_space<hbm>> -> memref<1x8x64xf32, #tpu.memory_space<hbm>>
      %dma_start3A_1076 = tpu.memref_squeeze %dma_start3A_1075 : memref<1x8x64xf32, #tpu.memory_space<hbm>> -> memref<8x64xf32, #tpu.memory_space<hbm>>
      %dma_start3A_1077 = arith.constant 0 : i32
      %dma_start3A_1078 = arith.constant 0 : i32
      %dma_start3A_1079 = tpu.memref_slice %arg8[%dma_start3A_1068, %dma_start3A_1077, %dma_start3A_1078] : memref<32x8x64xf32, #tpu.memory_space<vmem>> -> memref<1x8x64xf32, #tpu.memory_space<vmem>>
      %dma_start3A_1080 = tpu.memref_squeeze %dma_start3A_1079 : memref<1x8x64xf32, #tpu.memory_space<vmem>> -> memref<8x64xf32, #tpu.memory_space<vmem>>
      %dma_start3A_1081 = arith.constant 0 : i32
      %dma_start3A_1082 = arith.constant 0 : i32
      %dma_start3A_1083 = tpu.memref_slice %arg3[%squeeze3A_1067, %dma_start3A_1081, %dma_start3A_1082] : memref<125000x8x64xf32, #tpu.memory_space<hbm>> -> memref<1x8x64xf32, #tpu.memory_space<hbm>>
      %dma_start3A_1084 = tpu.memref_squeeze %dma_start3A_1083 : memref<1x8x64xf32, #tpu.memory_space<hbm>> -> memref<8x64xf32, #tpu.memory_space<hbm>>
      tpu.enqueue_dma source(%dma_start3A_1084 : memref<8x64xf32, #tpu.memory_space<hbm>>) target(%dma_start3A_1080 : memref<8x64xf32, #tpu.memory_space<vmem>>) target_semaphore(%arg12 : memref<!tpu.dma_semaphore, #tpu.memory_space<semaphore_mem>>)
      %dma_start3A_1085 = arith.constant 29 : i32
      %dma_start3A_1086 = arith.constant 0 : i32
      %dma_start3A_1087 = arith.constant 0 : i32
      %dma_start3A_1088 = tpu.memref_slice %arg9[%dma_start3A_1085, %dma_start3A_1086, %dma_start3A_1087] : memref<32x8x16xf32, #tpu.memory_space<vmem>> -> memref<1x8x16xf32, #tpu.memory_space<vmem>>
      %dma_start3A_1089 = tpu.memref_squeeze %dma_start3A_1088 : memref<1x8x16xf32, #tpu.memory_space<vmem>> -> memref<8x16xf32, #tpu.memory_space<vmem>>
      %dma_start3A_1090 = arith.constant 0 : i32
      %dma_start3A_1091 = arith.constant 0 : i32
      %dma_start3A_1092 = tpu.memref_slice %arg4[%squeeze3A_1067, %dma_start3A_1090, %dma_start3A_1091] : memref<125000x8x16xf32, #tpu.memory_space<hbm>> -> memref<1x8x16xf32, #tpu.memory_space<hbm>>
      %dma_start3A_1093 = tpu.memref_squeeze %dma_start3A_1092 : memref<1x8x16xf32, #tpu.memory_space<hbm>> -> memref<8x16xf32, #tpu.memory_space<hbm>>
      %dma_start3A_1094 = arith.constant 0 : i32
      %dma_start3A_1095 = arith.constant 0 : i32
      %dma_start3A_1096 = tpu.memref_slice %arg9[%dma_start3A_1085, %dma_start3A_1094, %dma_start3A_1095] : memref<32x8x16xf32, #tpu.memory_space<vmem>> -> memref<1x8x16xf32, #tpu.memory_space<vmem>>
      %dma_start3A_1097 = tpu.memref_squeeze %dma_start3A_1096 : memref<1x8x16xf32, #tpu.memory_space<vmem>> -> memref<8x16xf32, #tpu.memory_space<vmem>>
      %dma_start3A_1098 = arith.constant 0 : i32
      %dma_start3A_1099 = arith.constant 0 : i32
      %dma_start3A_1100 = tpu.memref_slice %arg4[%squeeze3A_1067, %dma_start3A_1098, %dma_start3A_1099] : memref<125000x8x16xf32, #tpu.memory_space<hbm>> -> memref<1x8x16xf32, #tpu.memory_space<hbm>>
      %dma_start3A_1101 = tpu.memref_squeeze %dma_start3A_1100 : memref<1x8x16xf32, #tpu.memory_space<hbm>> -> memref<8x16xf32, #tpu.memory_space<hbm>>
      tpu.enqueue_dma source(%dma_start3A_1101 : memref<8x16xf32, #tpu.memory_space<hbm>>) target(%dma_start3A_1097 : memref<8x16xf32, #tpu.memory_space<vmem>>) target_semaphore(%arg13 : memref<!tpu.dma_semaphore, #tpu.memory_space<semaphore_mem>>)
      %slice3A_1102 = vector.extract_strided_slice %shift_right_logical3A_597 {offsets = [14], sizes = [1], strides = [1]} : vector<16xi32> to vector<1xi32>
      %squeeze3A_1103 = vector.extract %slice3A_1102[0] : i32 from vector<1xi32>
      %dma_start3A_1104 = arith.constant 30 : i32
      %dma_start3A_1105 = arith.constant 0 : i32
      %dma_start3A_1106 = arith.constant 0 : i32
      %dma_start3A_1107 = tpu.memref_slice %arg8[%dma_start3A_1104, %dma_start3A_1105, %dma_start3A_1106] : memref<32x8x64xf32, #tpu.memory_space<vmem>> -> memref<1x8x64xf32, #tpu.memory_space<vmem>>
      %dma_start3A_1108 = tpu.memref_squeeze %dma_start3A_1107 : memref<1x8x64xf32, #tpu.memory_space<vmem>> -> memref<8x64xf32, #tpu.memory_space<vmem>>
      %dma_start3A_1109 = arith.constant 0 : i32
      %dma_start3A_1110 = arith.constant 0 : i32
      %dma_start3A_1111 = tpu.memref_slice %arg3[%squeeze3A_1103, %dma_start3A_1109, %dma_start3A_1110] : memref<125000x8x64xf32, #tpu.memory_space<hbm>> -> memref<1x8x64xf32, #tpu.memory_space<hbm>>
      %dma_start3A_1112 = tpu.memref_squeeze %dma_start3A_1111 : memref<1x8x64xf32, #tpu.memory_space<hbm>> -> memref<8x64xf32, #tpu.memory_space<hbm>>
      %dma_start3A_1113 = arith.constant 0 : i32
      %dma_start3A_1114 = arith.constant 0 : i32
      %dma_start3A_1115 = tpu.memref_slice %arg8[%dma_start3A_1104, %dma_start3A_1113, %dma_start3A_1114] : memref<32x8x64xf32, #tpu.memory_space<vmem>> -> memref<1x8x64xf32, #tpu.memory_space<vmem>>
      %dma_start3A_1116 = tpu.memref_squeeze %dma_start3A_1115 : memref<1x8x64xf32, #tpu.memory_space<vmem>> -> memref<8x64xf32, #tpu.memory_space<vmem>>
      %dma_start3A_1117 = arith.constant 0 : i32
      %dma_start3A_1118 = arith.constant 0 : i32
      %dma_start3A_1119 = tpu.memref_slice %arg3[%squeeze3A_1103, %dma_start3A_1117, %dma_start3A_1118] : memref<125000x8x64xf32, #tpu.memory_space<hbm>> -> memref<1x8x64xf32, #tpu.memory_space<hbm>>
      %dma_start3A_1120 = tpu.memref_squeeze %dma_start3A_1119 : memref<1x8x64xf32, #tpu.memory_space<hbm>> -> memref<8x64xf32, #tpu.memory_space<hbm>>
      tpu.enqueue_dma source(%dma_start3A_1120 : memref<8x64xf32, #tpu.memory_space<hbm>>) target(%dma_start3A_1116 : memref<8x64xf32, #tpu.memory_space<vmem>>) target_semaphore(%arg12 : memref<!tpu.dma_semaphore, #tpu.memory_space<semaphore_mem>>)
      %dma_start3A_1121 = arith.constant 30 : i32
      %dma_start3A_1122 = arith.constant 0 : i32
      %dma_start3A_1123 = arith.constant 0 : i32
      %dma_start3A_1124 = tpu.memref_slice %arg9[%dma_start3A_1121, %dma_start3A_1122, %dma_start3A_1123] : memref<32x8x16xf32, #tpu.memory_space<vmem>> -> memref<1x8x16xf32, #tpu.memory_space<vmem>>
      %dma_start3A_1125 = tpu.memref_squeeze %dma_start3A_1124 : memref<1x8x16xf32, #tpu.memory_space<vmem>> -> memref<8x16xf32, #tpu.memory_space<vmem>>
      %dma_start3A_1126 = arith.constant 0 : i32
      %dma_start3A_1127 = arith.constant 0 : i32
      %dma_start3A_1128 = tpu.memref_slice %arg4[%squeeze3A_1103, %dma_start3A_1126, %dma_start3A_1127] : memref<125000x8x16xf32, #tpu.memory_space<hbm>> -> memref<1x8x16xf32, #tpu.memory_space<hbm>>
      %dma_start3A_1129 = tpu.memref_squeeze %dma_start3A_1128 : memref<1x8x16xf32, #tpu.memory_space<hbm>> -> memref<8x16xf32, #tpu.memory_space<hbm>>
      %dma_start3A_1130 = arith.constant 0 : i32
      %dma_start3A_1131 = arith.constant 0 : i32
      %dma_start3A_1132 = tpu.memref_slice %arg9[%dma_start3A_1121, %dma_start3A_1130, %dma_start3A_1131] : memref<32x8x16xf32, #tpu.memory_space<vmem>> -> memref<1x8x16xf32, #tpu.memory_space<vmem>>
      %dma_start3A_1133 = tpu.memref_squeeze %dma_start3A_1132 : memref<1x8x16xf32, #tpu.memory_space<vmem>> -> memref<8x16xf32, #tpu.memory_space<vmem>>
      %dma_start3A_1134 = arith.constant 0 : i32
      %dma_start3A_1135 = arith.constant 0 : i32
      %dma_start3A_1136 = tpu.memref_slice %arg4[%squeeze3A_1103, %dma_start3A_1134, %dma_start3A_1135] : memref<125000x8x16xf32, #tpu.memory_space<hbm>> -> memref<1x8x16xf32, #tpu.memory_space<hbm>>
      %dma_start3A_1137 = tpu.memref_squeeze %dma_start3A_1136 : memref<1x8x16xf32, #tpu.memory_space<hbm>> -> memref<8x16xf32, #tpu.memory_space<hbm>>
      tpu.enqueue_dma source(%dma_start3A_1137 : memref<8x16xf32, #tpu.memory_space<hbm>>) target(%dma_start3A_1133 : memref<8x16xf32, #tpu.memory_space<vmem>>) target_semaphore(%arg13 : memref<!tpu.dma_semaphore, #tpu.memory_space<semaphore_mem>>)
      %slice3A_1138 = vector.extract_strided_slice %shift_right_logical3A_597 {offsets = [15], sizes = [1], strides = [1]} : vector<16xi32> to vector<1xi32>
      %squeeze3A_1139 = vector.extract %slice3A_1138[0] : i32 from vector<1xi32>
      %dma_start3A_1140 = arith.constant 31 : i32
      %dma_start3A_1141 = arith.constant 0 : i32
      %dma_start3A_1142 = arith.constant 0 : i32
      %dma_start3A_1143 = tpu.memref_slice %arg8[%dma_start3A_1140, %dma_start3A_1141, %dma_start3A_1142] : memref<32x8x64xf32, #tpu.memory_space<vmem>> -> memref<1x8x64xf32, #tpu.memory_space<vmem>>
      %dma_start3A_1144 = tpu.memref_squeeze %dma_start3A_1143 : memref<1x8x64xf32, #tpu.memory_space<vmem>> -> memref<8x64xf32, #tpu.memory_space<vmem>>
      %dma_start3A_1145 = arith.constant 0 : i32
      %dma_start3A_1146 = arith.constant 0 : i32
      %dma_start3A_1147 = tpu.memref_slice %arg3[%squeeze3A_1139, %dma_start3A_1145, %dma_start3A_1146] : memref<125000x8x64xf32, #tpu.memory_space<hbm>> -> memref<1x8x64xf32, #tpu.memory_space<hbm>>
      %dma_start3A_1148 = tpu.memref_squeeze %dma_start3A_1147 : memref<1x8x64xf32, #tpu.memory_space<hbm>> -> memref<8x64xf32, #tpu.memory_space<hbm>>
      %dma_start3A_1149 = arith.constant 0 : i32
      %dma_start3A_1150 = arith.constant 0 : i32
      %dma_start3A_1151 = tpu.memref_slice %arg8[%dma_start3A_1140, %dma_start3A_1149, %dma_start3A_1150] : memref<32x8x64xf32, #tpu.memory_space<vmem>> -> memref<1x8x64xf32, #tpu.memory_space<vmem>>
      %dma_start3A_1152 = tpu.memref_squeeze %dma_start3A_1151 : memref<1x8x64xf32, #tpu.memory_space<vmem>> -> memref<8x64xf32, #tpu.memory_space<vmem>>
      %dma_start3A_1153 = arith.constant 0 : i32
      %dma_start3A_1154 = arith.constant 0 : i32
      %dma_start3A_1155 = tpu.memref_slice %arg3[%squeeze3A_1139, %dma_start3A_1153, %dma_start3A_1154] : memref<125000x8x64xf32, #tpu.memory_space<hbm>> -> memref<1x8x64xf32, #tpu.memory_space<hbm>>
      %dma_start3A_1156 = tpu.memref_squeeze %dma_start3A_1155 : memref<1x8x64xf32, #tpu.memory_space<hbm>> -> memref<8x64xf32, #tpu.memory_space<hbm>>
      tpu.enqueue_dma source(%dma_start3A_1156 : memref<8x64xf32, #tpu.memory_space<hbm>>) target(%dma_start3A_1152 : memref<8x64xf32, #tpu.memory_space<vmem>>) target_semaphore(%arg12 : memref<!tpu.dma_semaphore, #tpu.memory_space<semaphore_mem>>)
      %dma_start3A_1157 = arith.constant 31 : i32
      %dma_start3A_1158 = arith.constant 0 : i32
      %dma_start3A_1159 = arith.constant 0 : i32
      %dma_start3A_1160 = tpu.memref_slice %arg9[%dma_start3A_1157, %dma_start3A_1158, %dma_start3A_1159] : memref<32x8x16xf32, #tpu.memory_space<vmem>> -> memref<1x8x16xf32, #tpu.memory_space<vmem>>
      %dma_start3A_1161 = tpu.memref_squeeze %dma_start3A_1160 : memref<1x8x16xf32, #tpu.memory_space<vmem>> -> memref<8x16xf32, #tpu.memory_space<vmem>>
      %dma_start3A_1162 = arith.constant 0 : i32
      %dma_start3A_1163 = arith.constant 0 : i32
      %dma_start3A_1164 = tpu.memref_slice %arg4[%squeeze3A_1139, %dma_start3A_1162, %dma_start3A_1163] : memref<125000x8x16xf32, #tpu.memory_space<hbm>> -> memref<1x8x16xf32, #tpu.memory_space<hbm>>
      %dma_start3A_1165 = tpu.memref_squeeze %dma_start3A_1164 : memref<1x8x16xf32, #tpu.memory_space<hbm>> -> memref<8x16xf32, #tpu.memory_space<hbm>>
      %dma_start3A_1166 = arith.constant 0 : i32
      %dma_start3A_1167 = arith.constant 0 : i32
      %dma_start3A_1168 = tpu.memref_slice %arg9[%dma_start3A_1157, %dma_start3A_1166, %dma_start3A_1167] : memref<32x8x16xf32, #tpu.memory_space<vmem>> -> memref<1x8x16xf32, #tpu.memory_space<vmem>>
      %dma_start3A_1169 = tpu.memref_squeeze %dma_start3A_1168 : memref<1x8x16xf32, #tpu.memory_space<vmem>> -> memref<8x16xf32, #tpu.memory_space<vmem>>
      %dma_start3A_1170 = arith.constant 0 : i32
      %dma_start3A_1171 = arith.constant 0 : i32
      %dma_start3A_1172 = tpu.memref_slice %arg4[%squeeze3A_1139, %dma_start3A_1170, %dma_start3A_1171] : memref<125000x8x16xf32, #tpu.memory_space<hbm>> -> memref<1x8x16xf32, #tpu.memory_space<hbm>>
      %dma_start3A_1173 = tpu.memref_squeeze %dma_start3A_1172 : memref<1x8x16xf32, #tpu.memory_space<hbm>> -> memref<8x16xf32, #tpu.memory_space<hbm>>
      tpu.enqueue_dma source(%dma_start3A_1173 : memref<8x16xf32, #tpu.memory_space<hbm>>) target(%dma_start3A_1169 : memref<8x16xf32, #tpu.memory_space<vmem>>) target_semaphore(%arg13 : memref<!tpu.dma_semaphore, #tpu.memory_space<semaphore_mem>>)
      %dma_wait3A = arith.constant 0 : i32
      %dma_wait3A_1174 = arith.constant 0 : i32
      %dma_wait3A_1175 = arith.constant 0 : i32
      %dma_wait3A_1176 = tpu.memref_slice %arg3[%dma_wait3A, %dma_wait3A_1174, %dma_wait3A_1175] : memref<125000x8x64xf32, #tpu.memory_space<hbm>> -> memref<32x8x64xf32, #tpu.memory_space<hbm>>
      %dma_wait3A_1177 = arith.constant 0 : i32
      %dma_wait3A_1178 = arith.constant 0 : i32
      %dma_wait3A_1179 = arith.constant 0 : i32
      %dma_wait3A_1180 = tpu.memref_slice %arg3[%dma_wait3A_1177, %dma_wait3A_1178, %dma_wait3A_1179] : memref<125000x8x64xf32, #tpu.memory_space<hbm>> -> memref<32x8x64xf32, #tpu.memory_space<hbm>>
      tpu.wait_dma2 semaphore(%arg12 : memref<!tpu.dma_semaphore, #tpu.memory_space<semaphore_mem>>) src(%dma_wait3A_1180 : memref<32x8x64xf32, #tpu.memory_space<hbm>>) dst(%arg8 : memref<32x8x64xf32, #tpu.memory_space<vmem>>)
      %dma_wait3A_1181 = arith.constant 0 : i32
      %dma_wait3A_1182 = arith.constant 0 : i32
      %dma_wait3A_1183 = arith.constant 0 : i32
      %dma_wait3A_1184 = tpu.memref_slice %arg4[%dma_wait3A_1181, %dma_wait3A_1182, %dma_wait3A_1183] : memref<125000x8x16xf32, #tpu.memory_space<hbm>> -> memref<32x8x16xf32, #tpu.memory_space<hbm>>
      %dma_wait3A_1185 = arith.constant 0 : i32
      %dma_wait3A_1186 = arith.constant 0 : i32
      %dma_wait3A_1187 = arith.constant 0 : i32
      %dma_wait3A_1188 = tpu.memref_slice %arg4[%dma_wait3A_1185, %dma_wait3A_1186, %dma_wait3A_1187] : memref<125000x8x16xf32, #tpu.memory_space<hbm>> -> memref<32x8x16xf32, #tpu.memory_space<hbm>>
      tpu.wait_dma2 semaphore(%arg13 : memref<!tpu.dma_semaphore, #tpu.memory_space<semaphore_mem>>) src(%dma_wait3A_1188 : memref<32x8x16xf32, #tpu.memory_space<hbm>>) dst(%arg9 : memref<32x8x16xf32, #tpu.memory_space<vmem>>)
      %add3A_1189 = arith.constant 0 : i32
      %add3A_1190 = arith.addi %mul3A_10, %add3A_1189 : i32
      %get3A_1191 = arith.index_cast %add3A_1190 : i32 to index
      %get3A_1192 = tpu.vector_load %arg7[%get3A_1191] {strides = array<i32>} : memref<512xi32, #tpu.memory_space<vmem>>, vector<16xi32>,
      %get3A_1193 = vector.shape_cast %get3A_1192 : vector<16xi32> to vector<16xi32>
      %and3A = arith.constant 7 : i32
      %and3A_1194 = vector.broadcast %and3A : i32 to vector<16xi32>
      %and3A_1195 = arith.andi %get3A_1193, %and3A_1194 : vector<16xi32>
      %slice3A_1196 = vector.extract_strided_slice %and3A_1195 {offsets = [0], sizes = [1], strides = [1]} : vector<16xi32> to vector<1xi32>
      %squeeze3A_1197 = vector.extract %slice3A_1196[0] : i32 from vector<1xi32>
      %get3A_1198 = arith.constant 0 : i32
      %get3A_1199 = arith.index_cast %get3A_1198 : i32 to index
      %get3A_1200 = arith.index_cast %squeeze3A_1197 : i32 to index
      %get3A_1201 = arith.constant 0 : index
      %get3A_1202 = tpu.vector_load %arg8[%get3A_1199, %get3A_1200, %get3A_1201] {strides = array<i32>} : memref<32x8x64xf32, #tpu.memory_space<vmem>>, vector<1x1x16xf32>,
      %get3A_1203 = vector.shape_cast %get3A_1202 : vector<1x1x16xf32> to vector<16xf32>
      %swap3A = arith.constant 0 : i32
      %swap3A_1204 = arith.index_cast %swap3A : i32 to index
      %swap3A_1205 = arith.constant 0 : index
      %swap3A_1206 = tpu.vector_load %arg10[%swap3A_1204, %swap3A_1205] {strides = array<i32>} : memref<32x64xf32, #tpu.memory_space<vmem>>, vector<1x16xf32>,
      %swap3A_1207 = vector.shape_cast %swap3A_1206 : vector<1x16xf32> to vector<16xf32>
      %swap3A_1208 = vector.shape_cast %get3A_1203 : vector<16xf32> to vector<1x16xf32>
      tpu.vector_store %arg10[%swap3A_1204, %swap3A_1205], %swap3A_1208 {strides = array<i32>} : memref<32x64xf32, #tpu.memory_space<vmem>>, vector<1x16xf32>,
      %get3A_1209 = arith.constant 0 : i32
      %get3A_1210 = arith.index_cast %get3A_1209 : i32 to index
      %get3A_1211 = arith.index_cast %squeeze3A_1197 : i32 to index
      %get3A_1212 = arith.constant 16 : index
      %get3A_1213 = tpu.vector_load %arg8[%get3A_1210, %get3A_1211, %get3A_1212] {strides = array<i32>} : memref<32x8x64xf32, #tpu.memory_space<vmem>>, vector<1x1x16xf32>,
      %get3A_1214 = vector.shape_cast %get3A_1213 : vector<1x1x16xf32> to vector<16xf32>
      %swap3A_1215 = arith.constant 0 : i32
      %swap3A_1216 = arith.index_cast %swap3A_1215 : i32 to index
      %swap3A_1217 = arith.constant 16 : index
      %swap3A_1218 = tpu.vector_load %arg10[%swap3A_1216, %swap3A_1217] {strides = array<i32>} : memref<32x64xf32, #tpu.memory_space<vmem>>, vector<1x16xf32>,
      %swap3A_1219 = vector.shape_cast %swap3A_1218 : vector<1x16xf32> to vector<16xf32>
      %swap3A_1220 = vector.shape_cast %get3A_1214 : vector<16xf32> to vector<1x16xf32>
      tpu.vector_store %arg10[%swap3A_1216, %swap3A_1217], %swap3A_1220 {strides = array<i32>} : memref<32x64xf32, #tpu.memory_space<vmem>>, vector<1x16xf32>,
      %get3A_1221 = arith.constant 0 : i32
      %get3A_1222 = arith.index_cast %get3A_1221 : i32 to index
      %get3A_1223 = arith.index_cast %squeeze3A_1197 : i32 to index
      %get3A_1224 = arith.constant 32 : index
      %get3A_1225 = tpu.vector_load %arg8[%get3A_1222, %get3A_1223, %get3A_1224] {strides = array<i32>} : memref<32x8x64xf32, #tpu.memory_space<vmem>>, vector<1x1x16xf32>,
      %get3A_1226 = vector.shape_cast %get3A_1225 : vector<1x1x16xf32> to vector<16xf32>
      %swap3A_1227 = arith.constant 0 : i32
      %swap3A_1228 = arith.index_cast %swap3A_1227 : i32 to index
      %swap3A_1229 = arith.constant 32 : index
      %swap3A_1230 = tpu.vector_load %arg10[%swap3A_1228, %swap3A_1229] {strides = array<i32>} : memref<32x64xf32, #tpu.memory_space<vmem>>, vector<1x16xf32>,
      %swap3A_1231 = vector.shape_cast %swap3A_1230 : vector<1x16xf32> to vector<16xf32>
      %swap3A_1232 = vector.shape_cast %get3A_1226 : vector<16xf32> to vector<1x16xf32>
      tpu.vector_store %arg10[%swap3A_1228, %swap3A_1229], %swap3A_1232 {strides = array<i32>} : memref<32x64xf32, #tpu.memory_space<vmem>>, vector<1x16xf32>,
      %get3A_1233 = arith.constant 0 : i32
      %get3A_1234 = arith.index_cast %get3A_1233 : i32 to index
      %get3A_1235 = arith.index_cast %squeeze3A_1197 : i32 to index
      %get3A_1236 = arith.constant 48 : index
      %get3A_1237 = tpu.vector_load %arg8[%get3A_1234, %get3A_1235, %get3A_1236] {strides = array<i32>} : memref<32x8x64xf32, #tpu.memory_space<vmem>>, vector<1x1x16xf32>,
      %get3A_1238 = vector.shape_cast %get3A_1237 : vector<1x1x16xf32> to vector<16xf32>
      %swap3A_1239 = arith.constant 0 : i32
      %swap3A_1240 = arith.index_cast %swap3A_1239 : i32 to index
      %swap3A_1241 = arith.constant 48 : index
      %swap3A_1242 = tpu.vector_load %arg10[%swap3A_1240, %swap3A_1241] {strides = array<i32>} : memref<32x64xf32, #tpu.memory_space<vmem>>, vector<1x16xf32>,
      %swap3A_1243 = vector.shape_cast %swap3A_1242 : vector<1x16xf32> to vector<16xf32>
      %swap3A_1244 = vector.shape_cast %get3A_1238 : vector<16xf32> to vector<1x16xf32>
      tpu.vector_store %arg10[%swap3A_1240, %swap3A_1241], %swap3A_1244 {strides = array<i32>} : memref<32x64xf32, #tpu.memory_space<vmem>>, vector<1x16xf32>,
      %get3A_1245 = arith.constant 0 : i32
      %get3A_1246 = arith.index_cast %get3A_1245 : i32 to index
      %get3A_1247 = arith.index_cast %squeeze3A_1197 : i32 to index
      %get3A_1248 = arith.constant 0 : index
      %get3A_1249 = tpu.vector_load %arg9[%get3A_1246, %get3A_1247, %get3A_1248] {strides = array<i32>} : memref<32x8x16xf32, #tpu.memory_space<vmem>>, vector<1x1x16xf32>,
      %get3A_1250 = vector.shape_cast %get3A_1249 : vector<1x1x16xf32> to vector<16xf32>
      %swap3A_1251 = arith.constant 0 : i32
      %swap3A_1252 = arith.index_cast %swap3A_1251 : i32 to index
      %swap3A_1253 = arith.constant 0 : index
      %swap3A_1254 = tpu.vector_load %arg11[%swap3A_1252, %swap3A_1253] {strides = array<i32>} : memref<32x16xf32, #tpu.memory_space<vmem>>, vector<1x16xf32>,
      %swap3A_1255 = vector.shape_cast %swap3A_1254 : vector<1x16xf32> to vector<16xf32>
      %swap3A_1256 = vector.shape_cast %get3A_1250 : vector<16xf32> to vector<1x16xf32>
      tpu.vector_store %arg11[%swap3A_1252, %swap3A_1253], %swap3A_1256 {strides = array<i32>} : memref<32x16xf32, #tpu.memory_space<vmem>>, vector<1x16xf32>,
      %slice3A_1257 = vector.extract_strided_slice %and3A_1195 {offsets = [1], sizes = [1], strides = [1]} : vector<16xi32> to vector<1xi32>
      %squeeze3A_1258 = vector.extract %slice3A_1257[0] : i32 from vector<1xi32>
      %get3A_1259 = arith.constant 1 : i32
      %get3A_1260 = arith.index_cast %get3A_1259 : i32 to index
      %get3A_1261 = arith.index_cast %squeeze3A_1258 : i32 to index
      %get3A_1262 = arith.constant 0 : index
      %get3A_1263 = tpu.vector_load %arg8[%get3A_1260, %get3A_1261, %get3A_1262] {strides = array<i32>} : memref<32x8x64xf32, #tpu.memory_space<vmem>>, vector<1x1x16xf32>,
      %get3A_1264 = vector.shape_cast %get3A_1263 : vector<1x1x16xf32> to vector<16xf32>
      %swap3A_1265 = arith.constant 1 : i32
      %swap3A_1266 = arith.index_cast %swap3A_1265 : i32 to index
      %swap3A_1267 = arith.constant 0 : index
      %swap3A_1268 = tpu.vector_load %arg10[%swap3A_1266, %swap3A_1267] {strides = array<i32>} : memref<32x64xf32, #tpu.memory_space<vmem>>, vector<1x16xf32>,
      %swap3A_1269 = vector.shape_cast %swap3A_1268 : vector<1x16xf32> to vector<16xf32>
      %swap3A_1270 = vector.shape_cast %get3A_1264 : vector<16xf32> to vector<1x16xf32>
      tpu.vector_store %arg10[%swap3A_1266, %swap3A_1267], %swap3A_1270 {strides = array<i32>} : memref<32x64xf32, #tpu.memory_space<vmem>>, vector<1x16xf32>,
      %get3A_1271 = arith.constant 1 : i32
      %get3A_1272 = arith.index_cast %get3A_1271 : i32 to index
      %get3A_1273 = arith.index_cast %squeeze3A_1258 : i32 to index
      %get3A_1274 = arith.constant 16 : index
      %get3A_1275 = tpu.vector_load %arg8[%get3A_1272, %get3A_1273, %get3A_1274] {strides = array<i32>} : memref<32x8x64xf32, #tpu.memory_space<vmem>>, vector<1x1x16xf32>,
      %get3A_1276 = vector.shape_cast %get3A_1275 : vector<1x1x16xf32> to vector<16xf32>
      %swap3A_1277 = arith.constant 1 : i32
      %swap3A_1278 = arith.index_cast %swap3A_1277 : i32 to index
      %swap3A_1279 = arith.constant 16 : index
      %swap3A_1280 = tpu.vector_load %arg10[%swap3A_1278, %swap3A_1279] {strides = array<i32>} : memref<32x64xf32, #tpu.memory_space<vmem>>, vector<1x16xf32>,
      %swap3A_1281 = vector.shape_cast %swap3A_1280 : vector<1x16xf32> to vector<16xf32>
      %swap3A_1282 = vector.shape_cast %get3A_1276 : vector<16xf32> to vector<1x16xf32>
      tpu.vector_store %arg10[%swap3A_1278, %swap3A_1279], %swap3A_1282 {strides = array<i32>} : memref<32x64xf32, #tpu.memory_space<vmem>>, vector<1x16xf32>,
      %get3A_1283 = arith.constant 1 : i32
      %get3A_1284 = arith.index_cast %get3A_1283 : i32 to index
      %get3A_1285 = arith.index_cast %squeeze3A_1258 : i32 to index
      %get3A_1286 = arith.constant 32 : index
      %get3A_1287 = tpu.vector_load %arg8[%get3A_1284, %get3A_1285, %get3A_1286] {strides = array<i32>} : memref<32x8x64xf32, #tpu.memory_space<vmem>>, vector<1x1x16xf32>,
      %get3A_1288 = vector.shape_cast %get3A_1287 : vector<1x1x16xf32> to vector<16xf32>
      %swap3A_1289 = arith.constant 1 : i32
      %swap3A_1290 = arith.index_cast %swap3A_1289 : i32 to index
      %swap3A_1291 = arith.constant 32 : index
      %swap3A_1292 = tpu.vector_load %arg10[%swap3A_1290, %swap3A_1291] {strides = array<i32>} : memref<32x64xf32, #tpu.memory_space<vmem>>, vector<1x16xf32>,
      %swap3A_1293 = vector.shape_cast %swap3A_1292 : vector<1x16xf32> to vector<16xf32>
      %swap3A_1294 = vector.shape_cast %get3A_1288 : vector<16xf32> to vector<1x16xf32>
      tpu.vector_store %arg10[%swap3A_1290, %swap3A_1291], %swap3A_1294 {strides = array<i32>} : memref<32x64xf32, #tpu.memory_space<vmem>>, vector<1x16xf32>,
      %get3A_1295 = arith.constant 1 : i32
      %get3A_1296 = arith.index_cast %get3A_1295 : i32 to index
      %get3A_1297 = arith.index_cast %squeeze3A_1258 : i32 to index
      %get3A_1298 = arith.constant 48 : index
      %get3A_1299 = tpu.vector_load %arg8[%get3A_1296, %get3A_1297, %get3A_1298] {strides = array<i32>} : memref<32x8x64xf32, #tpu.memory_space<vmem>>, vector<1x1x16xf32>,
      %get3A_1300 = vector.shape_cast %get3A_1299 : vector<1x1x16xf32> to vector<16xf32>
      %swap3A_1301 = arith.constant 1 : i32
      %swap3A_1302 = arith.index_cast %swap3A_1301 : i32 to index
      %swap3A_1303 = arith.constant 48 : index
      %swap3A_1304 = tpu.vector_load %arg10[%swap3A_1302, %swap3A_1303] {strides = array<i32>} : memref<32x64xf32, #tpu.memory_space<vmem>>, vector<1x16xf32>,
      %swap3A_1305 = vector.shape_cast %swap3A_1304 : vector<1x16xf32> to vector<16xf32>
      %swap3A_1306 = vector.shape_cast %get3A_1300 : vector<16xf32> to vector<1x16xf32>
      tpu.vector_store %arg10[%swap3A_1302, %swap3A_1303], %swap3A_1306 {strides = array<i32>} : memref<32x64xf32, #tpu.memory_space<vmem>>, vector<1x16xf32>,
      %get3A_1307 = arith.constant 1 : i32
      %get3A_1308 = arith.index_cast %get3A_1307 : i32 to index
      %get3A_1309 = arith.index_cast %squeeze3A_1258 : i32 to index
      %get3A_1310 = arith.constant 0 : index
      %get3A_1311 = tpu.vector_load %arg9[%get3A_1308, %get3A_1309, %get3A_1310] {strides = array<i32>} : memref<32x8x16xf32, #tpu.memory_space<vmem>>, vector<1x1x16xf32>,
      %get3A_1312 = vector.shape_cast %get3A_1311 : vector<1x1x16xf32> to vector<16xf32>
      %swap3A_1313 = arith.constant 1 : i32
      %swap3A_1314 = arith.index_cast %swap3A_1313 : i32 to index
      %swap3A_1315 = arith.constant 0 : index
      %swap3A_1316 = tpu.vector_load %arg11[%swap3A_1314, %swap3A_1315] {strides = array<i32>} : memref<32x16xf32, #tpu.memory_space<vmem>>, vector<1x16xf32>,
      %swap3A_1317 = vector.shape_cast %swap3A_1316 : vector<1x16xf32> to vector<16xf32>
      %swap3A_1318 = vector.shape_cast %get3A_1312 : vector<16xf32> to vector<1x16xf32>
      tpu.vector_store %arg11[%swap3A_1314, %swap3A_1315], %swap3A_1318 {strides = array<i32>} : memref<32x16xf32, #tpu.memory_space<vmem>>, vector<1x16xf32>,
      %slice3A_1319 = vector.extract_strided_slice %and3A_1195 {offsets = [2], sizes = [1], strides = [1]} : vector<16xi32> to vector<1xi32>
      %squeeze3A_1320 = vector.extract %slice3A_1319[0] : i32 from vector<1xi32>
      %get3A_1321 = arith.constant 2 : i32
      %get3A_1322 = arith.index_cast %get3A_1321 : i32 to index
      %get3A_1323 = arith.index_cast %squeeze3A_1320 : i32 to index
      %get3A_1324 = arith.constant 0 : index
      %get3A_1325 = tpu.vector_load %arg8[%get3A_1322, %get3A_1323, %get3A_1324] {strides = array<i32>} : memref<32x8x64xf32, #tpu.memory_space<vmem>>, vector<1x1x16xf32>,
      %get3A_1326 = vector.shape_cast %get3A_1325 : vector<1x1x16xf32> to vector<16xf32>
      %swap3A_1327 = arith.constant 2 : i32
      %swap3A_1328 = arith.index_cast %swap3A_1327 : i32 to index
      %swap3A_1329 = arith.constant 0 : index
      %swap3A_1330 = tpu.vector_load %arg10[%swap3A_1328, %swap3A_1329] {strides = array<i32>} : memref<32x64xf32, #tpu.memory_space<vmem>>, vector<1x16xf32>,
      %swap3A_1331 = vector.shape_cast %swap3A_1330 : vector<1x16xf32> to vector<16xf32>
      %swap3A_1332 = vector.shape_cast %get3A_1326 : vector<16xf32> to vector<1x16xf32>
      tpu.vector_store %arg10[%swap3A_1328, %swap3A_1329], %swap3A_1332 {strides = array<i32>} : memref<32x64xf32, #tpu.memory_space<vmem>>, vector<1x16xf32>,
      %get3A_1333 = arith.constant 2 : i32
      %get3A_1334 = arith.index_cast %get3A_1333 : i32 to index
      %get3A_1335 = arith.index_cast %squeeze3A_1320 : i32 to index
      %get3A_1336 = arith.constant 16 : index
      %get3A_1337 = tpu.vector_load %arg8[%get3A_1334, %get3A_1335, %get3A_1336] {strides = array<i32>} : memref<32x8x64xf32, #tpu.memory_space<vmem>>, vector<1x1x16xf32>,
      %get3A_1338 = vector.shape_cast %get3A_1337 : vector<1x1x16xf32> to vector<16xf32>
      %swap3A_1339 = arith.constant 2 : i32
      %swap3A_1340 = arith.index_cast %swap3A_1339 : i32 to index
      %swap3A_1341 = arith.constant 16 : index
      %swap3A_1342 = tpu.vector_load %arg10[%swap3A_1340, %swap3A_1341] {strides = array<i32>} : memref<32x64xf32, #tpu.memory_space<vmem>>, vector<1x16xf32>,
      %swap3A_1343 = vector.shape_cast %swap3A_1342 : vector<1x16xf32> to vector<16xf32>
      %swap3A_1344 = vector.shape_cast %get3A_1338 : vector<16xf32> to vector<1x16xf32>
      tpu.vector_store %arg10[%swap3A_1340, %swap3A_1341], %swap3A_1344 {strides = array<i32>} : memref<32x64xf32, #tpu.memory_space<vmem>>, vector<1x16xf32>,
      %get3A_1345 = arith.constant 2 : i32
      %get3A_1346 = arith.index_cast %get3A_1345 : i32 to index
      %get3A_1347 = arith.index_cast %squeeze3A_1320 : i32 to index
      %get3A_1348 = arith.constant 32 : index
      %get3A_1349 = tpu.vector_load %arg8[%get3A_1346, %get3A_1347, %get3A_1348] {strides = array<i32>} : memref<32x8x64xf32, #tpu.memory_space<vmem>>, vector<1x1x16xf32>,
      %get3A_1350 = vector.shape_cast %get3A_1349 : vector<1x1x16xf32> to vector<16xf32>
      %swap3A_1351 = arith.constant 2 : i32
      %swap3A_1352 = arith.index_cast %swap3A_1351 : i32 to index
      %swap3A_1353 = arith.constant 32 : index
      %swap3A_1354 = tpu.vector_load %arg10[%swap3A_1352, %swap3A_1353] {strides = array<i32>} : memref<32x64xf32, #tpu.memory_space<vmem>>, vector<1x16xf32>,
      %swap3A_1355 = vector.shape_cast %swap3A_1354 : vector<1x16xf32> to vector<16xf32>
      %swap3A_1356 = vector.shape_cast %get3A_1350 : vector<16xf32> to vector<1x16xf32>
      tpu.vector_store %arg10[%swap3A_1352, %swap3A_1353], %swap3A_1356 {strides = array<i32>} : memref<32x64xf32, #tpu.memory_space<vmem>>, vector<1x16xf32>,
      %get3A_1357 = arith.constant 2 : i32
      %get3A_1358 = arith.index_cast %get3A_1357 : i32 to index
      %get3A_1359 = arith.index_cast %squeeze3A_1320 : i32 to index
      %get3A_1360 = arith.constant 48 : index
      %get3A_1361 = tpu.vector_load %arg8[%get3A_1358, %get3A_1359, %get3A_1360] {strides = array<i32>} : memref<32x8x64xf32, #tpu.memory_space<vmem>>, vector<1x1x16xf32>,
      %get3A_1362 = vector.shape_cast %get3A_1361 : vector<1x1x16xf32> to vector<16xf32>
      %swap3A_1363 = arith.constant 2 : i32
      %swap3A_1364 = arith.index_cast %swap3A_1363 : i32 to index
      %swap3A_1365 = arith.constant 48 : index
      %swap3A_1366 = tpu.vector_load %arg10[%swap3A_1364, %swap3A_1365] {strides = array<i32>} : memref<32x64xf32, #tpu.memory_space<vmem>>, vector<1x16xf32>,
      %swap3A_1367 = vector.shape_cast %swap3A_1366 : vector<1x16xf32> to vector<16xf32>
      %swap3A_1368 = vector.shape_cast %get3A_1362 : vector<16xf32> to vector<1x16xf32>
      tpu.vector_store %arg10[%swap3A_1364, %swap3A_1365], %swap3A_1368 {strides = array<i32>} : memref<32x64xf32, #tpu.memory_space<vmem>>, vector<1x16xf32>,
      %get3A_1369 = arith.constant 2 : i32
      %get3A_1370 = arith.index_cast %get3A_1369 : i32 to index
      %get3A_1371 = arith.index_cast %squeeze3A_1320 : i32 to index
      %get3A_1372 = arith.constant 0 : index
      %get3A_1373 = tpu.vector_load %arg9[%get3A_1370, %get3A_1371, %get3A_1372] {strides = array<i32>} : memref<32x8x16xf32, #tpu.memory_space<vmem>>, vector<1x1x16xf32>,
      %get3A_1374 = vector.shape_cast %get3A_1373 : vector<1x1x16xf32> to vector<16xf32>
      %swap3A_1375 = arith.constant 2 : i32
      %swap3A_1376 = arith.index_cast %swap3A_1375 : i32 to index
      %swap3A_1377 = arith.constant 0 : index
      %swap3A_1378 = tpu.vector_load %arg11[%swap3A_1376, %swap3A_1377] {strides = array<i32>} : memref<32x16xf32, #tpu.memory_space<vmem>>, vector<1x16xf32>,
      %swap3A_1379 = vector.shape_cast %swap3A_1378 : vector<1x16xf32> to vector<16xf32>
      %swap3A_1380 = vector.shape_cast %get3A_1374 : vector<16xf32> to vector<1x16xf32>
      tpu.vector_store %arg11[%swap3A_1376, %swap3A_1377], %swap3A_1380 {strides = array<i32>} : memref<32x16xf32, #tpu.memory_space<vmem>>, vector<1x16xf32>,
      %slice3A_1381 = vector.extract_strided_slice %and3A_1195 {offsets = [3], sizes = [1], strides = [1]} : vector<16xi32> to vector<1xi32>
      %squeeze3A_1382 = vector.extract %slice3A_1381[0] : i32 from vector<1xi32>
      %get3A_1383 = arith.constant 3 : i32
      %get3A_1384 = arith.index_cast %get3A_1383 : i32 to index
      %get3A_1385 = arith.index_cast %squeeze3A_1382 : i32 to index
      %get3A_1386 = arith.constant 0 : index
      %get3A_1387 = tpu.vector_load %arg8[%get3A_1384, %get3A_1385, %get3A_1386] {strides = array<i32>} : memref<32x8x64xf32, #tpu.memory_space<vmem>>, vector<1x1x16xf32>,
      %get3A_1388 = vector.shape_cast %get3A_1387 : vector<1x1x16xf32> to vector<16xf32>
      %swap3A_1389 = arith.constant 3 : i32
      %swap3A_1390 = arith.index_cast %swap3A_1389 : i32 to index
      %swap3A_1391 = arith.constant 0 : index
      %swap3A_1392 = tpu.vector_load %arg10[%swap3A_1390, %swap3A_1391] {strides = array<i32>} : memref<32x64xf32, #tpu.memory_space<vmem>>, vector<1x16xf32>,
      %swap3A_1393 = vector.shape_cast %swap3A_1392 : vector<1x16xf32> to vector<16xf32>
      %swap3A_1394 = vector.shape_cast %get3A_1388 : vector<16xf32> to vector<1x16xf32>
      tpu.vector_store %arg10[%swap3A_1390, %swap3A_1391], %swap3A_1394 {strides = array<i32>} : memref<32x64xf32, #tpu.memory_space<vmem>>, vector<1x16xf32>,
      %get3A_1395 = arith.constant 3 : i32
      %get3A_1396 = arith.index_cast %get3A_1395 : i32 to index
      %get3A_1397 = arith.index_cast %squeeze3A_1382 : i32 to index
      %get3A_1398 = arith.constant 16 : index
      %get3A_1399 = tpu.vector_load %arg8[%get3A_1396, %get3A_1397, %get3A_1398] {strides = array<i32>} : memref<32x8x64xf32, #tpu.memory_space<vmem>>, vector<1x1x16xf32>,
      %get3A_1400 = vector.shape_cast %get3A_1399 : vector<1x1x16xf32> to vector<16xf32>
      %swap3A_1401 = arith.constant 3 : i32
      %swap3A_1402 = arith.index_cast %swap3A_1401 : i32 to index
      %swap3A_1403 = arith.constant 16 : index
      %swap3A_1404 = tpu.vector_load %arg10[%swap3A_1402, %swap3A_1403] {strides = array<i32>} : memref<32x64xf32, #tpu.memory_space<vmem>>, vector<1x16xf32>,
      %swap3A_1405 = vector.shape_cast %swap3A_1404 : vector<1x16xf32> to vector<16xf32>
      %swap3A_1406 = vector.shape_cast %get3A_1400 : vector<16xf32> to vector<1x16xf32>
      tpu.vector_store %arg10[%swap3A_1402, %swap3A_1403], %swap3A_1406 {strides = array<i32>} : memref<32x64xf32, #tpu.memory_space<vmem>>, vector<1x16xf32>,
      %get3A_1407 = arith.constant 3 : i32
      %get3A_1408 = arith.index_cast %get3A_1407 : i32 to index
      %get3A_1409 = arith.index_cast %squeeze3A_1382 : i32 to index
      %get3A_1410 = arith.constant 32 : index
      %get3A_1411 = tpu.vector_load %arg8[%get3A_1408, %get3A_1409, %get3A_1410] {strides = array<i32>} : memref<32x8x64xf32, #tpu.memory_space<vmem>>, vector<1x1x16xf32>,
      %get3A_1412 = vector.shape_cast %get3A_1411 : vector<1x1x16xf32> to vector<16xf32>
      %swap3A_1413 = arith.constant 3 : i32
      %swap3A_1414 = arith.index_cast %swap3A_1413 : i32 to index
      %swap3A_1415 = arith.constant 32 : index
      %swap3A_1416 = tpu.vector_load %arg10[%swap3A_1414, %swap3A_1415] {strides = array<i32>} : memref<32x64xf32, #tpu.memory_space<vmem>>, vector<1x16xf32>,
      %swap3A_1417 = vector.shape_cast %swap3A_1416 : vector<1x16xf32> to vector<16xf32>
      %swap3A_1418 = vector.shape_cast %get3A_1412 : vector<16xf32> to vector<1x16xf32>
      tpu.vector_store %arg10[%swap3A_1414, %swap3A_1415], %swap3A_1418 {strides = array<i32>} : memref<32x64xf32, #tpu.memory_space<vmem>>, vector<1x16xf32>,
      %get3A_1419 = arith.constant 3 : i32
      %get3A_1420 = arith.index_cast %get3A_1419 : i32 to index
      %get3A_1421 = arith.index_cast %squeeze3A_1382 : i32 to index
      %get3A_1422 = arith.constant 48 : index
      %get3A_1423 = tpu.vector_load %arg8[%get3A_1420, %get3A_1421, %get3A_1422] {strides = array<i32>} : memref<32x8x64xf32, #tpu.memory_space<vmem>>, vector<1x1x16xf32>,
      %get3A_1424 = vector.shape_cast %get3A_1423 : vector<1x1x16xf32> to vector<16xf32>
      %swap3A_1425 = arith.constant 3 : i32
      %swap3A_1426 = arith.index_cast %swap3A_1425 : i32 to index
      %swap3A_1427 = arith.constant 48 : index
      %swap3A_1428 = tpu.vector_load %arg10[%swap3A_1426, %swap3A_1427] {strides = array<i32>} : memref<32x64xf32, #tpu.memory_space<vmem>>, vector<1x16xf32>,
      %swap3A_1429 = vector.shape_cast %swap3A_1428 : vector<1x16xf32> to vector<16xf32>
      %swap3A_1430 = vector.shape_cast %get3A_1424 : vector<16xf32> to vector<1x16xf32>
      tpu.vector_store %arg10[%swap3A_1426, %swap3A_1427], %swap3A_1430 {strides = array<i32>} : memref<32x64xf32, #tpu.memory_space<vmem>>, vector<1x16xf32>,
      %get3A_1431 = arith.constant 3 : i32
      %get3A_1432 = arith.index_cast %get3A_1431 : i32 to index
      %get3A_1433 = arith.index_cast %squeeze3A_1382 : i32 to index
      %get3A_1434 = arith.constant 0 : index
      %get3A_1435 = tpu.vector_load %arg9[%get3A_1432, %get3A_1433, %get3A_1434] {strides = array<i32>} : memref<32x8x16xf32, #tpu.memory_space<vmem>>, vector<1x1x16xf32>,
      %get3A_1436 = vector.shape_cast %get3A_1435 : vector<1x1x16xf32> to vector<16xf32>
      %swap3A_1437 = arith.constant 3 : i32
      %swap3A_1438 = arith.index_cast %swap3A_1437 : i32 to index
      %swap3A_1439 = arith.constant 0 : index
      %swap3A_1440 = tpu.vector_load %arg11[%swap3A_1438, %swap3A_1439] {strides = array<i32>} : memref<32x16xf32, #tpu.memory_space<vmem>>, vector<1x16xf32>,
      %swap3A_1441 = vector.shape_cast %swap3A_1440 : vector<1x16xf32> to vector<16xf32>
      %swap3A_1442 = vector.shape_cast %get3A_1436 : vector<16xf32> to vector<1x16xf32>
      tpu.vector_store %arg11[%swap3A_1438, %swap3A_1439], %swap3A_1442 {strides = array<i32>} : memref<32x16xf32, #tpu.memory_space<vmem>>, vector<1x16xf32>,
      %slice3A_1443 = vector.extract_strided_slice %and3A_1195 {offsets = [4], sizes = [1], strides = [1]} : vector<16xi32> to vector<1xi32>
      %squeeze3A_1444 = vector.extract %slice3A_1443[0] : i32 from vector<1xi32>
      %get3A_1445 = arith.constant 4 : i32
      %get3A_1446 = arith.index_cast %get3A_1445 : i32 to index
      %get3A_1447 = arith.index_cast %squeeze3A_1444 : i32 to index
      %get3A_1448 = arith.constant 0 : index
      %get3A_1449 = tpu.vector_load %arg8[%get3A_1446, %get3A_1447, %get3A_1448] {strides = array<i32>} : memref<32x8x64xf32, #tpu.memory_space<vmem>>, vector<1x1x16xf32>,
      %get3A_1450 = vector.shape_cast %get3A_1449 : vector<1x1x16xf32> to vector<16xf32>
      %swap3A_1451 = arith.constant 4 : i32
      %swap3A_1452 = arith.index_cast %swap3A_1451 : i32 to index
      %swap3A_1453 = arith.constant 0 : index
      %swap3A_1454 = tpu.vector_load %arg10[%swap3A_1452, %swap3A_1453] {strides = array<i32>} : memref<32x64xf32, #tpu.memory_space<vmem>>, vector<1x16xf32>,
      %swap3A_1455 = vector.shape_cast %swap3A_1454 : vector<1x16xf32> to vector<16xf32>
      %swap3A_1456 = vector.shape_cast %get3A_1450 : vector<16xf32> to vector<1x16xf32>
      tpu.vector_store %arg10[%swap3A_1452, %swap3A_1453], %swap3A_1456 {strides = array<i32>} : memref<32x64xf32, #tpu.memory_space<vmem>>, vector<1x16xf32>,
      %get3A_1457 = arith.constant 4 : i32
      %get3A_1458 = arith.index_cast %get3A_1457 : i32 to index
      %get3A_1459 = arith.index_cast %squeeze3A_1444 : i32 to index
      %get3A_1460 = arith.constant 16 : index
      %get3A_1461 = tpu.vector_load %arg8[%get3A_1458, %get3A_1459, %get3A_1460] {strides = array<i32>} : memref<32x8x64xf32, #tpu.memory_space<vmem>>, vector<1x1x16xf32>,
      %get3A_1462 = vector.shape_cast %get3A_1461 : vector<1x1x16xf32> to vector<16xf32>
      %swap3A_1463 = arith.constant 4 : i32
      %swap3A_1464 = arith.index_cast %swap3A_1463 : i32 to index
      %swap3A_1465 = arith.constant 16 : index
      %swap3A_1466 = tpu.vector_load %arg10[%swap3A_1464, %swap3A_1465] {strides = array<i32>} : memref<32x64xf32, #tpu.memory_space<vmem>>, vector<1x16xf32>,
      %swap3A_1467 = vector.shape_cast %swap3A_1466 : vector<1x16xf32> to vector<16xf32>
      %swap3A_1468 = vector.shape_cast %get3A_1462 : vector<16xf32> to vector<1x16xf32>
      tpu.vector_store %arg10[%swap3A_1464, %swap3A_1465], %swap3A_1468 {strides = array<i32>} : memref<32x64xf32, #tpu.memory_space<vmem>>, vector<1x16xf32>,
      %get3A_1469 = arith.constant 4 : i32
      %get3A_1470 = arith.index_cast %get3A_1469 : i32 to index
      %get3A_1471 = arith.index_cast %squeeze3A_1444 : i32 to index
      %get3A_1472 = arith.constant 32 : index
      %get3A_1473 = tpu.vector_load %arg8[%get3A_1470, %get3A_1471, %get3A_1472] {strides = array<i32>} : memref<32x8x64xf32, #tpu.memory_space<vmem>>, vector<1x1x16xf32>,
      %get3A_1474 = vector.shape_cast %get3A_1473 : vector<1x1x16xf32> to vector<16xf32>
      %swap3A_1475 = arith.constant 4 : i32
      %swap3A_1476 = arith.index_cast %swap3A_1475 : i32 to index
      %swap3A_1477 = arith.constant 32 : index
      %swap3A_1478 = tpu.vector_load %arg10[%swap3A_1476, %swap3A_1477] {strides = array<i32>} : memref<32x64xf32, #tpu.memory_space<vmem>>, vector<1x16xf32>,
      %swap3A_1479 = vector.shape_cast %swap3A_1478 : vector<1x16xf32> to vector<16xf32>
      %swap3A_1480 = vector.shape_cast %get3A_1474 : vector<16xf32> to vector<1x16xf32>
      tpu.vector_store %arg10[%swap3A_1476, %swap3A_1477], %swap3A_1480 {strides = array<i32>} : memref<32x64xf32, #tpu.memory_space<vmem>>, vector<1x16xf32>,
      %get3A_1481 = arith.constant 4 : i32
      %get3A_1482 = arith.index_cast %get3A_1481 : i32 to index
      %get3A_1483 = arith.index_cast %squeeze3A_1444 : i32 to index
      %get3A_1484 = arith.constant 48 : index
      %get3A_1485 = tpu.vector_load %arg8[%get3A_1482, %get3A_1483, %get3A_1484] {strides = array<i32>} : memref<32x8x64xf32, #tpu.memory_space<vmem>>, vector<1x1x16xf32>,
      %get3A_1486 = vector.shape_cast %get3A_1485 : vector<1x1x16xf32> to vector<16xf32>
      %swap3A_1487 = arith.constant 4 : i32
      %swap3A_1488 = arith.index_cast %swap3A_1487 : i32 to index
      %swap3A_1489 = arith.constant 48 : index
      %swap3A_1490 = tpu.vector_load %arg10[%swap3A_1488, %swap3A_1489] {strides = array<i32>} : memref<32x64xf32, #tpu.memory_space<vmem>>, vector<1x16xf32>,
      %swap3A_1491 = vector.shape_cast %swap3A_1490 : vector<1x16xf32> to vector<16xf32>
      %swap3A_1492 = vector.shape_cast %get3A_1486 : vector<16xf32> to vector<1x16xf32>
      tpu.vector_store %arg10[%swap3A_1488, %swap3A_1489], %swap3A_1492 {strides = array<i32>} : memref<32x64xf32, #tpu.memory_space<vmem>>, vector<1x16xf32>,
      %get3A_1493 = arith.constant 4 : i32
      %get3A_1494 = arith.index_cast %get3A_1493 : i32 to index
      %get3A_1495 = arith.index_cast %squeeze3A_1444 : i32 to index
      %get3A_1496 = arith.constant 0 : index
      %get3A_1497 = tpu.vector_load %arg9[%get3A_1494, %get3A_1495, %get3A_1496] {strides = array<i32>} : memref<32x8x16xf32, #tpu.memory_space<vmem>>, vector<1x1x16xf32>,
      %get3A_1498 = vector.shape_cast %get3A_1497 : vector<1x1x16xf32> to vector<16xf32>
      %swap3A_1499 = arith.constant 4 : i32
      %swap3A_1500 = arith.index_cast %swap3A_1499 : i32 to index
      %swap3A_1501 = arith.constant 0 : index
      %swap3A_1502 = tpu.vector_load %arg11[%swap3A_1500, %swap3A_1501] {strides = array<i32>} : memref<32x16xf32, #tpu.memory_space<vmem>>, vector<1x16xf32>,
      %swap3A_1503 = vector.shape_cast %swap3A_1502 : vector<1x16xf32> to vector<16xf32>
      %swap3A_1504 = vector.shape_cast %get3A_1498 : vector<16xf32> to vector<1x16xf32>
      tpu.vector_store %arg11[%swap3A_1500, %swap3A_1501], %swap3A_1504 {strides = array<i32>} : memref<32x16xf32, #tpu.memory_space<vmem>>, vector<1x16xf32>,
      %slice3A_1505 = vector.extract_strided_slice %and3A_1195 {offsets = [5], sizes = [1], strides = [1]} : vector<16xi32> to vector<1xi32>
      %squeeze3A_1506 = vector.extract %slice3A_1505[0] : i32 from vector<1xi32>
      %get3A_1507 = arith.constant 5 : i32
      %get3A_1508 = arith.index_cast %get3A_1507 : i32 to index
      %get3A_1509 = arith.index_cast %squeeze3A_1506 : i32 to index
      %get3A_1510 = arith.constant 0 : index
      %get3A_1511 = tpu.vector_load %arg8[%get3A_1508, %get3A_1509, %get3A_1510] {strides = array<i32>} : memref<32x8x64xf32, #tpu.memory_space<vmem>>, vector<1x1x16xf32>,
      %get3A_1512 = vector.shape_cast %get3A_1511 : vector<1x1x16xf32> to vector<16xf32>
      %swap3A_1513 = arith.constant 5 : i32
      %swap3A_1514 = arith.index_cast %swap3A_1513 : i32 to index
      %swap3A_1515 = arith.constant 0 : index
      %swap3A_1516 = tpu.vector_load %arg10[%swap3A_1514, %swap3A_1515] {strides = array<i32>} : memref<32x64xf32, #tpu.memory_space<vmem>>, vector<1x16xf32>,
      %swap3A_1517 = vector.shape_cast %swap3A_1516 : vector<1x16xf32> to vector<16xf32>
      %swap3A_1518 = vector.shape_cast %get3A_1512 : vector<16xf32> to vector<1x16xf32>
      tpu.vector_store %arg10[%swap3A_1514, %swap3A_1515], %swap3A_1518 {strides = array<i32>} : memref<32x64xf32, #tpu.memory_space<vmem>>, vector<1x16xf32>,
      %get3A_1519 = arith.constant 5 : i32
      %get3A_1520 = arith.index_cast %get3A_1519 : i32 to index
      %get3A_1521 = arith.index_cast %squeeze3A_1506 : i32 to index
      %get3A_1522 = arith.constant 16 : index
      %get3A_1523 = tpu.vector_load %arg8[%get3A_1520, %get3A_1521, %get3A_1522] {strides = array<i32>} : memref<32x8x64xf32, #tpu.memory_space<vmem>>, vector<1x1x16xf32>,
      %get3A_1524 = vector.shape_cast %get3A_1523 : vector<1x1x16xf32> to vector<16xf32>
      %swap3A_1525 = arith.constant 5 : i32
      %swap3A_1526 = arith.index_cast %swap3A_1525 : i32 to index
      %swap3A_1527 = arith.constant 16 : index
      %swap3A_1528 = tpu.vector_load %arg10[%swap3A_1526, %swap3A_1527] {strides = array<i32>} : memref<32x64xf32, #tpu.memory_space<vmem>>, vector<1x16xf32>,
      %swap3A_1529 = vector.shape_cast %swap3A_1528 : vector<1x16xf32> to vector<16xf32>
      %swap3A_1530 = vector.shape_cast %get3A_1524 : vector<16xf32> to vector<1x16xf32>
      tpu.vector_store %arg10[%swap3A_1526, %swap3A_1527], %swap3A_1530 {strides = array<i32>} : memref<32x64xf32, #tpu.memory_space<vmem>>, vector<1x16xf32>,
      %get3A_1531 = arith.constant 5 : i32
      %get3A_1532 = arith.index_cast %get3A_1531 : i32 to index
      %get3A_1533 = arith.index_cast %squeeze3A_1506 : i32 to index
      %get3A_1534 = arith.constant 32 : index
      %get3A_1535 = tpu.vector_load %arg8[%get3A_1532, %get3A_1533, %get3A_1534] {strides = array<i32>} : memref<32x8x64xf32, #tpu.memory_space<vmem>>, vector<1x1x16xf32>,
      %get3A_1536 = vector.shape_cast %get3A_1535 : vector<1x1x16xf32> to vector<16xf32>
      %swap3A_1537 = arith.constant 5 : i32
      %swap3A_1538 = arith.index_cast %swap3A_1537 : i32 to index
      %swap3A_1539 = arith.constant 32 : index
      %swap3A_1540 = tpu.vector_load %arg10[%swap3A_1538, %swap3A_1539] {strides = array<i32>} : memref<32x64xf32, #tpu.memory_space<vmem>>, vector<1x16xf32>,
      %swap3A_1541 = vector.shape_cast %swap3A_1540 : vector<1x16xf32> to vector<16xf32>
      %swap3A_1542 = vector.shape_cast %get3A_1536 : vector<16xf32> to vector<1x16xf32>
      tpu.vector_store %arg10[%swap3A_1538, %swap3A_1539], %swap3A_1542 {strides = array<i32>} : memref<32x64xf32, #tpu.memory_space<vmem>>, vector<1x16xf32>,
      %get3A_1543 = arith.constant 5 : i32
      %get3A_1544 = arith.index_cast %get3A_1543 : i32 to index
      %get3A_1545 = arith.index_cast %squeeze3A_1506 : i32 to index
      %get3A_1546 = arith.constant 48 : index
      %get3A_1547 = tpu.vector_load %arg8[%get3A_1544, %get3A_1545, %get3A_1546] {strides = array<i32>} : memref<32x8x64xf32, #tpu.memory_space<vmem>>, vector<1x1x16xf32>,
      %get3A_1548 = vector.shape_cast %get3A_1547 : vector<1x1x16xf32> to vector<16xf32>
      %swap3A_1549 = arith.constant 5 : i32
      %swap3A_1550 = arith.index_cast %swap3A_1549 : i32 to index
      %swap3A_1551 = arith.constant 48 : index
      %swap3A_1552 = tpu.vector_load %arg10[%swap3A_1550, %swap3A_1551] {strides = array<i32>} : memref<32x64xf32, #tpu.memory_space<vmem>>, vector<1x16xf32>,
      %swap3A_1553 = vector.shape_cast %swap3A_1552 : vector<1x16xf32> to vector<16xf32>
      %swap3A_1554 = vector.shape_cast %get3A_1548 : vector<16xf32> to vector<1x16xf32>
      tpu.vector_store %arg10[%swap3A_1550, %swap3A_1551], %swap3A_1554 {strides = array<i32>} : memref<32x64xf32, #tpu.memory_space<vmem>>, vector<1x16xf32>,
      %get3A_1555 = arith.constant 5 : i32
      %get3A_1556 = arith.index_cast %get3A_1555 : i32 to index
      %get3A_1557 = arith.index_cast %squeeze3A_1506 : i32 to index
      %get3A_1558 = arith.constant 0 : index
      %get3A_1559 = tpu.vector_load %arg9[%get3A_1556, %get3A_1557, %get3A_1558] {strides = array<i32>} : memref<32x8x16xf32, #tpu.memory_space<vmem>>, vector<1x1x16xf32>,
      %get3A_1560 = vector.shape_cast %get3A_1559 : vector<1x1x16xf32> to vector<16xf32>
      %swap3A_1561 = arith.constant 5 : i32
      %swap3A_1562 = arith.index_cast %swap3A_1561 : i32 to index
      %swap3A_1563 = arith.constant 0 : index
      %swap3A_1564 = tpu.vector_load %arg11[%swap3A_1562, %swap3A_1563] {strides = array<i32>} : memref<32x16xf32, #tpu.memory_space<vmem>>, vector<1x16xf32>,
      %swap3A_1565 = vector.shape_cast %swap3A_1564 : vector<1x16xf32> to vector<16xf32>
      %swap3A_1566 = vector.shape_cast %get3A_1560 : vector<16xf32> to vector<1x16xf32>
      tpu.vector_store %arg11[%swap3A_1562, %swap3A_1563], %swap3A_1566 {strides = array<i32>} : memref<32x16xf32, #tpu.memory_space<vmem>>, vector<1x16xf32>,
      %slice3A_1567 = vector.extract_strided_slice %and3A_1195 {offsets = [6], sizes = [1], strides = [1]} : vector<16xi32> to vector<1xi32>
      %squeeze3A_1568 = vector.extract %slice3A_1567[0] : i32 from vector<1xi32>
      %get3A_1569 = arith.constant 6 : i32
      %get3A_1570 = arith.index_cast %get3A_1569 : i32 to index
      %get3A_1571 = arith.index_cast %squeeze3A_1568 : i32 to index
      %get3A_1572 = arith.constant 0 : index
      %get3A_1573 = tpu.vector_load %arg8[%get3A_1570, %get3A_1571, %get3A_1572] {strides = array<i32>} : memref<32x8x64xf32, #tpu.memory_space<vmem>>, vector<1x1x16xf32>,
      %get3A_1574 = vector.shape_cast %get3A_1573 : vector<1x1x16xf32> to vector<16xf32>
      %swap3A_1575 = arith.constant 6 : i32
      %swap3A_1576 = arith.index_cast %swap3A_1575 : i32 to index
      %swap3A_1577 = arith.constant 0 : index
      %swap3A_1578 = tpu.vector_load %arg10[%swap3A_1576, %swap3A_1577] {strides = array<i32>} : memref<32x64xf32, #tpu.memory_space<vmem>>, vector<1x16xf32>,
      %swap3A_1579 = vector.shape_cast %swap3A_1578 : vector<1x16xf32> to vector<16xf32>
      %swap3A_1580 = vector.shape_cast %get3A_1574 : vector<16xf32> to vector<1x16xf32>
      tpu.vector_store %arg10[%swap3A_1576, %swap3A_1577], %swap3A_1580 {strides = array<i32>} : memref<32x64xf32, #tpu.memory_space<vmem>>, vector<1x16xf32>,
      %get3A_1581 = arith.constant 6 : i32
      %get3A_1582 = arith.index_cast %get3A_1581 : i32 to index
      %get3A_1583 = arith.index_cast %squeeze3A_1568 : i32 to index
      %get3A_1584 = arith.constant 16 : index
      %get3A_1585 = tpu.vector_load %arg8[%get3A_1582, %get3A_1583, %get3A_1584] {strides = array<i32>} : memref<32x8x64xf32, #tpu.memory_space<vmem>>, vector<1x1x16xf32>,
      %get3A_1586 = vector.shape_cast %get3A_1585 : vector<1x1x16xf32> to vector<16xf32>
      %swap3A_1587 = arith.constant 6 : i32
      %swap3A_1588 = arith.index_cast %swap3A_1587 : i32 to index
      %swap3A_1589 = arith.constant 16 : index
      %swap3A_1590 = tpu.vector_load %arg10[%swap3A_1588, %swap3A_1589] {strides = array<i32>} : memref<32x64xf32, #tpu.memory_space<vmem>>, vector<1x16xf32>,
      %swap3A_1591 = vector.shape_cast %swap3A_1590 : vector<1x16xf32> to vector<16xf32>
      %swap3A_1592 = vector.shape_cast %get3A_1586 : vector<16xf32> to vector<1x16xf32>
      tpu.vector_store %arg10[%swap3A_1588, %swap3A_1589], %swap3A_1592 {strides = array<i32>} : memref<32x64xf32, #tpu.memory_space<vmem>>, vector<1x16xf32>,
      %get3A_1593 = arith.constant 6 : i32
      %get3A_1594 = arith.index_cast %get3A_1593 : i32 to index
      %get3A_1595 = arith.index_cast %squeeze3A_1568 : i32 to index
      %get3A_1596 = arith.constant 32 : index
      %get3A_1597 = tpu.vector_load %arg8[%get3A_1594, %get3A_1595, %get3A_1596] {strides = array<i32>} : memref<32x8x64xf32, #tpu.memory_space<vmem>>, vector<1x1x16xf32>,
      %get3A_1598 = vector.shape_cast %get3A_1597 : vector<1x1x16xf32> to vector<16xf32>
      %swap3A_1599 = arith.constant 6 : i32
      %swap3A_1600 = arith.index_cast %swap3A_1599 : i32 to index
      %swap3A_1601 = arith.constant 32 : index
      %swap3A_1602 = tpu.vector_load %arg10[%swap3A_1600, %swap3A_1601] {strides = array<i32>} : memref<32x64xf32, #tpu.memory_space<vmem>>, vector<1x16xf32>,
      %swap3A_1603 = vector.shape_cast %swap3A_1602 : vector<1x16xf32> to vector<16xf32>
      %swap3A_1604 = vector.shape_cast %get3A_1598 : vector<16xf32> to vector<1x16xf32>
      tpu.vector_store %arg10[%swap3A_1600, %swap3A_1601], %swap3A_1604 {strides = array<i32>} : memref<32x64xf32, #tpu.memory_space<vmem>>, vector<1x16xf32>,
      %get3A_1605 = arith.constant 6 : i32
      %get3A_1606 = arith.index_cast %get3A_1605 : i32 to index
      %get3A_1607 = arith.index_cast %squeeze3A_1568 : i32 to index
      %get3A_1608 = arith.constant 48 : index
      %get3A_1609 = tpu.vector_load %arg8[%get3A_1606, %get3A_1607, %get3A_1608] {strides = array<i32>} : memref<32x8x64xf32, #tpu.memory_space<vmem>>, vector<1x1x16xf32>,
      %get3A_1610 = vector.shape_cast %get3A_1609 : vector<1x1x16xf32> to vector<16xf32>
      %swap3A_1611 = arith.constant 6 : i32
      %swap3A_1612 = arith.index_cast %swap3A_1611 : i32 to index
      %swap3A_1613 = arith.constant 48 : index
      %swap3A_1614 = tpu.vector_load %arg10[%swap3A_1612, %swap3A_1613] {strides = array<i32>} : memref<32x64xf32, #tpu.memory_space<vmem>>, vector<1x16xf32>,
      %swap3A_1615 = vector.shape_cast %swap3A_1614 : vector<1x16xf32> to vector<16xf32>
      %swap3A_1616 = vector.shape_cast %get3A_1610 : vector<16xf32> to vector<1x16xf32>
      tpu.vector_store %arg10[%swap3A_1612, %swap3A_1613], %swap3A_1616 {strides = array<i32>} : memref<32x64xf32, #tpu.memory_space<vmem>>, vector<1x16xf32>,
      %get3A_1617 = arith.constant 6 : i32
      %get3A_1618 = arith.index_cast %get3A_1617 : i32 to index
      %get3A_1619 = arith.index_cast %squeeze3A_1568 : i32 to index
      %get3A_1620 = arith.constant 0 : index
      %get3A_1621 = tpu.vector_load %arg9[%get3A_1618, %get3A_1619, %get3A_1620] {strides = array<i32>} : memref<32x8x16xf32, #tpu.memory_space<vmem>>, vector<1x1x16xf32>,
      %get3A_1622 = vector.shape_cast %get3A_1621 : vector<1x1x16xf32> to vector<16xf32>
      %swap3A_1623 = arith.constant 6 : i32
      %swap3A_1624 = arith.index_cast %swap3A_1623 : i32 to index
      %swap3A_1625 = arith.constant 0 : index
      %swap3A_1626 = tpu.vector_load %arg11[%swap3A_1624, %swap3A_1625] {strides = array<i32>} : memref<32x16xf32, #tpu.memory_space<vmem>>, vector<1x16xf32>,
      %swap3A_1627 = vector.shape_cast %swap3A_1626 : vector<1x16xf32> to vector<16xf32>
      %swap3A_1628 = vector.shape_cast %get3A_1622 : vector<16xf32> to vector<1x16xf32>
      tpu.vector_store %arg11[%swap3A_1624, %swap3A_1625], %swap3A_1628 {strides = array<i32>} : memref<32x16xf32, #tpu.memory_space<vmem>>, vector<1x16xf32>,
      %slice3A_1629 = vector.extract_strided_slice %and3A_1195 {offsets = [7], sizes = [1], strides = [1]} : vector<16xi32> to vector<1xi32>
      %squeeze3A_1630 = vector.extract %slice3A_1629[0] : i32 from vector<1xi32>
      %get3A_1631 = arith.constant 7 : i32
      %get3A_1632 = arith.index_cast %get3A_1631 : i32 to index
      %get3A_1633 = arith.index_cast %squeeze3A_1630 : i32 to index
      %get3A_1634 = arith.constant 0 : index
      %get3A_1635 = tpu.vector_load %arg8[%get3A_1632, %get3A_1633, %get3A_1634] {strides = array<i32>} : memref<32x8x64xf32, #tpu.memory_space<vmem>>, vector<1x1x16xf32>,
      %get3A_1636 = vector.shape_cast %get3A_1635 : vector<1x1x16xf32> to vector<16xf32>
      %swap3A_1637 = arith.constant 7 : i32
      %swap3A_1638 = arith.index_cast %swap3A_1637 : i32 to index
      %swap3A_1639 = arith.constant 0 : index
      %swap3A_1640 = tpu.vector_load %arg10[%swap3A_1638, %swap3A_1639] {strides = array<i32>} : memref<32x64xf32, #tpu.memory_space<vmem>>, vector<1x16xf32>,
      %swap3A_1641 = vector.shape_cast %swap3A_1640 : vector<1x16xf32> to vector<16xf32>
      %swap3A_1642 = vector.shape_cast %get3A_1636 : vector<16xf32> to vector<1x16xf32>
      tpu.vector_store %arg10[%swap3A_1638, %swap3A_1639], %swap3A_1642 {strides = array<i32>} : memref<32x64xf32, #tpu.memory_space<vmem>>, vector<1x16xf32>,
      %get3A_1643 = arith.constant 7 : i32
      %get3A_1644 = arith.index_cast %get3A_1643 : i32 to index
      %get3A_1645 = arith.index_cast %squeeze3A_1630 : i32 to index
      %get3A_1646 = arith.constant 16 : index
      %get3A_1647 = tpu.vector_load %arg8[%get3A_1644, %get3A_1645, %get3A_1646] {strides = array<i32>} : memref<32x8x64xf32, #tpu.memory_space<vmem>>, vector<1x1x16xf32>,
      %get3A_1648 = vector.shape_cast %get3A_1647 : vector<1x1x16xf32> to vector<16xf32>
      %swap3A_1649 = arith.constant 7 : i32
      %swap3A_1650 = arith.index_cast %swap3A_1649 : i32 to index
      %swap3A_1651 = arith.constant 16 : index
      %swap3A_1652 = tpu.vector_load %arg10[%swap3A_1650, %swap3A_1651] {strides = array<i32>} : memref<32x64xf32, #tpu.memory_space<vmem>>, vector<1x16xf32>,
      %swap3A_1653 = vector.shape_cast %swap3A_1652 : vector<1x16xf32> to vector<16xf32>
      %swap3A_1654 = vector.shape_cast %get3A_1648 : vector<16xf32> to vector<1x16xf32>
      tpu.vector_store %arg10[%swap3A_1650, %swap3A_1651], %swap3A_1654 {strides = array<i32>} : memref<32x64xf32, #tpu.memory_space<vmem>>, vector<1x16xf32>,
      %get3A_1655 = arith.constant 7 : i32
      %get3A_1656 = arith.index_cast %get3A_1655 : i32 to index
      %get3A_1657 = arith.index_cast %squeeze3A_1630 : i32 to index
      %get3A_1658 = arith.constant 32 : index
      %get3A_1659 = tpu.vector_load %arg8[%get3A_1656, %get3A_1657, %get3A_1658] {strides = array<i32>} : memref<32x8x64xf32, #tpu.memory_space<vmem>>, vector<1x1x16xf32>,
      %get3A_1660 = vector.shape_cast %get3A_1659 : vector<1x1x16xf32> to vector<16xf32>
      %swap3A_1661 = arith.constant 7 : i32
      %swap3A_1662 = arith.index_cast %swap3A_1661 : i32 to index
      %swap3A_1663 = arith.constant 32 : index
      %swap3A_1664 = tpu.vector_load %arg10[%swap3A_1662, %swap3A_1663] {strides = array<i32>} : memref<32x64xf32, #tpu.memory_space<vmem>>, vector<1x16xf32>,
      %swap3A_1665 = vector.shape_cast %swap3A_1664 : vector<1x16xf32> to vector<16xf32>
      %swap3A_1666 = vector.shape_cast %get3A_1660 : vector<16xf32> to vector<1x16xf32>
      tpu.vector_store %arg10[%swap3A_1662, %swap3A_1663], %swap3A_1666 {strides = array<i32>} : memref<32x64xf32, #tpu.memory_space<vmem>>, vector<1x16xf32>,
      %get3A_1667 = arith.constant 7 : i32
      %get3A_1668 = arith.index_cast %get3A_1667 : i32 to index
      %get3A_1669 = arith.index_cast %squeeze3A_1630 : i32 to index
      %get3A_1670 = arith.constant 48 : index
      %get3A_1671 = tpu.vector_load %arg8[%get3A_1668, %get3A_1669, %get3A_1670] {strides = array<i32>} : memref<32x8x64xf32, #tpu.memory_space<vmem>>, vector<1x1x16xf32>,
      %get3A_1672 = vector.shape_cast %get3A_1671 : vector<1x1x16xf32> to vector<16xf32>
      %swap3A_1673 = arith.constant 7 : i32
      %swap3A_1674 = arith.index_cast %swap3A_1673 : i32 to index
      %swap3A_1675 = arith.constant 48 : index
      %swap3A_1676 = tpu.vector_load %arg10[%swap3A_1674, %swap3A_1675] {strides = array<i32>} : memref<32x64xf32, #tpu.memory_space<vmem>>, vector<1x16xf32>,
      %swap3A_1677 = vector.shape_cast %swap3A_1676 : vector<1x16xf32> to vector<16xf32>
      %swap3A_1678 = vector.shape_cast %get3A_1672 : vector<16xf32> to vector<1x16xf32>
      tpu.vector_store %arg10[%swap3A_1674, %swap3A_1675], %swap3A_1678 {strides = array<i32>} : memref<32x64xf32, #tpu.memory_space<vmem>>, vector<1x16xf32>,
      %get3A_1679 = arith.constant 7 : i32
      %get3A_1680 = arith.index_cast %get3A_1679 : i32 to index
      %get3A_1681 = arith.index_cast %squeeze3A_1630 : i32 to index
      %get3A_1682 = arith.constant 0 : index
      %get3A_1683 = tpu.vector_load %arg9[%get3A_1680, %get3A_1681, %get3A_1682] {strides = array<i32>} : memref<32x8x16xf32, #tpu.memory_space<vmem>>, vector<1x1x16xf32>,
      %get3A_1684 = vector.shape_cast %get3A_1683 : vector<1x1x16xf32> to vector<16xf32>
      %swap3A_1685 = arith.constant 7 : i32
      %swap3A_1686 = arith.index_cast %swap3A_1685 : i32 to index
      %swap3A_1687 = arith.constant 0 : index
      %swap3A_1688 = tpu.vector_load %arg11[%swap3A_1686, %swap3A_1687] {strides = array<i32>} : memref<32x16xf32, #tpu.memory_space<vmem>>, vector<1x16xf32>,
      %swap3A_1689 = vector.shape_cast %swap3A_1688 : vector<1x16xf32> to vector<16xf32>
      %swap3A_1690 = vector.shape_cast %get3A_1684 : vector<16xf32> to vector<1x16xf32>
      tpu.vector_store %arg11[%swap3A_1686, %swap3A_1687], %swap3A_1690 {strides = array<i32>} : memref<32x16xf32, #tpu.memory_space<vmem>>, vector<1x16xf32>,
      %slice3A_1691 = vector.extract_strided_slice %and3A_1195 {offsets = [8], sizes = [1], strides = [1]} : vector<16xi32> to vector<1xi32>
      %squeeze3A_1692 = vector.extract %slice3A_1691[0] : i32 from vector<1xi32>
      %get3A_1693 = arith.constant 8 : i32
      %get3A_1694 = arith.index_cast %get3A_1693 : i32 to index
      %get3A_1695 = arith.index_cast %squeeze3A_1692 : i32 to index
      %get3A_1696 = arith.constant 0 : index
      %get3A_1697 = tpu.vector_load %arg8[%get3A_1694, %get3A_1695, %get3A_1696] {strides = array<i32>} : memref<32x8x64xf32, #tpu.memory_space<vmem>>, vector<1x1x16xf32>,
      %get3A_1698 = vector.shape_cast %get3A_1697 : vector<1x1x16xf32> to vector<16xf32>
      %swap3A_1699 = arith.constant 8 : i32
      %swap3A_1700 = arith.index_cast %swap3A_1699 : i32 to index
      %swap3A_1701 = arith.constant 0 : index
      %swap3A_1702 = tpu.vector_load %arg10[%swap3A_1700, %swap3A_1701] {strides = array<i32>} : memref<32x64xf32, #tpu.memory_space<vmem>>, vector<1x16xf32>,
      %swap3A_1703 = vector.shape_cast %swap3A_1702 : vector<1x16xf32> to vector<16xf32>
      %swap3A_1704 = vector.shape_cast %get3A_1698 : vector<16xf32> to vector<1x16xf32>
      tpu.vector_store %arg10[%swap3A_1700, %swap3A_1701], %swap3A_1704 {strides = array<i32>} : memref<32x64xf32, #tpu.memory_space<vmem>>, vector<1x16xf32>,
      %get3A_1705 = arith.constant 8 : i32
      %get3A_1706 = arith.index_cast %get3A_1705 : i32 to index
      %get3A_1707 = arith.index_cast %squeeze3A_1692 : i32 to index
      %get3A_1708 = arith.constant 16 : index
      %get3A_1709 = tpu.vector_load %arg8[%get3A_1706, %get3A_1707, %get3A_1708] {strides = array<i32>} : memref<32x8x64xf32, #tpu.memory_space<vmem>>, vector<1x1x16xf32>,
      %get3A_1710 = vector.shape_cast %get3A_1709 : vector<1x1x16xf32> to vector<16xf32>
      %swap3A_1711 = arith.constant 8 : i32
      %swap3A_1712 = arith.index_cast %swap3A_1711 : i32 to index
      %swap3A_1713 = arith.constant 16 : index
      %swap3A_1714 = tpu.vector_load %arg10[%swap3A_1712, %swap3A_1713] {strides = array<i32>} : memref<32x64xf32, #tpu.memory_space<vmem>>, vector<1x16xf32>,
      %swap3A_1715 = vector.shape_cast %swap3A_1714 : vector<1x16xf32> to vector<16xf32>
      %swap3A_1716 = vector.shape_cast %get3A_1710 : vector<16xf32> to vector<1x16xf32>
      tpu.vector_store %arg10[%swap3A_1712, %swap3A_1713], %swap3A_1716 {strides = array<i32>} : memref<32x64xf32, #tpu.memory_space<vmem>>, vector<1x16xf32>,
      %get3A_1717 = arith.constant 8 : i32
      %get3A_1718 = arith.index_cast %get3A_1717 : i32 to index
      %get3A_1719 = arith.index_cast %squeeze3A_1692 : i32 to index
      %get3A_1720 = arith.constant 32 : index
      %get3A_1721 = tpu.vector_load %arg8[%get3A_1718, %get3A_1719, %get3A_1720] {strides = array<i32>} : memref<32x8x64xf32, #tpu.memory_space<vmem>>, vector<1x1x16xf32>,
      %get3A_1722 = vector.shape_cast %get3A_1721 : vector<1x1x16xf32> to vector<16xf32>
      %swap3A_1723 = arith.constant 8 : i32
      %swap3A_1724 = arith.index_cast %swap3A_1723 : i32 to index
      %swap3A_1725 = arith.constant 32 : index
      %swap3A_1726 = tpu.vector_load %arg10[%swap3A_1724, %swap3A_1725] {strides = array<i32>} : memref<32x64xf32, #tpu.memory_space<vmem>>, vector<1x16xf32>,
      %swap3A_1727 = vector.shape_cast %swap3A_1726 : vector<1x16xf32> to vector<16xf32>
      %swap3A_1728 = vector.shape_cast %get3A_1722 : vector<16xf32> to vector<1x16xf32>
      tpu.vector_store %arg10[%swap3A_1724, %swap3A_1725], %swap3A_1728 {strides = array<i32>} : memref<32x64xf32, #tpu.memory_space<vmem>>, vector<1x16xf32>,
      %get3A_1729 = arith.constant 8 : i32
      %get3A_1730 = arith.index_cast %get3A_1729 : i32 to index
      %get3A_1731 = arith.index_cast %squeeze3A_1692 : i32 to index
      %get3A_1732 = arith.constant 48 : index
      %get3A_1733 = tpu.vector_load %arg8[%get3A_1730, %get3A_1731, %get3A_1732] {strides = array<i32>} : memref<32x8x64xf32, #tpu.memory_space<vmem>>, vector<1x1x16xf32>,
      %get3A_1734 = vector.shape_cast %get3A_1733 : vector<1x1x16xf32> to vector<16xf32>
      %swap3A_1735 = arith.constant 8 : i32
      %swap3A_1736 = arith.index_cast %swap3A_1735 : i32 to index
      %swap3A_1737 = arith.constant 48 : index
      %swap3A_1738 = tpu.vector_load %arg10[%swap3A_1736, %swap3A_1737] {strides = array<i32>} : memref<32x64xf32, #tpu.memory_space<vmem>>, vector<1x16xf32>,
      %swap3A_1739 = vector.shape_cast %swap3A_1738 : vector<1x16xf32> to vector<16xf32>
      %swap3A_1740 = vector.shape_cast %get3A_1734 : vector<16xf32> to vector<1x16xf32>
      tpu.vector_store %arg10[%swap3A_1736, %swap3A_1737], %swap3A_1740 {strides = array<i32>} : memref<32x64xf32, #tpu.memory_space<vmem>>, vector<1x16xf32>,
      %get3A_1741 = arith.constant 8 : i32
      %get3A_1742 = arith.index_cast %get3A_1741 : i32 to index
      %get3A_1743 = arith.index_cast %squeeze3A_1692 : i32 to index
      %get3A_1744 = arith.constant 0 : index
      %get3A_1745 = tpu.vector_load %arg9[%get3A_1742, %get3A_1743, %get3A_1744] {strides = array<i32>} : memref<32x8x16xf32, #tpu.memory_space<vmem>>, vector<1x1x16xf32>,
      %get3A_1746 = vector.shape_cast %get3A_1745 : vector<1x1x16xf32> to vector<16xf32>
      %swap3A_1747 = arith.constant 8 : i32
      %swap3A_1748 = arith.index_cast %swap3A_1747 : i32 to index
      %swap3A_1749 = arith.constant 0 : index
      %swap3A_1750 = tpu.vector_load %arg11[%swap3A_1748, %swap3A_1749] {strides = array<i32>} : memref<32x16xf32, #tpu.memory_space<vmem>>, vector<1x16xf32>,
      %swap3A_1751 = vector.shape_cast %swap3A_1750 : vector<1x16xf32> to vector<16xf32>
      %swap3A_1752 = vector.shape_cast %get3A_1746 : vector<16xf32> to vector<1x16xf32>
      tpu.vector_store %arg11[%swap3A_1748, %swap3A_1749], %swap3A_1752 {strides = array<i32>} : memref<32x16xf32, #tpu.memory_space<vmem>>, vector<1x16xf32>,
      %slice3A_1753 = vector.extract_strided_slice %and3A_1195 {offsets = [9], sizes = [1], strides = [1]} : vector<16xi32> to vector<1xi32>
      %squeeze3A_1754 = vector.extract %slice3A_1753[0] : i32 from vector<1xi32>
      %get3A_1755 = arith.constant 9 : i32
      %get3A_1756 = arith.index_cast %get3A_1755 : i32 to index
      %get3A_1757 = arith.index_cast %squeeze3A_1754 : i32 to index
      %get3A_1758 = arith.constant 0 : index
      %get3A_1759 = tpu.vector_load %arg8[%get3A_1756, %get3A_1757, %get3A_1758] {strides = array<i32>} : memref<32x8x64xf32, #tpu.memory_space<vmem>>, vector<1x1x16xf32>,
      %get3A_1760 = vector.shape_cast %get3A_1759 : vector<1x1x16xf32> to vector<16xf32>
      %swap3A_1761 = arith.constant 9 : i32
      %swap3A_1762 = arith.index_cast %swap3A_1761 : i32 to index
      %swap3A_1763 = arith.constant 0 : index
      %swap3A_1764 = tpu.vector_load %arg10[%swap3A_1762, %swap3A_1763] {strides = array<i32>} : memref<32x64xf32, #tpu.memory_space<vmem>>, vector<1x16xf32>,
      %swap3A_1765 = vector.shape_cast %swap3A_1764 : vector<1x16xf32> to vector<16xf32>
      %swap3A_1766 = vector.shape_cast %get3A_1760 : vector<16xf32> to vector<1x16xf32>
      tpu.vector_store %arg10[%swap3A_1762, %swap3A_1763], %swap3A_1766 {strides = array<i32>} : memref<32x64xf32, #tpu.memory_space<vmem>>, vector<1x16xf32>,
      %get3A_1767 = arith.constant 9 : i32
      %get3A_1768 = arith.index_cast %get3A_1767 : i32 to index
      %get3A_1769 = arith.index_cast %squeeze3A_1754 : i32 to index
      %get3A_1770 = arith.constant 16 : index
      %get3A_1771 = tpu.vector_load %arg8[%get3A_1768, %get3A_1769, %get3A_1770] {strides = array<i32>} : memref<32x8x64xf32, #tpu.memory_space<vmem>>, vector<1x1x16xf32>,
      %get3A_1772 = vector.shape_cast %get3A_1771 : vector<1x1x16xf32> to vector<16xf32>
      %swap3A_1773 = arith.constant 9 : i32
      %swap3A_1774 = arith.index_cast %swap3A_1773 : i32 to index
      %swap3A_1775 = arith.constant 16 : index
      %swap3A_1776 = tpu.vector_load %arg10[%swap3A_1774, %swap3A_1775] {strides = array<i32>} : memref<32x64xf32, #tpu.memory_space<vmem>>, vector<1x16xf32>,
      %swap3A_1777 = vector.shape_cast %swap3A_1776 : vector<1x16xf32> to vector<16xf32>
      %swap3A_1778 = vector.shape_cast %get3A_1772 : vector<16xf32> to vector<1x16xf32>
      tpu.vector_store %arg10[%swap3A_1774, %swap3A_1775], %swap3A_1778 {strides = array<i32>} : memref<32x64xf32, #tpu.memory_space<vmem>>, vector<1x16xf32>,
      %get3A_1779 = arith.constant 9 : i32
      %get3A_1780 = arith.index_cast %get3A_1779 : i32 to index
      %get3A_1781 = arith.index_cast %squeeze3A_1754 : i32 to index
      %get3A_1782 = arith.constant 32 : index
      %get3A_1783 = tpu.vector_load %arg8[%get3A_1780, %get3A_1781, %get3A_1782] {strides = array<i32>} : memref<32x8x64xf32, #tpu.memory_space<vmem>>, vector<1x1x16xf32>,
      %get3A_1784 = vector.shape_cast %get3A_1783 : vector<1x1x16xf32> to vector<16xf32>
      %swap3A_1785 = arith.constant 9 : i32
      %swap3A_1786 = arith.index_cast %swap3A_1785 : i32 to index
      %swap3A_1787 = arith.constant 32 : index
      %swap3A_1788 = tpu.vector_load %arg10[%swap3A_1786, %swap3A_1787] {strides = array<i32>} : memref<32x64xf32, #tpu.memory_space<vmem>>, vector<1x16xf32>,
      %swap3A_1789 = vector.shape_cast %swap3A_1788 : vector<1x16xf32> to vector<16xf32>
      %swap3A_1790 = vector.shape_cast %get3A_1784 : vector<16xf32> to vector<1x16xf32>
      tpu.vector_store %arg10[%swap3A_1786, %swap3A_1787], %swap3A_1790 {strides = array<i32>} : memref<32x64xf32, #tpu.memory_space<vmem>>, vector<1x16xf32>,
      %get3A_1791 = arith.constant 9 : i32
      %get3A_1792 = arith.index_cast %get3A_1791 : i32 to index
      %get3A_1793 = arith.index_cast %squeeze3A_1754 : i32 to index
      %get3A_1794 = arith.constant 48 : index
      %get3A_1795 = tpu.vector_load %arg8[%get3A_1792, %get3A_1793, %get3A_1794] {strides = array<i32>} : memref<32x8x64xf32, #tpu.memory_space<vmem>>, vector<1x1x16xf32>,
      %get3A_1796 = vector.shape_cast %get3A_1795 : vector<1x1x16xf32> to vector<16xf32>
      %swap3A_1797 = arith.constant 9 : i32
      %swap3A_1798 = arith.index_cast %swap3A_1797 : i32 to index
      %swap3A_1799 = arith.constant 48 : index
      %swap3A_1800 = tpu.vector_load %arg10[%swap3A_1798, %swap3A_1799] {strides = array<i32>} : memref<32x64xf32, #tpu.memory_space<vmem>>, vector<1x16xf32>,
      %swap3A_1801 = vector.shape_cast %swap3A_1800 : vector<1x16xf32> to vector<16xf32>
      %swap3A_1802 = vector.shape_cast %get3A_1796 : vector<16xf32> to vector<1x16xf32>
      tpu.vector_store %arg10[%swap3A_1798, %swap3A_1799], %swap3A_1802 {strides = array<i32>} : memref<32x64xf32, #tpu.memory_space<vmem>>, vector<1x16xf32>,
      %get3A_1803 = arith.constant 9 : i32
      %get3A_1804 = arith.index_cast %get3A_1803 : i32 to index
      %get3A_1805 = arith.index_cast %squeeze3A_1754 : i32 to index
      %get3A_1806 = arith.constant 0 : index
      %get3A_1807 = tpu.vector_load %arg9[%get3A_1804, %get3A_1805, %get3A_1806] {strides = array<i32>} : memref<32x8x16xf32, #tpu.memory_space<vmem>>, vector<1x1x16xf32>,
      %get3A_1808 = vector.shape_cast %get3A_1807 : vector<1x1x16xf32> to vector<16xf32>
      %swap3A_1809 = arith.constant 9 : i32
      %swap3A_1810 = arith.index_cast %swap3A_1809 : i32 to index
      %swap3A_1811 = arith.constant 0 : index
      %swap3A_1812 = tpu.vector_load %arg11[%swap3A_1810, %swap3A_1811] {strides = array<i32>} : memref<32x16xf32, #tpu.memory_space<vmem>>, vector<1x16xf32>,
      %swap3A_1813 = vector.shape_cast %swap3A_1812 : vector<1x16xf32> to vector<16xf32>
      %swap3A_1814 = vector.shape_cast %get3A_1808 : vector<16xf32> to vector<1x16xf32>
      tpu.vector_store %arg11[%swap3A_1810, %swap3A_1811], %swap3A_1814 {strides = array<i32>} : memref<32x16xf32, #tpu.memory_space<vmem>>, vector<1x16xf32>,
      %slice3A_1815 = vector.extract_strided_slice %and3A_1195 {offsets = [10], sizes = [1], strides = [1]} : vector<16xi32> to vector<1xi32>
      %squeeze3A_1816 = vector.extract %slice3A_1815[0] : i32 from vector<1xi32>
      %get3A_1817 = arith.constant 10 : i32
      %get3A_1818 = arith.index_cast %get3A_1817 : i32 to index
      %get3A_1819 = arith.index_cast %squeeze3A_1816 : i32 to index
      %get3A_1820 = arith.constant 0 : index
      %get3A_1821 = tpu.vector_load %arg8[%get3A_1818, %get3A_1819, %get3A_1820] {strides = array<i32>} : memref<32x8x64xf32, #tpu.memory_space<vmem>>, vector<1x1x16xf32>,
      %get3A_1822 = vector.shape_cast %get3A_1821 : vector<1x1x16xf32> to vector<16xf32>
      %swap3A_1823 = arith.constant 10 : i32
      %swap3A_1824 = arith.index_cast %swap3A_1823 : i32 to index
      %swap3A_1825 = arith.constant 0 : index
      %swap3A_1826 = tpu.vector_load %arg10[%swap3A_1824, %swap3A_1825] {strides = array<i32>} : memref<32x64xf32, #tpu.memory_space<vmem>>, vector<1x16xf32>,
      %swap3A_1827 = vector.shape_cast %swap3A_1826 : vector<1x16xf32> to vector<16xf32>
      %swap3A_1828 = vector.shape_cast %get3A_1822 : vector<16xf32> to vector<1x16xf32>
      tpu.vector_store %arg10[%swap3A_1824, %swap3A_1825], %swap3A_1828 {strides = array<i32>} : memref<32x64xf32, #tpu.memory_space<vmem>>, vector<1x16xf32>,
      %get3A_1829 = arith.constant 10 : i32
      %get3A_1830 = arith.index_cast %get3A_1829 : i32 to index
      %get3A_1831 = arith.index_cast %squeeze3A_1816 : i32 to index
      %get3A_1832 = arith.constant 16 : index
      %get3A_1833 = tpu.vector_load %arg8[%get3A_1830, %get3A_1831, %get3A_1832] {strides = array<i32>} : memref<32x8x64xf32, #tpu.memory_space<vmem>>, vector<1x1x16xf32>,
      %get3A_1834 = vector.shape_cast %get3A_1833 : vector<1x1x16xf32> to vector<16xf32>
      %swap3A_1835 = arith.constant 10 : i32
      %swap3A_1836 = arith.index_cast %swap3A_1835 : i32 to index
      %swap3A_1837 = arith.constant 16 : index
      %swap3A_1838 = tpu.vector_load %arg10[%swap3A_1836, %swap3A_1837] {strides = array<i32>} : memref<32x64xf32, #tpu.memory_space<vmem>>, vector<1x16xf32>,
      %swap3A_1839 = vector.shape_cast %swap3A_1838 : vector<1x16xf32> to vector<16xf32>
      %swap3A_1840 = vector.shape_cast %get3A_1834 : vector<16xf32> to vector<1x16xf32>
      tpu.vector_store %arg10[%swap3A_1836, %swap3A_1837], %swap3A_1840 {strides = array<i32>} : memref<32x64xf32, #tpu.memory_space<vmem>>, vector<1x16xf32>,
      %get3A_1841 = arith.constant 10 : i32
      %get3A_1842 = arith.index_cast %get3A_1841 : i32 to index
      %get3A_1843 = arith.index_cast %squeeze3A_1816 : i32 to index
      %get3A_1844 = arith.constant 32 : index
      %get3A_1845 = tpu.vector_load %arg8[%get3A_1842, %get3A_1843, %get3A_1844] {strides = array<i32>} : memref<32x8x64xf32, #tpu.memory_space<vmem>>, vector<1x1x16xf32>,
      %get3A_1846 = vector.shape_cast %get3A_1845 : vector<1x1x16xf32> to vector<16xf32>
      %swap3A_1847 = arith.constant 10 : i32
      %swap3A_1848 = arith.index_cast %swap3A_1847 : i32 to index
      %swap3A_1849 = arith.constant 32 : index
      %swap3A_1850 = tpu.vector_load %arg10[%swap3A_1848, %swap3A_1849] {strides = array<i32>} : memref<32x64xf32, #tpu.memory_space<vmem>>, vector<1x16xf32>,
      %swap3A_1851 = vector.shape_cast %swap3A_1850 : vector<1x16xf32> to vector<16xf32>
      %swap3A_1852 = vector.shape_cast %get3A_1846 : vector<16xf32> to vector<1x16xf32>
      tpu.vector_store %arg10[%swap3A_1848, %swap3A_1849], %swap3A_1852 {strides = array<i32>} : memref<32x64xf32, #tpu.memory_space<vmem>>, vector<1x16xf32>,
      %get3A_1853 = arith.constant 10 : i32
      %get3A_1854 = arith.index_cast %get3A_1853 : i32 to index
      %get3A_1855 = arith.index_cast %squeeze3A_1816 : i32 to index
      %get3A_1856 = arith.constant 48 : index
      %get3A_1857 = tpu.vector_load %arg8[%get3A_1854, %get3A_1855, %get3A_1856] {strides = array<i32>} : memref<32x8x64xf32, #tpu.memory_space<vmem>>, vector<1x1x16xf32>,
      %get3A_1858 = vector.shape_cast %get3A_1857 : vector<1x1x16xf32> to vector<16xf32>
      %swap3A_1859 = arith.constant 10 : i32
      %swap3A_1860 = arith.index_cast %swap3A_1859 : i32 to index
      %swap3A_1861 = arith.constant 48 : index
      %swap3A_1862 = tpu.vector_load %arg10[%swap3A_1860, %swap3A_1861] {strides = array<i32>} : memref<32x64xf32, #tpu.memory_space<vmem>>, vector<1x16xf32>,
      %swap3A_1863 = vector.shape_cast %swap3A_1862 : vector<1x16xf32> to vector<16xf32>
      %swap3A_1864 = vector.shape_cast %get3A_1858 : vector<16xf32> to vector<1x16xf32>
      tpu.vector_store %arg10[%swap3A_1860, %swap3A_1861], %swap3A_1864 {strides = array<i32>} : memref<32x64xf32, #tpu.memory_space<vmem>>, vector<1x16xf32>,
      %get3A_1865 = arith.constant 10 : i32
      %get3A_1866 = arith.index_cast %get3A_1865 : i32 to index
      %get3A_1867 = arith.index_cast %squeeze3A_1816 : i32 to index
      %get3A_1868 = arith.constant 0 : index
      %get3A_1869 = tpu.vector_load %arg9[%get3A_1866, %get3A_1867, %get3A_1868] {strides = array<i32>} : memref<32x8x16xf32, #tpu.memory_space<vmem>>, vector<1x1x16xf32>,
      %get3A_1870 = vector.shape_cast %get3A_1869 : vector<1x1x16xf32> to vector<16xf32>
      %swap3A_1871 = arith.constant 10 : i32
      %swap3A_1872 = arith.index_cast %swap3A_1871 : i32 to index
      %swap3A_1873 = arith.constant 0 : index
      %swap3A_1874 = tpu.vector_load %arg11[%swap3A_1872, %swap3A_1873] {strides = array<i32>} : memref<32x16xf32, #tpu.memory_space<vmem>>, vector<1x16xf32>,
      %swap3A_1875 = vector.shape_cast %swap3A_1874 : vector<1x16xf32> to vector<16xf32>
      %swap3A_1876 = vector.shape_cast %get3A_1870 : vector<16xf32> to vector<1x16xf32>
      tpu.vector_store %arg11[%swap3A_1872, %swap3A_1873], %swap3A_1876 {strides = array<i32>} : memref<32x16xf32, #tpu.memory_space<vmem>>, vector<1x16xf32>,
      %slice3A_1877 = vector.extract_strided_slice %and3A_1195 {offsets = [11], sizes = [1], strides = [1]} : vector<16xi32> to vector<1xi32>
      %squeeze3A_1878 = vector.extract %slice3A_1877[0] : i32 from vector<1xi32>
      %get3A_1879 = arith.constant 11 : i32
      %get3A_1880 = arith.index_cast %get3A_1879 : i32 to index
      %get3A_1881 = arith.index_cast %squeeze3A_1878 : i32 to index
      %get3A_1882 = arith.constant 0 : index
      %get3A_1883 = tpu.vector_load %arg8[%get3A_1880, %get3A_1881, %get3A_1882] {strides = array<i32>} : memref<32x8x64xf32, #tpu.memory_space<vmem>>, vector<1x1x16xf32>,
      %get3A_1884 = vector.shape_cast %get3A_1883 : vector<1x1x16xf32> to vector<16xf32>
      %swap3A_1885 = arith.constant 11 : i32
      %swap3A_1886 = arith.index_cast %swap3A_1885 : i32 to index
      %swap3A_1887 = arith.constant 0 : index
      %swap3A_1888 = tpu.vector_load %arg10[%swap3A_1886, %swap3A_1887] {strides = array<i32>} : memref<32x64xf32, #tpu.memory_space<vmem>>, vector<1x16xf32>,
      %swap3A_1889 = vector.shape_cast %swap3A_1888 : vector<1x16xf32> to vector<16xf32>
      %swap3A_1890 = vector.shape_cast %get3A_1884 : vector<16xf32> to vector<1x16xf32>
      tpu.vector_store %arg10[%swap3A_1886, %swap3A_1887], %swap3A_1890 {strides = array<i32>} : memref<32x64xf32, #tpu.memory_space<vmem>>, vector<1x16xf32>,
      %get3A_1891 = arith.constant 11 : i32
      %get3A_1892 = arith.index_cast %get3A_1891 : i32 to index
      %get3A_1893 = arith.index_cast %squeeze3A_1878 : i32 to index
      %get3A_1894 = arith.constant 16 : index
      %get3A_1895 = tpu.vector_load %arg8[%get3A_1892, %get3A_1893, %get3A_1894] {strides = array<i32>} : memref<32x8x64xf32, #tpu.memory_space<vmem>>, vector<1x1x16xf32>,
      %get3A_1896 = vector.shape_cast %get3A_1895 : vector<1x1x16xf32> to vector<16xf32>
      %swap3A_1897 = arith.constant 11 : i32
      %swap3A_1898 = arith.index_cast %swap3A_1897 : i32 to index
      %swap3A_1899 = arith.constant 16 : index
      %swap3A_1900 = tpu.vector_load %arg10[%swap3A_1898, %swap3A_1899] {strides = array<i32>} : memref<32x64xf32, #tpu.memory_space<vmem>>, vector<1x16xf32>,
      %swap3A_1901 = vector.shape_cast %swap3A_1900 : vector<1x16xf32> to vector<16xf32>
      %swap3A_1902 = vector.shape_cast %get3A_1896 : vector<16xf32> to vector<1x16xf32>
      tpu.vector_store %arg10[%swap3A_1898, %swap3A_1899], %swap3A_1902 {strides = array<i32>} : memref<32x64xf32, #tpu.memory_space<vmem>>, vector<1x16xf32>,
      %get3A_1903 = arith.constant 11 : i32
      %get3A_1904 = arith.index_cast %get3A_1903 : i32 to index
      %get3A_1905 = arith.index_cast %squeeze3A_1878 : i32 to index
      %get3A_1906 = arith.constant 32 : index
      %get3A_1907 = tpu.vector_load %arg8[%get3A_1904, %get3A_1905, %get3A_1906] {strides = array<i32>} : memref<32x8x64xf32, #tpu.memory_space<vmem>>, vector<1x1x16xf32>,
      %get3A_1908 = vector.shape_cast %get3A_1907 : vector<1x1x16xf32> to vector<16xf32>
      %swap3A_1909 = arith.constant 11 : i32
      %swap3A_1910 = arith.index_cast %swap3A_1909 : i32 to index
      %swap3A_1911 = arith.constant 32 : index
      %swap3A_1912 = tpu.vector_load %arg10[%swap3A_1910, %swap3A_1911] {strides = array<i32>} : memref<32x64xf32, #tpu.memory_space<vmem>>, vector<1x16xf32>,
      %swap3A_1913 = vector.shape_cast %swap3A_1912 : vector<1x16xf32> to vector<16xf32>
      %swap3A_1914 = vector.shape_cast %get3A_1908 : vector<16xf32> to vector<1x16xf32>
      tpu.vector_store %arg10[%swap3A_1910, %swap3A_1911], %swap3A_1914 {strides = array<i32>} : memref<32x64xf32, #tpu.memory_space<vmem>>, vector<1x16xf32>,
      %get3A_1915 = arith.constant 11 : i32
      %get3A_1916 = arith.index_cast %get3A_1915 : i32 to index
      %get3A_1917 = arith.index_cast %squeeze3A_1878 : i32 to index
      %get3A_1918 = arith.constant 48 : index
      %get3A_1919 = tpu.vector_load %arg8[%get3A_1916, %get3A_1917, %get3A_1918] {strides = array<i32>} : memref<32x8x64xf32, #tpu.memory_space<vmem>>, vector<1x1x16xf32>,
      %get3A_1920 = vector.shape_cast %get3A_1919 : vector<1x1x16xf32> to vector<16xf32>
      %swap3A_1921 = arith.constant 11 : i32
      %swap3A_1922 = arith.index_cast %swap3A_1921 : i32 to index
      %swap3A_1923 = arith.constant 48 : index
      %swap3A_1924 = tpu.vector_load %arg10[%swap3A_1922, %swap3A_1923] {strides = array<i32>} : memref<32x64xf32, #tpu.memory_space<vmem>>, vector<1x16xf32>,
      %swap3A_1925 = vector.shape_cast %swap3A_1924 : vector<1x16xf32> to vector<16xf32>
      %swap3A_1926 = vector.shape_cast %get3A_1920 : vector<16xf32> to vector<1x16xf32>
      tpu.vector_store %arg10[%swap3A_1922, %swap3A_1923], %swap3A_1926 {strides = array<i32>} : memref<32x64xf32, #tpu.memory_space<vmem>>, vector<1x16xf32>,
      %get3A_1927 = arith.constant 11 : i32
      %get3A_1928 = arith.index_cast %get3A_1927 : i32 to index
      %get3A_1929 = arith.index_cast %squeeze3A_1878 : i32 to index
      %get3A_1930 = arith.constant 0 : index
      %get3A_1931 = tpu.vector_load %arg9[%get3A_1928, %get3A_1929, %get3A_1930] {strides = array<i32>} : memref<32x8x16xf32, #tpu.memory_space<vmem>>, vector<1x1x16xf32>,
      %get3A_1932 = vector.shape_cast %get3A_1931 : vector<1x1x16xf32> to vector<16xf32>
      %swap3A_1933 = arith.constant 11 : i32
      %swap3A_1934 = arith.index_cast %swap3A_1933 : i32 to index
      %swap3A_1935 = arith.constant 0 : index
      %swap3A_1936 = tpu.vector_load %arg11[%swap3A_1934, %swap3A_1935] {strides = array<i32>} : memref<32x16xf32, #tpu.memory_space<vmem>>, vector<1x16xf32>,
      %swap3A_1937 = vector.shape_cast %swap3A_1936 : vector<1x16xf32> to vector<16xf32>
      %swap3A_1938 = vector.shape_cast %get3A_1932 : vector<16xf32> to vector<1x16xf32>
      tpu.vector_store %arg11[%swap3A_1934, %swap3A_1935], %swap3A_1938 {strides = array<i32>} : memref<32x16xf32, #tpu.memory_space<vmem>>, vector<1x16xf32>,
      %slice3A_1939 = vector.extract_strided_slice %and3A_1195 {offsets = [12], sizes = [1], strides = [1]} : vector<16xi32> to vector<1xi32>
      %squeeze3A_1940 = vector.extract %slice3A_1939[0] : i32 from vector<1xi32>
      %get3A_1941 = arith.constant 12 : i32
      %get3A_1942 = arith.index_cast %get3A_1941 : i32 to index
      %get3A_1943 = arith.index_cast %squeeze3A_1940 : i32 to index
      %get3A_1944 = arith.constant 0 : index
      %get3A_1945 = tpu.vector_load %arg8[%get3A_1942, %get3A_1943, %get3A_1944] {strides = array<i32>} : memref<32x8x64xf32, #tpu.memory_space<vmem>>, vector<1x1x16xf32>,
      %get3A_1946 = vector.shape_cast %get3A_1945 : vector<1x1x16xf32> to vector<16xf32>
      %swap3A_1947 = arith.constant 12 : i32
      %swap3A_1948 = arith.index_cast %swap3A_1947 : i32 to index
      %swap3A_1949 = arith.constant 0 : index
      %swap3A_1950 = tpu.vector_load %arg10[%swap3A_1948, %swap3A_1949] {strides = array<i32>} : memref<32x64xf32, #tpu.memory_space<vmem>>, vector<1x16xf32>,
      %swap3A_1951 = vector.shape_cast %swap3A_1950 : vector<1x16xf32> to vector<16xf32>
      %swap3A_1952 = vector.shape_cast %get3A_1946 : vector<16xf32> to vector<1x16xf32>
      tpu.vector_store %arg10[%swap3A_1948, %swap3A_1949], %swap3A_1952 {strides = array<i32>} : memref<32x64xf32, #tpu.memory_space<vmem>>, vector<1x16xf32>,
      %get3A_1953 = arith.constant 12 : i32
      %get3A_1954 = arith.index_cast %get3A_1953 : i32 to index
      %get3A_1955 = arith.index_cast %squeeze3A_1940 : i32 to index
      %get3A_1956 = arith.constant 16 : index
      %get3A_1957 = tpu.vector_load %arg8[%get3A_1954, %get3A_1955, %get3A_1956] {strides = array<i32>} : memref<32x8x64xf32, #tpu.memory_space<vmem>>, vector<1x1x16xf32>,
      %get3A_1958 = vector.shape_cast %get3A_1957 : vector<1x1x16xf32> to vector<16xf32>
      %swap3A_1959 = arith.constant 12 : i32
      %swap3A_1960 = arith.index_cast %swap3A_1959 : i32 to index
      %swap3A_1961 = arith.constant 16 : index
      %swap3A_1962 = tpu.vector_load %arg10[%swap3A_1960, %swap3A_1961] {strides = array<i32>} : memref<32x64xf32, #tpu.memory_space<vmem>>, vector<1x16xf32>,
      %swap3A_1963 = vector.shape_cast %swap3A_1962 : vector<1x16xf32> to vector<16xf32>
      %swap3A_1964 = vector.shape_cast %get3A_1958 : vector<16xf32> to vector<1x16xf32>
      tpu.vector_store %arg10[%swap3A_1960, %swap3A_1961], %swap3A_1964 {strides = array<i32>} : memref<32x64xf32, #tpu.memory_space<vmem>>, vector<1x16xf32>,
      %get3A_1965 = arith.constant 12 : i32
      %get3A_1966 = arith.index_cast %get3A_1965 : i32 to index
      %get3A_1967 = arith.index_cast %squeeze3A_1940 : i32 to index
      %get3A_1968 = arith.constant 32 : index
      %get3A_1969 = tpu.vector_load %arg8[%get3A_1966, %get3A_1967, %get3A_1968] {strides = array<i32>} : memref<32x8x64xf32, #tpu.memory_space<vmem>>, vector<1x1x16xf32>,
      %get3A_1970 = vector.shape_cast %get3A_1969 : vector<1x1x16xf32> to vector<16xf32>
      %swap3A_1971 = arith.constant 12 : i32
      %swap3A_1972 = arith.index_cast %swap3A_1971 : i32 to index
      %swap3A_1973 = arith.constant 32 : index
      %swap3A_1974 = tpu.vector_load %arg10[%swap3A_1972, %swap3A_1973] {strides = array<i32>} : memref<32x64xf32, #tpu.memory_space<vmem>>, vector<1x16xf32>,
      %swap3A_1975 = vector.shape_cast %swap3A_1974 : vector<1x16xf32> to vector<16xf32>
      %swap3A_1976 = vector.shape_cast %get3A_1970 : vector<16xf32> to vector<1x16xf32>
      tpu.vector_store %arg10[%swap3A_1972, %swap3A_1973], %swap3A_1976 {strides = array<i32>} : memref<32x64xf32, #tpu.memory_space<vmem>>, vector<1x16xf32>,
      %get3A_1977 = arith.constant 12 : i32
      %get3A_1978 = arith.index_cast %get3A_1977 : i32 to index
      %get3A_1979 = arith.index_cast %squeeze3A_1940 : i32 to index
      %get3A_1980 = arith.constant 48 : index
      %get3A_1981 = tpu.vector_load %arg8[%get3A_1978, %get3A_1979, %get3A_1980] {strides = array<i32>} : memref<32x8x64xf32, #tpu.memory_space<vmem>>, vector<1x1x16xf32>,
      %get3A_1982 = vector.shape_cast %get3A_1981 : vector<1x1x16xf32> to vector<16xf32>
      %swap3A_1983 = arith.constant 12 : i32
      %swap3A_1984 = arith.index_cast %swap3A_1983 : i32 to index
      %swap3A_1985 = arith.constant 48 : index
      %swap3A_1986 = tpu.vector_load %arg10[%swap3A_1984, %swap3A_1985] {strides = array<i32>} : memref<32x64xf32, #tpu.memory_space<vmem>>, vector<1x16xf32>,
      %swap3A_1987 = vector.shape_cast %swap3A_1986 : vector<1x16xf32> to vector<16xf32>
      %swap3A_1988 = vector.shape_cast %get3A_1982 : vector<16xf32> to vector<1x16xf32>
      tpu.vector_store %arg10[%swap3A_1984, %swap3A_1985], %swap3A_1988 {strides = array<i32>} : memref<32x64xf32, #tpu.memory_space<vmem>>, vector<1x16xf32>,
      %get3A_1989 = arith.constant 12 : i32
      %get3A_1990 = arith.index_cast %get3A_1989 : i32 to index
      %get3A_1991 = arith.index_cast %squeeze3A_1940 : i32 to index
      %get3A_1992 = arith.constant 0 : index
      %get3A_1993 = tpu.vector_load %arg9[%get3A_1990, %get3A_1991, %get3A_1992] {strides = array<i32>} : memref<32x8x16xf32, #tpu.memory_space<vmem>>, vector<1x1x16xf32>,
      %get3A_1994 = vector.shape_cast %get3A_1993 : vector<1x1x16xf32> to vector<16xf32>
      %swap3A_1995 = arith.constant 12 : i32
      %swap3A_1996 = arith.index_cast %swap3A_1995 : i32 to index
      %swap3A_1997 = arith.constant 0 : index
      %swap3A_1998 = tpu.vector_load %arg11[%swap3A_1996, %swap3A_1997] {strides = array<i32>} : memref<32x16xf32, #tpu.memory_space<vmem>>, vector<1x16xf32>,
      %swap3A_1999 = vector.shape_cast %swap3A_1998 : vector<1x16xf32> to vector<16xf32>
      %swap3A_2000 = vector.shape_cast %get3A_1994 : vector<16xf32> to vector<1x16xf32>
      tpu.vector_store %arg11[%swap3A_1996, %swap3A_1997], %swap3A_2000 {strides = array<i32>} : memref<32x16xf32, #tpu.memory_space<vmem>>, vector<1x16xf32>,
      %slice3A_2001 = vector.extract_strided_slice %and3A_1195 {offsets = [13], sizes = [1], strides = [1]} : vector<16xi32> to vector<1xi32>
      %squeeze3A_2002 = vector.extract %slice3A_2001[0] : i32 from vector<1xi32>
      %get3A_2003 = arith.constant 13 : i32
      %get3A_2004 = arith.index_cast %get3A_2003 : i32 to index
      %get3A_2005 = arith.index_cast %squeeze3A_2002 : i32 to index
      %get3A_2006 = arith.constant 0 : index
      %get3A_2007 = tpu.vector_load %arg8[%get3A_2004, %get3A_2005, %get3A_2006] {strides = array<i32>} : memref<32x8x64xf32, #tpu.memory_space<vmem>>, vector<1x1x16xf32>,
      %get3A_2008 = vector.shape_cast %get3A_2007 : vector<1x1x16xf32> to vector<16xf32>
      %swap3A_2009 = arith.constant 13 : i32
      %swap3A_2010 = arith.index_cast %swap3A_2009 : i32 to index
      %swap3A_2011 = arith.constant 0 : index
      %swap3A_2012 = tpu.vector_load %arg10[%swap3A_2010, %swap3A_2011] {strides = array<i32>} : memref<32x64xf32, #tpu.memory_space<vmem>>, vector<1x16xf32>,
      %swap3A_2013 = vector.shape_cast %swap3A_2012 : vector<1x16xf32> to vector<16xf32>
      %swap3A_2014 = vector.shape_cast %get3A_2008 : vector<16xf32> to vector<1x16xf32>
      tpu.vector_store %arg10[%swap3A_2010, %swap3A_2011], %swap3A_2014 {strides = array<i32>} : memref<32x64xf32, #tpu.memory_space<vmem>>, vector<1x16xf32>,
      %get3A_2015 = arith.constant 13 : i32
      %get3A_2016 = arith.index_cast %get3A_2015 : i32 to index
      %get3A_2017 = arith.index_cast %squeeze3A_2002 : i32 to index
      %get3A_2018 = arith.constant 16 : index
      %get3A_2019 = tpu.vector_load %arg8[%get3A_2016, %get3A_2017, %get3A_2018] {strides = array<i32>} : memref<32x8x64xf32, #tpu.memory_space<vmem>>, vector<1x1x16xf32>,
      %get3A_2020 = vector.shape_cast %get3A_2019 : vector<1x1x16xf32> to vector<16xf32>
      %swap3A_2021 = arith.constant 13 : i32
      %swap3A_2022 = arith.index_cast %swap3A_2021 : i32 to index
      %swap3A_2023 = arith.constant 16 : index
      %swap3A_2024 = tpu.vector_load %arg10[%swap3A_2022, %swap3A_2023] {strides = array<i32>} : memref<32x64xf32, #tpu.memory_space<vmem>>, vector<1x16xf32>,
      %swap3A_2025 = vector.shape_cast %swap3A_2024 : vector<1x16xf32> to vector<16xf32>
      %swap3A_2026 = vector.shape_cast %get3A_2020 : vector<16xf32> to vector<1x16xf32>
      tpu.vector_store %arg10[%swap3A_2022, %swap3A_2023], %swap3A_2026 {strides = array<i32>} : memref<32x64xf32, #tpu.memory_space<vmem>>, vector<1x16xf32>,
      %get3A_2027 = arith.constant 13 : i32
      %get3A_2028 = arith.index_cast %get3A_2027 : i32 to index
      %get3A_2029 = arith.index_cast %squeeze3A_2002 : i32 to index
      %get3A_2030 = arith.constant 32 : index
      %get3A_2031 = tpu.vector_load %arg8[%get3A_2028, %get3A_2029, %get3A_2030] {strides = array<i32>} : memref<32x8x64xf32, #tpu.memory_space<vmem>>, vector<1x1x16xf32>,
      %get3A_2032 = vector.shape_cast %get3A_2031 : vector<1x1x16xf32> to vector<16xf32>
      %swap3A_2033 = arith.constant 13 : i32
      %swap3A_2034 = arith.index_cast %swap3A_2033 : i32 to index
      %swap3A_2035 = arith.constant 32 : index
      %swap3A_2036 = tpu.vector_load %arg10[%swap3A_2034, %swap3A_2035] {strides = array<i32>} : memref<32x64xf32, #tpu.memory_space<vmem>>, vector<1x16xf32>,
      %swap3A_2037 = vector.shape_cast %swap3A_2036 : vector<1x16xf32> to vector<16xf32>
      %swap3A_2038 = vector.shape_cast %get3A_2032 : vector<16xf32> to vector<1x16xf32>
      tpu.vector_store %arg10[%swap3A_2034, %swap3A_2035], %swap3A_2038 {strides = array<i32>} : memref<32x64xf32, #tpu.memory_space<vmem>>, vector<1x16xf32>,
      %get3A_2039 = arith.constant 13 : i32
      %get3A_2040 = arith.index_cast %get3A_2039 : i32 to index
      %get3A_2041 = arith.index_cast %squeeze3A_2002 : i32 to index
      %get3A_2042 = arith.constant 48 : index
      %get3A_2043 = tpu.vector_load %arg8[%get3A_2040, %get3A_2041, %get3A_2042] {strides = array<i32>} : memref<32x8x64xf32, #tpu.memory_space<vmem>>, vector<1x1x16xf32>,
      %get3A_2044 = vector.shape_cast %get3A_2043 : vector<1x1x16xf32> to vector<16xf32>
      %swap3A_2045 = arith.constant 13 : i32
      %swap3A_2046 = arith.index_cast %swap3A_2045 : i32 to index
      %swap3A_2047 = arith.constant 48 : index
      %swap3A_2048 = tpu.vector_load %arg10[%swap3A_2046, %swap3A_2047] {strides = array<i32>} : memref<32x64xf32, #tpu.memory_space<vmem>>, vector<1x16xf32>,
      %swap3A_2049 = vector.shape_cast %swap3A_2048 : vector<1x16xf32> to vector<16xf32>
      %swap3A_2050 = vector.shape_cast %get3A_2044 : vector<16xf32> to vector<1x16xf32>
      tpu.vector_store %arg10[%swap3A_2046, %swap3A_2047], %swap3A_2050 {strides = array<i32>} : memref<32x64xf32, #tpu.memory_space<vmem>>, vector<1x16xf32>,
      %get3A_2051 = arith.constant 13 : i32
      %get3A_2052 = arith.index_cast %get3A_2051 : i32 to index
      %get3A_2053 = arith.index_cast %squeeze3A_2002 : i32 to index
      %get3A_2054 = arith.constant 0 : index
      %get3A_2055 = tpu.vector_load %arg9[%get3A_2052, %get3A_2053, %get3A_2054] {strides = array<i32>} : memref<32x8x16xf32, #tpu.memory_space<vmem>>, vector<1x1x16xf32>,
      %get3A_2056 = vector.shape_cast %get3A_2055 : vector<1x1x16xf32> to vector<16xf32>
      %swap3A_2057 = arith.constant 13 : i32
      %swap3A_2058 = arith.index_cast %swap3A_2057 : i32 to index
      %swap3A_2059 = arith.constant 0 : index
      %swap3A_2060 = tpu.vector_load %arg11[%swap3A_2058, %swap3A_2059] {strides = array<i32>} : memref<32x16xf32, #tpu.memory_space<vmem>>, vector<1x16xf32>,
      %swap3A_2061 = vector.shape_cast %swap3A_2060 : vector<1x16xf32> to vector<16xf32>
      %swap3A_2062 = vector.shape_cast %get3A_2056 : vector<16xf32> to vector<1x16xf32>
      tpu.vector_store %arg11[%swap3A_2058, %swap3A_2059], %swap3A_2062 {strides = array<i32>} : memref<32x16xf32, #tpu.memory_space<vmem>>, vector<1x16xf32>,
      %slice3A_2063 = vector.extract_strided_slice %and3A_1195 {offsets = [14], sizes = [1], strides = [1]} : vector<16xi32> to vector<1xi32>
      %squeeze3A_2064 = vector.extract %slice3A_2063[0] : i32 from vector<1xi32>
      %get3A_2065 = arith.constant 14 : i32
      %get3A_2066 = arith.index_cast %get3A_2065 : i32 to index
      %get3A_2067 = arith.index_cast %squeeze3A_2064 : i32 to index
      %get3A_2068 = arith.constant 0 : index
      %get3A_2069 = tpu.vector_load %arg8[%get3A_2066, %get3A_2067, %get3A_2068] {strides = array<i32>} : memref<32x8x64xf32, #tpu.memory_space<vmem>>, vector<1x1x16xf32>,
      %get3A_2070 = vector.shape_cast %get3A_2069 : vector<1x1x16xf32> to vector<16xf32>
      %swap3A_2071 = arith.constant 14 : i32
      %swap3A_2072 = arith.index_cast %swap3A_2071 : i32 to index
      %swap3A_2073 = arith.constant 0 : index
      %swap3A_2074 = tpu.vector_load %arg10[%swap3A_2072, %swap3A_2073] {strides = array<i32>} : memref<32x64xf32, #tpu.memory_space<vmem>>, vector<1x16xf32>,
      %swap3A_2075 = vector.shape_cast %swap3A_2074 : vector<1x16xf32> to vector<16xf32>
      %swap3A_2076 = vector.shape_cast %get3A_2070 : vector<16xf32> to vector<1x16xf32>
      tpu.vector_store %arg10[%swap3A_2072, %swap3A_2073], %swap3A_2076 {strides = array<i32>} : memref<32x64xf32, #tpu.memory_space<vmem>>, vector<1x16xf32>,
      %get3A_2077 = arith.constant 14 : i32
      %get3A_2078 = arith.index_cast %get3A_2077 : i32 to index
      %get3A_2079 = arith.index_cast %squeeze3A_2064 : i32 to index
      %get3A_2080 = arith.constant 16 : index
      %get3A_2081 = tpu.vector_load %arg8[%get3A_2078, %get3A_2079, %get3A_2080] {strides = array<i32>} : memref<32x8x64xf32, #tpu.memory_space<vmem>>, vector<1x1x16xf32>,
      %get3A_2082 = vector.shape_cast %get3A_2081 : vector<1x1x16xf32> to vector<16xf32>
      %swap3A_2083 = arith.constant 14 : i32
      %swap3A_2084 = arith.index_cast %swap3A_2083 : i32 to index
      %swap3A_2085 = arith.constant 16 : index
      %swap3A_2086 = tpu.vector_load %arg10[%swap3A_2084, %swap3A_2085] {strides = array<i32>} : memref<32x64xf32, #tpu.memory_space<vmem>>, vector<1x16xf32>,
      %swap3A_2087 = vector.shape_cast %swap3A_2086 : vector<1x16xf32> to vector<16xf32>
      %swap3A_2088 = vector.shape_cast %get3A_2082 : vector<16xf32> to vector<1x16xf32>
      tpu.vector_store %arg10[%swap3A_2084, %swap3A_2085], %swap3A_2088 {strides = array<i32>} : memref<32x64xf32, #tpu.memory_space<vmem>>, vector<1x16xf32>,
      %get3A_2089 = arith.constant 14 : i32
      %get3A_2090 = arith.index_cast %get3A_2089 : i32 to index
      %get3A_2091 = arith.index_cast %squeeze3A_2064 : i32 to index
      %get3A_2092 = arith.constant 32 : index
      %get3A_2093 = tpu.vector_load %arg8[%get3A_2090, %get3A_2091, %get3A_2092] {strides = array<i32>} : memref<32x8x64xf32, #tpu.memory_space<vmem>>, vector<1x1x16xf32>,
      %get3A_2094 = vector.shape_cast %get3A_2093 : vector<1x1x16xf32> to vector<16xf32>
      %swap3A_2095 = arith.constant 14 : i32
      %swap3A_2096 = arith.index_cast %swap3A_2095 : i32 to index
      %swap3A_2097 = arith.constant 32 : index
      %swap3A_2098 = tpu.vector_load %arg10[%swap3A_2096, %swap3A_2097] {strides = array<i32>} : memref<32x64xf32, #tpu.memory_space<vmem>>, vector<1x16xf32>,
      %swap3A_2099 = vector.shape_cast %swap3A_2098 : vector<1x16xf32> to vector<16xf32>
      %swap3A_2100 = vector.shape_cast %get3A_2094 : vector<16xf32> to vector<1x16xf32>
      tpu.vector_store %arg10[%swap3A_2096, %swap3A_2097], %swap3A_2100 {strides = array<i32>} : memref<32x64xf32, #tpu.memory_space<vmem>>, vector<1x16xf32>,
      %get3A_2101 = arith.constant 14 : i32
      %get3A_2102 = arith.index_cast %get3A_2101 : i32 to index
      %get3A_2103 = arith.index_cast %squeeze3A_2064 : i32 to index
      %get3A_2104 = arith.constant 48 : index
      %get3A_2105 = tpu.vector_load %arg8[%get3A_2102, %get3A_2103, %get3A_2104] {strides = array<i32>} : memref<32x8x64xf32, #tpu.memory_space<vmem>>, vector<1x1x16xf32>,
      %get3A_2106 = vector.shape_cast %get3A_2105 : vector<1x1x16xf32> to vector<16xf32>
      %swap3A_2107 = arith.constant 14 : i32
      %swap3A_2108 = arith.index_cast %swap3A_2107 : i32 to index
      %swap3A_2109 = arith.constant 48 : index
      %swap3A_2110 = tpu.vector_load %arg10[%swap3A_2108, %swap3A_2109] {strides = array<i32>} : memref<32x64xf32, #tpu.memory_space<vmem>>, vector<1x16xf32>,
      %swap3A_2111 = vector.shape_cast %swap3A_2110 : vector<1x16xf32> to vector<16xf32>
      %swap3A_2112 = vector.shape_cast %get3A_2106 : vector<16xf32> to vector<1x16xf32>
      tpu.vector_store %arg10[%swap3A_2108, %swap3A_2109], %swap3A_2112 {strides = array<i32>} : memref<32x64xf32, #tpu.memory_space<vmem>>, vector<1x16xf32>,
      %get3A_2113 = arith.constant 14 : i32
      %get3A_2114 = arith.index_cast %get3A_2113 : i32 to index
      %get3A_2115 = arith.index_cast %squeeze3A_2064 : i32 to index
      %get3A_2116 = arith.constant 0 : index
      %get3A_2117 = tpu.vector_load %arg9[%get3A_2114, %get3A_2115, %get3A_2116] {strides = array<i32>} : memref<32x8x16xf32, #tpu.memory_space<vmem>>, vector<1x1x16xf32>,
      %get3A_2118 = vector.shape_cast %get3A_2117 : vector<1x1x16xf32> to vector<16xf32>
      %swap3A_2119 = arith.constant 14 : i32
      %swap3A_2120 = arith.index_cast %swap3A_2119 : i32 to index
      %swap3A_2121 = arith.constant 0 : index
      %swap3A_2122 = tpu.vector_load %arg11[%swap3A_2120, %swap3A_2121] {strides = array<i32>} : memref<32x16xf32, #tpu.memory_space<vmem>>, vector<1x16xf32>,
      %swap3A_2123 = vector.shape_cast %swap3A_2122 : vector<1x16xf32> to vector<16xf32>
      %swap3A_2124 = vector.shape_cast %get3A_2118 : vector<16xf32> to vector<1x16xf32>
      tpu.vector_store %arg11[%swap3A_2120, %swap3A_2121], %swap3A_2124 {strides = array<i32>} : memref<32x16xf32, #tpu.memory_space<vmem>>, vector<1x16xf32>,
      %slice3A_2125 = vector.extract_strided_slice %and3A_1195 {offsets = [15], sizes = [1], strides = [1]} : vector<16xi32> to vector<1xi32>
      %squeeze3A_2126 = vector.extract %slice3A_2125[0] : i32 from vector<1xi32>
      %get3A_2127 = arith.constant 15 : i32
      %get3A_2128 = arith.index_cast %get3A_2127 : i32 to index
      %get3A_2129 = arith.index_cast %squeeze3A_2126 : i32 to index
      %get3A_2130 = arith.constant 0 : index
      %get3A_2131 = tpu.vector_load %arg8[%get3A_2128, %get3A_2129, %get3A_2130] {strides = array<i32>} : memref<32x8x64xf32, #tpu.memory_space<vmem>>, vector<1x1x16xf32>,
      %get3A_2132 = vector.shape_cast %get3A_2131 : vector<1x1x16xf32> to vector<16xf32>
      %swap3A_2133 = arith.constant 15 : i32
      %swap3A_2134 = arith.index_cast %swap3A_2133 : i32 to index
      %swap3A_2135 = arith.constant 0 : index
      %swap3A_2136 = tpu.vector_load %arg10[%swap3A_2134, %swap3A_2135] {strides = array<i32>} : memref<32x64xf32, #tpu.memory_space<vmem>>, vector<1x16xf32>,
      %swap3A_2137 = vector.shape_cast %swap3A_2136 : vector<1x16xf32> to vector<16xf32>
      %swap3A_2138 = vector.shape_cast %get3A_2132 : vector<16xf32> to vector<1x16xf32>
      tpu.vector_store %arg10[%swap3A_2134, %swap3A_2135], %swap3A_2138 {strides = array<i32>} : memref<32x64xf32, #tpu.memory_space<vmem>>, vector<1x16xf32>,
      %get3A_2139 = arith.constant 15 : i32
      %get3A_2140 = arith.index_cast %get3A_2139 : i32 to index
      %get3A_2141 = arith.index_cast %squeeze3A_2126 : i32 to index
      %get3A_2142 = arith.constant 16 : index
      %get3A_2143 = tpu.vector_load %arg8[%get3A_2140, %get3A_2141, %get3A_2142] {strides = array<i32>} : memref<32x8x64xf32, #tpu.memory_space<vmem>>, vector<1x1x16xf32>,
      %get3A_2144 = vector.shape_cast %get3A_2143 : vector<1x1x16xf32> to vector<16xf32>
      %swap3A_2145 = arith.constant 15 : i32
      %swap3A_2146 = arith.index_cast %swap3A_2145 : i32 to index
      %swap3A_2147 = arith.constant 16 : index
      %swap3A_2148 = tpu.vector_load %arg10[%swap3A_2146, %swap3A_2147] {strides = array<i32>} : memref<32x64xf32, #tpu.memory_space<vmem>>, vector<1x16xf32>,
      %swap3A_2149 = vector.shape_cast %swap3A_2148 : vector<1x16xf32> to vector<16xf32>
      %swap3A_2150 = vector.shape_cast %get3A_2144 : vector<16xf32> to vector<1x16xf32>
      tpu.vector_store %arg10[%swap3A_2146, %swap3A_2147], %swap3A_2150 {strides = array<i32>} : memref<32x64xf32, #tpu.memory_space<vmem>>, vector<1x16xf32>,
      %get3A_2151 = arith.constant 15 : i32
      %get3A_2152 = arith.index_cast %get3A_2151 : i32 to index
      %get3A_2153 = arith.index_cast %squeeze3A_2126 : i32 to index
      %get3A_2154 = arith.constant 32 : index
      %get3A_2155 = tpu.vector_load %arg8[%get3A_2152, %get3A_2153, %get3A_2154] {strides = array<i32>} : memref<32x8x64xf32, #tpu.memory_space<vmem>>, vector<1x1x16xf32>,
      %get3A_2156 = vector.shape_cast %get3A_2155 : vector<1x1x16xf32> to vector<16xf32>
      %swap3A_2157 = arith.constant 15 : i32
      %swap3A_2158 = arith.index_cast %swap3A_2157 : i32 to index
      %swap3A_2159 = arith.constant 32 : index
      %swap3A_2160 = tpu.vector_load %arg10[%swap3A_2158, %swap3A_2159] {strides = array<i32>} : memref<32x64xf32, #tpu.memory_space<vmem>>, vector<1x16xf32>,
      %swap3A_2161 = vector.shape_cast %swap3A_2160 : vector<1x16xf32> to vector<16xf32>
      %swap3A_2162 = vector.shape_cast %get3A_2156 : vector<16xf32> to vector<1x16xf32>
      tpu.vector_store %arg10[%swap3A_2158, %swap3A_2159], %swap3A_2162 {strides = array<i32>} : memref<32x64xf32, #tpu.memory_space<vmem>>, vector<1x16xf32>,
      %get3A_2163 = arith.constant 15 : i32
      %get3A_2164 = arith.index_cast %get3A_2163 : i32 to index
      %get3A_2165 = arith.index_cast %squeeze3A_2126 : i32 to index
      %get3A_2166 = arith.constant 48 : index
      %get3A_2167 = tpu.vector_load %arg8[%get3A_2164, %get3A_2165, %get3A_2166] {strides = array<i32>} : memref<32x8x64xf32, #tpu.memory_space<vmem>>, vector<1x1x16xf32>,
      %get3A_2168 = vector.shape_cast %get3A_2167 : vector<1x1x16xf32> to vector<16xf32>
      %swap3A_2169 = arith.constant 15 : i32
      %swap3A_2170 = arith.index_cast %swap3A_2169 : i32 to index
      %swap3A_2171 = arith.constant 48 : index
      %swap3A_2172 = tpu.vector_load %arg10[%swap3A_2170, %swap3A_2171] {strides = array<i32>} : memref<32x64xf32, #tpu.memory_space<vmem>>, vector<1x16xf32>,
      %swap3A_2173 = vector.shape_cast %swap3A_2172 : vector<1x16xf32> to vector<16xf32>
      %swap3A_2174 = vector.shape_cast %get3A_2168 : vector<16xf32> to vector<1x16xf32>
      tpu.vector_store %arg10[%swap3A_2170, %swap3A_2171], %swap3A_2174 {strides = array<i32>} : memref<32x64xf32, #tpu.memory_space<vmem>>, vector<1x16xf32>,
      %get3A_2175 = arith.constant 15 : i32
      %get3A_2176 = arith.index_cast %get3A_2175 : i32 to index
      %get3A_2177 = arith.index_cast %squeeze3A_2126 : i32 to index
      %get3A_2178 = arith.constant 0 : index
      %get3A_2179 = tpu.vector_load %arg9[%get3A_2176, %get3A_2177, %get3A_2178] {strides = array<i32>} : memref<32x8x16xf32, #tpu.memory_space<vmem>>, vector<1x1x16xf32>,
      %get3A_2180 = vector.shape_cast %get3A_2179 : vector<1x1x16xf32> to vector<16xf32>
      %swap3A_2181 = arith.constant 15 : i32
      %swap3A_2182 = arith.index_cast %swap3A_2181 : i32 to index
      %swap3A_2183 = arith.constant 0 : index
      %swap3A_2184 = tpu.vector_load %arg11[%swap3A_2182, %swap3A_2183] {strides = array<i32>} : memref<32x16xf32, #tpu.memory_space<vmem>>, vector<1x16xf32>,
      %swap3A_2185 = vector.shape_cast %swap3A_2184 : vector<1x16xf32> to vector<16xf32>
      %swap3A_2186 = vector.shape_cast %get3A_2180 : vector<16xf32> to vector<1x16xf32>
      tpu.vector_store %arg11[%swap3A_2182, %swap3A_2183], %swap3A_2186 {strides = array<i32>} : memref<32x16xf32, #tpu.memory_space<vmem>>, vector<1x16xf32>,
      %add3A_2187 = arith.constant 16 : i32
      %add3A_2188 = arith.addi %mul3A_10, %add3A_2187 : i32
      %get3A_2189 = arith.index_cast %add3A_2188 : i32 to index
      %get3A_2190 = tpu.vector_load %arg7[%get3A_2189] {strides = array<i32>} : memref<512xi32, #tpu.memory_space<vmem>>, vector<16xi32>,
      %get3A_2191 = vector.shape_cast %get3A_2190 : vector<16xi32> to vector<16xi32>
      %and3A_2192 = arith.constant 7 : i32
      %and3A_2193 = vector.broadcast %and3A_2192 : i32 to vector<16xi32>
      %and3A_2194 = arith.andi %get3A_2191, %and3A_2193 : vector<16xi32>
      %slice3A_2195 = vector.extract_strided_slice %and3A_2194 {offsets = [0], sizes = [1], strides = [1]} : vector<16xi32> to vector<1xi32>
      %squeeze3A_2196 = vector.extract %slice3A_2195[0] : i32 from vector<1xi32>
      %get3A_2197 = arith.constant 16 : i32
      %get3A_2198 = arith.index_cast %get3A_2197 : i32 to index
      %get3A_2199 = arith.index_cast %squeeze3A_2196 : i32 to index
      %get3A_2200 = arith.constant 0 : index
      %get3A_2201 = tpu.vector_load %arg8[%get3A_2198, %get3A_2199, %get3A_2200] {strides = array<i32>} : memref<32x8x64xf32, #tpu.memory_space<vmem>>, vector<1x1x16xf32>,
      %get3A_2202 = vector.shape_cast %get3A_2201 : vector<1x1x16xf32> to vector<16xf32>
      %swap3A_2203 = arith.constant 16 : i32
      %swap3A_2204 = arith.index_cast %swap3A_2203 : i32 to index
      %swap3A_2205 = arith.constant 0 : index
      %swap3A_2206 = tpu.vector_load %arg10[%swap3A_2204, %swap3A_2205] {strides = array<i32>} : memref<32x64xf32, #tpu.memory_space<vmem>>, vector<1x16xf32>,
      %swap3A_2207 = vector.shape_cast %swap3A_2206 : vector<1x16xf32> to vector<16xf32>
      %swap3A_2208 = vector.shape_cast %get3A_2202 : vector<16xf32> to vector<1x16xf32>
      tpu.vector_store %arg10[%swap3A_2204, %swap3A_2205], %swap3A_2208 {strides = array<i32>} : memref<32x64xf32, #tpu.memory_space<vmem>>, vector<1x16xf32>,
      %get3A_2209 = arith.constant 16 : i32
      %get3A_2210 = arith.index_cast %get3A_2209 : i32 to index
      %get3A_2211 = arith.index_cast %squeeze3A_2196 : i32 to index
      %get3A_2212 = arith.constant 16 : index
      %get3A_2213 = tpu.vector_load %arg8[%get3A_2210, %get3A_2211, %get3A_2212] {strides = array<i32>} : memref<32x8x64xf32, #tpu.memory_space<vmem>>, vector<1x1x16xf32>,
      %get3A_2214 = vector.shape_cast %get3A_2213 : vector<1x1x16xf32> to vector<16xf32>
      %swap3A_2215 = arith.constant 16 : i32
      %swap3A_2216 = arith.index_cast %swap3A_2215 : i32 to index
      %swap3A_2217 = arith.constant 16 : index
      %swap3A_2218 = tpu.vector_load %arg10[%swap3A_2216, %swap3A_2217] {strides = array<i32>} : memref<32x64xf32, #tpu.memory_space<vmem>>, vector<1x16xf32>,
      %swap3A_2219 = vector.shape_cast %swap3A_2218 : vector<1x16xf32> to vector<16xf32>
      %swap3A_2220 = vector.shape_cast %get3A_2214 : vector<16xf32> to vector<1x16xf32>
      tpu.vector_store %arg10[%swap3A_2216, %swap3A_2217], %swap3A_2220 {strides = array<i32>} : memref<32x64xf32, #tpu.memory_space<vmem>>, vector<1x16xf32>,
      %get3A_2221 = arith.constant 16 : i32
      %get3A_2222 = arith.index_cast %get3A_2221 : i32 to index
      %get3A_2223 = arith.index_cast %squeeze3A_2196 : i32 to index
      %get3A_2224 = arith.constant 32 : index
      %get3A_2225 = tpu.vector_load %arg8[%get3A_2222, %get3A_2223, %get3A_2224] {strides = array<i32>} : memref<32x8x64xf32, #tpu.memory_space<vmem>>, vector<1x1x16xf32>,
      %get3A_2226 = vector.shape_cast %get3A_2225 : vector<1x1x16xf32> to vector<16xf32>
      %swap3A_2227 = arith.constant 16 : i32
      %swap3A_2228 = arith.index_cast %swap3A_2227 : i32 to index
      %swap3A_2229 = arith.constant 32 : index
      %swap3A_2230 = tpu.vector_load %arg10[%swap3A_2228, %swap3A_2229] {strides = array<i32>} : memref<32x64xf32, #tpu.memory_space<vmem>>, vector<1x16xf32>,
      %swap3A_2231 = vector.shape_cast %swap3A_2230 : vector<1x16xf32> to vector<16xf32>
      %swap3A_2232 = vector.shape_cast %get3A_2226 : vector<16xf32> to vector<1x16xf32>
      tpu.vector_store %arg10[%swap3A_2228, %swap3A_2229], %swap3A_2232 {strides = array<i32>} : memref<32x64xf32, #tpu.memory_space<vmem>>, vector<1x16xf32>,
      %get3A_2233 = arith.constant 16 : i32
      %get3A_2234 = arith.index_cast %get3A_2233 : i32 to index
      %get3A_2235 = arith.index_cast %squeeze3A_2196 : i32 to index
      %get3A_2236 = arith.constant 48 : index
      %get3A_2237 = tpu.vector_load %arg8[%get3A_2234, %get3A_2235, %get3A_2236] {strides = array<i32>} : memref<32x8x64xf32, #tpu.memory_space<vmem>>, vector<1x1x16xf32>,
      %get3A_2238 = vector.shape_cast %get3A_2237 : vector<1x1x16xf32> to vector<16xf32>
      %swap3A_2239 = arith.constant 16 : i32
      %swap3A_2240 = arith.index_cast %swap3A_2239 : i32 to index
      %swap3A_2241 = arith.constant 48 : index
      %swap3A_2242 = tpu.vector_load %arg10[%swap3A_2240, %swap3A_2241] {strides = array<i32>} : memref<32x64xf32, #tpu.memory_space<vmem>>, vector<1x16xf32>,
      %swap3A_2243 = vector.shape_cast %swap3A_2242 : vector<1x16xf32> to vector<16xf32>
      %swap3A_2244 = vector.shape_cast %get3A_2238 : vector<16xf32> to vector<1x16xf32>
      tpu.vector_store %arg10[%swap3A_2240, %swap3A_2241], %swap3A_2244 {strides = array<i32>} : memref<32x64xf32, #tpu.memory_space<vmem>>, vector<1x16xf32>,
      %get3A_2245 = arith.constant 16 : i32
      %get3A_2246 = arith.index_cast %get3A_2245 : i32 to index
      %get3A_2247 = arith.index_cast %squeeze3A_2196 : i32 to index
      %get3A_2248 = arith.constant 0 : index
      %get3A_2249 = tpu.vector_load %arg9[%get3A_2246, %get3A_2247, %get3A_2248] {strides = array<i32>} : memref<32x8x16xf32, #tpu.memory_space<vmem>>, vector<1x1x16xf32>,
      %get3A_2250 = vector.shape_cast %get3A_2249 : vector<1x1x16xf32> to vector<16xf32>
      %swap3A_2251 = arith.constant 16 : i32
      %swap3A_2252 = arith.index_cast %swap3A_2251 : i32 to index
      %swap3A_2253 = arith.constant 0 : index
      %swap3A_2254 = tpu.vector_load %arg11[%swap3A_2252, %swap3A_2253] {strides = array<i32>} : memref<32x16xf32, #tpu.memory_space<vmem>>, vector<1x16xf32>,
      %swap3A_2255 = vector.shape_cast %swap3A_2254 : vector<1x16xf32> to vector<16xf32>
      %swap3A_2256 = vector.shape_cast %get3A_2250 : vector<16xf32> to vector<1x16xf32>
      tpu.vector_store %arg11[%swap3A_2252, %swap3A_2253], %swap3A_2256 {strides = array<i32>} : memref<32x16xf32, #tpu.memory_space<vmem>>, vector<1x16xf32>,
      %slice3A_2257 = vector.extract_strided_slice %and3A_2194 {offsets = [1], sizes = [1], strides = [1]} : vector<16xi32> to vector<1xi32>
      %squeeze3A_2258 = vector.extract %slice3A_2257[0] : i32 from vector<1xi32>
      %get3A_2259 = arith.constant 17 : i32
      %get3A_2260 = arith.index_cast %get3A_2259 : i32 to index
      %get3A_2261 = arith.index_cast %squeeze3A_2258 : i32 to index
      %get3A_2262 = arith.constant 0 : index
      %get3A_2263 = tpu.vector_load %arg8[%get3A_2260, %get3A_2261, %get3A_2262] {strides = array<i32>} : memref<32x8x64xf32, #tpu.memory_space<vmem>>, vector<1x1x16xf32>,
      %get3A_2264 = vector.shape_cast %get3A_2263 : vector<1x1x16xf32> to vector<16xf32>
      %swap3A_2265 = arith.constant 17 : i32
      %swap3A_2266 = arith.index_cast %swap3A_2265 : i32 to index
      %swap3A_2267 = arith.constant 0 : index
      %swap3A_2268 = tpu.vector_load %arg10[%swap3A_2266, %swap3A_2267] {strides = array<i32>} : memref<32x64xf32, #tpu.memory_space<vmem>>, vector<1x16xf32>,
      %swap3A_2269 = vector.shape_cast %swap3A_2268 : vector<1x16xf32> to vector<16xf32>
      %swap3A_2270 = vector.shape_cast %get3A_2264 : vector<16xf32> to vector<1x16xf32>
      tpu.vector_store %arg10[%swap3A_2266, %swap3A_2267], %swap3A_2270 {strides = array<i32>} : memref<32x64xf32, #tpu.memory_space<vmem>>, vector<1x16xf32>,
      %get3A_2271 = arith.constant 17 : i32
      %get3A_2272 = arith.index_cast %get3A_2271 : i32 to index
      %get3A_2273 = arith.index_cast %squeeze3A_2258 : i32 to index
      %get3A_2274 = arith.constant 16 : index
      %get3A_2275 = tpu.vector_load %arg8[%get3A_2272, %get3A_2273, %get3A_2274] {strides = array<i32>} : memref<32x8x64xf32, #tpu.memory_space<vmem>>, vector<1x1x16xf32>,
      %get3A_2276 = vector.shape_cast %get3A_2275 : vector<1x1x16xf32> to vector<16xf32>
      %swap3A_2277 = arith.constant 17 : i32
      %swap3A_2278 = arith.index_cast %swap3A_2277 : i32 to index
      %swap3A_2279 = arith.constant 16 : index
      %swap3A_2280 = tpu.vector_load %arg10[%swap3A_2278, %swap3A_2279] {strides = array<i32>} : memref<32x64xf32, #tpu.memory_space<vmem>>, vector<1x16xf32>,
      %swap3A_2281 = vector.shape_cast %swap3A_2280 : vector<1x16xf32> to vector<16xf32>
      %swap3A_2282 = vector.shape_cast %get3A_2276 : vector<16xf32> to vector<1x16xf32>
      tpu.vector_store %arg10[%swap3A_2278, %swap3A_2279], %swap3A_2282 {strides = array<i32>} : memref<32x64xf32, #tpu.memory_space<vmem>>, vector<1x16xf32>,
      %get3A_2283 = arith.constant 17 : i32
      %get3A_2284 = arith.index_cast %get3A_2283 : i32 to index
      %get3A_2285 = arith.index_cast %squeeze3A_2258 : i32 to index
      %get3A_2286 = arith.constant 32 : index
      %get3A_2287 = tpu.vector_load %arg8[%get3A_2284, %get3A_2285, %get3A_2286] {strides = array<i32>} : memref<32x8x64xf32, #tpu.memory_space<vmem>>, vector<1x1x16xf32>,
      %get3A_2288 = vector.shape_cast %get3A_2287 : vector<1x1x16xf32> to vector<16xf32>
      %swap3A_2289 = arith.constant 17 : i32
      %swap3A_2290 = arith.index_cast %swap3A_2289 : i32 to index
      %swap3A_2291 = arith.constant 32 : index
      %swap3A_2292 = tpu.vector_load %arg10[%swap3A_2290, %swap3A_2291] {strides = array<i32>} : memref<32x64xf32, #tpu.memory_space<vmem>>, vector<1x16xf32>,
      %swap3A_2293 = vector.shape_cast %swap3A_2292 : vector<1x16xf32> to vector<16xf32>
      %swap3A_2294 = vector.shape_cast %get3A_2288 : vector<16xf32> to vector<1x16xf32>
      tpu.vector_store %arg10[%swap3A_2290, %swap3A_2291], %swap3A_2294 {strides = array<i32>} : memref<32x64xf32, #tpu.memory_space<vmem>>, vector<1x16xf32>,
      %get3A_2295 = arith.constant 17 : i32
      %get3A_2296 = arith.index_cast %get3A_2295 : i32 to index
      %get3A_2297 = arith.index_cast %squeeze3A_2258 : i32 to index
      %get3A_2298 = arith.constant 48 : index
      %get3A_2299 = tpu.vector_load %arg8[%get3A_2296, %get3A_2297, %get3A_2298] {strides = array<i32>} : memref<32x8x64xf32, #tpu.memory_space<vmem>>, vector<1x1x16xf32>,
      %get3A_2300 = vector.shape_cast %get3A_2299 : vector<1x1x16xf32> to vector<16xf32>
      %swap3A_2301 = arith.constant 17 : i32
      %swap3A_2302 = arith.index_cast %swap3A_2301 : i32 to index
      %swap3A_2303 = arith.constant 48 : index
      %swap3A_2304 = tpu.vector_load %arg10[%swap3A_2302, %swap3A_2303] {strides = array<i32>} : memref<32x64xf32, #tpu.memory_space<vmem>>, vector<1x16xf32>,
      %swap3A_2305 = vector.shape_cast %swap3A_2304 : vector<1x16xf32> to vector<16xf32>
      %swap3A_2306 = vector.shape_cast %get3A_2300 : vector<16xf32> to vector<1x16xf32>
      tpu.vector_store %arg10[%swap3A_2302, %swap3A_2303], %swap3A_2306 {strides = array<i32>} : memref<32x64xf32, #tpu.memory_space<vmem>>, vector<1x16xf32>,
      %get3A_2307 = arith.constant 17 : i32
      %get3A_2308 = arith.index_cast %get3A_2307 : i32 to index
      %get3A_2309 = arith.index_cast %squeeze3A_2258 : i32 to index
      %get3A_2310 = arith.constant 0 : index
      %get3A_2311 = tpu.vector_load %arg9[%get3A_2308, %get3A_2309, %get3A_2310] {strides = array<i32>} : memref<32x8x16xf32, #tpu.memory_space<vmem>>, vector<1x1x16xf32>,
      %get3A_2312 = vector.shape_cast %get3A_2311 : vector<1x1x16xf32> to vector<16xf32>
      %swap3A_2313 = arith.constant 17 : i32
      %swap3A_2314 = arith.index_cast %swap3A_2313 : i32 to index
      %swap3A_2315 = arith.constant 0 : index
      %swap3A_2316 = tpu.vector_load %arg11[%swap3A_2314, %swap3A_2315] {strides = array<i32>} : memref<32x16xf32, #tpu.memory_space<vmem>>, vector<1x16xf32>,
      %swap3A_2317 = vector.shape_cast %swap3A_2316 : vector<1x16xf32> to vector<16xf32>
      %swap3A_2318 = vector.shape_cast %get3A_2312 : vector<16xf32> to vector<1x16xf32>
      tpu.vector_store %arg11[%swap3A_2314, %swap3A_2315], %swap3A_2318 {strides = array<i32>} : memref<32x16xf32, #tpu.memory_space<vmem>>, vector<1x16xf32>,
      %slice3A_2319 = vector.extract_strided_slice %and3A_2194 {offsets = [2], sizes = [1], strides = [1]} : vector<16xi32> to vector<1xi32>
      %squeeze3A_2320 = vector.extract %slice3A_2319[0] : i32 from vector<1xi32>
      %get3A_2321 = arith.constant 18 : i32
      %get3A_2322 = arith.index_cast %get3A_2321 : i32 to index
      %get3A_2323 = arith.index_cast %squeeze3A_2320 : i32 to index
      %get3A_2324 = arith.constant 0 : index
      %get3A_2325 = tpu.vector_load %arg8[%get3A_2322, %get3A_2323, %get3A_2324] {strides = array<i32>} : memref<32x8x64xf32, #tpu.memory_space<vmem>>, vector<1x1x16xf32>,
      %get3A_2326 = vector.shape_cast %get3A_2325 : vector<1x1x16xf32> to vector<16xf32>
      %swap3A_2327 = arith.constant 18 : i32
      %swap3A_2328 = arith.index_cast %swap3A_2327 : i32 to index
      %swap3A_2329 = arith.constant 0 : index
      %swap3A_2330 = tpu.vector_load %arg10[%swap3A_2328, %swap3A_2329] {strides = array<i32>} : memref<32x64xf32, #tpu.memory_space<vmem>>, vector<1x16xf32>,
      %swap3A_2331 = vector.shape_cast %swap3A_2330 : vector<1x16xf32> to vector<16xf32>
      %swap3A_2332 = vector.shape_cast %get3A_2326 : vector<16xf32> to vector<1x16xf32>
      tpu.vector_store %arg10[%swap3A_2328, %swap3A_2329], %swap3A_2332 {strides = array<i32>} : memref<32x64xf32, #tpu.memory_space<vmem>>, vector<1x16xf32>,
      %get3A_2333 = arith.constant 18 : i32
      %get3A_2334 = arith.index_cast %get3A_2333 : i32 to index
      %get3A_2335 = arith.index_cast %squeeze3A_2320 : i32 to index
      %get3A_2336 = arith.constant 16 : index
      %get3A_2337 = tpu.vector_load %arg8[%get3A_2334, %get3A_2335, %get3A_2336] {strides = array<i32>} : memref<32x8x64xf32, #tpu.memory_space<vmem>>, vector<1x1x16xf32>,
      %get3A_2338 = vector.shape_cast %get3A_2337 : vector<1x1x16xf32> to vector<16xf32>
      %swap3A_2339 = arith.constant 18 : i32
      %swap3A_2340 = arith.index_cast %swap3A_2339 : i32 to index
      %swap3A_2341 = arith.constant 16 : index
      %swap3A_2342 = tpu.vector_load %arg10[%swap3A_2340, %swap3A_2341] {strides = array<i32>} : memref<32x64xf32, #tpu.memory_space<vmem>>, vector<1x16xf32>,
      %swap3A_2343 = vector.shape_cast %swap3A_2342 : vector<1x16xf32> to vector<16xf32>
      %swap3A_2344 = vector.shape_cast %get3A_2338 : vector<16xf32> to vector<1x16xf32>
      tpu.vector_store %arg10[%swap3A_2340, %swap3A_2341], %swap3A_2344 {strides = array<i32>} : memref<32x64xf32, #tpu.memory_space<vmem>>, vector<1x16xf32>,
      %get3A_2345 = arith.constant 18 : i32
      %get3A_2346 = arith.index_cast %get3A_2345 : i32 to index
      %get3A_2347 = arith.index_cast %squeeze3A_2320 : i32 to index
      %get3A_2348 = arith.constant 32 : index
      %get3A_2349 = tpu.vector_load %arg8[%get3A_2346, %get3A_2347, %get3A_2348] {strides = array<i32>} : memref<32x8x64xf32, #tpu.memory_space<vmem>>, vector<1x1x16xf32>,
      %get3A_2350 = vector.shape_cast %get3A_2349 : vector<1x1x16xf32> to vector<16xf32>
      %swap3A_2351 = arith.constant 18 : i32
      %swap3A_2352 = arith.index_cast %swap3A_2351 : i32 to index
      %swap3A_2353 = arith.constant 32 : index
      %swap3A_2354 = tpu.vector_load %arg10[%swap3A_2352, %swap3A_2353] {strides = array<i32>} : memref<32x64xf32, #tpu.memory_space<vmem>>, vector<1x16xf32>,
      %swap3A_2355 = vector.shape_cast %swap3A_2354 : vector<1x16xf32> to vector<16xf32>
      %swap3A_2356 = vector.shape_cast %get3A_2350 : vector<16xf32> to vector<1x16xf32>
      tpu.vector_store %arg10[%swap3A_2352, %swap3A_2353], %swap3A_2356 {strides = array<i32>} : memref<32x64xf32, #tpu.memory_space<vmem>>, vector<1x16xf32>,
      %get3A_2357 = arith.constant 18 : i32
      %get3A_2358 = arith.index_cast %get3A_2357 : i32 to index
      %get3A_2359 = arith.index_cast %squeeze3A_2320 : i32 to index
      %get3A_2360 = arith.constant 48 : index
      %get3A_2361 = tpu.vector_load %arg8[%get3A_2358, %get3A_2359, %get3A_2360] {strides = array<i32>} : memref<32x8x64xf32, #tpu.memory_space<vmem>>, vector<1x1x16xf32>,
      %get3A_2362 = vector.shape_cast %get3A_2361 : vector<1x1x16xf32> to vector<16xf32>
      %swap3A_2363 = arith.constant 18 : i32
      %swap3A_2364 = arith.index_cast %swap3A_2363 : i32 to index
      %swap3A_2365 = arith.constant 48 : index
      %swap3A_2366 = tpu.vector_load %arg10[%swap3A_2364, %swap3A_2365] {strides = array<i32>} : memref<32x64xf32, #tpu.memory_space<vmem>>, vector<1x16xf32>,
      %swap3A_2367 = vector.shape_cast %swap3A_2366 : vector<1x16xf32> to vector<16xf32>
      %swap3A_2368 = vector.shape_cast %get3A_2362 : vector<16xf32> to vector<1x16xf32>
      tpu.vector_store %arg10[%swap3A_2364, %swap3A_2365], %swap3A_2368 {strides = array<i32>} : memref<32x64xf32, #tpu.memory_space<vmem>>, vector<1x16xf32>,
      %get3A_2369 = arith.constant 18 : i32
      %get3A_2370 = arith.index_cast %get3A_2369 : i32 to index
      %get3A_2371 = arith.index_cast %squeeze3A_2320 : i32 to index
      %get3A_2372 = arith.constant 0 : index
      %get3A_2373 = tpu.vector_load %arg9[%get3A_2370, %get3A_2371, %get3A_2372] {strides = array<i32>} : memref<32x8x16xf32, #tpu.memory_space<vmem>>, vector<1x1x16xf32>,
      %get3A_2374 = vector.shape_cast %get3A_2373 : vector<1x1x16xf32> to vector<16xf32>
      %swap3A_2375 = arith.constant 18 : i32
      %swap3A_2376 = arith.index_cast %swap3A_2375 : i32 to index
      %swap3A_2377 = arith.constant 0 : index
      %swap3A_2378 = tpu.vector_load %arg11[%swap3A_2376, %swap3A_2377] {strides = array<i32>} : memref<32x16xf32, #tpu.memory_space<vmem>>, vector<1x16xf32>,
      %swap3A_2379 = vector.shape_cast %swap3A_2378 : vector<1x16xf32> to vector<16xf32>
      %swap3A_2380 = vector.shape_cast %get3A_2374 : vector<16xf32> to vector<1x16xf32>
      tpu.vector_store %arg11[%swap3A_2376, %swap3A_2377], %swap3A_2380 {strides = array<i32>} : memref<32x16xf32, #tpu.memory_space<vmem>>, vector<1x16xf32>,
      %slice3A_2381 = vector.extract_strided_slice %and3A_2194 {offsets = [3], sizes = [1], strides = [1]} : vector<16xi32> to vector<1xi32>
      %squeeze3A_2382 = vector.extract %slice3A_2381[0] : i32 from vector<1xi32>
      %get3A_2383 = arith.constant 19 : i32
      %get3A_2384 = arith.index_cast %get3A_2383 : i32 to index
      %get3A_2385 = arith.index_cast %squeeze3A_2382 : i32 to index
      %get3A_2386 = arith.constant 0 : index
      %get3A_2387 = tpu.vector_load %arg8[%get3A_2384, %get3A_2385, %get3A_2386] {strides = array<i32>} : memref<32x8x64xf32, #tpu.memory_space<vmem>>, vector<1x1x16xf32>,
      %get3A_2388 = vector.shape_cast %get3A_2387 : vector<1x1x16xf32> to vector<16xf32>
      %swap3A_2389 = arith.constant 19 : i32
      %swap3A_2390 = arith.index_cast %swap3A_2389 : i32 to index
      %swap3A_2391 = arith.constant 0 : index
      %swap3A_2392 = tpu.vector_load %arg10[%swap3A_2390, %swap3A_2391] {strides = array<i32>} : memref<32x64xf32, #tpu.memory_space<vmem>>, vector<1x16xf32>,
      %swap3A_2393 = vector.shape_cast %swap3A_2392 : vector<1x16xf32> to vector<16xf32>
      %swap3A_2394 = vector.shape_cast %get3A_2388 : vector<16xf32> to vector<1x16xf32>
      tpu.vector_store %arg10[%swap3A_2390, %swap3A_2391], %swap3A_2394 {strides = array<i32>} : memref<32x64xf32, #tpu.memory_space<vmem>>, vector<1x16xf32>,
      %get3A_2395 = arith.constant 19 : i32
      %get3A_2396 = arith.index_cast %get3A_2395 : i32 to index
      %get3A_2397 = arith.index_cast %squeeze3A_2382 : i32 to index
      %get3A_2398 = arith.constant 16 : index
      %get3A_2399 = tpu.vector_load %arg8[%get3A_2396, %get3A_2397, %get3A_2398] {strides = array<i32>} : memref<32x8x64xf32, #tpu.memory_space<vmem>>, vector<1x1x16xf32>,
      %get3A_2400 = vector.shape_cast %get3A_2399 : vector<1x1x16xf32> to vector<16xf32>
      %swap3A_2401 = arith.constant 19 : i32
      %swap3A_2402 = arith.index_cast %swap3A_2401 : i32 to index
      %swap3A_2403 = arith.constant 16 : index
      %swap3A_2404 = tpu.vector_load %arg10[%swap3A_2402, %swap3A_2403] {strides = array<i32>} : memref<32x64xf32, #tpu.memory_space<vmem>>, vector<1x16xf32>,
      %swap3A_2405 = vector.shape_cast %swap3A_2404 : vector<1x16xf32> to vector<16xf32>
      %swap3A_2406 = vector.shape_cast %get3A_2400 : vector<16xf32> to vector<1x16xf32>
      tpu.vector_store %arg10[%swap3A_2402, %swap3A_2403], %swap3A_2406 {strides = array<i32>} : memref<32x64xf32, #tpu.memory_space<vmem>>, vector<1x16xf32>,
      %get3A_2407 = arith.constant 19 : i32
      %get3A_2408 = arith.index_cast %get3A_2407 : i32 to index
      %get3A_2409 = arith.index_cast %squeeze3A_2382 : i32 to index
      %get3A_2410 = arith.constant 32 : index
      %get3A_2411 = tpu.vector_load %arg8[%get3A_2408, %get3A_2409, %get3A_2410] {strides = array<i32>} : memref<32x8x64xf32, #tpu.memory_space<vmem>>, vector<1x1x16xf32>,
      %get3A_2412 = vector.shape_cast %get3A_2411 : vector<1x1x16xf32> to vector<16xf32>
      %swap3A_2413 = arith.constant 19 : i32
      %swap3A_2414 = arith.index_cast %swap3A_2413 : i32 to index
      %swap3A_2415 = arith.constant 32 : index
      %swap3A_2416 = tpu.vector_load %arg10[%swap3A_2414, %swap3A_2415] {strides = array<i32>} : memref<32x64xf32, #tpu.memory_space<vmem>>, vector<1x16xf32>,
      %swap3A_2417 = vector.shape_cast %swap3A_2416 : vector<1x16xf32> to vector<16xf32>
      %swap3A_2418 = vector.shape_cast %get3A_2412 : vector<16xf32> to vector<1x16xf32>
      tpu.vector_store %arg10[%swap3A_2414, %swap3A_2415], %swap3A_2418 {strides = array<i32>} : memref<32x64xf32, #tpu.memory_space<vmem>>, vector<1x16xf32>,
      %get3A_2419 = arith.constant 19 : i32
      %get3A_2420 = arith.index_cast %get3A_2419 : i32 to index
      %get3A_2421 = arith.index_cast %squeeze3A_2382 : i32 to index
      %get3A_2422 = arith.constant 48 : index
      %get3A_2423 = tpu.vector_load %arg8[%get3A_2420, %get3A_2421, %get3A_2422] {strides = array<i32>} : memref<32x8x64xf32, #tpu.memory_space<vmem>>, vector<1x1x16xf32>,
      %get3A_2424 = vector.shape_cast %get3A_2423 : vector<1x1x16xf32> to vector<16xf32>
      %swap3A_2425 = arith.constant 19 : i32
      %swap3A_2426 = arith.index_cast %swap3A_2425 : i32 to index
      %swap3A_2427 = arith.constant 48 : index
      %swap3A_2428 = tpu.vector_load %arg10[%swap3A_2426, %swap3A_2427] {strides = array<i32>} : memref<32x64xf32, #tpu.memory_space<vmem>>, vector<1x16xf32>,
      %swap3A_2429 = vector.shape_cast %swap3A_2428 : vector<1x16xf32> to vector<16xf32>
      %swap3A_2430 = vector.shape_cast %get3A_2424 : vector<16xf32> to vector<1x16xf32>
      tpu.vector_store %arg10[%swap3A_2426, %swap3A_2427], %swap3A_2430 {strides = array<i32>} : memref<32x64xf32, #tpu.memory_space<vmem>>, vector<1x16xf32>,
      %get3A_2431 = arith.constant 19 : i32
      %get3A_2432 = arith.index_cast %get3A_2431 : i32 to index
      %get3A_2433 = arith.index_cast %squeeze3A_2382 : i32 to index
      %get3A_2434 = arith.constant 0 : index
      %get3A_2435 = tpu.vector_load %arg9[%get3A_2432, %get3A_2433, %get3A_2434] {strides = array<i32>} : memref<32x8x16xf32, #tpu.memory_space<vmem>>, vector<1x1x16xf32>,
      %get3A_2436 = vector.shape_cast %get3A_2435 : vector<1x1x16xf32> to vector<16xf32>
      %swap3A_2437 = arith.constant 19 : i32
      %swap3A_2438 = arith.index_cast %swap3A_2437 : i32 to index
      %swap3A_2439 = arith.constant 0 : index
      %swap3A_2440 = tpu.vector_load %arg11[%swap3A_2438, %swap3A_2439] {strides = array<i32>} : memref<32x16xf32, #tpu.memory_space<vmem>>, vector<1x16xf32>,
      %swap3A_2441 = vector.shape_cast %swap3A_2440 : vector<1x16xf32> to vector<16xf32>
      %swap3A_2442 = vector.shape_cast %get3A_2436 : vector<16xf32> to vector<1x16xf32>
      tpu.vector_store %arg11[%swap3A_2438, %swap3A_2439], %swap3A_2442 {strides = array<i32>} : memref<32x16xf32, #tpu.memory_space<vmem>>, vector<1x16xf32>,
      %slice3A_2443 = vector.extract_strided_slice %and3A_2194 {offsets = [4], sizes = [1], strides = [1]} : vector<16xi32> to vector<1xi32>
      %squeeze3A_2444 = vector.extract %slice3A_2443[0] : i32 from vector<1xi32>
      %get3A_2445 = arith.constant 20 : i32
      %get3A_2446 = arith.index_cast %get3A_2445 : i32 to index
      %get3A_2447 = arith.index_cast %squeeze3A_2444 : i32 to index
      %get3A_2448 = arith.constant 0 : index
      %get3A_2449 = tpu.vector_load %arg8[%get3A_2446, %get3A_2447, %get3A_2448] {strides = array<i32>} : memref<32x8x64xf32, #tpu.memory_space<vmem>>, vector<1x1x16xf32>,
      %get3A_2450 = vector.shape_cast %get3A_2449 : vector<1x1x16xf32> to vector<16xf32>
      %swap3A_2451 = arith.constant 20 : i32
      %swap3A_2452 = arith.index_cast %swap3A_2451 : i32 to index
      %swap3A_2453 = arith.constant 0 : index
      %swap3A_2454 = tpu.vector_load %arg10[%swap3A_2452, %swap3A_2453] {strides = array<i32>} : memref<32x64xf32, #tpu.memory_space<vmem>>, vector<1x16xf32>,
      %swap3A_2455 = vector.shape_cast %swap3A_2454 : vector<1x16xf32> to vector<16xf32>
      %swap3A_2456 = vector.shape_cast %get3A_2450 : vector<16xf32> to vector<1x16xf32>
      tpu.vector_store %arg10[%swap3A_2452, %swap3A_2453], %swap3A_2456 {strides = array<i32>} : memref<32x64xf32, #tpu.memory_space<vmem>>, vector<1x16xf32>,
      %get3A_2457 = arith.constant 20 : i32
      %get3A_2458 = arith.index_cast %get3A_2457 : i32 to index
      %get3A_2459 = arith.index_cast %squeeze3A_2444 : i32 to index
      %get3A_2460 = arith.constant 16 : index
      %get3A_2461 = tpu.vector_load %arg8[%get3A_2458, %get3A_2459, %get3A_2460] {strides = array<i32>} : memref<32x8x64xf32, #tpu.memory_space<vmem>>, vector<1x1x16xf32>,
      %get3A_2462 = vector.shape_cast %get3A_2461 : vector<1x1x16xf32> to vector<16xf32>
      %swap3A_2463 = arith.constant 20 : i32
      %swap3A_2464 = arith.index_cast %swap3A_2463 : i32 to index
      %swap3A_2465 = arith.constant 16 : index
      %swap3A_2466 = tpu.vector_load %arg10[%swap3A_2464, %swap3A_2465] {strides = array<i32>} : memref<32x64xf32, #tpu.memory_space<vmem>>, vector<1x16xf32>,
      %swap3A_2467 = vector.shape_cast %swap3A_2466 : vector<1x16xf32> to vector<16xf32>
      %swap3A_2468 = vector.shape_cast %get3A_2462 : vector<16xf32> to vector<1x16xf32>
      tpu.vector_store %arg10[%swap3A_2464, %swap3A_2465], %swap3A_2468 {strides = array<i32>} : memref<32x64xf32, #tpu.memory_space<vmem>>, vector<1x16xf32>,
      %get3A_2469 = arith.constant 20 : i32
      %get3A_2470 = arith.index_cast %get3A_2469 : i32 to index
      %get3A_2471 = arith.index_cast %squeeze3A_2444 : i32 to index
      %get3A_2472 = arith.constant 32 : index
      %get3A_2473 = tpu.vector_load %arg8[%get3A_2470, %get3A_2471, %get3A_2472] {strides = array<i32>} : memref<32x8x64xf32, #tpu.memory_space<vmem>>, vector<1x1x16xf32>,
      %get3A_2474 = vector.shape_cast %get3A_2473 : vector<1x1x16xf32> to vector<16xf32>
      %swap3A_2475 = arith.constant 20 : i32
      %swap3A_2476 = arith.index_cast %swap3A_2475 : i32 to index
      %swap3A_2477 = arith.constant 32 : index
      %swap3A_2478 = tpu.vector_load %arg10[%swap3A_2476, %swap3A_2477] {strides = array<i32>} : memref<32x64xf32, #tpu.memory_space<vmem>>, vector<1x16xf32>,
      %swap3A_2479 = vector.shape_cast %swap3A_2478 : vector<1x16xf32> to vector<16xf32>
      %swap3A_2480 = vector.shape_cast %get3A_2474 : vector<16xf32> to vector<1x16xf32>
      tpu.vector_store %arg10[%swap3A_2476, %swap3A_2477], %swap3A_2480 {strides = array<i32>} : memref<32x64xf32, #tpu.memory_space<vmem>>, vector<1x16xf32>,
      %get3A_2481 = arith.constant 20 : i32
      %get3A_2482 = arith.index_cast %get3A_2481 : i32 to index
      %get3A_2483 = arith.index_cast %squeeze3A_2444 : i32 to index
      %get3A_2484 = arith.constant 48 : index
      %get3A_2485 = tpu.vector_load %arg8[%get3A_2482, %get3A_2483, %get3A_2484] {strides = array<i32>} : memref<32x8x64xf32, #tpu.memory_space<vmem>>, vector<1x1x16xf32>,
      %get3A_2486 = vector.shape_cast %get3A_2485 : vector<1x1x16xf32> to vector<16xf32>
      %swap3A_2487 = arith.constant 20 : i32
      %swap3A_2488 = arith.index_cast %swap3A_2487 : i32 to index
      %swap3A_2489 = arith.constant 48 : index
      %swap3A_2490 = tpu.vector_load %arg10[%swap3A_2488, %swap3A_2489] {strides = array<i32>} : memref<32x64xf32, #tpu.memory_space<vmem>>, vector<1x16xf32>,
      %swap3A_2491 = vector.shape_cast %swap3A_2490 : vector<1x16xf32> to vector<16xf32>
      %swap3A_2492 = vector.shape_cast %get3A_2486 : vector<16xf32> to vector<1x16xf32>
      tpu.vector_store %arg10[%swap3A_2488, %swap3A_2489], %swap3A_2492 {strides = array<i32>} : memref<32x64xf32, #tpu.memory_space<vmem>>, vector<1x16xf32>,
      %get3A_2493 = arith.constant 20 : i32
      %get3A_2494 = arith.index_cast %get3A_2493 : i32 to index
      %get3A_2495 = arith.index_cast %squeeze3A_2444 : i32 to index
      %get3A_2496 = arith.constant 0 : index
      %get3A_2497 = tpu.vector_load %arg9[%get3A_2494, %get3A_2495, %get3A_2496] {strides = array<i32>} : memref<32x8x16xf32, #tpu.memory_space<vmem>>, vector<1x1x16xf32>,
      %get3A_2498 = vector.shape_cast %get3A_2497 : vector<1x1x16xf32> to vector<16xf32>
      %swap3A_2499 = arith.constant 20 : i32
      %swap3A_2500 = arith.index_cast %swap3A_2499 : i32 to index
      %swap3A_2501 = arith.constant 0 : index
      %swap3A_2502 = tpu.vector_load %arg11[%swap3A_2500, %swap3A_2501] {strides = array<i32>} : memref<32x16xf32, #tpu.memory_space<vmem>>, vector<1x16xf32>,
      %swap3A_2503 = vector.shape_cast %swap3A_2502 : vector<1x16xf32> to vector<16xf32>
      %swap3A_2504 = vector.shape_cast %get3A_2498 : vector<16xf32> to vector<1x16xf32>
      tpu.vector_store %arg11[%swap3A_2500, %swap3A_2501], %swap3A_2504 {strides = array<i32>} : memref<32x16xf32, #tpu.memory_space<vmem>>, vector<1x16xf32>,
      %slice3A_2505 = vector.extract_strided_slice %and3A_2194 {offsets = [5], sizes = [1], strides = [1]} : vector<16xi32> to vector<1xi32>
      %squeeze3A_2506 = vector.extract %slice3A_2505[0] : i32 from vector<1xi32>
      %get3A_2507 = arith.constant 21 : i32
      %get3A_2508 = arith.index_cast %get3A_2507 : i32 to index
      %get3A_2509 = arith.index_cast %squeeze3A_2506 : i32 to index
      %get3A_2510 = arith.constant 0 : index
      %get3A_2511 = tpu.vector_load %arg8[%get3A_2508, %get3A_2509, %get3A_2510] {strides = array<i32>} : memref<32x8x64xf32, #tpu.memory_space<vmem>>, vector<1x1x16xf32>,
      %get3A_2512 = vector.shape_cast %get3A_2511 : vector<1x1x16xf32> to vector<16xf32>
      %swap3A_2513 = arith.constant 21 : i32
      %swap3A_2514 = arith.index_cast %swap3A_2513 : i32 to index
      %swap3A_2515 = arith.constant 0 : index
      %swap3A_2516 = tpu.vector_load %arg10[%swap3A_2514, %swap3A_2515] {strides = array<i32>} : memref<32x64xf32, #tpu.memory_space<vmem>>, vector<1x16xf32>,
      %swap3A_2517 = vector.shape_cast %swap3A_2516 : vector<1x16xf32> to vector<16xf32>
      %swap3A_2518 = vector.shape_cast %get3A_2512 : vector<16xf32> to vector<1x16xf32>
      tpu.vector_store %arg10[%swap3A_2514, %swap3A_2515], %swap3A_2518 {strides = array<i32>} : memref<32x64xf32, #tpu.memory_space<vmem>>, vector<1x16xf32>,
      %get3A_2519 = arith.constant 21 : i32
      %get3A_2520 = arith.index_cast %get3A_2519 : i32 to index
      %get3A_2521 = arith.index_cast %squeeze3A_2506 : i32 to index
      %get3A_2522 = arith.constant 16 : index
      %get3A_2523 = tpu.vector_load %arg8[%get3A_2520, %get3A_2521, %get3A_2522] {strides = array<i32>} : memref<32x8x64xf32, #tpu.memory_space<vmem>>, vector<1x1x16xf32>,
      %get3A_2524 = vector.shape_cast %get3A_2523 : vector<1x1x16xf32> to vector<16xf32>
      %swap3A_2525 = arith.constant 21 : i32
      %swap3A_2526 = arith.index_cast %swap3A_2525 : i32 to index
      %swap3A_2527 = arith.constant 16 : index
      %swap3A_2528 = tpu.vector_load %arg10[%swap3A_2526, %swap3A_2527] {strides = array<i32>} : memref<32x64xf32, #tpu.memory_space<vmem>>, vector<1x16xf32>,
      %swap3A_2529 = vector.shape_cast %swap3A_2528 : vector<1x16xf32> to vector<16xf32>
      %swap3A_2530 = vector.shape_cast %get3A_2524 : vector<16xf32> to vector<1x16xf32>
      tpu.vector_store %arg10[%swap3A_2526, %swap3A_2527], %swap3A_2530 {strides = array<i32>} : memref<32x64xf32, #tpu.memory_space<vmem>>, vector<1x16xf32>,
      %get3A_2531 = arith.constant 21 : i32
      %get3A_2532 = arith.index_cast %get3A_2531 : i32 to index
      %get3A_2533 = arith.index_cast %squeeze3A_2506 : i32 to index
      %get3A_2534 = arith.constant 32 : index
      %get3A_2535 = tpu.vector_load %arg8[%get3A_2532, %get3A_2533, %get3A_2534] {strides = array<i32>} : memref<32x8x64xf32, #tpu.memory_space<vmem>>, vector<1x1x16xf32>,
      %get3A_2536 = vector.shape_cast %get3A_2535 : vector<1x1x16xf32> to vector<16xf32>
      %swap3A_2537 = arith.constant 21 : i32
      %swap3A_2538 = arith.index_cast %swap3A_2537 : i32 to index
      %swap3A_2539 = arith.constant 32 : index
      %swap3A_2540 = tpu.vector_load %arg10[%swap3A_2538, %swap3A_2539] {strides = array<i32>} : memref<32x64xf32, #tpu.memory_space<vmem>>, vector<1x16xf32>,
      %swap3A_2541 = vector.shape_cast %swap3A_2540 : vector<1x16xf32> to vector<16xf32>
      %swap3A_2542 = vector.shape_cast %get3A_2536 : vector<16xf32> to vector<1x16xf32>
      tpu.vector_store %arg10[%swap3A_2538, %swap3A_2539], %swap3A_2542 {strides = array<i32>} : memref<32x64xf32, #tpu.memory_space<vmem>>, vector<1x16xf32>,
      %get3A_2543 = arith.constant 21 : i32
      %get3A_2544 = arith.index_cast %get3A_2543 : i32 to index
      %get3A_2545 = arith.index_cast %squeeze3A_2506 : i32 to index
      %get3A_2546 = arith.constant 48 : index
      %get3A_2547 = tpu.vector_load %arg8[%get3A_2544, %get3A_2545, %get3A_2546] {strides = array<i32>} : memref<32x8x64xf32, #tpu.memory_space<vmem>>, vector<1x1x16xf32>,
      %get3A_2548 = vector.shape_cast %get3A_2547 : vector<1x1x16xf32> to vector<16xf32>
      %swap3A_2549 = arith.constant 21 : i32
      %swap3A_2550 = arith.index_cast %swap3A_2549 : i32 to index
      %swap3A_2551 = arith.constant 48 : index
      %swap3A_2552 = tpu.vector_load %arg10[%swap3A_2550, %swap3A_2551] {strides = array<i32>} : memref<32x64xf32, #tpu.memory_space<vmem>>, vector<1x16xf32>,
      %swap3A_2553 = vector.shape_cast %swap3A_2552 : vector<1x16xf32> to vector<16xf32>
      %swap3A_2554 = vector.shape_cast %get3A_2548 : vector<16xf32> to vector<1x16xf32>
      tpu.vector_store %arg10[%swap3A_2550, %swap3A_2551], %swap3A_2554 {strides = array<i32>} : memref<32x64xf32, #tpu.memory_space<vmem>>, vector<1x16xf32>,
      %get3A_2555 = arith.constant 21 : i32
      %get3A_2556 = arith.index_cast %get3A_2555 : i32 to index
      %get3A_2557 = arith.index_cast %squeeze3A_2506 : i32 to index
      %get3A_2558 = arith.constant 0 : index
      %get3A_2559 = tpu.vector_load %arg9[%get3A_2556, %get3A_2557, %get3A_2558] {strides = array<i32>} : memref<32x8x16xf32, #tpu.memory_space<vmem>>, vector<1x1x16xf32>,
      %get3A_2560 = vector.shape_cast %get3A_2559 : vector<1x1x16xf32> to vector<16xf32>
      %swap3A_2561 = arith.constant 21 : i32
      %swap3A_2562 = arith.index_cast %swap3A_2561 : i32 to index
      %swap3A_2563 = arith.constant 0 : index
      %swap3A_2564 = tpu.vector_load %arg11[%swap3A_2562, %swap3A_2563] {strides = array<i32>} : memref<32x16xf32, #tpu.memory_space<vmem>>, vector<1x16xf32>,
      %swap3A_2565 = vector.shape_cast %swap3A_2564 : vector<1x16xf32> to vector<16xf32>
      %swap3A_2566 = vector.shape_cast %get3A_2560 : vector<16xf32> to vector<1x16xf32>
      tpu.vector_store %arg11[%swap3A_2562, %swap3A_2563], %swap3A_2566 {strides = array<i32>} : memref<32x16xf32, #tpu.memory_space<vmem>>, vector<1x16xf32>,
      %slice3A_2567 = vector.extract_strided_slice %and3A_2194 {offsets = [6], sizes = [1], strides = [1]} : vector<16xi32> to vector<1xi32>
      %squeeze3A_2568 = vector.extract %slice3A_2567[0] : i32 from vector<1xi32>
      %get3A_2569 = arith.constant 22 : i32
      %get3A_2570 = arith.index_cast %get3A_2569 : i32 to index
      %get3A_2571 = arith.index_cast %squeeze3A_2568 : i32 to index
      %get3A_2572 = arith.constant 0 : index
      %get3A_2573 = tpu.vector_load %arg8[%get3A_2570, %get3A_2571, %get3A_2572] {strides = array<i32>} : memref<32x8x64xf32, #tpu.memory_space<vmem>>, vector<1x1x16xf32>,
      %get3A_2574 = vector.shape_cast %get3A_2573 : vector<1x1x16xf32> to vector<16xf32>
      %swap3A_2575 = arith.constant 22 : i32
      %swap3A_2576 = arith.index_cast %swap3A_2575 : i32 to index
      %swap3A_2577 = arith.constant 0 : index
      %swap3A_2578 = tpu.vector_load %arg10[%swap3A_2576, %swap3A_2577] {strides = array<i32>} : memref<32x64xf32, #tpu.memory_space<vmem>>, vector<1x16xf32>,
      %swap3A_2579 = vector.shape_cast %swap3A_2578 : vector<1x16xf32> to vector<16xf32>
      %swap3A_2580 = vector.shape_cast %get3A_2574 : vector<16xf32> to vector<1x16xf32>
      tpu.vector_store %arg10[%swap3A_2576, %swap3A_2577], %swap3A_2580 {strides = array<i32>} : memref<32x64xf32, #tpu.memory_space<vmem>>, vector<1x16xf32>,
      %get3A_2581 = arith.constant 22 : i32
      %get3A_2582 = arith.index_cast %get3A_2581 : i32 to index
      %get3A_2583 = arith.index_cast %squeeze3A_2568 : i32 to index
      %get3A_2584 = arith.constant 16 : index
      %get3A_2585 = tpu.vector_load %arg8[%get3A_2582, %get3A_2583, %get3A_2584] {strides = array<i32>} : memref<32x8x64xf32, #tpu.memory_space<vmem>>, vector<1x1x16xf32>,
      %get3A_2586 = vector.shape_cast %get3A_2585 : vector<1x1x16xf32> to vector<16xf32>
      %swap3A_2587 = arith.constant 22 : i32
      %swap3A_2588 = arith.index_cast %swap3A_2587 : i32 to index
      %swap3A_2589 = arith.constant 16 : index
      %swap3A_2590 = tpu.vector_load %arg10[%swap3A_2588, %swap3A_2589] {strides = array<i32>} : memref<32x64xf32, #tpu.memory_space<vmem>>, vector<1x16xf32>,
      %swap3A_2591 = vector.shape_cast %swap3A_2590 : vector<1x16xf32> to vector<16xf32>
      %swap3A_2592 = vector.shape_cast %get3A_2586 : vector<16xf32> to vector<1x16xf32>
      tpu.vector_store %arg10[%swap3A_2588, %swap3A_2589], %swap3A_2592 {strides = array<i32>} : memref<32x64xf32, #tpu.memory_space<vmem>>, vector<1x16xf32>,
      %get3A_2593 = arith.constant 22 : i32
      %get3A_2594 = arith.index_cast %get3A_2593 : i32 to index
      %get3A_2595 = arith.index_cast %squeeze3A_2568 : i32 to index
      %get3A_2596 = arith.constant 32 : index
      %get3A_2597 = tpu.vector_load %arg8[%get3A_2594, %get3A_2595, %get3A_2596] {strides = array<i32>} : memref<32x8x64xf32, #tpu.memory_space<vmem>>, vector<1x1x16xf32>,
      %get3A_2598 = vector.shape_cast %get3A_2597 : vector<1x1x16xf32> to vector<16xf32>
      %swap3A_2599 = arith.constant 22 : i32
      %swap3A_2600 = arith.index_cast %swap3A_2599 : i32 to index
      %swap3A_2601 = arith.constant 32 : index
      %swap3A_2602 = tpu.vector_load %arg10[%swap3A_2600, %swap3A_2601] {strides = array<i32>} : memref<32x64xf32, #tpu.memory_space<vmem>>, vector<1x16xf32>,
      %swap3A_2603 = vector.shape_cast %swap3A_2602 : vector<1x16xf32> to vector<16xf32>
      %swap3A_2604 = vector.shape_cast %get3A_2598 : vector<16xf32> to vector<1x16xf32>
      tpu.vector_store %arg10[%swap3A_2600, %swap3A_2601], %swap3A_2604 {strides = array<i32>} : memref<32x64xf32, #tpu.memory_space<vmem>>, vector<1x16xf32>,
      %get3A_2605 = arith.constant 22 : i32
      %get3A_2606 = arith.index_cast %get3A_2605 : i32 to index
      %get3A_2607 = arith.index_cast %squeeze3A_2568 : i32 to index
      %get3A_2608 = arith.constant 48 : index
      %get3A_2609 = tpu.vector_load %arg8[%get3A_2606, %get3A_2607, %get3A_2608] {strides = array<i32>} : memref<32x8x64xf32, #tpu.memory_space<vmem>>, vector<1x1x16xf32>,
      %get3A_2610 = vector.shape_cast %get3A_2609 : vector<1x1x16xf32> to vector<16xf32>
      %swap3A_2611 = arith.constant 22 : i32
      %swap3A_2612 = arith.index_cast %swap3A_2611 : i32 to index
      %swap3A_2613 = arith.constant 48 : index
      %swap3A_2614 = tpu.vector_load %arg10[%swap3A_2612, %swap3A_2613] {strides = array<i32>} : memref<32x64xf32, #tpu.memory_space<vmem>>, vector<1x16xf32>,
      %swap3A_2615 = vector.shape_cast %swap3A_2614 : vector<1x16xf32> to vector<16xf32>
      %swap3A_2616 = vector.shape_cast %get3A_2610 : vector<16xf32> to vector<1x16xf32>
      tpu.vector_store %arg10[%swap3A_2612, %swap3A_2613], %swap3A_2616 {strides = array<i32>} : memref<32x64xf32, #tpu.memory_space<vmem>>, vector<1x16xf32>,
      %get3A_2617 = arith.constant 22 : i32
      %get3A_2618 = arith.index_cast %get3A_2617 : i32 to index
      %get3A_2619 = arith.index_cast %squeeze3A_2568 : i32 to index
      %get3A_2620 = arith.constant 0 : index
      %get3A_2621 = tpu.vector_load %arg9[%get3A_2618, %get3A_2619, %get3A_2620] {strides = array<i32>} : memref<32x8x16xf32, #tpu.memory_space<vmem>>, vector<1x1x16xf32>,
      %get3A_2622 = vector.shape_cast %get3A_2621 : vector<1x1x16xf32> to vector<16xf32>
      %swap3A_2623 = arith.constant 22 : i32
      %swap3A_2624 = arith.index_cast %swap3A_2623 : i32 to index
      %swap3A_2625 = arith.constant 0 : index
      %swap3A_2626 = tpu.vector_load %arg11[%swap3A_2624, %swap3A_2625] {strides = array<i32>} : memref<32x16xf32, #tpu.memory_space<vmem>>, vector<1x16xf32>,
      %swap3A_2627 = vector.shape_cast %swap3A_2626 : vector<1x16xf32> to vector<16xf32>
      %swap3A_2628 = vector.shape_cast %get3A_2622 : vector<16xf32> to vector<1x16xf32>
      tpu.vector_store %arg11[%swap3A_2624, %swap3A_2625], %swap3A_2628 {strides = array<i32>} : memref<32x16xf32, #tpu.memory_space<vmem>>, vector<1x16xf32>,
      %slice3A_2629 = vector.extract_strided_slice %and3A_2194 {offsets = [7], sizes = [1], strides = [1]} : vector<16xi32> to vector<1xi32>
      %squeeze3A_2630 = vector.extract %slice3A_2629[0] : i32 from vector<1xi32>
      %get3A_2631 = arith.constant 23 : i32
      %get3A_2632 = arith.index_cast %get3A_2631 : i32 to index
      %get3A_2633 = arith.index_cast %squeeze3A_2630 : i32 to index
      %get3A_2634 = arith.constant 0 : index
      %get3A_2635 = tpu.vector_load %arg8[%get3A_2632, %get3A_2633, %get3A_2634] {strides = array<i32>} : memref<32x8x64xf32, #tpu.memory_space<vmem>>, vector<1x1x16xf32>,
      %get3A_2636 = vector.shape_cast %get3A_2635 : vector<1x1x16xf32> to vector<16xf32>
      %swap3A_2637 = arith.constant 23 : i32
      %swap3A_2638 = arith.index_cast %swap3A_2637 : i32 to index
      %swap3A_2639 = arith.constant 0 : index
      %swap3A_2640 = tpu.vector_load %arg10[%swap3A_2638, %swap3A_2639] {strides = array<i32>} : memref<32x64xf32, #tpu.memory_space<vmem>>, vector<1x16xf32>,
      %swap3A_2641 = vector.shape_cast %swap3A_2640 : vector<1x16xf32> to vector<16xf32>
      %swap3A_2642 = vector.shape_cast %get3A_2636 : vector<16xf32> to vector<1x16xf32>
      tpu.vector_store %arg10[%swap3A_2638, %swap3A_2639], %swap3A_2642 {strides = array<i32>} : memref<32x64xf32, #tpu.memory_space<vmem>>, vector<1x16xf32>,
      %get3A_2643 = arith.constant 23 : i32
      %get3A_2644 = arith.index_cast %get3A_2643 : i32 to index
      %get3A_2645 = arith.index_cast %squeeze3A_2630 : i32 to index
      %get3A_2646 = arith.constant 16 : index
      %get3A_2647 = tpu.vector_load %arg8[%get3A_2644, %get3A_2645, %get3A_2646] {strides = array<i32>} : memref<32x8x64xf32, #tpu.memory_space<vmem>>, vector<1x1x16xf32>,
      %get3A_2648 = vector.shape_cast %get3A_2647 : vector<1x1x16xf32> to vector<16xf32>
      %swap3A_2649 = arith.constant 23 : i32
      %swap3A_2650 = arith.index_cast %swap3A_2649 : i32 to index
      %swap3A_2651 = arith.constant 16 : index
      %swap3A_2652 = tpu.vector_load %arg10[%swap3A_2650, %swap3A_2651] {strides = array<i32>} : memref<32x64xf32, #tpu.memory_space<vmem>>, vector<1x16xf32>,
      %swap3A_2653 = vector.shape_cast %swap3A_2652 : vector<1x16xf32> to vector<16xf32>
      %swap3A_2654 = vector.shape_cast %get3A_2648 : vector<16xf32> to vector<1x16xf32>
      tpu.vector_store %arg10[%swap3A_2650, %swap3A_2651], %swap3A_2654 {strides = array<i32>} : memref<32x64xf32, #tpu.memory_space<vmem>>, vector<1x16xf32>,
      %get3A_2655 = arith.constant 23 : i32
      %get3A_2656 = arith.index_cast %get3A_2655 : i32 to index
      %get3A_2657 = arith.index_cast %squeeze3A_2630 : i32 to index
      %get3A_2658 = arith.constant 32 : index
      %get3A_2659 = tpu.vector_load %arg8[%get3A_2656, %get3A_2657, %get3A_2658] {strides = array<i32>} : memref<32x8x64xf32, #tpu.memory_space<vmem>>, vector<1x1x16xf32>,
      %get3A_2660 = vector.shape_cast %get3A_2659 : vector<1x1x16xf32> to vector<16xf32>
      %swap3A_2661 = arith.constant 23 : i32
      %swap3A_2662 = arith.index_cast %swap3A_2661 : i32 to index
      %swap3A_2663 = arith.constant 32 : index
      %swap3A_2664 = tpu.vector_load %arg10[%swap3A_2662, %swap3A_2663] {strides = array<i32>} : memref<32x64xf32, #tpu.memory_space<vmem>>, vector<1x16xf32>,
      %swap3A_2665 = vector.shape_cast %swap3A_2664 : vector<1x16xf32> to vector<16xf32>
      %swap3A_2666 = vector.shape_cast %get3A_2660 : vector<16xf32> to vector<1x16xf32>
      tpu.vector_store %arg10[%swap3A_2662, %swap3A_2663], %swap3A_2666 {strides = array<i32>} : memref<32x64xf32, #tpu.memory_space<vmem>>, vector<1x16xf32>,
      %get3A_2667 = arith.constant 23 : i32
      %get3A_2668 = arith.index_cast %get3A_2667 : i32 to index
      %get3A_2669 = arith.index_cast %squeeze3A_2630 : i32 to index
      %get3A_2670 = arith.constant 48 : index
      %get3A_2671 = tpu.vector_load %arg8[%get3A_2668, %get3A_2669, %get3A_2670] {strides = array<i32>} : memref<32x8x64xf32, #tpu.memory_space<vmem>>, vector<1x1x16xf32>,
      %get3A_2672 = vector.shape_cast %get3A_2671 : vector<1x1x16xf32> to vector<16xf32>
      %swap3A_2673 = arith.constant 23 : i32
      %swap3A_2674 = arith.index_cast %swap3A_2673 : i32 to index
      %swap3A_2675 = arith.constant 48 : index
      %swap3A_2676 = tpu.vector_load %arg10[%swap3A_2674, %swap3A_2675] {strides = array<i32>} : memref<32x64xf32, #tpu.memory_space<vmem>>, vector<1x16xf32>,
      %swap3A_2677 = vector.shape_cast %swap3A_2676 : vector<1x16xf32> to vector<16xf32>
      %swap3A_2678 = vector.shape_cast %get3A_2672 : vector<16xf32> to vector<1x16xf32>
      tpu.vector_store %arg10[%swap3A_2674, %swap3A_2675], %swap3A_2678 {strides = array<i32>} : memref<32x64xf32, #tpu.memory_space<vmem>>, vector<1x16xf32>,
      %get3A_2679 = arith.constant 23 : i32
      %get3A_2680 = arith.index_cast %get3A_2679 : i32 to index
      %get3A_2681 = arith.index_cast %squeeze3A_2630 : i32 to index
      %get3A_2682 = arith.constant 0 : index
      %get3A_2683 = tpu.vector_load %arg9[%get3A_2680, %get3A_2681, %get3A_2682] {strides = array<i32>} : memref<32x8x16xf32, #tpu.memory_space<vmem>>, vector<1x1x16xf32>,
      %get3A_2684 = vector.shape_cast %get3A_2683 : vector<1x1x16xf32> to vector<16xf32>
      %swap3A_2685 = arith.constant 23 : i32
      %swap3A_2686 = arith.index_cast %swap3A_2685 : i32 to index
      %swap3A_2687 = arith.constant 0 : index
      %swap3A_2688 = tpu.vector_load %arg11[%swap3A_2686, %swap3A_2687] {strides = array<i32>} : memref<32x16xf32, #tpu.memory_space<vmem>>, vector<1x16xf32>,
      %swap3A_2689 = vector.shape_cast %swap3A_2688 : vector<1x16xf32> to vector<16xf32>
      %swap3A_2690 = vector.shape_cast %get3A_2684 : vector<16xf32> to vector<1x16xf32>
      tpu.vector_store %arg11[%swap3A_2686, %swap3A_2687], %swap3A_2690 {strides = array<i32>} : memref<32x16xf32, #tpu.memory_space<vmem>>, vector<1x16xf32>,
      %slice3A_2691 = vector.extract_strided_slice %and3A_2194 {offsets = [8], sizes = [1], strides = [1]} : vector<16xi32> to vector<1xi32>
      %squeeze3A_2692 = vector.extract %slice3A_2691[0] : i32 from vector<1xi32>
      %get3A_2693 = arith.constant 24 : i32
      %get3A_2694 = arith.index_cast %get3A_2693 : i32 to index
      %get3A_2695 = arith.index_cast %squeeze3A_2692 : i32 to index
      %get3A_2696 = arith.constant 0 : index
      %get3A_2697 = tpu.vector_load %arg8[%get3A_2694, %get3A_2695, %get3A_2696] {strides = array<i32>} : memref<32x8x64xf32, #tpu.memory_space<vmem>>, vector<1x1x16xf32>,
      %get3A_2698 = vector.shape_cast %get3A_2697 : vector<1x1x16xf32> to vector<16xf32>
      %swap3A_2699 = arith.constant 24 : i32
      %swap3A_2700 = arith.index_cast %swap3A_2699 : i32 to index
      %swap3A_2701 = arith.constant 0 : index
      %swap3A_2702 = tpu.vector_load %arg10[%swap3A_2700, %swap3A_2701] {strides = array<i32>} : memref<32x64xf32, #tpu.memory_space<vmem>>, vector<1x16xf32>,
      %swap3A_2703 = vector.shape_cast %swap3A_2702 : vector<1x16xf32> to vector<16xf32>
      %swap3A_2704 = vector.shape_cast %get3A_2698 : vector<16xf32> to vector<1x16xf32>
      tpu.vector_store %arg10[%swap3A_2700, %swap3A_2701], %swap3A_2704 {strides = array<i32>} : memref<32x64xf32, #tpu.memory_space<vmem>>, vector<1x16xf32>,
      %get3A_2705 = arith.constant 24 : i32
      %get3A_2706 = arith.index_cast %get3A_2705 : i32 to index
      %get3A_2707 = arith.index_cast %squeeze3A_2692 : i32 to index
      %get3A_2708 = arith.constant 16 : index
      %get3A_2709 = tpu.vector_load %arg8[%get3A_2706, %get3A_2707, %get3A_2708] {strides = array<i32>} : memref<32x8x64xf32, #tpu.memory_space<vmem>>, vector<1x1x16xf32>,
      %get3A_2710 = vector.shape_cast %get3A_2709 : vector<1x1x16xf32> to vector<16xf32>
      %swap3A_2711 = arith.constant 24 : i32
      %swap3A_2712 = arith.index_cast %swap3A_2711 : i32 to index
      %swap3A_2713 = arith.constant 16 : index
      %swap3A_2714 = tpu.vector_load %arg10[%swap3A_2712, %swap3A_2713] {strides = array<i32>} : memref<32x64xf32, #tpu.memory_space<vmem>>, vector<1x16xf32>,
      %swap3A_2715 = vector.shape_cast %swap3A_2714 : vector<1x16xf32> to vector<16xf32>
      %swap3A_2716 = vector.shape_cast %get3A_2710 : vector<16xf32> to vector<1x16xf32>
      tpu.vector_store %arg10[%swap3A_2712, %swap3A_2713], %swap3A_2716 {strides = array<i32>} : memref<32x64xf32, #tpu.memory_space<vmem>>, vector<1x16xf32>,
      %get3A_2717 = arith.constant 24 : i32
      %get3A_2718 = arith.index_cast %get3A_2717 : i32 to index
      %get3A_2719 = arith.index_cast %squeeze3A_2692 : i32 to index
      %get3A_2720 = arith.constant 32 : index
      %get3A_2721 = tpu.vector_load %arg8[%get3A_2718, %get3A_2719, %get3A_2720] {strides = array<i32>} : memref<32x8x64xf32, #tpu.memory_space<vmem>>, vector<1x1x16xf32>,
      %get3A_2722 = vector.shape_cast %get3A_2721 : vector<1x1x16xf32> to vector<16xf32>
      %swap3A_2723 = arith.constant 24 : i32
      %swap3A_2724 = arith.index_cast %swap3A_2723 : i32 to index
      %swap3A_2725 = arith.constant 32 : index
      %swap3A_2726 = tpu.vector_load %arg10[%swap3A_2724, %swap3A_2725] {strides = array<i32>} : memref<32x64xf32, #tpu.memory_space<vmem>>, vector<1x16xf32>,
      %swap3A_2727 = vector.shape_cast %swap3A_2726 : vector<1x16xf32> to vector<16xf32>
      %swap3A_2728 = vector.shape_cast %get3A_2722 : vector<16xf32> to vector<1x16xf32>
      tpu.vector_store %arg10[%swap3A_2724, %swap3A_2725], %swap3A_2728 {strides = array<i32>} : memref<32x64xf32, #tpu.memory_space<vmem>>, vector<1x16xf32>,
      %get3A_2729 = arith.constant 24 : i32
      %get3A_2730 = arith.index_cast %get3A_2729 : i32 to index
      %get3A_2731 = arith.index_cast %squeeze3A_2692 : i32 to index
      %get3A_2732 = arith.constant 48 : index
      %get3A_2733 = tpu.vector_load %arg8[%get3A_2730, %get3A_2731, %get3A_2732] {strides = array<i32>} : memref<32x8x64xf32, #tpu.memory_space<vmem>>, vector<1x1x16xf32>,
      %get3A_2734 = vector.shape_cast %get3A_2733 : vector<1x1x16xf32> to vector<16xf32>
      %swap3A_2735 = arith.constant 24 : i32
      %swap3A_2736 = arith.index_cast %swap3A_2735 : i32 to index
      %swap3A_2737 = arith.constant 48 : index
      %swap3A_2738 = tpu.vector_load %arg10[%swap3A_2736, %swap3A_2737] {strides = array<i32>} : memref<32x64xf32, #tpu.memory_space<vmem>>, vector<1x16xf32>,
      %swap3A_2739 = vector.shape_cast %swap3A_2738 : vector<1x16xf32> to vector<16xf32>
      %swap3A_2740 = vector.shape_cast %get3A_2734 : vector<16xf32> to vector<1x16xf32>
      tpu.vector_store %arg10[%swap3A_2736, %swap3A_2737], %swap3A_2740 {strides = array<i32>} : memref<32x64xf32, #tpu.memory_space<vmem>>, vector<1x16xf32>,
      %get3A_2741 = arith.constant 24 : i32
      %get3A_2742 = arith.index_cast %get3A_2741 : i32 to index
      %get3A_2743 = arith.index_cast %squeeze3A_2692 : i32 to index
      %get3A_2744 = arith.constant 0 : index
      %get3A_2745 = tpu.vector_load %arg9[%get3A_2742, %get3A_2743, %get3A_2744] {strides = array<i32>} : memref<32x8x16xf32, #tpu.memory_space<vmem>>, vector<1x1x16xf32>,
      %get3A_2746 = vector.shape_cast %get3A_2745 : vector<1x1x16xf32> to vector<16xf32>
      %swap3A_2747 = arith.constant 24 : i32
      %swap3A_2748 = arith.index_cast %swap3A_2747 : i32 to index
      %swap3A_2749 = arith.constant 0 : index
      %swap3A_2750 = tpu.vector_load %arg11[%swap3A_2748, %swap3A_2749] {strides = array<i32>} : memref<32x16xf32, #tpu.memory_space<vmem>>, vector<1x16xf32>,
      %swap3A_2751 = vector.shape_cast %swap3A_2750 : vector<1x16xf32> to vector<16xf32>
      %swap3A_2752 = vector.shape_cast %get3A_2746 : vector<16xf32> to vector<1x16xf32>
      tpu.vector_store %arg11[%swap3A_2748, %swap3A_2749], %swap3A_2752 {strides = array<i32>} : memref<32x16xf32, #tpu.memory_space<vmem>>, vector<1x16xf32>,
      %slice3A_2753 = vector.extract_strided_slice %and3A_2194 {offsets = [9], sizes = [1], strides = [1]} : vector<16xi32> to vector<1xi32>
      %squeeze3A_2754 = vector.extract %slice3A_2753[0] : i32 from vector<1xi32>
      %get3A_2755 = arith.constant 25 : i32
      %get3A_2756 = arith.index_cast %get3A_2755 : i32 to index
      %get3A_2757 = arith.index_cast %squeeze3A_2754 : i32 to index
      %get3A_2758 = arith.constant 0 : index
      %get3A_2759 = tpu.vector_load %arg8[%get3A_2756, %get3A_2757, %get3A_2758] {strides = array<i32>} : memref<32x8x64xf32, #tpu.memory_space<vmem>>, vector<1x1x16xf32>,
      %get3A_2760 = vector.shape_cast %get3A_2759 : vector<1x1x16xf32> to vector<16xf32>
      %swap3A_2761 = arith.constant 25 : i32
      %swap3A_2762 = arith.index_cast %swap3A_2761 : i32 to index
      %swap3A_2763 = arith.constant 0 : index
      %swap3A_2764 = tpu.vector_load %arg10[%swap3A_2762, %swap3A_2763] {strides = array<i32>} : memref<32x64xf32, #tpu.memory_space<vmem>>, vector<1x16xf32>,
      %swap3A_2765 = vector.shape_cast %swap3A_2764 : vector<1x16xf32> to vector<16xf32>
      %swap3A_2766 = vector.shape_cast %get3A_2760 : vector<16xf32> to vector<1x16xf32>
      tpu.vector_store %arg10[%swap3A_2762, %swap3A_2763], %swap3A_2766 {strides = array<i32>} : memref<32x64xf32, #tpu.memory_space<vmem>>, vector<1x16xf32>,
      %get3A_2767 = arith.constant 25 : i32
      %get3A_2768 = arith.index_cast %get3A_2767 : i32 to index
      %get3A_2769 = arith.index_cast %squeeze3A_2754 : i32 to index
      %get3A_2770 = arith.constant 16 : index
      %get3A_2771 = tpu.vector_load %arg8[%get3A_2768, %get3A_2769, %get3A_2770] {strides = array<i32>} : memref<32x8x64xf32, #tpu.memory_space<vmem>>, vector<1x1x16xf32>,
      %get3A_2772 = vector.shape_cast %get3A_2771 : vector<1x1x16xf32> to vector<16xf32>
      %swap3A_2773 = arith.constant 25 : i32
      %swap3A_2774 = arith.index_cast %swap3A_2773 : i32 to index
      %swap3A_2775 = arith.constant 16 : index
      %swap3A_2776 = tpu.vector_load %arg10[%swap3A_2774, %swap3A_2775] {strides = array<i32>} : memref<32x64xf32, #tpu.memory_space<vmem>>, vector<1x16xf32>,
      %swap3A_2777 = vector.shape_cast %swap3A_2776 : vector<1x16xf32> to vector<16xf32>
      %swap3A_2778 = vector.shape_cast %get3A_2772 : vector<16xf32> to vector<1x16xf32>
      tpu.vector_store %arg10[%swap3A_2774, %swap3A_2775], %swap3A_2778 {strides = array<i32>} : memref<32x64xf32, #tpu.memory_space<vmem>>, vector<1x16xf32>,
      %get3A_2779 = arith.constant 25 : i32
      %get3A_2780 = arith.index_cast %get3A_2779 : i32 to index
      %get3A_2781 = arith.index_cast %squeeze3A_2754 : i32 to index
      %get3A_2782 = arith.constant 32 : index
      %get3A_2783 = tpu.vector_load %arg8[%get3A_2780, %get3A_2781, %get3A_2782] {strides = array<i32>} : memref<32x8x64xf32, #tpu.memory_space<vmem>>, vector<1x1x16xf32>,
      %get3A_2784 = vector.shape_cast %get3A_2783 : vector<1x1x16xf32> to vector<16xf32>
      %swap3A_2785 = arith.constant 25 : i32
      %swap3A_2786 = arith.index_cast %swap3A_2785 : i32 to index
      %swap3A_2787 = arith.constant 32 : index
      %swap3A_2788 = tpu.vector_load %arg10[%swap3A_2786, %swap3A_2787] {strides = array<i32>} : memref<32x64xf32, #tpu.memory_space<vmem>>, vector<1x16xf32>,
      %swap3A_2789 = vector.shape_cast %swap3A_2788 : vector<1x16xf32> to vector<16xf32>
      %swap3A_2790 = vector.shape_cast %get3A_2784 : vector<16xf32> to vector<1x16xf32>
      tpu.vector_store %arg10[%swap3A_2786, %swap3A_2787], %swap3A_2790 {strides = array<i32>} : memref<32x64xf32, #tpu.memory_space<vmem>>, vector<1x16xf32>,
      %get3A_2791 = arith.constant 25 : i32
      %get3A_2792 = arith.index_cast %get3A_2791 : i32 to index
      %get3A_2793 = arith.index_cast %squeeze3A_2754 : i32 to index
      %get3A_2794 = arith.constant 48 : index
      %get3A_2795 = tpu.vector_load %arg8[%get3A_2792, %get3A_2793, %get3A_2794] {strides = array<i32>} : memref<32x8x64xf32, #tpu.memory_space<vmem>>, vector<1x1x16xf32>,
      %get3A_2796 = vector.shape_cast %get3A_2795 : vector<1x1x16xf32> to vector<16xf32>
      %swap3A_2797 = arith.constant 25 : i32
      %swap3A_2798 = arith.index_cast %swap3A_2797 : i32 to index
      %swap3A_2799 = arith.constant 48 : index
      %swap3A_2800 = tpu.vector_load %arg10[%swap3A_2798, %swap3A_2799] {strides = array<i32>} : memref<32x64xf32, #tpu.memory_space<vmem>>, vector<1x16xf32>,
      %swap3A_2801 = vector.shape_cast %swap3A_2800 : vector<1x16xf32> to vector<16xf32>
      %swap3A_2802 = vector.shape_cast %get3A_2796 : vector<16xf32> to vector<1x16xf32>
      tpu.vector_store %arg10[%swap3A_2798, %swap3A_2799], %swap3A_2802 {strides = array<i32>} : memref<32x64xf32, #tpu.memory_space<vmem>>, vector<1x16xf32>,
      %get3A_2803 = arith.constant 25 : i32
      %get3A_2804 = arith.index_cast %get3A_2803 : i32 to index
      %get3A_2805 = arith.index_cast %squeeze3A_2754 : i32 to index
      %get3A_2806 = arith.constant 0 : index
      %get3A_2807 = tpu.vector_load %arg9[%get3A_2804, %get3A_2805, %get3A_2806] {strides = array<i32>} : memref<32x8x16xf32, #tpu.memory_space<vmem>>, vector<1x1x16xf32>,
      %get3A_2808 = vector.shape_cast %get3A_2807 : vector<1x1x16xf32> to vector<16xf32>
      %swap3A_2809 = arith.constant 25 : i32
      %swap3A_2810 = arith.index_cast %swap3A_2809 : i32 to index
      %swap3A_2811 = arith.constant 0 : index
      %swap3A_2812 = tpu.vector_load %arg11[%swap3A_2810, %swap3A_2811] {strides = array<i32>} : memref<32x16xf32, #tpu.memory_space<vmem>>, vector<1x16xf32>,
      %swap3A_2813 = vector.shape_cast %swap3A_2812 : vector<1x16xf32> to vector<16xf32>
      %swap3A_2814 = vector.shape_cast %get3A_2808 : vector<16xf32> to vector<1x16xf32>
      tpu.vector_store %arg11[%swap3A_2810, %swap3A_2811], %swap3A_2814 {strides = array<i32>} : memref<32x16xf32, #tpu.memory_space<vmem>>, vector<1x16xf32>,
      %slice3A_2815 = vector.extract_strided_slice %and3A_2194 {offsets = [10], sizes = [1], strides = [1]} : vector<16xi32> to vector<1xi32>
      %squeeze3A_2816 = vector.extract %slice3A_2815[0] : i32 from vector<1xi32>
      %get3A_2817 = arith.constant 26 : i32
      %get3A_2818 = arith.index_cast %get3A_2817 : i32 to index
      %get3A_2819 = arith.index_cast %squeeze3A_2816 : i32 to index
      %get3A_2820 = arith.constant 0 : index
      %get3A_2821 = tpu.vector_load %arg8[%get3A_2818, %get3A_2819, %get3A_2820] {strides = array<i32>} : memref<32x8x64xf32, #tpu.memory_space<vmem>>, vector<1x1x16xf32>,
      %get3A_2822 = vector.shape_cast %get3A_2821 : vector<1x1x16xf32> to vector<16xf32>
      %swap3A_2823 = arith.constant 26 : i32
      %swap3A_2824 = arith.index_cast %swap3A_2823 : i32 to index
      %swap3A_2825 = arith.constant 0 : index
      %swap3A_2826 = tpu.vector_load %arg10[%swap3A_2824, %swap3A_2825] {strides = array<i32>} : memref<32x64xf32, #tpu.memory_space<vmem>>, vector<1x16xf32>,
      %swap3A_2827 = vector.shape_cast %swap3A_2826 : vector<1x16xf32> to vector<16xf32>
      %swap3A_2828 = vector.shape_cast %get3A_2822 : vector<16xf32> to vector<1x16xf32>
      tpu.vector_store %arg10[%swap3A_2824, %swap3A_2825], %swap3A_2828 {strides = array<i32>} : memref<32x64xf32, #tpu.memory_space<vmem>>, vector<1x16xf32>,
      %get3A_2829 = arith.constant 26 : i32
      %get3A_2830 = arith.index_cast %get3A_2829 : i32 to index
      %get3A_2831 = arith.index_cast %squeeze3A_2816 : i32 to index
      %get3A_2832 = arith.constant 16 : index
      %get3A_2833 = tpu.vector_load %arg8[%get3A_2830, %get3A_2831, %get3A_2832] {strides = array<i32>} : memref<32x8x64xf32, #tpu.memory_space<vmem>>, vector<1x1x16xf32>,
      %get3A_2834 = vector.shape_cast %get3A_2833 : vector<1x1x16xf32> to vector<16xf32>
      %swap3A_2835 = arith.constant 26 : i32
      %swap3A_2836 = arith.index_cast %swap3A_2835 : i32 to index
      %swap3A_2837 = arith.constant 16 : index
      %swap3A_2838 = tpu.vector_load %arg10[%swap3A_2836, %swap3A_2837] {strides = array<i32>} : memref<32x64xf32, #tpu.memory_space<vmem>>, vector<1x16xf32>,
      %swap3A_2839 = vector.shape_cast %swap3A_2838 : vector<1x16xf32> to vector<16xf32>
      %swap3A_2840 = vector.shape_cast %get3A_2834 : vector<16xf32> to vector<1x16xf32>
      tpu.vector_store %arg10[%swap3A_2836, %swap3A_2837], %swap3A_2840 {strides = array<i32>} : memref<32x64xf32, #tpu.memory_space<vmem>>, vector<1x16xf32>,
      %get3A_2841 = arith.constant 26 : i32
      %get3A_2842 = arith.index_cast %get3A_2841 : i32 to index
      %get3A_2843 = arith.index_cast %squeeze3A_2816 : i32 to index
      %get3A_2844 = arith.constant 32 : index
      %get3A_2845 = tpu.vector_load %arg8[%get3A_2842, %get3A_2843, %get3A_2844] {strides = array<i32>} : memref<32x8x64xf32, #tpu.memory_space<vmem>>, vector<1x1x16xf32>,
      %get3A_2846 = vector.shape_cast %get3A_2845 : vector<1x1x16xf32> to vector<16xf32>
      %swap3A_2847 = arith.constant 26 : i32
      %swap3A_2848 = arith.index_cast %swap3A_2847 : i32 to index
      %swap3A_2849 = arith.constant 32 : index
      %swap3A_2850 = tpu.vector_load %arg10[%swap3A_2848, %swap3A_2849] {strides = array<i32>} : memref<32x64xf32, #tpu.memory_space<vmem>>, vector<1x16xf32>,
      %swap3A_2851 = vector.shape_cast %swap3A_2850 : vector<1x16xf32> to vector<16xf32>
      %swap3A_2852 = vector.shape_cast %get3A_2846 : vector<16xf32> to vector<1x16xf32>
      tpu.vector_store %arg10[%swap3A_2848, %swap3A_2849], %swap3A_2852 {strides = array<i32>} : memref<32x64xf32, #tpu.memory_space<vmem>>, vector<1x16xf32>,
      %get3A_2853 = arith.constant 26 : i32
      %get3A_2854 = arith.index_cast %get3A_2853 : i32 to index
      %get3A_2855 = arith.index_cast %squeeze3A_2816 : i32 to index
      %get3A_2856 = arith.constant 48 : index
      %get3A_2857 = tpu.vector_load %arg8[%get3A_2854, %get3A_2855, %get3A_2856] {strides = array<i32>} : memref<32x8x64xf32, #tpu.memory_space<vmem>>, vector<1x1x16xf32>,
      %get3A_2858 = vector.shape_cast %get3A_2857 : vector<1x1x16xf32> to vector<16xf32>
      %swap3A_2859 = arith.constant 26 : i32
      %swap3A_2860 = arith.index_cast %swap3A_2859 : i32 to index
      %swap3A_2861 = arith.constant 48 : index
      %swap3A_2862 = tpu.vector_load %arg10[%swap3A_2860, %swap3A_2861] {strides = array<i32>} : memref<32x64xf32, #tpu.memory_space<vmem>>, vector<1x16xf32>,
      %swap3A_2863 = vector.shape_cast %swap3A_2862 : vector<1x16xf32> to vector<16xf32>
      %swap3A_2864 = vector.shape_cast %get3A_2858 : vector<16xf32> to vector<1x16xf32>
      tpu.vector_store %arg10[%swap3A_2860, %swap3A_2861], %swap3A_2864 {strides = array<i32>} : memref<32x64xf32, #tpu.memory_space<vmem>>, vector<1x16xf32>,
      %get3A_2865 = arith.constant 26 : i32
      %get3A_2866 = arith.index_cast %get3A_2865 : i32 to index
      %get3A_2867 = arith.index_cast %squeeze3A_2816 : i32 to index
      %get3A_2868 = arith.constant 0 : index
      %get3A_2869 = tpu.vector_load %arg9[%get3A_2866, %get3A_2867, %get3A_2868] {strides = array<i32>} : memref<32x8x16xf32, #tpu.memory_space<vmem>>, vector<1x1x16xf32>,
      %get3A_2870 = vector.shape_cast %get3A_2869 : vector<1x1x16xf32> to vector<16xf32>
      %swap3A_2871 = arith.constant 26 : i32
      %swap3A_2872 = arith.index_cast %swap3A_2871 : i32 to index
      %swap3A_2873 = arith.constant 0 : index
      %swap3A_2874 = tpu.vector_load %arg11[%swap3A_2872, %swap3A_2873] {strides = array<i32>} : memref<32x16xf32, #tpu.memory_space<vmem>>, vector<1x16xf32>,
      %swap3A_2875 = vector.shape_cast %swap3A_2874 : vector<1x16xf32> to vector<16xf32>
      %swap3A_2876 = vector.shape_cast %get3A_2870 : vector<16xf32> to vector<1x16xf32>
      tpu.vector_store %arg11[%swap3A_2872, %swap3A_2873], %swap3A_2876 {strides = array<i32>} : memref<32x16xf32, #tpu.memory_space<vmem>>, vector<1x16xf32>,
      %slice3A_2877 = vector.extract_strided_slice %and3A_2194 {offsets = [11], sizes = [1], strides = [1]} : vector<16xi32> to vector<1xi32>
      %squeeze3A_2878 = vector.extract %slice3A_2877[0] : i32 from vector<1xi32>
      %get3A_2879 = arith.constant 27 : i32
      %get3A_2880 = arith.index_cast %get3A_2879 : i32 to index
      %get3A_2881 = arith.index_cast %squeeze3A_2878 : i32 to index
      %get3A_2882 = arith.constant 0 : index
      %get3A_2883 = tpu.vector_load %arg8[%get3A_2880, %get3A_2881, %get3A_2882] {strides = array<i32>} : memref<32x8x64xf32, #tpu.memory_space<vmem>>, vector<1x1x16xf32>,
      %get3A_2884 = vector.shape_cast %get3A_2883 : vector<1x1x16xf32> to vector<16xf32>
      %swap3A_2885 = arith.constant 27 : i32
      %swap3A_2886 = arith.index_cast %swap3A_2885 : i32 to index
      %swap3A_2887 = arith.constant 0 : index
      %swap3A_2888 = tpu.vector_load %arg10[%swap3A_2886, %swap3A_2887] {strides = array<i32>} : memref<32x64xf32, #tpu.memory_space<vmem>>, vector<1x16xf32>,
      %swap3A_2889 = vector.shape_cast %swap3A_2888 : vector<1x16xf32> to vector<16xf32>
      %swap3A_2890 = vector.shape_cast %get3A_2884 : vector<16xf32> to vector<1x16xf32>
      tpu.vector_store %arg10[%swap3A_2886, %swap3A_2887], %swap3A_2890 {strides = array<i32>} : memref<32x64xf32, #tpu.memory_space<vmem>>, vector<1x16xf32>,
      %get3A_2891 = arith.constant 27 : i32
      %get3A_2892 = arith.index_cast %get3A_2891 : i32 to index
      %get3A_2893 = arith.index_cast %squeeze3A_2878 : i32 to index
      %get3A_2894 = arith.constant 16 : index
      %get3A_2895 = tpu.vector_load %arg8[%get3A_2892, %get3A_2893, %get3A_2894] {strides = array<i32>} : memref<32x8x64xf32, #tpu.memory_space<vmem>>, vector<1x1x16xf32>,
      %get3A_2896 = vector.shape_cast %get3A_2895 : vector<1x1x16xf32> to vector<16xf32>
      %swap3A_2897 = arith.constant 27 : i32
      %swap3A_2898 = arith.index_cast %swap3A_2897 : i32 to index
      %swap3A_2899 = arith.constant 16 : index
      %swap3A_2900 = tpu.vector_load %arg10[%swap3A_2898, %swap3A_2899] {strides = array<i32>} : memref<32x64xf32, #tpu.memory_space<vmem>>, vector<1x16xf32>,
      %swap3A_2901 = vector.shape_cast %swap3A_2900 : vector<1x16xf32> to vector<16xf32>
      %swap3A_2902 = vector.shape_cast %get3A_2896 : vector<16xf32> to vector<1x16xf32>
      tpu.vector_store %arg10[%swap3A_2898, %swap3A_2899], %swap3A_2902 {strides = array<i32>} : memref<32x64xf32, #tpu.memory_space<vmem>>, vector<1x16xf32>,
      %get3A_2903 = arith.constant 27 : i32
      %get3A_2904 = arith.index_cast %get3A_2903 : i32 to index
      %get3A_2905 = arith.index_cast %squeeze3A_2878 : i32 to index
      %get3A_2906 = arith.constant 32 : index
      %get3A_2907 = tpu.vector_load %arg8[%get3A_2904, %get3A_2905, %get3A_2906] {strides = array<i32>} : memref<32x8x64xf32, #tpu.memory_space<vmem>>, vector<1x1x16xf32>,
      %get3A_2908 = vector.shape_cast %get3A_2907 : vector<1x1x16xf32> to vector<16xf32>
      %swap3A_2909 = arith.constant 27 : i32
      %swap3A_2910 = arith.index_cast %swap3A_2909 : i32 to index
      %swap3A_2911 = arith.constant 32 : index
      %swap3A_2912 = tpu.vector_load %arg10[%swap3A_2910, %swap3A_2911] {strides = array<i32>} : memref<32x64xf32, #tpu.memory_space<vmem>>, vector<1x16xf32>,
      %swap3A_2913 = vector.shape_cast %swap3A_2912 : vector<1x16xf32> to vector<16xf32>
      %swap3A_2914 = vector.shape_cast %get3A_2908 : vector<16xf32> to vector<1x16xf32>
      tpu.vector_store %arg10[%swap3A_2910, %swap3A_2911], %swap3A_2914 {strides = array<i32>} : memref<32x64xf32, #tpu.memory_space<vmem>>, vector<1x16xf32>,
      %get3A_2915 = arith.constant 27 : i32
      %get3A_2916 = arith.index_cast %get3A_2915 : i32 to index
      %get3A_2917 = arith.index_cast %squeeze3A_2878 : i32 to index
      %get3A_2918 = arith.constant 48 : index
      %get3A_2919 = tpu.vector_load %arg8[%get3A_2916, %get3A_2917, %get3A_2918] {strides = array<i32>} : memref<32x8x64xf32, #tpu.memory_space<vmem>>, vector<1x1x16xf32>,
      %get3A_2920 = vector.shape_cast %get3A_2919 : vector<1x1x16xf32> to vector<16xf32>
      %swap3A_2921 = arith.constant 27 : i32
      %swap3A_2922 = arith.index_cast %swap3A_2921 : i32 to index
      %swap3A_2923 = arith.constant 48 : index
      %swap3A_2924 = tpu.vector_load %arg10[%swap3A_2922, %swap3A_2923] {strides = array<i32>} : memref<32x64xf32, #tpu.memory_space<vmem>>, vector<1x16xf32>,
      %swap3A_2925 = vector.shape_cast %swap3A_2924 : vector<1x16xf32> to vector<16xf32>
      %swap3A_2926 = vector.shape_cast %get3A_2920 : vector<16xf32> to vector<1x16xf32>
      tpu.vector_store %arg10[%swap3A_2922, %swap3A_2923], %swap3A_2926 {strides = array<i32>} : memref<32x64xf32, #tpu.memory_space<vmem>>, vector<1x16xf32>,
      %get3A_2927 = arith.constant 27 : i32
      %get3A_2928 = arith.index_cast %get3A_2927 : i32 to index
      %get3A_2929 = arith.index_cast %squeeze3A_2878 : i32 to index
      %get3A_2930 = arith.constant 0 : index
      %get3A_2931 = tpu.vector_load %arg9[%get3A_2928, %get3A_2929, %get3A_2930] {strides = array<i32>} : memref<32x8x16xf32, #tpu.memory_space<vmem>>, vector<1x1x16xf32>,
      %get3A_2932 = vector.shape_cast %get3A_2931 : vector<1x1x16xf32> to vector<16xf32>
      %swap3A_2933 = arith.constant 27 : i32
      %swap3A_2934 = arith.index_cast %swap3A_2933 : i32 to index
      %swap3A_2935 = arith.constant 0 : index
      %swap3A_2936 = tpu.vector_load %arg11[%swap3A_2934, %swap3A_2935] {strides = array<i32>} : memref<32x16xf32, #tpu.memory_space<vmem>>, vector<1x16xf32>,
      %swap3A_2937 = vector.shape_cast %swap3A_2936 : vector<1x16xf32> to vector<16xf32>
      %swap3A_2938 = vector.shape_cast %get3A_2932 : vector<16xf32> to vector<1x16xf32>
      tpu.vector_store %arg11[%swap3A_2934, %swap3A_2935], %swap3A_2938 {strides = array<i32>} : memref<32x16xf32, #tpu.memory_space<vmem>>, vector<1x16xf32>,
      %slice3A_2939 = vector.extract_strided_slice %and3A_2194 {offsets = [12], sizes = [1], strides = [1]} : vector<16xi32> to vector<1xi32>
      %squeeze3A_2940 = vector.extract %slice3A_2939[0] : i32 from vector<1xi32>
      %get3A_2941 = arith.constant 28 : i32
      %get3A_2942 = arith.index_cast %get3A_2941 : i32 to index
      %get3A_2943 = arith.index_cast %squeeze3A_2940 : i32 to index
      %get3A_2944 = arith.constant 0 : index
      %get3A_2945 = tpu.vector_load %arg8[%get3A_2942, %get3A_2943, %get3A_2944] {strides = array<i32>} : memref<32x8x64xf32, #tpu.memory_space<vmem>>, vector<1x1x16xf32>,
      %get3A_2946 = vector.shape_cast %get3A_2945 : vector<1x1x16xf32> to vector<16xf32>
      %swap3A_2947 = arith.constant 28 : i32
      %swap3A_2948 = arith.index_cast %swap3A_2947 : i32 to index
      %swap3A_2949 = arith.constant 0 : index
      %swap3A_2950 = tpu.vector_load %arg10[%swap3A_2948, %swap3A_2949] {strides = array<i32>} : memref<32x64xf32, #tpu.memory_space<vmem>>, vector<1x16xf32>,
      %swap3A_2951 = vector.shape_cast %swap3A_2950 : vector<1x16xf32> to vector<16xf32>
      %swap3A_2952 = vector.shape_cast %get3A_2946 : vector<16xf32> to vector<1x16xf32>
      tpu.vector_store %arg10[%swap3A_2948, %swap3A_2949], %swap3A_2952 {strides = array<i32>} : memref<32x64xf32, #tpu.memory_space<vmem>>, vector<1x16xf32>,
      %get3A_2953 = arith.constant 28 : i32
      %get3A_2954 = arith.index_cast %get3A_2953 : i32 to index
      %get3A_2955 = arith.index_cast %squeeze3A_2940 : i32 to index
      %get3A_2956 = arith.constant 16 : index
      %get3A_2957 = tpu.vector_load %arg8[%get3A_2954, %get3A_2955, %get3A_2956] {strides = array<i32>} : memref<32x8x64xf32, #tpu.memory_space<vmem>>, vector<1x1x16xf32>,
      %get3A_2958 = vector.shape_cast %get3A_2957 : vector<1x1x16xf32> to vector<16xf32>
      %swap3A_2959 = arith.constant 28 : i32
      %swap3A_2960 = arith.index_cast %swap3A_2959 : i32 to index
      %swap3A_2961 = arith.constant 16 : index
      %swap3A_2962 = tpu.vector_load %arg10[%swap3A_2960, %swap3A_2961] {strides = array<i32>} : memref<32x64xf32, #tpu.memory_space<vmem>>, vector<1x16xf32>,
      %swap3A_2963 = vector.shape_cast %swap3A_2962 : vector<1x16xf32> to vector<16xf32>
      %swap3A_2964 = vector.shape_cast %get3A_2958 : vector<16xf32> to vector<1x16xf32>
      tpu.vector_store %arg10[%swap3A_2960, %swap3A_2961], %swap3A_2964 {strides = array<i32>} : memref<32x64xf32, #tpu.memory_space<vmem>>, vector<1x16xf32>,
      %get3A_2965 = arith.constant 28 : i32
      %get3A_2966 = arith.index_cast %get3A_2965 : i32 to index
      %get3A_2967 = arith.index_cast %squeeze3A_2940 : i32 to index
      %get3A_2968 = arith.constant 32 : index
      %get3A_2969 = tpu.vector_load %arg8[%get3A_2966, %get3A_2967, %get3A_2968] {strides = array<i32>} : memref<32x8x64xf32, #tpu.memory_space<vmem>>, vector<1x1x16xf32>,
      %get3A_2970 = vector.shape_cast %get3A_2969 : vector<1x1x16xf32> to vector<16xf32>
      %swap3A_2971 = arith.constant 28 : i32
      %swap3A_2972 = arith.index_cast %swap3A_2971 : i32 to index
      %swap3A_2973 = arith.constant 32 : index
      %swap3A_2974 = tpu.vector_load %arg10[%swap3A_2972, %swap3A_2973] {strides = array<i32>} : memref<32x64xf32, #tpu.memory_space<vmem>>, vector<1x16xf32>,
      %swap3A_2975 = vector.shape_cast %swap3A_2974 : vector<1x16xf32> to vector<16xf32>
      %swap3A_2976 = vector.shape_cast %get3A_2970 : vector<16xf32> to vector<1x16xf32>
      tpu.vector_store %arg10[%swap3A_2972, %swap3A_2973], %swap3A_2976 {strides = array<i32>} : memref<32x64xf32, #tpu.memory_space<vmem>>, vector<1x16xf32>,
      %get3A_2977 = arith.constant 28 : i32
      %get3A_2978 = arith.index_cast %get3A_2977 : i32 to index
      %get3A_2979 = arith.index_cast %squeeze3A_2940 : i32 to index
      %get3A_2980 = arith.constant 48 : index
      %get3A_2981 = tpu.vector_load %arg8[%get3A_2978, %get3A_2979, %get3A_2980] {strides = array<i32>} : memref<32x8x64xf32, #tpu.memory_space<vmem>>, vector<1x1x16xf32>,
      %get3A_2982 = vector.shape_cast %get3A_2981 : vector<1x1x16xf32> to vector<16xf32>
      %swap3A_2983 = arith.constant 28 : i32
      %swap3A_2984 = arith.index_cast %swap3A_2983 : i32 to index
      %swap3A_2985 = arith.constant 48 : index
      %swap3A_2986 = tpu.vector_load %arg10[%swap3A_2984, %swap3A_2985] {strides = array<i32>} : memref<32x64xf32, #tpu.memory_space<vmem>>, vector<1x16xf32>,
      %swap3A_2987 = vector.shape_cast %swap3A_2986 : vector<1x16xf32> to vector<16xf32>
      %swap3A_2988 = vector.shape_cast %get3A_2982 : vector<16xf32> to vector<1x16xf32>
      tpu.vector_store %arg10[%swap3A_2984, %swap3A_2985], %swap3A_2988 {strides = array<i32>} : memref<32x64xf32, #tpu.memory_space<vmem>>, vector<1x16xf32>,
      %get3A_2989 = arith.constant 28 : i32
      %get3A_2990 = arith.index_cast %get3A_2989 : i32 to index
      %get3A_2991 = arith.index_cast %squeeze3A_2940 : i32 to index
      %get3A_2992 = arith.constant 0 : index
      %get3A_2993 = tpu.vector_load %arg9[%get3A_2990, %get3A_2991, %get3A_2992] {strides = array<i32>} : memref<32x8x16xf32, #tpu.memory_space<vmem>>, vector<1x1x16xf32>,
      %get3A_2994 = vector.shape_cast %get3A_2993 : vector<1x1x16xf32> to vector<16xf32>
      %swap3A_2995 = arith.constant 28 : i32
      %swap3A_2996 = arith.index_cast %swap3A_2995 : i32 to index
      %swap3A_2997 = arith.constant 0 : index
      %swap3A_2998 = tpu.vector_load %arg11[%swap3A_2996, %swap3A_2997] {strides = array<i32>} : memref<32x16xf32, #tpu.memory_space<vmem>>, vector<1x16xf32>,
      %swap3A_2999 = vector.shape_cast %swap3A_2998 : vector<1x16xf32> to vector<16xf32>
      %swap3A_3000 = vector.shape_cast %get3A_2994 : vector<16xf32> to vector<1x16xf32>
      tpu.vector_store %arg11[%swap3A_2996, %swap3A_2997], %swap3A_3000 {strides = array<i32>} : memref<32x16xf32, #tpu.memory_space<vmem>>, vector<1x16xf32>,
      %slice3A_3001 = vector.extract_strided_slice %and3A_2194 {offsets = [13], sizes = [1], strides = [1]} : vector<16xi32> to vector<1xi32>
      %squeeze3A_3002 = vector.extract %slice3A_3001[0] : i32 from vector<1xi32>
      %get3A_3003 = arith.constant 29 : i32
      %get3A_3004 = arith.index_cast %get3A_3003 : i32 to index
      %get3A_3005 = arith.index_cast %squeeze3A_3002 : i32 to index
      %get3A_3006 = arith.constant 0 : index
      %get3A_3007 = tpu.vector_load %arg8[%get3A_3004, %get3A_3005, %get3A_3006] {strides = array<i32>} : memref<32x8x64xf32, #tpu.memory_space<vmem>>, vector<1x1x16xf32>,
      %get3A_3008 = vector.shape_cast %get3A_3007 : vector<1x1x16xf32> to vector<16xf32>
      %swap3A_3009 = arith.constant 29 : i32
      %swap3A_3010 = arith.index_cast %swap3A_3009 : i32 to index
      %swap3A_3011 = arith.constant 0 : index
      %swap3A_3012 = tpu.vector_load %arg10[%swap3A_3010, %swap3A_3011] {strides = array<i32>} : memref<32x64xf32, #tpu.memory_space<vmem>>, vector<1x16xf32>,
      %swap3A_3013 = vector.shape_cast %swap3A_3012 : vector<1x16xf32> to vector<16xf32>
      %swap3A_3014 = vector.shape_cast %get3A_3008 : vector<16xf32> to vector<1x16xf32>
      tpu.vector_store %arg10[%swap3A_3010, %swap3A_3011], %swap3A_3014 {strides = array<i32>} : memref<32x64xf32, #tpu.memory_space<vmem>>, vector<1x16xf32>,
      %get3A_3015 = arith.constant 29 : i32
      %get3A_3016 = arith.index_cast %get3A_3015 : i32 to index
      %get3A_3017 = arith.index_cast %squeeze3A_3002 : i32 to index
      %get3A_3018 = arith.constant 16 : index
      %get3A_3019 = tpu.vector_load %arg8[%get3A_3016, %get3A_3017, %get3A_3018] {strides = array<i32>} : memref<32x8x64xf32, #tpu.memory_space<vmem>>, vector<1x1x16xf32>,
      %get3A_3020 = vector.shape_cast %get3A_3019 : vector<1x1x16xf32> to vector<16xf32>
      %swap3A_3021 = arith.constant 29 : i32
      %swap3A_3022 = arith.index_cast %swap3A_3021 : i32 to index
      %swap3A_3023 = arith.constant 16 : index
      %swap3A_3024 = tpu.vector_load %arg10[%swap3A_3022, %swap3A_3023] {strides = array<i32>} : memref<32x64xf32, #tpu.memory_space<vmem>>, vector<1x16xf32>,
      %swap3A_3025 = vector.shape_cast %swap3A_3024 : vector<1x16xf32> to vector<16xf32>
      %swap3A_3026 = vector.shape_cast %get3A_3020 : vector<16xf32> to vector<1x16xf32>
      tpu.vector_store %arg10[%swap3A_3022, %swap3A_3023], %swap3A_3026 {strides = array<i32>} : memref<32x64xf32, #tpu.memory_space<vmem>>, vector<1x16xf32>,
      %get3A_3027 = arith.constant 29 : i32
      %get3A_3028 = arith.index_cast %get3A_3027 : i32 to index
      %get3A_3029 = arith.index_cast %squeeze3A_3002 : i32 to index
      %get3A_3030 = arith.constant 32 : index
      %get3A_3031 = tpu.vector_load %arg8[%get3A_3028, %get3A_3029, %get3A_3030] {strides = array<i32>} : memref<32x8x64xf32, #tpu.memory_space<vmem>>, vector<1x1x16xf32>,
      %get3A_3032 = vector.shape_cast %get3A_3031 : vector<1x1x16xf32> to vector<16xf32>
      %swap3A_3033 = arith.constant 29 : i32
      %swap3A_3034 = arith.index_cast %swap3A_3033 : i32 to index
      %swap3A_3035 = arith.constant 32 : index
      %swap3A_3036 = tpu.vector_load %arg10[%swap3A_3034, %swap3A_3035] {strides = array<i32>} : memref<32x64xf32, #tpu.memory_space<vmem>>, vector<1x16xf32>,
      %swap3A_3037 = vector.shape_cast %swap3A_3036 : vector<1x16xf32> to vector<16xf32>
      %swap3A_3038 = vector.shape_cast %get3A_3032 : vector<16xf32> to vector<1x16xf32>
      tpu.vector_store %arg10[%swap3A_3034, %swap3A_3035], %swap3A_3038 {strides = array<i32>} : memref<32x64xf32, #tpu.memory_space<vmem>>, vector<1x16xf32>,
      %get3A_3039 = arith.constant 29 : i32
      %get3A_3040 = arith.index_cast %get3A_3039 : i32 to index
      %get3A_3041 = arith.index_cast %squeeze3A_3002 : i32 to index
      %get3A_3042 = arith.constant 48 : index
      %get3A_3043 = tpu.vector_load %arg8[%get3A_3040, %get3A_3041, %get3A_3042] {strides = array<i32>} : memref<32x8x64xf32, #tpu.memory_space<vmem>>, vector<1x1x16xf32>,
      %get3A_3044 = vector.shape_cast %get3A_3043 : vector<1x1x16xf32> to vector<16xf32>
      %swap3A_3045 = arith.constant 29 : i32
      %swap3A_3046 = arith.index_cast %swap3A_3045 : i32 to index
      %swap3A_3047 = arith.constant 48 : index
      %swap3A_3048 = tpu.vector_load %arg10[%swap3A_3046, %swap3A_3047] {strides = array<i32>} : memref<32x64xf32, #tpu.memory_space<vmem>>, vector<1x16xf32>,
      %swap3A_3049 = vector.shape_cast %swap3A_3048 : vector<1x16xf32> to vector<16xf32>
      %swap3A_3050 = vector.shape_cast %get3A_3044 : vector<16xf32> to vector<1x16xf32>
      tpu.vector_store %arg10[%swap3A_3046, %swap3A_3047], %swap3A_3050 {strides = array<i32>} : memref<32x64xf32, #tpu.memory_space<vmem>>, vector<1x16xf32>,
      %get3A_3051 = arith.constant 29 : i32
      %get3A_3052 = arith.index_cast %get3A_3051 : i32 to index
      %get3A_3053 = arith.index_cast %squeeze3A_3002 : i32 to index
      %get3A_3054 = arith.constant 0 : index
      %get3A_3055 = tpu.vector_load %arg9[%get3A_3052, %get3A_3053, %get3A_3054] {strides = array<i32>} : memref<32x8x16xf32, #tpu.memory_space<vmem>>, vector<1x1x16xf32>,
      %get3A_3056 = vector.shape_cast %get3A_3055 : vector<1x1x16xf32> to vector<16xf32>
      %swap3A_3057 = arith.constant 29 : i32
      %swap3A_3058 = arith.index_cast %swap3A_3057 : i32 to index
      %swap3A_3059 = arith.constant 0 : index
      %swap3A_3060 = tpu.vector_load %arg11[%swap3A_3058, %swap3A_3059] {strides = array<i32>} : memref<32x16xf32, #tpu.memory_space<vmem>>, vector<1x16xf32>,
      %swap3A_3061 = vector.shape_cast %swap3A_3060 : vector<1x16xf32> to vector<16xf32>
      %swap3A_3062 = vector.shape_cast %get3A_3056 : vector<16xf32> to vector<1x16xf32>
      tpu.vector_store %arg11[%swap3A_3058, %swap3A_3059], %swap3A_3062 {strides = array<i32>} : memref<32x16xf32, #tpu.memory_space<vmem>>, vector<1x16xf32>,
      %slice3A_3063 = vector.extract_strided_slice %and3A_2194 {offsets = [14], sizes = [1], strides = [1]} : vector<16xi32> to vector<1xi32>
      %squeeze3A_3064 = vector.extract %slice3A_3063[0] : i32 from vector<1xi32>
      %get3A_3065 = arith.constant 30 : i32
      %get3A_3066 = arith.index_cast %get3A_3065 : i32 to index
      %get3A_3067 = arith.index_cast %squeeze3A_3064 : i32 to index
      %get3A_3068 = arith.constant 0 : index
      %get3A_3069 = tpu.vector_load %arg8[%get3A_3066, %get3A_3067, %get3A_3068] {strides = array<i32>} : memref<32x8x64xf32, #tpu.memory_space<vmem>>, vector<1x1x16xf32>,
      %get3A_3070 = vector.shape_cast %get3A_3069 : vector<1x1x16xf32> to vector<16xf32>
      %swap3A_3071 = arith.constant 30 : i32
      %swap3A_3072 = arith.index_cast %swap3A_3071 : i32 to index
      %swap3A_3073 = arith.constant 0 : index
      %swap3A_3074 = tpu.vector_load %arg10[%swap3A_3072, %swap3A_3073] {strides = array<i32>} : memref<32x64xf32, #tpu.memory_space<vmem>>, vector<1x16xf32>,
      %swap3A_3075 = vector.shape_cast %swap3A_3074 : vector<1x16xf32> to vector<16xf32>
      %swap3A_3076 = vector.shape_cast %get3A_3070 : vector<16xf32> to vector<1x16xf32>
      tpu.vector_store %arg10[%swap3A_3072, %swap3A_3073], %swap3A_3076 {strides = array<i32>} : memref<32x64xf32, #tpu.memory_space<vmem>>, vector<1x16xf32>,
      %get3A_3077 = arith.constant 30 : i32
      %get3A_3078 = arith.index_cast %get3A_3077 : i32 to index
      %get3A_3079 = arith.index_cast %squeeze3A_3064 : i32 to index
      %get3A_3080 = arith.constant 16 : index
      %get3A_3081 = tpu.vector_load %arg8[%get3A_3078, %get3A_3079, %get3A_3080] {strides = array<i32>} : memref<32x8x64xf32, #tpu.memory_space<vmem>>, vector<1x1x16xf32>,
      %get3A_3082 = vector.shape_cast %get3A_3081 : vector<1x1x16xf32> to vector<16xf32>
      %swap3A_3083 = arith.constant 30 : i32
      %swap3A_3084 = arith.index_cast %swap3A_3083 : i32 to index
      %swap3A_3085 = arith.constant 16 : index
      %swap3A_3086 = tpu.vector_load %arg10[%swap3A_3084, %swap3A_3085] {strides = array<i32>} : memref<32x64xf32, #tpu.memory_space<vmem>>, vector<1x16xf32>,
      %swap3A_3087 = vector.shape_cast %swap3A_3086 : vector<1x16xf32> to vector<16xf32>
      %swap3A_3088 = vector.shape_cast %get3A_3082 : vector<16xf32> to vector<1x16xf32>
      tpu.vector_store %arg10[%swap3A_3084, %swap3A_3085], %swap3A_3088 {strides = array<i32>} : memref<32x64xf32, #tpu.memory_space<vmem>>, vector<1x16xf32>,
      %get3A_3089 = arith.constant 30 : i32
      %get3A_3090 = arith.index_cast %get3A_3089 : i32 to index
      %get3A_3091 = arith.index_cast %squeeze3A_3064 : i32 to index
      %get3A_3092 = arith.constant 32 : index
      %get3A_3093 = tpu.vector_load %arg8[%get3A_3090, %get3A_3091, %get3A_3092] {strides = array<i32>} : memref<32x8x64xf32, #tpu.memory_space<vmem>>, vector<1x1x16xf32>,
      %get3A_3094 = vector.shape_cast %get3A_3093 : vector<1x1x16xf32> to vector<16xf32>
      %swap3A_3095 = arith.constant 30 : i32
      %swap3A_3096 = arith.index_cast %swap3A_3095 : i32 to index
      %swap3A_3097 = arith.constant 32 : index
      %swap3A_3098 = tpu.vector_load %arg10[%swap3A_3096, %swap3A_3097] {strides = array<i32>} : memref<32x64xf32, #tpu.memory_space<vmem>>, vector<1x16xf32>,
      %swap3A_3099 = vector.shape_cast %swap3A_3098 : vector<1x16xf32> to vector<16xf32>
      %swap3A_3100 = vector.shape_cast %get3A_3094 : vector<16xf32> to vector<1x16xf32>
      tpu.vector_store %arg10[%swap3A_3096, %swap3A_3097], %swap3A_3100 {strides = array<i32>} : memref<32x64xf32, #tpu.memory_space<vmem>>, vector<1x16xf32>,
      %get3A_3101 = arith.constant 30 : i32
      %get3A_3102 = arith.index_cast %get3A_3101 : i32 to index
      %get3A_3103 = arith.index_cast %squeeze3A_3064 : i32 to index
      %get3A_3104 = arith.constant 48 : index
      %get3A_3105 = tpu.vector_load %arg8[%get3A_3102, %get3A_3103, %get3A_3104] {strides = array<i32>} : memref<32x8x64xf32, #tpu.memory_space<vmem>>, vector<1x1x16xf32>,
      %get3A_3106 = vector.shape_cast %get3A_3105 : vector<1x1x16xf32> to vector<16xf32>
      %swap3A_3107 = arith.constant 30 : i32
      %swap3A_3108 = arith.index_cast %swap3A_3107 : i32 to index
      %swap3A_3109 = arith.constant 48 : index
      %swap3A_3110 = tpu.vector_load %arg10[%swap3A_3108, %swap3A_3109] {strides = array<i32>} : memref<32x64xf32, #tpu.memory_space<vmem>>, vector<1x16xf32>,
      %swap3A_3111 = vector.shape_cast %swap3A_3110 : vector<1x16xf32> to vector<16xf32>
      %swap3A_3112 = vector.shape_cast %get3A_3106 : vector<16xf32> to vector<1x16xf32>
      tpu.vector_store %arg10[%swap3A_3108, %swap3A_3109], %swap3A_3112 {strides = array<i32>} : memref<32x64xf32, #tpu.memory_space<vmem>>, vector<1x16xf32>,
      %get3A_3113 = arith.constant 30 : i32
      %get3A_3114 = arith.index_cast %get3A_3113 : i32 to index
      %get3A_3115 = arith.index_cast %squeeze3A_3064 : i32 to index
      %get3A_3116 = arith.constant 0 : index
      %get3A_3117 = tpu.vector_load %arg9[%get3A_3114, %get3A_3115, %get3A_3116] {strides = array<i32>} : memref<32x8x16xf32, #tpu.memory_space<vmem>>, vector<1x1x16xf32>,
      %get3A_3118 = vector.shape_cast %get3A_3117 : vector<1x1x16xf32> to vector<16xf32>
      %swap3A_3119 = arith.constant 30 : i32
      %swap3A_3120 = arith.index_cast %swap3A_3119 : i32 to index
      %swap3A_3121 = arith.constant 0 : index
      %swap3A_3122 = tpu.vector_load %arg11[%swap3A_3120, %swap3A_3121] {strides = array<i32>} : memref<32x16xf32, #tpu.memory_space<vmem>>, vector<1x16xf32>,
      %swap3A_3123 = vector.shape_cast %swap3A_3122 : vector<1x16xf32> to vector<16xf32>
      %swap3A_3124 = vector.shape_cast %get3A_3118 : vector<16xf32> to vector<1x16xf32>
      tpu.vector_store %arg11[%swap3A_3120, %swap3A_3121], %swap3A_3124 {strides = array<i32>} : memref<32x16xf32, #tpu.memory_space<vmem>>, vector<1x16xf32>,
      %slice3A_3125 = vector.extract_strided_slice %and3A_2194 {offsets = [15], sizes = [1], strides = [1]} : vector<16xi32> to vector<1xi32>
      %squeeze3A_3126 = vector.extract %slice3A_3125[0] : i32 from vector<1xi32>
      %get3A_3127 = arith.constant 31 : i32
      %get3A_3128 = arith.index_cast %get3A_3127 : i32 to index
      %get3A_3129 = arith.index_cast %squeeze3A_3126 : i32 to index
      %get3A_3130 = arith.constant 0 : index
      %get3A_3131 = tpu.vector_load %arg8[%get3A_3128, %get3A_3129, %get3A_3130] {strides = array<i32>} : memref<32x8x64xf32, #tpu.memory_space<vmem>>, vector<1x1x16xf32>,
      %get3A_3132 = vector.shape_cast %get3A_3131 : vector<1x1x16xf32> to vector<16xf32>
      %swap3A_3133 = arith.constant 31 : i32
      %swap3A_3134 = arith.index_cast %swap3A_3133 : i32 to index
      %swap3A_3135 = arith.constant 0 : index
      %swap3A_3136 = tpu.vector_load %arg10[%swap3A_3134, %swap3A_3135] {strides = array<i32>} : memref<32x64xf32, #tpu.memory_space<vmem>>, vector<1x16xf32>,
      %swap3A_3137 = vector.shape_cast %swap3A_3136 : vector<1x16xf32> to vector<16xf32>
      %swap3A_3138 = vector.shape_cast %get3A_3132 : vector<16xf32> to vector<1x16xf32>
      tpu.vector_store %arg10[%swap3A_3134, %swap3A_3135], %swap3A_3138 {strides = array<i32>} : memref<32x64xf32, #tpu.memory_space<vmem>>, vector<1x16xf32>,
      %get3A_3139 = arith.constant 31 : i32
      %get3A_3140 = arith.index_cast %get3A_3139 : i32 to index
      %get3A_3141 = arith.index_cast %squeeze3A_3126 : i32 to index
      %get3A_3142 = arith.constant 16 : index
      %get3A_3143 = tpu.vector_load %arg8[%get3A_3140, %get3A_3141, %get3A_3142] {strides = array<i32>} : memref<32x8x64xf32, #tpu.memory_space<vmem>>, vector<1x1x16xf32>,
      %get3A_3144 = vector.shape_cast %get3A_3143 : vector<1x1x16xf32> to vector<16xf32>
      %swap3A_3145 = arith.constant 31 : i32
      %swap3A_3146 = arith.index_cast %swap3A_3145 : i32 to index
      %swap3A_3147 = arith.constant 16 : index
      %swap3A_3148 = tpu.vector_load %arg10[%swap3A_3146, %swap3A_3147] {strides = array<i32>} : memref<32x64xf32, #tpu.memory_space<vmem>>, vector<1x16xf32>,
      %swap3A_3149 = vector.shape_cast %swap3A_3148 : vector<1x16xf32> to vector<16xf32>
      %swap3A_3150 = vector.shape_cast %get3A_3144 : vector<16xf32> to vector<1x16xf32>
      tpu.vector_store %arg10[%swap3A_3146, %swap3A_3147], %swap3A_3150 {strides = array<i32>} : memref<32x64xf32, #tpu.memory_space<vmem>>, vector<1x16xf32>,
      %get3A_3151 = arith.constant 31 : i32
      %get3A_3152 = arith.index_cast %get3A_3151 : i32 to index
      %get3A_3153 = arith.index_cast %squeeze3A_3126 : i32 to index
      %get3A_3154 = arith.constant 32 : index
      %get3A_3155 = tpu.vector_load %arg8[%get3A_3152, %get3A_3153, %get3A_3154] {strides = array<i32>} : memref<32x8x64xf32, #tpu.memory_space<vmem>>, vector<1x1x16xf32>,
      %get3A_3156 = vector.shape_cast %get3A_3155 : vector<1x1x16xf32> to vector<16xf32>
      %swap3A_3157 = arith.constant 31 : i32
      %swap3A_3158 = arith.index_cast %swap3A_3157 : i32 to index
      %swap3A_3159 = arith.constant 32 : index
      %swap3A_3160 = tpu.vector_load %arg10[%swap3A_3158, %swap3A_3159] {strides = array<i32>} : memref<32x64xf32, #tpu.memory_space<vmem>>, vector<1x16xf32>,
      %swap3A_3161 = vector.shape_cast %swap3A_3160 : vector<1x16xf32> to vector<16xf32>
      %swap3A_3162 = vector.shape_cast %get3A_3156 : vector<16xf32> to vector<1x16xf32>
      tpu.vector_store %arg10[%swap3A_3158, %swap3A_3159], %swap3A_3162 {strides = array<i32>} : memref<32x64xf32, #tpu.memory_space<vmem>>, vector<1x16xf32>,
      %get3A_3163 = arith.constant 31 : i32
      %get3A_3164 = arith.index_cast %get3A_3163 : i32 to index
      %get3A_3165 = arith.index_cast %squeeze3A_3126 : i32 to index
      %get3A_3166 = arith.constant 48 : index
      %get3A_3167 = tpu.vector_load %arg8[%get3A_3164, %get3A_3165, %get3A_3166] {strides = array<i32>} : memref<32x8x64xf32, #tpu.memory_space<vmem>>, vector<1x1x16xf32>,
      %get3A_3168 = vector.shape_cast %get3A_3167 : vector<1x1x16xf32> to vector<16xf32>
      %swap3A_3169 = arith.constant 31 : i32
      %swap3A_3170 = arith.index_cast %swap3A_3169 : i32 to index
      %swap3A_3171 = arith.constant 48 : index
      %swap3A_3172 = tpu.vector_load %arg10[%swap3A_3170, %swap3A_3171] {strides = array<i32>} : memref<32x64xf32, #tpu.memory_space<vmem>>, vector<1x16xf32>,
      %swap3A_3173 = vector.shape_cast %swap3A_3172 : vector<1x16xf32> to vector<16xf32>
      %swap3A_3174 = vector.shape_cast %get3A_3168 : vector<16xf32> to vector<1x16xf32>
      tpu.vector_store %arg10[%swap3A_3170, %swap3A_3171], %swap3A_3174 {strides = array<i32>} : memref<32x64xf32, #tpu.memory_space<vmem>>, vector<1x16xf32>,
      %get3A_3175 = arith.constant 31 : i32
      %get3A_3176 = arith.index_cast %get3A_3175 : i32 to index
      %get3A_3177 = arith.index_cast %squeeze3A_3126 : i32 to index
      %get3A_3178 = arith.constant 0 : index
      %get3A_3179 = tpu.vector_load %arg9[%get3A_3176, %get3A_3177, %get3A_3178] {strides = array<i32>} : memref<32x8x16xf32, #tpu.memory_space<vmem>>, vector<1x1x16xf32>,
      %get3A_3180 = vector.shape_cast %get3A_3179 : vector<1x1x16xf32> to vector<16xf32>
      %swap3A_3181 = arith.constant 31 : i32
      %swap3A_3182 = arith.index_cast %swap3A_3181 : i32 to index
      %swap3A_3183 = arith.constant 0 : index
      %swap3A_3184 = tpu.vector_load %arg11[%swap3A_3182, %swap3A_3183] {strides = array<i32>} : memref<32x16xf32, #tpu.memory_space<vmem>>, vector<1x16xf32>,
      %swap3A_3185 = vector.shape_cast %swap3A_3184 : vector<1x16xf32> to vector<16xf32>
      %swap3A_3186 = vector.shape_cast %get3A_3180 : vector<16xf32> to vector<1x16xf32>
      tpu.vector_store %arg11[%swap3A_3182, %swap3A_3183], %swap3A_3186 {strides = array<i32>} : memref<32x16xf32, #tpu.memory_space<vmem>>, vector<1x16xf32>,
      %add3A_3187 = arith.addi %mul3A_2, %mul3A_10 : i32
      "tpu.region"() ({
        %run_scoped3A = tpu.sem_alloc : memref<!tpu.dma_semaphore, #tpu.memory_space<semaphore_mem>>
        %dma_start3A_3189 = arith.constant 0 : i32
        %dma_start3A_3190 = tpu.memref_slice %arg5[%add3A_3187, %dma_start3A_3189] : memref<16384x64xf32, #tpu.memory_space<hbm>> -> memref<32x64xf32, #tpu.memory_space<hbm>>
        %dma_start3A_3191 = arith.constant 0 : i32
        %dma_start3A_3192 = tpu.memref_slice %arg5[%add3A_3187, %dma_start3A_3191] : memref<16384x64xf32, #tpu.memory_space<hbm>> -> memref<32x64xf32, #tpu.memory_space<hbm>>
        tpu.enqueue_dma source(%arg10 : memref<32x64xf32, #tpu.memory_space<vmem>>) target(%dma_start3A_3192 : memref<32x64xf32, #tpu.memory_space<hbm>>) target_semaphore(%run_scoped3A : memref<!tpu.dma_semaphore, #tpu.memory_space<semaphore_mem>>)
        %dma_wait3A_3193 = arith.constant 0 : i32
        %dma_wait3A_3194 = tpu.memref_slice %arg5[%add3A_3187, %dma_wait3A_3193] : memref<16384x64xf32, #tpu.memory_space<hbm>> -> memref<32x64xf32, #tpu.memory_space<hbm>>
        %dma_wait3A_3195 = arith.constant 0 : i32
        %dma_wait3A_3196 = tpu.memref_slice %arg5[%add3A_3187, %dma_wait3A_3195] : memref<16384x64xf32, #tpu.memory_space<hbm>> -> memref<32x64xf32, #tpu.memory_space<hbm>>
        tpu.wait_dma2 semaphore(%run_scoped3A : memref<!tpu.dma_semaphore, #tpu.memory_space<semaphore_mem>>) src(%arg10 : memref<32x64xf32, #tpu.memory_space<vmem>>) dst(%dma_wait3A_3196 : memref<32x64xf32, #tpu.memory_space<hbm>>)
        tpu.yield
      }) : () -> ()
      %add3A_3188 = arith.addi %mul3A_2, %mul3A_10 : i32
      "tpu.region"() ({
        %run_scoped3A = tpu.sem_alloc : memref<!tpu.dma_semaphore, #tpu.memory_space<semaphore_mem>>
        %dma_start3A_3189 = arith.constant 0 : i32
        %dma_start3A_3190 = tpu.memref_slice %arg6[%add3A_3188, %dma_start3A_3189] : memref<16384x16xf32, #tpu.memory_space<hbm>> -> memref<32x16xf32, #tpu.memory_space<hbm>>
        %dma_start3A_3191 = arith.constant 0 : i32
        %dma_start3A_3192 = tpu.memref_slice %arg6[%add3A_3188, %dma_start3A_3191] : memref<16384x16xf32, #tpu.memory_space<hbm>> -> memref<32x16xf32, #tpu.memory_space<hbm>>
        tpu.enqueue_dma source(%arg11 : memref<32x16xf32, #tpu.memory_space<vmem>>) target(%dma_start3A_3192 : memref<32x16xf32, #tpu.memory_space<hbm>>) target_semaphore(%run_scoped3A : memref<!tpu.dma_semaphore, #tpu.memory_space<semaphore_mem>>)
        %dma_wait3A_3193 = arith.constant 0 : i32
        %dma_wait3A_3194 = tpu.memref_slice %arg6[%add3A_3188, %dma_wait3A_3193] : memref<16384x16xf32, #tpu.memory_space<hbm>> -> memref<32x16xf32, #tpu.memory_space<hbm>>
        %dma_wait3A_3195 = arith.constant 0 : i32
        %dma_wait3A_3196 = tpu.memref_slice %arg6[%add3A_3188, %dma_wait3A_3195] : memref<16384x16xf32, #tpu.memory_space<hbm>> -> memref<32x16xf32, #tpu.memory_space<hbm>>
        tpu.wait_dma2 semaphore(%run_scoped3A : memref<!tpu.dma_semaphore, #tpu.memory_space<semaphore_mem>>) src(%arg11 : memref<32x16xf32, #tpu.memory_space<vmem>>) dst(%dma_wait3A_3196 : memref<32x16xf32, #tpu.memory_space<hbm>>)
        tpu.yield
      }) : () -> ()
    }
    %scan3A_7 = arith.constant 16 : i32
    return
  }
}

</mosaic_0001>

<sc_bundles>
// kernel: kernel.3.cloned.1.call-start
scs
__scs_entry_jumppad:
0x0: {  	(pc) =	sbr.rel $0x88, $3  }
0x1: {  	(tag) =	ssettag $0x0;
	lr =	simm.s32 $0x1  }
0x2: {  	[smem:$0x3F9E] =	sst lr;
	_ =	strace $0xD0000000  }
0x3: {  	_ = 	snop  }
0x4: {  	_ = 	snop  }
0x5: {  	_ = 	snop  }
0x6: {  	_ = 	snop  }
0x7: {  	_ = 	snop  }
__scs_overlays_trampoline_lowered:
0x8: {  	[smem:$0x3FAD] =	sst s0  }
0x9: {  	[smem:$0x3FAE] =	sst s1  }
0xa: {  	[smem:$0x3FAF] =	sst s2  }
0xb: {  	[smem:$0x3FB0] =	sst s3  }
0xc: {  	[smem:$0x3FB1] =	sst s4  }
0xd: {  	[smem:$0x3FB2] =	sst s5  }
0xe: {  	[smem:$0x3FB3] =	sst s6  }
0xf: {  	[smem:$0x3FB4] =	sst s7  }
0x10: {  	[smem:$0x3FB5] =	sst s8  }
0x11: {  	[smem:$0x3FB6] =	sst s9;
	s0 =	simm.s32 @!p0 $0x0  }
0x12: {  	s1 =	sld [smem:$0x3F9C];
	s0 =	simm.s32 @p0 $0x1  }
0x13: {  	[smem:$0x3FB7] =	sst s0;
	s0 =	simm.s32 @!p1 $0x0  }
0x14: {  	s2 =	sld [smem:$0x3F9B];
	s0 =	simm.s32 @p1 $0x1  }
0x15: {  	[smem:$0x3FB8] =	sst s0;
	s0 =	simm.s32 @!p2 $0x0  }
0x16: {  	s3 =	sld [smem:$0x3FDB];
	s0 =	simm.s32 @p2 $0x1  }
0x17: {  	s4 =	simm.s32 $0x1BF5;
	[smem:$0x3FBA] =	sst s0  }
0x18: {  	s0 =	sld [smem:$0x3F9D];
	_ =	swait.ge [sflag:s4], $0x0  }
0x19: {  	s7 =	sld [smem:$0x3F9E]  }
0x1a: {  	s8 =	sadd.s32 $0xFFFFE003, lr  }
0x1b: {  	s9 =	sadd.s32 $0xFFFFFEF7, lr;
	s5 =	simm.s32 $0xFFFFFFFF;
	p2 =	slt.u32 s8, $0xFFFFF086  }
0x1c: {  	p1 =	slt.u32 s9, $0xF7A;
	s5 =	simm.s32 @!p2 $0x0  }
0x1d: {  	s5 =	simm.s32 @p1 $0x1;
	p0 =	seq.s32 s7, s2  }
0x1e: {  	s7 =	smul.u32 @!p0 $0xF7A, s2;
	p2 =	seq.s32 @!p0 s5, $0x0  }
0x1f: {  	s9 =	smul.u32 $0xF7A, s1;
	s8 =	simm.s32 @!p0 $0x1BF5;
	p2 =	por !p2, p0  }
0x20: {  	[sflag:s8] =	ssyncset.s32 @!p0 $0xFFFFF086;
	s6 =	sadd.s32 @!p0 s3, s7;
	s7 =	simm.s32 @!p0 $0x108  }
0x21: {  	s3 =	sadd.s32 s3, s9;
	s6 =	sadd.s32 @!p0 $0x88, s6;
	s7 =	simm.s32 @p2 $0x1082  }
0x22: {  	[simem:s7], [sflag:s8] =	dma.local @!p0 [hbm:s6], $0xF7A  }
0x23: {  	s9 =	sor.u32 $0xD0000000, s2;
	s6 =	simm.s32 $0x108;
	_ =	swait.ge @!p0 [sflag:s8], $0x0  }
0x24: {  	s3 =	sadd.s32 $0x88, s3;
	s6 =	simm.s32 @!p1 $0x1082;
	[sflag:s4] =	ssyncset.s32 $0xFFFFF086  }
0x25: {  	[simem:s6], [sflag:s4] =	dma.local [hbm:s3], $0xF7A  }
0x26: {  	[smem:$0x3F9E] =	sst s1;
	(tag) =	ssettag s2;
	_ =	strace s9  }
0x27: {  	s1 =	sld [smem:$0x3FAE]  }
0x28: {  	s2 =	sld [smem:$0x3FAF]  }
0x29: {  	s4 =	sld [smem:$0x3FB1]  }
0x2a: {  	p0 =	seq.s32 s5, $0x0;
	s5 =	sld [smem:$0x3FB2]  }
0x2b: {  	s6 =	sld [smem:$0x3FB3]  }
0x2c: {  	s7 =	sld [smem:$0x3FB4]  }
0x2d: {  	s3 =	simm.s32 $0x108;
	s8 =	sld [smem:$0x3FB5]  }
0x2e: {  	s3 =	simm.s32 @!p0 $0x1082;
	s9 =	sld [smem:$0x3FB6]  }
0x2f: {  	lr =	sadd.s32 s0, s3;
	s0 =	sld [smem:$0x3FAD]  }
0x30: {  	s3 =	sld [smem:$0x3FB0]  }
0x31: {  	[smem:$0x3FB9] =	sst s10  }
0x32: {  	s10 =	sld [smem:$0x3FB7];
	_ =	sdelay $0x3  }
0x33: {  	p0 =	seq.s32 s10, $0x1;
	s10 =	sld [smem:$0x3FB9];
	_ =	sdelay $0x3  }
0x34: {  	[smem:$0x3FB9] =	sst s10  }
0x35: {  	s10 =	sld [smem:$0x3FB8];
	_ =	sdelay $0x3  }
0x36: {  	p1 =	seq.s32 s10, $0x1;
	s10 =	sld [smem:$0x3FB9];
	_ =	sdelay $0x3  }
0x37: {  	[smem:$0x3FB9] =	sst s10  }
0x38: {  	s10 =	sld [smem:$0x3FBA]  }
0x39: {  	_ = 	snop;
	(pc) =	sbr.ind lr, $3  }
0x3a: {  	_ = 	snop  }
0x3b: {  	_ = 	snop  }
0x3c: {  	p2 =	seq.s32 s10, $0x1;
	s10 =	sld [smem:$0x3FB9]  }
0x3d: {  	_ =	shalt  }
0x3e: {  	_ =	shalt  }
0x3f: {  	_ =	shalt  }
0x40: {  	_ =	shalt  }
0x41: {  	_ =	shalt  }
0x42: {  	_ =	shalt  }
0x43: {  	_ =	shalt  }
0x44: {  	_ =	shalt  }
0x45: {  	_ =	shalt  }
0x46: {  	_ =	shalt  }
0x47: {  	_ =	shalt  }
0x48: {  	_ =	shalt  }
0x49: {  	_ =	shalt  }
0x4a: {  	_ =	shalt  }
0x4b: {  	_ =	shalt  }
0x4c: {  	_ =	shalt  }
0x4d: {  	_ =	shalt  }
0x4e: {  	_ =	shalt  }
0x4f: {  	_ =	shalt  }
0x50: {  	_ =	shalt  }
0x51: {  	_ =	shalt  }
0x52: {  	_ =	shalt  }
0x53: {  	_ =	shalt  }
0x54: {  	_ =	shalt  }
0x55: {  	_ =	shalt  }
0x56: {  	_ =	shalt  }
0x57: {  	_ =	shalt  }
0x58: {  	_ =	shalt  }
0x59: {  	_ =	shalt  }
0x5a: {  	_ =	shalt  }
0x5b: {  	_ =	shalt  }
0x5c: {  	_ =	shalt  }
0x5d: {  	_ =	shalt  }
0x5e: {  	_ =	shalt  }
0x5f: {  	_ =	shalt  }
0x60: {  	_ =	shalt  }
0x61: {  	_ =	shalt  }
0x62: {  	_ =	shalt  }
0x63: {  	_ =	shalt  }
0x64: {  	_ =	shalt  }
0x65: {  	_ =	shalt  }
0x66: {  	_ =	shalt  }
0x67: {  	_ =	shalt  }
0x68: {  	_ =	shalt  }
0x69: {  	_ =	shalt  }
0x6a: {  	_ =	shalt  }
0x6b: {  	_ =	shalt  }
0x6c: {  	_ =	shalt  }
0x6d: {  	_ =	shalt  }
0x6e: {  	_ =	shalt  }
0x6f: {  	_ =	shalt  }
0x70: {  	_ =	shalt  }
0x71: {  	_ =	shalt  }
0x72: {  	_ =	shalt  }
0x73: {  	_ =	shalt  }
0x74: {  	_ =	shalt  }
0x75: {  	_ =	shalt  }
0x76: {  	_ =	shalt  }
0x77: {  	_ =	shalt  }
0x78: {  	_ =	shalt  }
0x79: {  	_ =	shalt  }
0x7a: {  	_ =	shalt  }
0x7b: {  	_ =	shalt  }
0x7c: {  	_ =	shalt  }
0x7d: {  	_ =	shalt  }
0x7e: {  	_ =	shalt  }
0x7f: {  	_ =	shalt  }
0x80: {  	_ =	shalt  }
0x81: {  	_ =	shalt  }
0x82: {  	_ =	shalt  }
0x83: {  	_ =	shalt  }
0x84: {  	_ =	shalt  }
0x85: {  	_ =	shalt  }
0x86: {  	_ =	shalt  }
0x87: {  	_ =	shalt  }
.Lfunc_end0:
.L_simem_size_0:
called_computation_lowered:
.L_overlay_start_0:
0x88: {  	s2 =	sld [smem:$0x3FD9]  }
0x89: {  	s3 =	sld [smem:$0x3FFE];
	_ =	sdelay $0x1  }
0x8a: {  	s1 =	srdreg.scid  }
0x8b: {  	s0 =	sand.u32 $0x1, s1  }
0x8c: {  	s17 =	sshll.u32 s0, $0xA;
	s2 =	sadd.s32 s3, s2  }
0x8d: {  	s2 =	sadd.s32 s2, s17  }
0x8e: {  	[smem:$0x3FC5] =	sst s2  }
0x8f: {  	_ = 	snop  }
0x90: {  	s2 =	sld [smem:$0x3FC9];
	(tm) =	ssettm $0x1  }
0x91: {  	s18 =	sld [smem:$0x3FFB];
	_ =	sdelay $0x3  }
0x92: {  	_ =	strace s18  }
0x93: {  	s3 =	sld [smem:$0x3FFC];
	_ =	sdelay $0x3  }
0x94: {  	_ =	strace s3  }
0x95: {  	s3 =	sld [smem:$0x3FFD];
	_ =	sdelay $0x3  }
0x96: {  	_ =	strace s3  }
0x97: {  	_ =	strace $0x8FFFFFFF  }
0x98: {  	s19 =	sld [smem:$0x3FDB];
	_ =	sdelay $0x1  }
0x99: {  	s4 =	simm.s32 $_scs_section_size  }
0x9a: {  	s5 =	simm.s32 $_size__tile_overlayer_lowered;
	s6 =	simm.s32 $_tile_overlayer_lowered  }
0x9b: {  	s22 =	simm.s32 $0x1BFF;
	s21 =	sshll.u32 s6, $0x1;
	s3 =	sadd.s32 s4, s19  }
0x9c: {  	s7 =	simm.s32 $0x0;
	s20 =	sshll.u32 s5, $0x1;
	s5 =	sadd.s32 s21, s3  }
0x9d: {  	[timem:s7], [sflag:s22] =	dma.local [hbm:s5], s20  }
0x9e: {  	_ =	swait.ge [sflag:s22], s20  }
0x9f: {  	s4 =	ssub.s32 $0x0, s20;
	[sflag:s22] =	ssyncset.done $0x0  }
0xa0: {  	[sflag:s22] =	ssyncadd.s32 s4;
	_ =	sdelay $0x1  }
0xa1: {  	s23 =	simm.s32 $0x1B8B  }
0xa2: {  	_ =	swait.ge [sflag:s23], $0x1  }
0xa3: {  	[sflag:s23] =	ssyncset.done $0x0  }
0xa4: {  	s25 =	simm.s32 $0x1B8E;
	s24 =	sld [smem:$0x3FFE];
	[sflag:s23] =	ssyncadd.s32 $0xFFFFFFFF  }
0xa5: {  	s26 =	simm.s32 $execute0_lowered;
	[smem:$0x3FD2] =	sst s25  }
0xa6: {  	s5 =	sshll.u32 s26, $0x1;
	_ =	strace $0x80000046;
	[dreg:$0x1] =	wrdreg $0xFFFFFFFF  }
0xa7: {  	s28 =	simm.s32 $_size_execute0_lowered;
	s3 =	sadd.s32 s3, s5;
	[dreg:$0x0] =	wrdreg $0x0  }
0xa8: {  	s5 =	sshll.u32 s28, $0x1;
	[dreg:$0x2] =	wrdreg s3  }
0xa9: {  	[dreg:$0x3] =	wrdreg s5  }
0xaa: {  	[dreg:$0x4] =	wrdreg $0xC0  }
0xab: {  	_ =	task [dreg:s7], $0x5FFFF  }
0xac: {  	[dreg:$0x1] =	wrdreg $0xFFFFFFFF  }
0xad: {  	[dreg:$0x0] =	wrdreg $0x60  }
0xae: {  	[dreg:$0x2] =	wrdreg s2  }
0xaf: {  	[dreg:$0x3] =	wrdreg s24  }
0xb0: {  	[dreg:$0x4] =	wrdreg $0x9  }
0xb1: {  	_ =	task.clear_ibuf [dreg:s7], $0x5FFFF;
	_ =	strace $0x90000046  }
0xb2: {  	s29 =	simm.s32 $0x9;
	_ =	strace $0x80000048  }
0xb3: {  	_ =	swait.ge [sflag:s29], $0x1  }
0xb4: {  	[sflag:s29] =	ssyncadd.s32 $0xFFFFFFFF  }
0xb5: {  	_ =	strace $0x90000048  }
0xb6: {  	_ =	sfence  }
0xb7: {  	s30 =	sld [smem:$0x0];
	_ =	sdelay $0x2  }
0xb8: {  	s31 =	sshll.u32 s1, $0xD;
	s1 =	sshrl.u32 s1, $0x2  }
0xb9: {  	s3 =	sand.u32 $0x4000, s31;
	s1 =	sadd.s32 s1, s30  }
0xba: {  	s0 =	sor.u32 s3, s0;
	s1 =	sshll.u32 s1, $0x11  }
0xbb: {  	s0 =	sor.u32 s1, s0  }
0xbc: {  	s0 =	sadd.s32 $0x8F2B, s0  }
0xbd: {  	[sflag:s0] =	ssyncadd.remote.s32 $0x1  }
0xbe: {  	_ =	sfence.sel $0xFFFF  }
0xbf: {  	[dreg:$0x0] =	wrdreg $0xFFFFFFFF;
	(pc) =	sbr.abs _section_cstart, $3  }
0xc0: {  	[dreg:$0x1] =	wrdreg $0xFFFFFFFF  }
0xc1: {  	_ =	task.clear_ibuf [dreg:s7], $0x2FFFF;
	_ =	strace $0x9FFFFFFF  }
0xc2: {  	(tm) =	ssettm $0x7FFFFFFF  }
0xc3: {  	_ =	shalt  }
tec
execute0_lowered:
.L_overlay_start_1:
0x0: {  	(tag) =	ssettag $0x1  }
0x1: {  	s5 =	rddreg [dreg:$0x0]  }
0x2: {  	s4 =	rddreg [dreg:$0x1];
	s2 =	srdreg.scid  }
0x3: {  	s0 =	rddreg [dreg:$0x2];
	s6 =	sand.u32 $0x1, s2;
	s2 =	simm.s32 $0x0  }
0x4: {  	s13 =	simm.s32 $0x200;
	[smem:$0x7FF] =	sst s2  }
0x5: {  	s14 =	simm.s32 $0x8200;
	_ =	strace $0x80000047;
	[dreg:$0x5] =	wrdreg s13  }
0x6: {  	s15 =	simm.s32 $0x600;
	[dreg:$0x6] =	wrdreg s14  }
0x7: {  	s16 =	simm.s32 $0x8600;
	[dreg:$0x7] =	wrdreg s15  }
0x8: {  	s17 =	simm.s32 $0xA00;
	[dreg:$0x8] =	wrdreg s16  }
0x9: {  	s18 =	simm.s32 $0x8A00;
	[dreg:$0x9] =	wrdreg s17  }
0xa: {  	s19 =	simm.s32 $0xE00;
	[dreg:$0xa] =	wrdreg s18  }
0xb: {  	s20 =	simm.s32 $0x8E00;
	[dreg:$0xb] =	wrdreg s19  }
0xc: {  	s21 =	simm.s32 $0x1200;
	[dreg:$0xc] =	wrdreg s20  }
0xd: {  	s22 =	simm.s32 $0x9200;
	[dreg:$0xd] =	wrdreg s21  }
0xe: {  	s23 =	simm.s32 $0x1600;
	[dreg:$0xe] =	wrdreg s22  }
0xf: {  	s24 =	simm.s32 $0x9600;
	[dreg:$0xf] =	wrdreg s23  }
0x10: {  	s25 =	simm.s32 $0x1A00;
	[dreg:$0x10] =	wrdreg s24  }
0x11: {  	s26 =	simm.s32 $0x9A00;
	[dreg:$0x11] =	wrdreg s25  }
0x12: {  	s28 =	simm.s32 $0x1E00;
	[dreg:$0x12] =	wrdreg s26  }
0x13: {  	s29 =	simm.s32 $0x9E00;
	[dreg:$0x13] =	wrdreg s28  }
0x14: {  	s30 =	simm.s32 $0x2200;
	[dreg:$0x14] =	wrdreg s29  }
0x15: {  	s31 =	simm.s32 $0xA200;
	[dreg:$0x15] =	wrdreg s30  }
0x16: {  	s8 =	simm.s32 $0xA600;
	[dreg:$0x16] =	wrdreg s31  }
0x17: {  	s9 =	simm.s32 $0x2A00;
	[dreg:$0x18] =	wrdreg s8  }
0x18: {  	s10 =	simm.s32 $0xAA00;
	[dreg:$0x19] =	wrdreg s9  }
0x19: {  	s11 =	simm.s32 $0x2E00;
	[dreg:$0x1a] =	wrdreg s10  }
0x1a: {  	s12 =	simm.s32 $0xAE00;
	[dreg:$0x1b] =	wrdreg s11  }
0x1b: {  	[dreg:$0x1c] =	wrdreg s12;
	s13 =	simm.s32 $0x3200  }
0x1c: {  	s14 =	simm.s32 $0xB200;
	[dreg:$0x1d] =	wrdreg s13  }
0x1d: {  	s15 =	simm.s32 $0x3600;
	[dreg:$0x1e] =	wrdreg s14  }
0x1e: {  	s16 =	simm.s32 $0xB600;
	[dreg:$0x1f] =	wrdreg s15  }
0x1f: {  	s17 =	simm.s32 $0x3A00;
	[smem:$0x7D7] =	sst s16  }
0x20: {  	s18 =	simm.s32 $0xBA00;
	[smem:$0x7D8] =	sst s17  }
0x21: {  	s19 =	simm.s32 $0x3E00;
	[smem:$0x7D9] =	sst s18  }
0x22: {  	s20 =	simm.s32 $0xBE00;
	[smem:$0x7DA] =	sst s19  }
0x23: {  	s21 =	simm.s32 $0x4200;
	[smem:$0x7DB] =	sst s20  }
0x24: {  	s22 =	simm.s32 $0xC200;
	[smem:$0x7DC] =	sst s21  }
0x25: {  	s23 =	simm.s32 $0x4600;
	[smem:$0x7DD] =	sst s22  }
0x26: {  	s24 =	simm.s32 $0xC600;
	[smem:$0x7DE] =	sst s23  }
0x27: {  	s25 =	simm.s32 $0x4A00;
	[smem:$0x7DF] =	sst s24  }
0x28: {  	s26 =	simm.s32 $0xCA00;
	[smem:$0x7E0] =	sst s25  }
0x29: {  	s28 =	simm.s32 $0x4E00;
	[smem:$0x7E1] =	sst s26  }
0x2a: {  	s29 =	simm.s32 $0xCE00;
	[smem:$0x7E2] =	sst s28  }
0x2b: {  	s30 =	simm.s32 $0x5200;
	[smem:$0x7E3] =	sst s29  }
0x2c: {  	s31 =	simm.s32 $0xD200;
	[smem:$0x7E4] =	sst s30  }
0x2d: {  	s1 =	stileid.u32;
	s8 =	simm.s32 $0xD600;
	[smem:$0x7E5] =	sst s31  }
0x2e: {  	s3 =	sshll.u32 s1, $0xE;
	s9 =	simm.s32 $0x5A00;
	[smem:$0x7E7] =	sst s8  }
0x2f: {  	s3 =	sadd.s32 s3, s4;
	s10 =	simm.s32 $0xDA00;
	[smem:$0x7E8] =	sst s9  }
0x30: {  	s7 =	sshll.u32 s6, $0xD;
	s11 =	simm.s32 $0x5E00;
	[smem:$0x7E9] =	sst s10  }
0x31: {  	s3 =	sadd.s32 s7, s3;
	s12 =	simm.s32 $0xDE00;
	[smem:$0x7EA] =	sst s11  }
0x32: {  	s7 =	sadd.s32 $0x1E85000, s3;
	[smem:$0x7EB] =	sst s12  }
0x33: {  	s3 =	sadd.s32 $0x1EC5000, s3;
	[dreg:$0x3] =	wrdreg s7  }
0x34: {  	s13 =	simm.s32 $0x6200;
	[dreg:$0x4] =	wrdreg s3  }
0x35: {  	s14 =	simm.s32 $0xE200;
	[smem:$0x7EC] =	sst s13  }
0x36: {  	s15 =	simm.s32 $0x6600;
	[smem:$0x7ED] =	sst s14  }
0x37: {  	s16 =	simm.s32 $0xE600;
	[smem:$0x7EE] =	sst s15  }
0x38: {  	s17 =	simm.s32 $0x6A00;
	[smem:$0x7EF] =	sst s16  }
0x39: {  	s18 =	simm.s32 $0xEA00;
	[smem:$0x7F0] =	sst s17  }
0x3a: {  	s19 =	simm.s32 $0x6E00;
	[smem:$0x7F1] =	sst s18  }
0x3b: {  	s20 =	simm.s32 $0xEE00;
	[smem:$0x7F2] =	sst s19  }
0x3c: {  	s21 =	simm.s32 $0x7200;
	[smem:$0x7F3] =	sst s20  }
0x3d: {  	s22 =	simm.s32 $0xF200;
	[smem:$0x7F4] =	sst s21  }
0x3e: {  	s24 =	simm.s32 $0x7600;
	[smem:$0x7F5] =	sst s22  }
0x3f: {  	s25 =	simm.s32 $0xF600;
	[smem:$0x7F6] =	sst s24  }
0x40: {  	s26 =	simm.s32 $0x7A00;
	[smem:$0x7F7] =	sst s25  }
0x41: {  	s8 =	ssub.s32 $0x2, s6;
	s28 =	simm.s32 $0xFA00;
	[smem:$0x7F8] =	sst s26  }
0x42: {  	s23 =	sshll.u32 s1, $0xA;
	s29 =	simm.s32 $0x7E00;
	[smem:$0x7F9] =	sst s28  }
0x43: {  	s6 =	sshll.u32 s6, $0x9;
	s30 =	simm.s32 $0xFE00;
	[smem:$0x7FA] =	sst s29  }
0x44: {  	s31 =	simm.s32 $0x10200;
	s10 =	simm.s32 $0x11200;
	[smem:$0x7FB] =	sst s30  }
0x45: {  	s7 =	simm.s32 $0x2600;
	s3 =	sadd.s32 $0x800, s4;
	[smem:$0x7FC] =	sst s31  }
0x46: {  	s4 =	sadd.s32 $0xF42C00, s4;
	s9 =	sshrl.u32 s8, $0x1;
	[smem:$0x7FD] =	sst s10  }
0x47: {  	s6 =	sor.u32 s6, s23;
	s10 =	simm.s32 $0x0;
	[dreg:$0x17] =	wrdreg s7  }
0x48: {  	s7 =	simm.s32 $0x5600;
	s8 =	ssub.s32 s8, s9;
	s6 =	sshrl.u32 s6, $0x3  }
0x49: {  	s9 =	simm.s32 $0x2;
	[smem:$0x7E6] =	sst s7;
	s5 =	sadd.s32 s5, s6  }
0x4a: {  	s6 =	smax.u32 s8, $0x1;
	s7 =	simm.s32 $0x3;
	s8 =	simm.s32 $0x1  }
.LBB2_1:
0x4b: {  	[tilespmem:s2], [sflag:$0x3] =	stream.linear.gather [hbm4b:s5+s2], $0x200, $0x38;
	[tilespmem:$0x12200] =	vst v63  }
0x4c: {  	_ =	swait.ge [sflag:s7], $0x200  }
0x4d: {  	[sflag:s7] =	ssyncset.done $0x0  }
0x4e: {  	s11 =	simm.s32 $0x10;
	s12 =	simm.s32 $0x0;
	[sflag:s7] =	ssyncadd.s32 $0xFFFFFE00  }
.LBB2_2:
0x4f: {  	v0 =	vld [tilespmem:s11+$0xFFFFFFF0];
	_ =	sdelay $0x4  }
0x50: {  	v0 =	vshrl.u32 v0, $0x3  }
0x51: {  	v0 =	vshll.u32 v0, $0x7  }
0x52: {  	(v2sf) =	vpush v0, $0x0;
	_ =	sdelay $0x3  }
0x53: {  	(v2sf) =	vpush v0, $0x1;
	_ =	sdelay $0x4  }
0x54: {  	(v2sf) =	vpush v0, $0x2;
	_ =	sdelay $0x5  }
0x55: {  	s13 =	spop (v2sf)  }
0x56: {  	(v2sf) =	vpush v0, $0x3;
	s13 =	sand.u32 $0x1FFFFF80, s13  }
0x57: {  	s14 =	rddreg [dreg:$0x5];
	s15 =	sadd.s32 s3, s13  }
0x58: {  	[tilespmem:s14], [sflag:$0x1] =	stream.linear.gather [hbm4b:s15+s2], $0x400, $0x38;
	[tilespmem:$0x12200] =	vst v63  }
0x59: {  	s16 =	rddreg [dreg:$0x6];
	s13 =	sadd.s32 s4, s13;
	s15 =	spop (v2sf)  }
0x5a: {  	(v2sf) =	vpush v0, $0x4;
	[tilespmem:s16], [sflag:$0x2] =	stream.linear.gather [hbm4b:s13+s2], $0x400, $0x38;
	[tilespmem:$0x12200] =	vst v63  }
0x5b: {  	s13 =	sand.u32 $0x1FFFFF80, s15  }
0x5c: {  	s16 =	rddreg [dreg:$0x7];
	s17 =	sadd.s32 s3, s13  }
0x5d: {  	[tilespmem:s16], [sflag:$0x1] =	stream.linear.gather [hbm4b:s17+s2], $0x400, $0x38;
	[tilespmem:$0x12200] =	vst v63  }
0x5e: {  	s18 =	rddreg [dreg:$0x8];
	s19 =	spop (v2sf);
	s13 =	sadd.s32 s4, s13  }
0x5f: {  	(v2sf) =	vpush v0, $0x5;
	[tilespmem:s18], [sflag:$0x2] =	stream.linear.gather [hbm4b:s13+s2], $0x400, $0x38;
	[tilespmem:$0x12200] =	vst v63  }
0x60: {  	s13 =	sand.u32 $0x1FFFFF80, s19  }
0x61: {  	s20 =	rddreg [dreg:$0x9];
	s21 =	sadd.s32 s3, s13  }
0x62: {  	[tilespmem:s20], [sflag:$0x1] =	stream.linear.gather [hbm4b:s21+s2], $0x400, $0x38;
	[tilespmem:$0x12200] =	vst v63  }
0x63: {  	s22 =	rddreg [dreg:$0xa];
	s13 =	sadd.s32 s4, s13  }
0x64: {  	[tilespmem:s22], [sflag:$0x2] =	stream.linear.gather [hbm4b:s13+s2], $0x400, $0x38;
	[tilespmem:$0x12200] =	vst v63  }
0x65: {  	s23 =	spop (v2sf)  }
0x66: {  	(v2sf) =	vpush v0, $0x6;
	s13 =	sand.u32 $0x1FFFFF80, s23  }
0x67: {  	s24 =	rddreg [dreg:$0xb];
	s25 =	sadd.s32 s3, s13  }
0x68: {  	[tilespmem:s24], [sflag:$0x1] =	stream.linear.gather [hbm4b:s25+s2], $0x400, $0x38;
	[tilespmem:$0x12200] =	vst v63  }
0x69: {  	s26 =	rddreg [dreg:$0xc];
	s13 =	sadd.s32 s4, s13;
	s28 =	spop (v2sf)  }
0x6a: {  	(v2sf) =	vpush v0, $0x7;
	[tilespmem:s26], [sflag:$0x2] =	stream.linear.gather [hbm4b:s13+s2], $0x400, $0x38;
	[tilespmem:$0x12200] =	vst v63  }
0x6b: {  	s13 =	sand.u32 $0x1FFFFF80, s28  }
0x6c: {  	s29 =	rddreg [dreg:$0xd];
	s30 =	sadd.s32 s3, s13  }
0x6d: {  	[tilespmem:s29], [sflag:$0x1] =	stream.linear.gather [hbm4b:s30+s2], $0x400, $0x38;
	[tilespmem:$0x12200] =	vst v63  }
0x6e: {  	s31 =	rddreg [dreg:$0xe];
	s15 =	spop (v2sf);
	s13 =	sadd.s32 s4, s13  }
0x6f: {  	(v2sf) =	vpush v0, $0x8;
	[tilespmem:s31], [sflag:$0x2] =	stream.linear.gather [hbm4b:s13+s2], $0x400, $0x38;
	[tilespmem:$0x12200] =	vst v63  }
0x70: {  	s13 =	sand.u32 $0x1FFFFF80, s15  }
0x71: {  	s16 =	rddreg [dreg:$0xf];
	s17 =	sadd.s32 s3, s13  }
0x72: {  	[tilespmem:s16], [sflag:$0x1] =	stream.linear.gather [hbm4b:s17+s2], $0x400, $0x38;
	[tilespmem:$0x12200] =	vst v63  }
0x73: {  	s18 =	rddreg [dreg:$0x10];
	s13 =	sadd.s32 s4, s13  }
0x74: {  	[tilespmem:s18], [sflag:$0x2] =	stream.linear.gather [hbm4b:s13+s2], $0x400, $0x38;
	[tilespmem:$0x12200] =	vst v63  }
0x75: {  	s19 =	spop (v2sf)  }
0x76: {  	(v2sf) =	vpush v0, $0x9;
	s13 =	sand.u32 $0x1FFFFF80, s19  }
0x77: {  	s20 =	rddreg [dreg:$0x11];
	s21 =	sadd.s32 s3, s13  }
0x78: {  	[tilespmem:s20], [sflag:$0x1] =	stream.linear.gather [hbm4b:s21+s2], $0x400, $0x38;
	[tilespmem:$0x12200] =	vst v63  }
0x79: {  	s22 =	rddreg [dreg:$0x12];
	s13 =	sadd.s32 s4, s13;
	s23 =	spop (v2sf)  }
0x7a: {  	(v2sf) =	vpush v0, $0xA;
	[tilespmem:s22], [sflag:$0x2] =	stream.linear.gather [hbm4b:s13+s2], $0x400, $0x38;
	[tilespmem:$0x12200] =	vst v63  }
0x7b: {  	s13 =	sand.u32 $0x1FFFFF80, s23  }
0x7c: {  	s24 =	rddreg [dreg:$0x13];
	s25 =	sadd.s32 s3, s13  }
0x7d: {  	[tilespmem:s24], [sflag:$0x1] =	stream.linear.gather [hbm4b:s25+s2], $0x400, $0x38;
	[tilespmem:$0x12200] =	vst v63  }
0x7e: {  	s26 =	rddreg [dreg:$0x14];
	s28 =	spop (v2sf);
	s13 =	sadd.s32 s4, s13  }
0x7f: {  	(v2sf) =	vpush v0, $0xB;
	[tilespmem:s26], [sflag:$0x2] =	stream.linear.gather [hbm4b:s13+s2], $0x400, $0x38;
	[tilespmem:$0x12200] =	vst v63  }
0x80: {  	s13 =	sand.u32 $0x1FFFFF80, s28  }
0x81: {  	s29 =	rddreg [dreg:$0x15];
	s30 =	sadd.s32 s3, s13  }
0x82: {  	[tilespmem:s29], [sflag:$0x1] =	stream.linear.gather [hbm4b:s30+s2], $0x400, $0x38;
	[tilespmem:$0x12200] =	vst v63  }
0x83: {  	s31 =	rddreg [dreg:$0x16];
	s13 =	sadd.s32 s4, s13  }
0x84: {  	[tilespmem:s31], [sflag:$0x2] =	stream.linear.gather [hbm4b:s13+s2], $0x400, $0x38;
	[tilespmem:$0x12200] =	vst v63  }
0x85: {  	s15 =	spop (v2sf)  }
0x86: {  	(v2sf) =	vpush v0, $0xC;
	s13 =	sand.u32 $0x1FFFFF80, s15  }
0x87: {  	s16 =	rddreg [dreg:$0x17];
	s17 =	sadd.s32 s3, s13  }
0x88: {  	[tilespmem:s16], [sflag:$0x1] =	stream.linear.gather [hbm4b:s17+s2], $0x400, $0x38;
	[tilespmem:$0x12200] =	vst v63  }
0x89: {  	s18 =	rddreg [dreg:$0x18];
	s13 =	sadd.s32 s4, s13;
	s19 =	spop (v2sf)  }
0x8a: {  	(v2sf) =	vpush v0, $0xD;
	[tilespmem:s18], [sflag:$0x2] =	stream.linear.gather [hbm4b:s13+s2], $0x400, $0x38;
	[tilespmem:$0x12200] =	vst v63  }
0x8b: {  	s13 =	sand.u32 $0x1FFFFF80, s19  }
0x8c: {  	s20 =	rddreg [dreg:$0x19];
	s21 =	sadd.s32 s3, s13  }
0x8d: {  	[tilespmem:s20], [sflag:$0x1] =	stream.linear.gather [hbm4b:s21+s2], $0x400, $0x38;
	[tilespmem:$0x12200] =	vst v63  }
0x8e: {  	s22 =	rddreg [dreg:$0x1a];
	s23 =	spop (v2sf);
	s13 =	sadd.s32 s4, s13  }
0x8f: {  	(v2sf) =	vpush v0, $0xE;
	[tilespmem:s22], [sflag:$0x2] =	stream.linear.gather [hbm4b:s13+s2], $0x400, $0x38;
	[tilespmem:$0x12200] =	vst v63  }
0x90: {  	s13 =	sand.u32 $0x1FFFFF80, s23  }
0x91: {  	s24 =	rddreg [dreg:$0x1b];
	s25 =	sadd.s32 s3, s13  }
0x92: {  	[tilespmem:s24], [sflag:$0x1] =	stream.linear.gather [hbm4b:s25+s2], $0x400, $0x38;
	[tilespmem:$0x12200] =	vst v63  }
0x93: {  	s26 =	rddreg [dreg:$0x1c];
	s13 =	sadd.s32 s4, s13  }
0x94: {  	[tilespmem:s26], [sflag:$0x2] =	stream.linear.gather [hbm4b:s13+s2], $0x400, $0x38;
	[tilespmem:$0x12200] =	vst v63  }
0x95: {  	s28 =	spop (v2sf)  }
0x96: {  	(v2sf) =	vpush v0, $0xF;
	s13 =	sand.u32 $0x1FFFFF80, s28  }
0x97: {  	s29 =	rddreg [dreg:$0x1d];
	s30 =	sadd.s32 s3, s13  }
0x98: {  	[tilespmem:s29], [sflag:$0x1] =	stream.linear.gather [hbm4b:s30+s2], $0x400, $0x38;
	[tilespmem:$0x12200] =	vst v63  }
0x99: {  	s31 =	rddreg [dreg:$0x1e];
	s13 =	sadd.s32 s4, s13;
	s16 =	spop (v2sf)  }
0x9a: {  	[tilespmem:s31], [sflag:$0x2] =	stream.linear.gather [hbm4b:s13+s2], $0x400, $0x38;
	[tilespmem:$0x12200] =	vst v63  }
0x9b: {  	s17 =	rddreg [dreg:$0x1f];
	s13 =	sand.u32 $0x1FFFFF80, s16  }
0x9c: {  	s19 =	sld [smem:$0x7D7];
	s18 =	sadd.s32 s3, s13  }
0x9d: {  	[tilespmem:s17], [sflag:$0x1] =	stream.linear.gather [hbm4b:s18+s2], $0x400, $0x38;
	[tilespmem:$0x12200] =	vst v63  }
0x9e: {  	s21 =	sld [smem:$0x7D8];
	s20 =	spop (v2sf);
	s13 =	sadd.s32 s4, s13  }
0x9f: {  	[tilespmem:s19], [sflag:$0x2] =	stream.linear.gather [hbm4b:s13+s2], $0x400, $0x38;
	[tilespmem:$0x12200] =	vst v63  }
0xa0: {  	s13 =	sand.u32 $0x1FFFFF80, s20  }
0xa1: {  	s23 =	sld [smem:$0x7D9];
	s22 =	sadd.s32 s3, s13  }
0xa2: {  	[tilespmem:s21], [sflag:$0x1] =	stream.linear.gather [hbm4b:s22+s2], $0x400, $0x38;
	[tilespmem:$0x12200] =	vst v63  }
0xa3: {  	s13 =	sadd.s32 s4, s13  }
0xa4: {  	[tilespmem:s23], [sflag:$0x2] =	stream.linear.gather [hbm4b:s13+s2], $0x400, $0x38;
	[tilespmem:$0x12200] =	vst v63  }
0xa5: {  	s25 =	sld [smem:$0x7DA];
	s24 =	spop (v2sf)  }
0xa6: {  	s13 =	sand.u32 $0x1FFFFF80, s24  }
0xa7: {  	s26 =	sadd.s32 s3, s13  }
0xa8: {  	[tilespmem:s25], [sflag:$0x1] =	stream.linear.gather [hbm4b:s26+s2], $0x400, $0x38;
	[tilespmem:$0x12200] =	vst v63  }
0xa9: {  	s14 =	sld [smem:$0x7DB];
	_ =	sdelay $0x1  }
0xaa: {  	s13 =	sadd.s32 s4, s13  }
0xab: {  	[tilespmem:s14], [sflag:$0x2] =	stream.linear.gather [hbm4b:s13+s2], $0x400, $0x38;
	[tilespmem:$0x12200] =	vst v63  }
0xac: {  	v60 =	vld [tilespmem:s11+$0x0];
	_ =	sdelay $0x4  }
0xad: {  	v0 =	vshrl.u32 v60, $0x3  }
0xae: {  	v0 =	vshll.u32 v0, $0x7  }
0xaf: {  	(v2sf) =	vpush v0, $0x0;
	_ =	sdelay $0x3  }
0xb0: {  	(v2sf) =	vpush v0, $0x1;
	_ =	sdelay $0x4  }
0xb1: {  	(v2sf) =	vpush v0, $0x2;
	_ =	sdelay $0x5  }
0xb2: {  	s29 =	sld [smem:$0x7DC];
	s28 =	spop (v2sf)  }
0xb3: {  	(v2sf) =	vpush v0, $0x3;
	s13 =	sand.u32 $0x1FFFFF80, s28  }
0xb4: {  	s31 =	sld [smem:$0x7DD];
	s30 =	sadd.s32 s3, s13  }
0xb5: {  	[tilespmem:s29], [sflag:$0x1] =	stream.linear.gather [hbm4b:s30+s2], $0x400, $0x38;
	[tilespmem:$0x12200] =	vst v63  }
0xb6: {  	s16 =	sld [smem:$0x7DE];
	s15 =	spop (v2sf);
	s13 =	sadd.s32 s4, s13  }
0xb7: {  	(v2sf) =	vpush v0, $0x4;
	[tilespmem:s31], [sflag:$0x2] =	stream.linear.gather [hbm4b:s13+s2], $0x400, $0x38;
	[tilespmem:$0x12200] =	vst v63  }
0xb8: {  	s13 =	sand.u32 $0x1FFFFF80, s15  }
0xb9: {  	s18 =	sld [smem:$0x7DF];
	s17 =	sadd.s32 s3, s13  }
0xba: {  	[tilespmem:s16], [sflag:$0x1] =	stream.linear.gather [hbm4b:s17+s2], $0x400, $0x38;
	[tilespmem:$0x12200] =	vst v63  }
0xbb: {  	s20 =	sld [smem:$0x7E0];
	s19 =	spop (v2sf);
	s13 =	sadd.s32 s4, s13  }
0xbc: {  	(v2sf) =	vpush v0, $0x5;
	[tilespmem:s18], [sflag:$0x2] =	stream.linear.gather [hbm4b:s13+s2], $0x400, $0x38;
	[tilespmem:$0x12200] =	vst v63  }
0xbd: {  	s13 =	sand.u32 $0x1FFFFF80, s19  }
0xbe: {  	s22 =	sld [smem:$0x7E1];
	s21 =	sadd.s32 s3, s13  }
0xbf: {  	[tilespmem:s20], [sflag:$0x1] =	stream.linear.gather [hbm4b:s21+s2], $0x400, $0x38;
	[tilespmem:$0x12200] =	vst v63  }
0xc0: {  	s13 =	sadd.s32 s4, s13  }
0xc1: {  	[tilespmem:s22], [sflag:$0x2] =	stream.linear.gather [hbm4b:s13+s2], $0x400, $0x38;
	[tilespmem:$0x12200] =	vst v63  }
0xc2: {  	s24 =	sld [smem:$0x7E2];
	s23 =	spop (v2sf)  }
0xc3: {  	(v2sf) =	vpush v0, $0x6;
	s13 =	sand.u32 $0x1FFFFF80, s23  }
0xc4: {  	s26 =	sld [smem:$0x7E3];
	s25 =	sadd.s32 s3, s13  }
0xc5: {  	[tilespmem:s24], [sflag:$0x1] =	stream.linear.gather [hbm4b:s25+s2], $0x400, $0x38;
	[tilespmem:$0x12200] =	vst v63  }
0xc6: {  	s29 =	sld [smem:$0x7E4];
	s28 =	spop (v2sf);
	s13 =	sadd.s32 s4, s13  }
0xc7: {  	(v2sf) =	vpush v0, $0x7;
	[tilespmem:s26], [sflag:$0x2] =	stream.linear.gather [hbm4b:s13+s2], $0x400, $0x38;
	[tilespmem:$0x12200] =	vst v63  }
0xc8: {  	s13 =	sand.u32 $0x1FFFFF80, s28  }
0xc9: {  	s31 =	sld [smem:$0x7E5];
	s30 =	sadd.s32 s3, s13  }
0xca: {  	[tilespmem:s29], [sflag:$0x1] =	stream.linear.gather [hbm4b:s30+s2], $0x400, $0x38;
	[tilespmem:$0x12200] =	vst v63  }
0xcb: {  	s16 =	sld [smem:$0x7E6];
	s15 =	spop (v2sf);
	s13 =	sadd.s32 s4, s13  }
0xcc: {  	(v2sf) =	vpush v0, $0x8;
	[tilespmem:s31], [sflag:$0x2] =	stream.linear.gather [hbm4b:s13+s2], $0x400, $0x38;
	[tilespmem:$0x12200] =	vst v63  }
0xcd: {  	s13 =	sand.u32 $0x1FFFFF80, s15  }
0xce: {  	s18 =	sld [smem:$0x7E7];
	s17 =	sadd.s32 s3, s13  }
0xcf: {  	[tilespmem:s16], [sflag:$0x1] =	stream.linear.gather [hbm4b:s17+s2], $0x400, $0x38;
	[tilespmem:$0x12200] =	vst v63  }
0xd0: {  	s13 =	sadd.s32 s4, s13  }
0xd1: {  	[tilespmem:s18], [sflag:$0x2] =	stream.linear.gather [hbm4b:s13+s2], $0x400, $0x38;
	[tilespmem:$0x12200] =	vst v63  }
0xd2: {  	s20 =	sld [smem:$0x7E8];
	s19 =	spop (v2sf)  }
0xd3: {  	(v2sf) =	vpush v0, $0x9;
	s13 =	sand.u32 $0x1FFFFF80, s19  }
0xd4: {  	s22 =	sld [smem:$0x7E9];
	s21 =	sadd.s32 s3, s13  }
0xd5: {  	[tilespmem:s20], [sflag:$0x1] =	stream.linear.gather [hbm4b:s21+s2], $0x400, $0x38;
	[tilespmem:$0x12200] =	vst v63  }
0xd6: {  	s24 =	sld [smem:$0x7EA];
	s23 =	spop (v2sf);
	s13 =	sadd.s32 s4, s13  }
0xd7: {  	(v2sf) =	vpush v0, $0xA;
	[tilespmem:s22], [sflag:$0x2] =	stream.linear.gather [hbm4b:s13+s2], $0x400, $0x38;
	[tilespmem:$0x12200] =	vst v63  }
0xd8: {  	s13 =	sand.u32 $0x1FFFFF80, s23  }
0xd9: {  	s26 =	sld [smem:$0x7EB];
	s25 =	sadd.s32 s3, s13  }
0xda: {  	[tilespmem:s24], [sflag:$0x1] =	stream.linear.gather [hbm4b:s25+s2], $0x400, $0x38;
	[tilespmem:$0x12200] =	vst v63  }
0xdb: {  	s29 =	sld [smem:$0x7EC];
	s28 =	spop (v2sf);
	s13 =	sadd.s32 s4, s13  }
0xdc: {  	(v2sf) =	vpush v0, $0xB;
	[tilespmem:s26], [sflag:$0x2] =	stream.linear.gather [hbm4b:s13+s2], $0x400, $0x38;
	[tilespmem:$0x12200] =	vst v63  }
0xdd: {  	s13 =	sand.u32 $0x1FFFFF80, s28  }
0xde: {  	s31 =	sld [smem:$0x7ED];
	s30 =	sadd.s32 s3, s13  }
0xdf: {  	[tilespmem:s29], [sflag:$0x1] =	stream.linear.gather [hbm4b:s30+s2], $0x400, $0x38;
	[tilespmem:$0x12200] =	vst v63  }
0xe0: {  	s13 =	sadd.s32 s4, s13  }
0xe1: {  	[tilespmem:s31], [sflag:$0x2] =	stream.linear.gather [hbm4b:s13+s2], $0x400, $0x38;
	[tilespmem:$0x12200] =	vst v63  }
0xe2: {  	s16 =	sld [smem:$0x7EE];
	s15 =	spop (v2sf)  }
0xe3: {  	(v2sf) =	vpush v0, $0xC;
	s13 =	sand.u32 $0x1FFFFF80, s15  }
0xe4: {  	s18 =	sld [smem:$0x7EF];
	s17 =	sadd.s32 s3, s13  }
0xe5: {  	[tilespmem:s16], [sflag:$0x1] =	stream.linear.gather [hbm4b:s17+s2], $0x400, $0x38;
	[tilespmem:$0x12200] =	vst v63  }
0xe6: {  	s20 =	sld [smem:$0x7F0];
	s19 =	spop (v2sf);
	s13 =	sadd.s32 s4, s13  }
0xe7: {  	(v2sf) =	vpush v0, $0xD;
	[tilespmem:s18], [sflag:$0x2] =	stream.linear.gather [hbm4b:s13+s2], $0x400, $0x38;
	[tilespmem:$0x12200] =	vst v63  }
0xe8: {  	s13 =	sand.u32 $0x1FFFFF80, s19  }
0xe9: {  	s22 =	sld [smem:$0x7F1];
	s21 =	sadd.s32 s3, s13  }
0xea: {  	[tilespmem:s20], [sflag:$0x1] =	stream.linear.gather [hbm4b:s21+s2], $0x400, $0x38;
	[tilespmem:$0x12200] =	vst v63  }
0xeb: {  	s24 =	sld [smem:$0x7F2];
	s23 =	spop (v2sf);
	s13 =	sadd.s32 s4, s13  }
0xec: {  	(v2sf) =	vpush v0, $0xE;
	[tilespmem:s22], [sflag:$0x2] =	stream.linear.gather [hbm4b:s13+s2], $0x400, $0x38;
	[tilespmem:$0x12200] =	vst v63  }
0xed: {  	s13 =	sand.u32 $0x1FFFFF80, s23  }
0xee: {  	s26 =	sld [smem:$0x7F3];
	s25 =	sadd.s32 s3, s13  }
0xef: {  	[tilespmem:s24], [sflag:$0x1] =	stream.linear.gather [hbm4b:s25+s2], $0x400, $0x38;
	[tilespmem:$0x12200] =	vst v63  }
0xf0: {  	s13 =	sadd.s32 s4, s13  }
0xf1: {  	[tilespmem:s26], [sflag:$0x2] =	stream.linear.gather [hbm4b:s13+s2], $0x400, $0x38;
	[tilespmem:$0x12200] =	vst v63  }
0xf2: {  	s29 =	sld [smem:$0x7F4];
	s28 =	spop (v2sf)  }
0xf3: {  	(v2sf) =	vpush v0, $0xF;
	s13 =	sand.u32 $0x1FFFFF80, s28  }
0xf4: {  	s31 =	sld [smem:$0x7F5];
	s30 =	sadd.s32 s3, s13  }
0xf5: {  	[tilespmem:s29], [sflag:$0x1] =	stream.linear.gather [hbm4b:s30+s2], $0x400, $0x38;
	[tilespmem:$0x12200] =	vst v63  }
0xf6: {  	s18 =	sld [smem:$0x7F6];
	s17 =	spop (v2sf);
	s13 =	sadd.s32 s4, s13  }
0xf7: {  	[tilespmem:s31], [sflag:$0x2] =	stream.linear.gather [hbm4b:s13+s2], $0x400, $0x38;
	[tilespmem:$0x12200] =	vst v63  }
0xf8: {  	s13 =	sand.u32 $0x1FFFFF80, s17  }
0xf9: {  	s20 =	sld [smem:$0x7F7];
	s19 =	sadd.s32 s3, s13  }
0xfa: {  	[tilespmem:s18], [sflag:$0x1] =	stream.linear.gather [hbm4b:s19+s2], $0x400, $0x38;
	[tilespmem:$0x12200] =	vst v63  }
0xfb: {  	s22 =	sld [smem:$0x7F8];
	s21 =	spop (v2sf);
	s13 =	sadd.s32 s4, s13  }
0xfc: {  	[tilespmem:s20], [sflag:$0x2] =	stream.linear.gather [hbm4b:s13+s2], $0x400, $0x38;
	[tilespmem:$0x12200] =	vst v63  }
0xfd: {  	s13 =	sand.u32 $0x1FFFFF80, s21  }
0xfe: {  	s24 =	sld [smem:$0x7F9];
	s23 =	sadd.s32 s3, s13  }
0xff: {  	[tilespmem:s22], [sflag:$0x1] =	stream.linear.gather [hbm4b:s23+s2], $0x400, $0x38;
	[tilespmem:$0x12200] =	vst v63  }
0x100: {  	s13 =	sadd.s32 s4, s13  }
0x101: {  	[tilespmem:s24], [sflag:$0x2] =	stream.linear.gather [hbm4b:s13+s2], $0x400, $0x38;
	[tilespmem:$0x12200] =	vst v63  }
0x102: {  	s26 =	sld [smem:$0x7FA];
	s25 =	spop (v2sf)  }
0x103: {  	s13 =	sand.u32 $0x1FFFFF80, s25  }
0x104: {  	s29 =	sld [smem:$0x7FB];
	s28 =	sadd.s32 s3, s13  }
0x105: {  	[tilespmem:s26], [sflag:$0x1] =	stream.linear.gather [hbm4b:s28+s2], $0x400, $0x38;
	[tilespmem:$0x12200] =	vst v63  }
0x106: {  	s13 =	sadd.s32 s4, s13  }
0x107: {  	[tilespmem:s29], [sflag:$0x2] =	stream.linear.gather [hbm4b:s13+s2], $0x400, $0x38;
	[tilespmem:$0x12200] =	vst v63  }
0x108: {  	_ =	swait.ge [sflag:s8], $0x8000  }
0x109: {  	[sflag:s8] =	ssyncset.done $0x0  }
0x10a: {  	[sflag:s8] =	ssyncadd.s32 $0xFFFF8000  }
0x10b: {  	_ =	swait.ge [sflag:s9], $0x8000  }
0x10c: {  	[sflag:s9] =	ssyncset.done $0x0  }
0x10d: {  	[sflag:s9] =	ssyncadd.s32 $0xFFFF8000  }
0x10e: {  	v61 =	vld [tilespmem:s11+$0xFFFFFFF0];
	_ =	sdelay $0x4  }
0x10f: {  	v0 =	vand.u32 $0x7, v61  }
0x110: {  	v0 =	vshll.u32 v0, $0x7  }
0x111: {  	(v2sf) =	vpush v0, $0x0;
	_ =	sdelay $0xe  }
0x112: {  	s30 =	spop (v2sf)  }
0x113: {  	v1 =	vld [tilespmem:s30+$0x200];
	_ =	sdelay $0x4  }
0x114: {  	[tilespmem:$0x10200] =	vst v1  }
0x115: {  	v1 =	vld [tilespmem:s30+$0x210];
	_ =	sdelay $0x4  }
0x116: {  	[tilespmem:$0x10210] =	vst v1  }
0x117: {  	v1 =	vld [tilespmem:s30+$0x220];
	_ =	sdelay $0x1  }
0x118: {  	(v2sf) =	vpush v0, $0x1;
	_ =	sdelay $0x2  }
0x119: {  	[tilespmem:$0x10220] =	vst v1  }
0x11a: {  	v1 =	vld [tilespmem:s30+$0x230];
	_ =	sdelay $0x4  }
0x11b: {  	[tilespmem:$0x10230] =	vst v1  }
0x11c: {  	v1 =	vld [tilespmem:s30+$0x8200];
	_ =	sdelay $0x4  }
0x11d: {  	s31 =	spop (v2sf);
	[tilespmem:$0x11200] =	vst v1  }
0x11e: {  	v1 =	vld [tilespmem:s31+$0x600];
	_ =	sdelay $0x4  }
0x11f: {  	[tilespmem:$0x10280] =	vst v1  }
0x120: {  	v1 =	vld [tilespmem:s31+$0x610];
	_ =	sdelay $0x4  }
0x121: {  	[tilespmem:$0x10290] =	vst v1  }
0x122: {  	v1 =	vld [tilespmem:s31+$0x620];
	_ =	sdelay $0x1  }
0x123: {  	(v2sf) =	vpush v0, $0x2;
	_ =	sdelay $0x2  }
0x124: {  	[tilespmem:$0x102A0] =	vst v1  }
0x125: {  	v1 =	vld [tilespmem:s31+$0x630];
	_ =	sdelay $0x4  }
0x126: {  	[tilespmem:$0x102B0] =	vst v1  }
0x127: {  	v1 =	vld [tilespmem:s31+$0x8600];
	_ =	sdelay $0x4  }
0x128: {  	s14 =	spop (v2sf);
	[tilespmem:$0x11280] =	vst v1  }
0x129: {  	v1 =	vld [tilespmem:s14+$0xA00];
	_ =	sdelay $0x4  }
0x12a: {  	[tilespmem:$0x10300] =	vst v1  }
0x12b: {  	v1 =	vld [tilespmem:s14+$0xA10];
	_ =	sdelay $0x4  }
0x12c: {  	[tilespmem:$0x10310] =	vst v1  }
0x12d: {  	v1 =	vld [tilespmem:s14+$0xA20];
	_ =	sdelay $0x1  }
0x12e: {  	(v2sf) =	vpush v0, $0x3;
	_ =	sdelay $0x2  }
0x12f: {  	[tilespmem:$0x10320] =	vst v1  }
0x130: {  	v1 =	vld [tilespmem:s14+$0xA30];
	_ =	sdelay $0x4  }
0x131: {  	[tilespmem:$0x10330] =	vst v1  }
0x132: {  	v1 =	vld [tilespmem:s14+$0x8A00];
	_ =	sdelay $0x4  }
0x133: {  	s15 =	spop (v2sf);
	[tilespmem:$0x11300] =	vst v1  }
0x134: {  	v1 =	vld [tilespmem:s15+$0xE00];
	_ =	sdelay $0x4  }
0x135: {  	[tilespmem:$0x10380] =	vst v1  }
0x136: {  	v1 =	vld [tilespmem:s15+$0xE10];
	_ =	sdelay $0x4  }
0x137: {  	[tilespmem:$0x10390] =	vst v1  }
0x138: {  	v1 =	vld [tilespmem:s15+$0xE20];
	_ =	sdelay $0x1  }
0x139: {  	(v2sf) =	vpush v0, $0x4;
	_ =	sdelay $0x2  }
0x13a: {  	[tilespmem:$0x103A0] =	vst v1  }
0x13b: {  	v1 =	vld [tilespmem:s15+$0xE30];
	_ =	sdelay $0x4  }
0x13c: {  	[tilespmem:$0x103B0] =	vst v1  }
0x13d: {  	v1 =	vld [tilespmem:s15+$0x8E00];
	_ =	sdelay $0x4  }
0x13e: {  	s16 =	spop (v2sf);
	[tilespmem:$0x11380] =	vst v1  }
0x13f: {  	v1 =	vld [tilespmem:s16+$0x1200];
	_ =	sdelay $0x4  }
0x140: {  	[tilespmem:$0x10400] =	vst v1  }
0x141: {  	v1 =	vld [tilespmem:s16+$0x1210];
	_ =	sdelay $0x4  }
0x142: {  	[tilespmem:$0x10410] =	vst v1  }
0x143: {  	v1 =	vld [tilespmem:s16+$0x1220];
	_ =	sdelay $0x1  }
0x144: {  	(v2sf) =	vpush v0, $0x5;
	_ =	sdelay $0x2  }
0x145: {  	[tilespmem:$0x10420] =	vst v1  }
0x146: {  	v1 =	vld [tilespmem:s16+$0x1230];
	_ =	sdelay $0x4  }
0x147: {  	[tilespmem:$0x10430] =	vst v1  }
0x148: {  	v1 =	vld [tilespmem:s16+$0x9200];
	_ =	sdelay $0x4  }
0x149: {  	s17 =	spop (v2sf);
	[tilespmem:$0x11400] =	vst v1  }
0x14a: {  	v1 =	vld [tilespmem:s17+$0x1600];
	_ =	sdelay $0x4  }
0x14b: {  	[tilespmem:$0x10480] =	vst v1  }
0x14c: {  	v1 =	vld [tilespmem:s17+$0x1610];
	_ =	sdelay $0x4  }
0x14d: {  	[tilespmem:$0x10490] =	vst v1  }
0x14e: {  	v1 =	vld [tilespmem:s17+$0x1620];
	_ =	sdelay $0x1  }
0x14f: {  	(v2sf) =	vpush v0, $0x6;
	_ =	sdelay $0x2  }
0x150: {  	[tilespmem:$0x104A0] =	vst v1  }
0x151: {  	v1 =	vld [tilespmem:s17+$0x1630];
	_ =	sdelay $0x4  }
0x152: {  	[tilespmem:$0x104B0] =	vst v1  }
0x153: {  	v1 =	vld [tilespmem:s17+$0x9600];
	_ =	sdelay $0x4  }
0x154: {  	s18 =	spop (v2sf);
	[tilespmem:$0x11480] =	vst v1  }
0x155: {  	v1 =	vld [tilespmem:s18+$0x1A00];
	_ =	sdelay $0x4  }
0x156: {  	[tilespmem:$0x10500] =	vst v1  }
0x157: {  	v1 =	vld [tilespmem:s18+$0x1A10];
	_ =	sdelay $0x4  }
0x158: {  	[tilespmem:$0x10510] =	vst v1  }
0x159: {  	v1 =	vld [tilespmem:s18+$0x1A20];
	_ =	sdelay $0x1  }
0x15a: {  	(v2sf) =	vpush v0, $0x7;
	_ =	sdelay $0x2  }
0x15b: {  	[tilespmem:$0x10520] =	vst v1  }
0x15c: {  	v1 =	vld [tilespmem:s18+$0x1A30];
	_ =	sdelay $0x4  }
0x15d: {  	[tilespmem:$0x10530] =	vst v1  }
0x15e: {  	v1 =	vld [tilespmem:s18+$0x9A00];
	_ =	sdelay $0x4  }
0x15f: {  	s19 =	spop (v2sf);
	[tilespmem:$0x11500] =	vst v1  }
0x160: {  	v1 =	vld [tilespmem:s19+$0x1E00];
	_ =	sdelay $0x4  }
0x161: {  	[tilespmem:$0x10580] =	vst v1  }
0x162: {  	v1 =	vld [tilespmem:s19+$0x1E10];
	_ =	sdelay $0x4  }
0x163: {  	[tilespmem:$0x10590] =	vst v1  }
0x164: {  	v1 =	vld [tilespmem:s19+$0x1E20];
	_ =	sdelay $0x1  }
0x165: {  	(v2sf) =	vpush v0, $0x8;
	_ =	sdelay $0x2  }
0x166: {  	[tilespmem:$0x105A0] =	vst v1  }
0x167: {  	v1 =	vld [tilespmem:s19+$0x1E30];
	_ =	sdelay $0x4  }
0x168: {  	[tilespmem:$0x105B0] =	vst v1  }
0x169: {  	v1 =	vld [tilespmem:s19+$0x9E00];
	_ =	sdelay $0x4  }
0x16a: {  	s20 =	spop (v2sf);
	[tilespmem:$0x11580] =	vst v1  }
0x16b: {  	v1 =	vld [tilespmem:s20+$0x2200];
	_ =	sdelay $0x4  }
0x16c: {  	[tilespmem:$0x10600] =	vst v1  }
0x16d: {  	v1 =	vld [tilespmem:s20+$0x2210];
	_ =	sdelay $0x4  }
0x16e: {  	[tilespmem:$0x10610] =	vst v1  }
0x16f: {  	v1 =	vld [tilespmem:s20+$0x2220];
	_ =	sdelay $0x1  }
0x170: {  	(v2sf) =	vpush v0, $0x9;
	_ =	sdelay $0x2  }
0x171: {  	[tilespmem:$0x10620] =	vst v1  }
0x172: {  	v1 =	vld [tilespmem:s20+$0x2230];
	_ =	sdelay $0x4  }
0x173: {  	[tilespmem:$0x10630] =	vst v1  }
0x174: {  	v1 =	vld [tilespmem:s20+$0xA200];
	_ =	sdelay $0x4  }
0x175: {  	s21 =	spop (v2sf);
	[tilespmem:$0x11600] =	vst v1  }
0x176: {  	v1 =	vld [tilespmem:s21+$0x2600];
	_ =	sdelay $0x4  }
0x177: {  	[tilespmem:$0x10680] =	vst v1  }
0x178: {  	v1 =	vld [tilespmem:s21+$0x2610];
	_ =	sdelay $0x4  }
0x179: {  	[tilespmem:$0x10690] =	vst v1  }
0x17a: {  	v1 =	vld [tilespmem:s21+$0x2620];
	_ =	sdelay $0x1  }
0x17b: {  	(v2sf) =	vpush v0, $0xA;
	_ =	sdelay $0x2  }
0x17c: {  	[tilespmem:$0x106A0] =	vst v1  }
0x17d: {  	v1 =	vld [tilespmem:s21+$0x2630];
	_ =	sdelay $0x4  }
0x17e: {  	[tilespmem:$0x106B0] =	vst v1  }
0x17f: {  	v1 =	vld [tilespmem:s21+$0xA600];
	_ =	sdelay $0x4  }
0x180: {  	s22 =	spop (v2sf);
	[tilespmem:$0x11680] =	vst v1  }
0x181: {  	v1 =	vld [tilespmem:s22+$0x2A00];
	_ =	sdelay $0x4  }
0x182: {  	[tilespmem:$0x10700] =	vst v1  }
0x183: {  	v1 =	vld [tilespmem:s22+$0x2A10];
	_ =	sdelay $0x4  }
0x184: {  	[tilespmem:$0x10710] =	vst v1  }
0x185: {  	v1 =	vld [tilespmem:s22+$0x2A20];
	_ =	sdelay $0x1  }
0x186: {  	(v2sf) =	vpush v0, $0xB;
	_ =	sdelay $0x2  }
0x187: {  	[tilespmem:$0x10720] =	vst v1  }
0x188: {  	v1 =	vld [tilespmem:s22+$0x2A30];
	_ =	sdelay $0x4  }
0x189: {  	[tilespmem:$0x10730] =	vst v1  }
0x18a: {  	v1 =	vld [tilespmem:s22+$0xAA00];
	_ =	sdelay $0x4  }
0x18b: {  	s23 =	spop (v2sf);
	[tilespmem:$0x11700] =	vst v1  }
0x18c: {  	v1 =	vld [tilespmem:s23+$0x2E00];
	_ =	sdelay $0x4  }
0x18d: {  	[tilespmem:$0x10780] =	vst v1  }
0x18e: {  	v1 =	vld [tilespmem:s23+$0x2E10];
	_ =	sdelay $0x4  }
0x18f: {  	[tilespmem:$0x10790] =	vst v1  }
0x190: {  	v1 =	vld [tilespmem:s23+$0x2E20];
	_ =	sdelay $0x1  }
0x191: {  	(v2sf) =	vpush v0, $0xC;
	_ =	sdelay $0x2  }
0x192: {  	[tilespmem:$0x107A0] =	vst v1  }
0x193: {  	v1 =	vld [tilespmem:s23+$0x2E30];
	_ =	sdelay $0x4  }
0x194: {  	[tilespmem:$0x107B0] =	vst v1  }
0x195: {  	v1 =	vld [tilespmem:s23+$0xAE00];
	_ =	sdelay $0x4  }
0x196: {  	s24 =	spop (v2sf);
	[tilespmem:$0x11780] =	vst v1  }
0x197: {  	v1 =	vld [tilespmem:s24+$0x3200];
	_ =	sdelay $0x4  }
0x198: {  	[tilespmem:$0x10800] =	vst v1  }
0x199: {  	v1 =	vld [tilespmem:s24+$0x3210];
	_ =	sdelay $0x4  }
0x19a: {  	[tilespmem:$0x10810] =	vst v1  }
0x19b: {  	v1 =	vld [tilespmem:s24+$0x3220];
	_ =	sdelay $0x1  }
0x19c: {  	(v2sf) =	vpush v0, $0xD;
	_ =	sdelay $0x2  }
0x19d: {  	[tilespmem:$0x10820] =	vst v1  }
0x19e: {  	v1 =	vld [tilespmem:s24+$0x3230];
	_ =	sdelay $0x4  }
0x19f: {  	[tilespmem:$0x10830] =	vst v1  }
0x1a0: {  	v1 =	vld [tilespmem:s24+$0xB200];
	_ =	sdelay $0x4  }
0x1a1: {  	s25 =	spop (v2sf);
	[tilespmem:$0x11800] =	vst v1  }
0x1a2: {  	v1 =	vld [tilespmem:s25+$0x3600];
	_ =	sdelay $0x4  }
0x1a3: {  	[tilespmem:$0x10880] =	vst v1  }
0x1a4: {  	v1 =	vld [tilespmem:s25+$0x3610];
	_ =	sdelay $0x4  }
0x1a5: {  	[tilespmem:$0x10890] =	vst v1  }
0x1a6: {  	v1 =	vld [tilespmem:s25+$0x3620];
	_ =	sdelay $0x1  }
0x1a7: {  	(v2sf) =	vpush v0, $0xE;
	_ =	sdelay $0x2  }
0x1a8: {  	[tilespmem:$0x108A0] =	vst v1  }
0x1a9: {  	v1 =	vld [tilespmem:s25+$0x3630];
	_ =	sdelay $0x4  }
0x1aa: {  	[tilespmem:$0x108B0] =	vst v1  }
0x1ab: {  	v1 =	vld [tilespmem:s25+$0xB600];
	_ =	sdelay $0x4  }
0x1ac: {  	s26 =	spop (v2sf);
	[tilespmem:$0x11880] =	vst v1  }
0x1ad: {  	v1 =	vld [tilespmem:s26+$0x3A00];
	_ =	sdelay $0x4  }
0x1ae: {  	[tilespmem:$0x10900] =	vst v1  }
0x1af: {  	v1 =	vld [tilespmem:s26+$0x3A10];
	_ =	sdelay $0x4  }
0x1b0: {  	[tilespmem:$0x10910] =	vst v1  }
0x1b1: {  	v1 =	vld [tilespmem:s26+$0x3A20];
	_ =	sdelay $0x1  }
0x1b2: {  	(v2sf) =	vpush v0, $0xF;
	_ =	sdelay $0x2  }
0x1b3: {  	[tilespmem:$0x10920] =	vst v1  }
0x1b4: {  	v62 =	vld [tilespmem:s26+$0x3A30];
	_ =	sdelay $0x4  }
0x1b5: {  	[tilespmem:$0x10930] =	vst v62  }
0x1b6: {  	v0 =	vld [tilespmem:s26+$0xBA00];
	_ =	sdelay $0x4  }
0x1b7: {  	s28 =	spop (v2sf);
	[tilespmem:$0x11900] =	vst v0  }
0x1b8: {  	v0 =	vld [tilespmem:s28+$0x3E00];
	_ =	sdelay $0x4  }
0x1b9: {  	[tilespmem:$0x10980] =	vst v0  }
0x1ba: {  	v0 =	vld [tilespmem:s28+$0x3E10];
	_ =	sdelay $0x4  }
0x1bb: {  	[tilespmem:$0x10990] =	vst v0  }
0x1bc: {  	v0 =	vld [tilespmem:s28+$0x3E20];
	_ =	sdelay $0x4  }
0x1bd: {  	[tilespmem:$0x109A0] =	vst v0  }
0x1be: {  	v0 =	vld [tilespmem:s28+$0x3E30];
	_ =	sdelay $0x4  }
0x1bf: {  	[tilespmem:$0x109B0] =	vst v0  }
0x1c0: {  	v0 =	vld [tilespmem:s28+$0xBE00];
	_ =	sdelay $0x4  }
0x1c1: {  	[tilespmem:$0x11980] =	vst v0  }
0x1c2: {  	v0 =	vld [tilespmem:s11+$0x0];
	_ =	sdelay $0x4  }
0x1c3: {  	v0 =	vand.u32 $0x7, v0  }
0x1c4: {  	v0 =	vshll.u32 v0, $0x7  }
0x1c5: {  	(v2sf) =	vpush v0, $0x0;
	_ =	sdelay $0xe  }
0x1c6: {  	s29 =	spop (v2sf)  }
0x1c7: {  	v1 =	vld [tilespmem:s29+$0x4200];
	_ =	sdelay $0x4  }
0x1c8: {  	[tilespmem:$0x10A00] =	vst v1  }
0x1c9: {  	v1 =	vld [tilespmem:s29+$0x4210];
	_ =	sdelay $0x4  }
0x1ca: {  	[tilespmem:$0x10A10] =	vst v1  }
0x1cb: {  	v1 =	vld [tilespmem:s29+$0x4220];
	_ =	sdelay $0x1  }
0x1cc: {  	(v2sf) =	vpush v0, $0x1;
	_ =	sdelay $0x2  }
0x1cd: {  	[tilespmem:$0x10A20] =	vst v1  }
0x1ce: {  	v1 =	vld [tilespmem:s29+$0x4230];
	_ =	sdelay $0x4  }
0x1cf: {  	[tilespmem:$0x10A30] =	vst v1  }
0x1d0: {  	v1 =	vld [tilespmem:s29+$0xC200];
	_ =	sdelay $0x4  }
0x1d1: {  	s30 =	spop (v2sf);
	[tilespmem:$0x11A00] =	vst v1  }
0x1d2: {  	v1 =	vld [tilespmem:s30+$0x4600];
	_ =	sdelay $0x4  }
0x1d3: {  	[tilespmem:$0x10A80] =	vst v1  }
0x1d4: {  	v1 =	vld [tilespmem:s30+$0x4610];
	_ =	sdelay $0x4  }
0x1d5: {  	[tilespmem:$0x10A90] =	vst v1  }
0x1d6: {  	v1 =	vld [tilespmem:s30+$0x4620];
	_ =	sdelay $0x1  }
0x1d7: {  	(v2sf) =	vpush v0, $0x2;
	_ =	sdelay $0x2  }
0x1d8: {  	[tilespmem:$0x10AA0] =	vst v1  }
0x1d9: {  	v1 =	vld [tilespmem:s30+$0x4630];
	_ =	sdelay $0x4  }
0x1da: {  	[tilespmem:$0x10AB0] =	vst v1  }
0x1db: {  	v1 =	vld [tilespmem:s30+$0xC600];
	_ =	sdelay $0x4  }
0x1dc: {  	s31 =	spop (v2sf);
	[tilespmem:$0x11A80] =	vst v1  }
0x1dd: {  	v1 =	vld [tilespmem:s31+$0x4A00];
	_ =	sdelay $0x4  }
0x1de: {  	[tilespmem:$0x10B00] =	vst v1  }
0x1df: {  	v1 =	vld [tilespmem:s31+$0x4A10];
	_ =	sdelay $0x4  }
0x1e0: {  	[tilespmem:$0x10B10] =	vst v1  }
0x1e1: {  	v1 =	vld [tilespmem:s31+$0x4A20];
	_ =	sdelay $0x1  }
0x1e2: {  	(v2sf) =	vpush v0, $0x3;
	_ =	sdelay $0x2  }
0x1e3: {  	[tilespmem:$0x10B20] =	vst v1  }
0x1e4: {  	v1 =	vld [tilespmem:s31+$0x4A30];
	_ =	sdelay $0x4  }
0x1e5: {  	[tilespmem:$0x10B30] =	vst v1  }
0x1e6: {  	v1 =	vld [tilespmem:s31+$0xCA00];
	_ =	sdelay $0x4  }
0x1e7: {  	s14 =	spop (v2sf);
	[tilespmem:$0x11B00] =	vst v1  }
0x1e8: {  	v1 =	vld [tilespmem:s14+$0x4E00];
	_ =	sdelay $0x4  }
0x1e9: {  	[tilespmem:$0x10B80] =	vst v1  }
0x1ea: {  	v1 =	vld [tilespmem:s14+$0x4E10];
	_ =	sdelay $0x4  }
0x1eb: {  	[tilespmem:$0x10B90] =	vst v1  }
0x1ec: {  	v1 =	vld [tilespmem:s14+$0x4E20];
	_ =	sdelay $0x1  }
0x1ed: {  	(v2sf) =	vpush v0, $0x4;
	_ =	sdelay $0x2  }
0x1ee: {  	[tilespmem:$0x10BA0] =	vst v1  }
0x1ef: {  	v1 =	vld [tilespmem:s14+$0x4E30];
	_ =	sdelay $0x4  }
0x1f0: {  	[tilespmem:$0x10BB0] =	vst v1  }
0x1f1: {  	v1 =	vld [tilespmem:s14+$0xCE00];
	_ =	sdelay $0x4  }
0x1f2: {  	s15 =	spop (v2sf);
	[tilespmem:$0x11B80] =	vst v1  }
0x1f3: {  	v1 =	vld [tilespmem:s15+$0x5200];
	_ =	sdelay $0x4  }
0x1f4: {  	[tilespmem:$0x10C00] =	vst v1  }
0x1f5: {  	v1 =	vld [tilespmem:s15+$0x5210];
	_ =	sdelay $0x4  }
0x1f6: {  	[tilespmem:$0x10C10] =	vst v1  }
0x1f7: {  	v1 =	vld [tilespmem:s15+$0x5220];
	_ =	sdelay $0x1  }
0x1f8: {  	(v2sf) =	vpush v0, $0x5;
	_ =	sdelay $0x2  }
0x1f9: {  	[tilespmem:$0x10C20] =	vst v1  }
0x1fa: {  	v1 =	vld [tilespmem:s15+$0x5230];
	_ =	sdelay $0x4  }
0x1fb: {  	[tilespmem:$0x10C30] =	vst v1  }
0x1fc: {  	v1 =	vld [tilespmem:s15+$0xD200];
	_ =	sdelay $0x4  }
0x1fd: {  	s16 =	spop (v2sf);
	[tilespmem:$0x11C00] =	vst v1  }
0x1fe: {  	v1 =	vld [tilespmem:s16+$0x5600];
	_ =	sdelay $0x4  }
0x1ff: {  	[tilespmem:$0x10C80] =	vst v1  }
0x200: {  	v1 =	vld [tilespmem:s16+$0x5610];
	_ =	sdelay $0x4  }
0x201: {  	[tilespmem:$0x10C90] =	vst v1  }
0x202: {  	v1 =	vld [tilespmem:s16+$0x5620];
	_ =	sdelay $0x1  }
0x203: {  	(v2sf) =	vpush v0, $0x6;
	_ =	sdelay $0x2  }
0x204: {  	[tilespmem:$0x10CA0] =	vst v1  }
0x205: {  	v1 =	vld [tilespmem:s16+$0x5630];
	_ =	sdelay $0x4  }
0x206: {  	[tilespmem:$0x10CB0] =	vst v1  }
0x207: {  	v1 =	vld [tilespmem:s16+$0xD600];
	_ =	sdelay $0x4  }
0x208: {  	s17 =	spop (v2sf);
	[tilespmem:$0x11C80] =	vst v1  }
0x209: {  	v1 =	vld [tilespmem:s17+$0x5A00];
	_ =	sdelay $0x4  }
0x20a: {  	[tilespmem:$0x10D00] =	vst v1  }
0x20b: {  	v1 =	vld [tilespmem:s17+$0x5A10];
	_ =	sdelay $0x4  }
0x20c: {  	[tilespmem:$0x10D10] =	vst v1  }
0x20d: {  	v1 =	vld [tilespmem:s17+$0x5A20];
	_ =	sdelay $0x1  }
0x20e: {  	(v2sf) =	vpush v0, $0x7;
	_ =	sdelay $0x2  }
0x20f: {  	[tilespmem:$0x10D20] =	vst v1  }
0x210: {  	v1 =	vld [tilespmem:s17+$0x5A30];
	_ =	sdelay $0x4  }
0x211: {  	[tilespmem:$0x10D30] =	vst v1  }
0x212: {  	v1 =	vld [tilespmem:s17+$0xDA00];
	_ =	sdelay $0x4  }
0x213: {  	s18 =	spop (v2sf);
	[tilespmem:$0x11D00] =	vst v1  }
0x214: {  	v1 =	vld [tilespmem:s18+$0x5E00];
	_ =	sdelay $0x4  }
0x215: {  	[tilespmem:$0x10D80] =	vst v1  }
0x216: {  	v1 =	vld [tilespmem:s18+$0x5E10];
	_ =	sdelay $0x4  }
0x217: {  	[tilespmem:$0x10D90] =	vst v1  }
0x218: {  	v1 =	vld [tilespmem:s18+$0x5E20];
	_ =	sdelay $0x1  }
0x219: {  	(v2sf) =	vpush v0, $0x8;
	_ =	sdelay $0x2  }
0x21a: {  	[tilespmem:$0x10DA0] =	vst v1  }
0x21b: {  	v1 =	vld [tilespmem:s18+$0x5E30];
	_ =	sdelay $0x4  }
0x21c: {  	[tilespmem:$0x10DB0] =	vst v1  }
0x21d: {  	v1 =	vld [tilespmem:s18+$0xDE00];
	_ =	sdelay $0x4  }
0x21e: {  	s19 =	spop (v2sf);
	[tilespmem:$0x11D80] =	vst v1  }
0x21f: {  	v1 =	vld [tilespmem:s19+$0x6200];
	_ =	sdelay $0x4  }
0x220: {  	[tilespmem:$0x10E00] =	vst v1  }
0x221: {  	v1 =	vld [tilespmem:s19+$0x6210];
	_ =	sdelay $0x4  }
0x222: {  	[tilespmem:$0x10E10] =	vst v1  }
0x223: {  	v1 =	vld [tilespmem:s19+$0x6220];
	_ =	sdelay $0x1  }
0x224: {  	(v2sf) =	vpush v0, $0x9;
	_ =	sdelay $0x2  }
0x225: {  	[tilespmem:$0x10E20] =	vst v1  }
0x226: {  	v1 =	vld [tilespmem:s19+$0x6230];
	_ =	sdelay $0x4  }
0x227: {  	[tilespmem:$0x10E30] =	vst v1  }
0x228: {  	v1 =	vld [tilespmem:s19+$0xE200];
	_ =	sdelay $0x4  }
0x229: {  	s20 =	spop (v2sf);
	[tilespmem:$0x11E00] =	vst v1  }
0x22a: {  	v1 =	vld [tilespmem:s20+$0x6600];
	_ =	sdelay $0x4  }
0x22b: {  	[tilespmem:$0x10E80] =	vst v1  }
0x22c: {  	v1 =	vld [tilespmem:s20+$0x6610];
	_ =	sdelay $0x4  }
0x22d: {  	[tilespmem:$0x10E90] =	vst v1  }
0x22e: {  	v1 =	vld [tilespmem:s20+$0x6620];
	_ =	sdelay $0x1  }
0x22f: {  	(v2sf) =	vpush v0, $0xA;
	_ =	sdelay $0x2  }
0x230: {  	[tilespmem:$0x10EA0] =	vst v1  }
0x231: {  	v1 =	vld [tilespmem:s20+$0x6630];
	_ =	sdelay $0x4  }
0x232: {  	[tilespmem:$0x10EB0] =	vst v1  }
0x233: {  	v1 =	vld [tilespmem:s20+$0xE600];
	_ =	sdelay $0x4  }
0x234: {  	s21 =	spop (v2sf);
	[tilespmem:$0x11E80] =	vst v1  }
0x235: {  	v1 =	vld [tilespmem:s21+$0x6A00];
	_ =	sdelay $0x4  }
0x236: {  	[tilespmem:$0x10F00] =	vst v1  }
0x237: {  	v1 =	vld [tilespmem:s21+$0x6A10];
	_ =	sdelay $0x4  }
0x238: {  	[tilespmem:$0x10F10] =	vst v1  }
0x239: {  	v1 =	vld [tilespmem:s21+$0x6A20];
	_ =	sdelay $0x1  }
0x23a: {  	(v2sf) =	vpush v0, $0xB;
	_ =	sdelay $0x2  }
0x23b: {  	[tilespmem:$0x10F20] =	vst v1  }
0x23c: {  	v1 =	vld [tilespmem:s21+$0x6A30];
	_ =	sdelay $0x4  }
0x23d: {  	[tilespmem:$0x10F30] =	vst v1  }
0x23e: {  	v1 =	vld [tilespmem:s21+$0xEA00];
	_ =	sdelay $0x4  }
0x23f: {  	s22 =	spop (v2sf);
	[tilespmem:$0x11F00] =	vst v1  }
0x240: {  	v1 =	vld [tilespmem:s22+$0x6E00];
	_ =	sdelay $0x4  }
0x241: {  	[tilespmem:$0x10F80] =	vst v1  }
0x242: {  	v1 =	vld [tilespmem:s22+$0x6E10];
	_ =	sdelay $0x4  }
0x243: {  	[tilespmem:$0x10F90] =	vst v1  }
0x244: {  	v1 =	vld [tilespmem:s22+$0x6E20];
	_ =	sdelay $0x1  }
0x245: {  	(v2sf) =	vpush v0, $0xC;
	_ =	sdelay $0x2  }
0x246: {  	[tilespmem:$0x10FA0] =	vst v1  }
0x247: {  	v1 =	vld [tilespmem:s22+$0x6E30];
	_ =	sdelay $0x4  }
0x248: {  	[tilespmem:$0x10FB0] =	vst v1  }
0x249: {  	v1 =	vld [tilespmem:s22+$0xEE00];
	_ =	sdelay $0x4  }
0x24a: {  	s23 =	spop (v2sf);
	[tilespmem:$0x11F80] =	vst v1  }
0x24b: {  	v1 =	vld [tilespmem:s23+$0x7200];
	_ =	sdelay $0x4  }
0x24c: {  	[tilespmem:$0x11000] =	vst v1  }
0x24d: {  	v1 =	vld [tilespmem:s23+$0x7210];
	_ =	sdelay $0x4  }
0x24e: {  	[tilespmem:$0x11010] =	vst v1  }
0x24f: {  	v1 =	vld [tilespmem:s23+$0x7220];
	_ =	sdelay $0x1  }
0x250: {  	(v2sf) =	vpush v0, $0xD;
	_ =	sdelay $0x2  }
0x251: {  	[tilespmem:$0x11020] =	vst v1  }
0x252: {  	v1 =	vld [tilespmem:s23+$0x7230];
	_ =	sdelay $0x4  }
0x253: {  	[tilespmem:$0x11030] =	vst v1  }
0x254: {  	v1 =	vld [tilespmem:s23+$0xF200];
	_ =	sdelay $0x4  }
0x255: {  	s24 =	spop (v2sf);
	[tilespmem:$0x12000] =	vst v1  }
0x256: {  	v1 =	vld [tilespmem:s24+$0x7600];
	_ =	sdelay $0x4  }
0x257: {  	[tilespmem:$0x11080] =	vst v1  }
0x258: {  	v1 =	vld [tilespmem:s24+$0x7610];
	_ =	sdelay $0x4  }
0x259: {  	[tilespmem:$0x11090] =	vst v1  }
0x25a: {  	v1 =	vld [tilespmem:s24+$0x7620];
	_ =	sdelay $0x1  }
0x25b: {  	(v2sf) =	vpush v0, $0xE;
	_ =	sdelay $0x2  }
0x25c: {  	[tilespmem:$0x110A0] =	vst v1  }
0x25d: {  	v1 =	vld [tilespmem:s24+$0x7630];
	_ =	sdelay $0x4  }
0x25e: {  	[tilespmem:$0x110B0] =	vst v1  }
0x25f: {  	v1 =	vld [tilespmem:s24+$0xF600];
	_ =	sdelay $0x4  }
0x260: {  	s25 =	spop (v2sf);
	[tilespmem:$0x12080] =	vst v1  }
0x261: {  	v1 =	vld [tilespmem:s25+$0x7A00];
	_ =	sdelay $0x4  }
0x262: {  	[tilespmem:$0x11100] =	vst v1  }
0x263: {  	v1 =	vld [tilespmem:s25+$0x7A10];
	_ =	sdelay $0x4  }
0x264: {  	[tilespmem:$0x11110] =	vst v1  }
0x265: {  	v1 =	vld [tilespmem:s25+$0x7A20];
	_ =	sdelay $0x1  }
0x266: {  	(v2sf) =	vpush v0, $0xF;
	_ =	sdelay $0x2  }
0x267: {  	[tilespmem:$0x11120] =	vst v1  }
0x268: {  	v63 =	vld [tilespmem:s25+$0x7A30];
	_ =	sdelay $0x4  }
0x269: {  	[tilespmem:$0x11130] =	vst v63  }
0x26a: {  	v0 =	vld [tilespmem:s25+$0xFA00];
	_ =	sdelay $0x4  }
0x26b: {  	s26 =	spop (v2sf);
	[tilespmem:$0x12100] =	vst v0  }
0x26c: {  	v0 =	vld [tilespmem:s26+$0x7E00];
	_ =	sdelay $0x4  }
0x26d: {  	[tilespmem:$0x11180] =	vst v0  }
0x26e: {  	v0 =	vld [tilespmem:s26+$0x7E10];
	_ =	sdelay $0x4  }
0x26f: {  	[tilespmem:$0x11190] =	vst v0  }
0x270: {  	v0 =	vld [tilespmem:s26+$0x7E20];
	_ =	sdelay $0x4  }
0x271: {  	[tilespmem:$0x111A0] =	vst v0  }
0x272: {  	v0 =	vld [tilespmem:s26+$0x7E30];
	_ =	sdelay $0x4  }
0x273: {  	[tilespmem:$0x111B0] =	vst v0  }
0x274: {  	v0 =	vld [tilespmem:s26+$0xFE00];
	_ =	sdelay $0x2  }
0x275: {  	s29 =	sld [smem:$0x7FC]  }
0x276: {  	s28 =	rddreg [dreg:$0x3]  }
0x277: {  	s13 =	sadd.s32 s12, s28;
	[tilespmem:$0x12180] =	vst v0  }
0x278: {  	[hbm4b:s13+s2] =	stream.linear.scatter [tilespmem:s29], [sflag:$0x3], $0x1000, $0x38;
	[tilespmem:$0x12200] =	vst v63  }
0x279: {  	_ =	swait.ge [sflag:s7], $0x1000  }
0x27a: {  	s31 =	sld [smem:$0x7FD]  }
0x27b: {  	p0 =	sne.s32 s12, $0x1E00;
	s30 =	rddreg [dreg:$0x4];
	[sflag:s7] =	ssyncset.done $0x0  }
.Ltmp0:
0x27c: {  	[sflag:s7] =	ssyncadd.s32 $0xFFFFF000;
	s13 =	sadd.s32 s12, s30;
	(pc) =	sbr.rel @p0 .LBB2_2-.Ltmp0, $4  }
0x27d: {  	[hbm4b:s13+s2] =	stream.linear.scatter [tilespmem:s31], [sflag:$0x3], $0x1000, $0x38;
	[tilespmem:$0x12200] =	vst v63  }
0x27e: {  	_ =	swait.ge [sflag:s7], $0x1000  }
0x27f: {  	[sflag:s7] =	ssyncset.done $0x0  }
0x280: {  	s11 =	sadd.s32 $0x20, s11;
	s12 =	sadd.s32 $0x200, s12;
	[sflag:s7] =	ssyncadd.s32 $0xFFFFF000  }
0x281: {  	s10 =	sadd.s32 $0x1, s10  }
0x282: {  	p0 =	sne.s32 s10, s6  }
.Ltmp1:
0x283: {  	_ = 	snop;
	(pc) =	sbr.rel @p0 .LBB2_1-.Ltmp1, $1  }
0x284: {  	_ =	sdelay $0x3  }
0x285: {  	_ =	sfence.sel $0x180000  }
0x286: {  	[bflag:$0x0] =	sbarrier.arrive $0xFFFF  }
0x287: {  	p0 =	sne.s32 s1, $0x0;
	_ =	strace $0x90000047  }
0x288: {  	s0 =	sadd.s32 @!p0 $0x100000, s0;
	[bflag:$0x2] =	sbarrier.arrive $0xFFFF  }
0x289: {  	[sflag:s0] =	ssyncadd.tile.s32 @!p0 $0x1;
	_ =	shalt  }
.Lfunc_end2:
_tile_overlayer_lowered:
.L_overlay_start_2:
0x28a: {  	(tag) =	ssettag $0x2  }
0x28b: {  	s0 =	rddreg [dreg:$0x0];
	s2 =	stileid.u32  }
0x28c: {  	s1 =	rddreg [dreg:$0x1];
	p0 =	sne.s32 s2, $0x0  }
0x28d: {  	s3 =	rddreg [dreg:$0x2];
	[bflag:$0x3] =	sbarrier.arrive $0xFFFF;
	s2 =	simm.s32 @!p0 $0x1C03  }
0x28e: {  	[timem:s3], [sflag:s2] =	dma.local @!p0 [hbm:s0], s1  }
0x28f: {  	s0 =	simm.s32 @!p0 $0x3  }
0x290: {  	_ =	swait.ge @!p0 [sflag:s0], s1  }
0x291: {  	s1 =	ssub.s32 @!p0 $0x0, s1;
	[sflag:s0] =	ssyncset.done @!p0 $0x0  }
0x292: {  	[sflag:s0] =	ssyncadd.s32 @!p0 s1  }
0x293: {  	[bflag:$0x3] =	sbarrier.arrive $0xFFFF  }
0x294: {  	_ =	shalt  }

</sc_bundles>
